<compile_context>
chip_gen: v7x
topology: tpu7x:2x2x1
jax: 0.10.2.dev20260603
libtpu: 0.0.44.dev20260713+nightly
codegen_flags: <defaults>
</compile_context>

<pallas_src>
import functools

import jax
import jax.numpy as jnp
from jax import lax
from jax.experimental import pallas as pl
from jax.experimental.pallas import tpu as pltpu
from jax.experimental.pallas import tpu_sc as plsc

_B, _E, _S, _F = 16, 1024, 256, 8
_A, _C = 16, 8
_ESC = 128
_ETC = _E - _ESC
_EC = 32
_NCH = _ESC // _EC
_SH = 128


def _tc_body(scale_ref, alpha_ref, m_ref, eq_ref, x_ref, o_ref):
    m = m_ref[...]
    eq = eq_ref[...]
    scale = scale_ref[0]
    alpha = alpha_ref[0]

    w1 = jax.lax.dot_general(m, eq, (((0,), (0,)), ((), ())),
                             preferred_element_type=jnp.float32)
    w1s = w1 * (-scale)
    w2s = (jnp.sum(eq, axis=0)[None, :] - w1) * alpha

    t = x_ref[0]
    xs = t.sum(axis=1)
    obs = jnp.logical_not(jnp.isnan(xs))
    xc = jnp.where(obs, xs, 0.0)
    obs_f = obs.astype(jnp.float32)

    part = jax.lax.dot_general(xc, w1s, (((0,), (0,)), ((), ())),
                               preferred_element_type=jnp.float32)
    part += jax.lax.dot_general(obs_f, w2s, (((0,), (0,)), ((), ())),
                                preferred_element_type=jnp.float32)
    o_ref[0] = part


def _tc_part(scale1, alpha1, m_f, eq_classes, xt):
    return pl.pallas_call(
        _tc_body,
        grid=(_B,),
        in_specs=[
            pl.BlockSpec(memory_space=pltpu.SMEM),
            pl.BlockSpec(memory_space=pltpu.SMEM),
            pl.BlockSpec((_A, _ETC), lambda b: (0, 0)),
            pl.BlockSpec((_A, _C), lambda b: (0, 0)),
            pl.BlockSpec((1, _ETC, _F, _S), lambda b: (b, 0, 0, 0)),
        ],
        out_specs=pl.BlockSpec((1, _S, _C), lambda b: (b, 0, 0)),
        out_shape=jax.ShapeDtypeStruct((_B, _S, _C), jnp.float32),
        compiler_params=pltpu.CompilerParams(
            dimension_semantics=("parallel",),
        ),
    )(scale1, alpha1, m_f, eq_classes, xt)


def _sc_body(x5, m_hbm, eq_hbm, sa_hbm, out_hbm,
             buf, m_v, eq_v, sa_v, w1_v, w2_v, acc_v, stg_v, sem):
    cid = lax.axis_index("c")
    sid = lax.axis_index("s")
    w = sid * 2 + cid
    b = w // 2
    shalf = w % 2

    pltpu.sync_copy(m_hbm.at[:, pl.ds(_ETC, _ESC)], m_v)
    pltpu.sync_copy(eq_hbm, eq_v)
    pltpu.sync_copy(sa_hbm, sa_v)
    sav = sa_v[...]
    scale = sav[0]
    alpha = sav[1]

    eq_s = []
    for a in range(_A):
        row = eq_v[a]
        eq_s.append([row[c] for c in range(_C)])
    eqcol = []
    for c in range(_C):
        s = eq_s[0][c]
        for a in range(1, _A):
            s = s + eq_s[a][c]
        eqcol.append(s)

    def w_body(ev, carry):
        for c in range(_C):
            acc = m_v[0, pl.ds(ev * 16, 16)] * eq_s[0][c]
            for a in range(1, _A):
                acc = acc + m_v[a, pl.ds(ev * 16, 16)] * eq_s[a][c]
            w1_v[pl.ds(c * _ESC + ev * 16, 16)] = acc * (-scale)
            w2_v[pl.ds(c * _ESC + ev * 16, 16)] = (eqcol[c] - acc) * alpha
        return carry

    lax.fori_loop(0, _ESC // 16, w_body, 0)

    zz = jnp.zeros((16,), jnp.float32)
    for c in range(_C):
        for g in range(_SH // 16):
            acc_v[c, pl.ds(g * 16, 16)] = zz

    def chunk_body(i, carry):
        e0 = _ETC + i * _EC
        pltpu.sync_copy(x5.at[b, pl.ds(e0, _EC), shalf], buf)

        def e_body(j, carry2):
            el = jnp.full((16,), i * _EC + j, jnp.int32)
            w1b = [plsc.load_gather(w1_v, [el + (c * _ESC)])
                   for c in range(_C)]
            w2b = [plsc.load_gather(w2_v, [el + (c * _ESC)])
                   for c in range(_C)]
            for g in range(_SH // 16):
                xv = buf[j, 0, pl.ds(g * 16, 16)]
                for f in range(1, _F):
                    xv = xv + buf[j, f, pl.ds(g * 16, 16)]
                msk = xv == xv
                for c in range(_C):
                    t = xv * w1b[c] + w2b[c]
                    t = jnp.where(msk, t, 0.0)
                    plsc.addupdate(acc_v.at[c, pl.ds(g * 16, 16)], t)
            return carry2

        return lax.fori_loop(0, _EC, e_body, carry)

    lax.fori_loop(0, _NCH, chunk_body, 0)

    for g in range(_SH // 16):
        rows = lax.iota(jnp.int32, 16) + (g * 16)
        for c in range(_C):
            v = acc_v[c, pl.ds(g * 16, 16)]
            plsc.store_scatter(stg_v, [rows * _C + c], v)
    pltpu.sync_copy(stg_v, out_hbm.at[b, pl.ds(shalf * _SH * _C, _SH * _C)])


_sc_part = functools.partial(
    pl.kernel,
    out_type=jax.ShapeDtypeStruct((_B, _S * _C), jnp.float32),
    mesh=plsc.VectorSubcoreMesh(core_axis_name="c", subcore_axis_name="s"),
    scratch_types=[
        pltpu.VMEM((_EC, _F, _SH), jnp.float32),
        pltpu.VMEM((_A, _ESC), jnp.float32),
        pltpu.VMEM((_A, 16), jnp.float32),
        pltpu.VMEM((16,), jnp.float32),
        pltpu.VMEM((_C * _ESC,), jnp.float32),
        pltpu.VMEM((_C * _ESC,), jnp.float32),
        pltpu.VMEM((_C, _SH), jnp.float32),
        pltpu.VMEM((_SH * _C,), jnp.float32),
        pltpu.SemaphoreType.DMA,
    ],
    compiler_params=pltpu.CompilerParams(needs_layout_passes=False),
)(_sc_body)


@jax.jit
def kernel(input_seq, eq_classes, scale, alpha, edge_masks):
    xt = jnp.transpose(input_seq, (0, 1, 3, 2))
    x5 = jnp.transpose(
        input_seq.reshape(_B, _E, 2, _SH, _F), (0, 1, 2, 4, 3)
    )
    m_f = edge_masks.astype(jnp.float32)
    sa = jnp.concatenate(
        [scale.reshape(1), alpha.reshape(1), jnp.zeros((14,), jnp.float32)]
    )
    eq_pad = jnp.pad(eq_classes, ((0, 0), (0, 16 - _C)))
    out_sc = _sc_part(x5, m_f, eq_pad, sa)
    out_tc = _tc_part(scale.reshape(1), alpha.reshape(1), m_f, eq_classes, xt)
    return out_tc + out_sc.reshape(_B, _S, _C)

# --- scband reference (transcript-rebuilt; emitter-appended) ---
"""Pipeline reference for scband-assembly-classifier-69080253989006 (READ-ONLY COPY).

The authoritative reference and input builder live on the scoring server;
editing this copy changes nothing except your own understanding.
"""

import jax, jax.numpy as jnp
import numpy as np

B, E, S, F = 16, 1024, 256, 8
A, C = 16, 8


def setup_inputs(seed: int = 0) -> dict:
    key = jax.random.key(seed)
    k1, k2, k3 = jax.random.split(key, 3)
    input_seq = jax.random.normal(k1, (B, E, S, F), dtype=jnp.float32)
    # edge_is_present mask per assembly in the vocab, already restricted to possible pairs
    edge_masks = jax.random.randint(k2, (A, E), 0, 2) > 0
    eq_classes = jax.random.normal(k3, (A, C), dtype=jnp.float32)
    scale = jnp.array(1.0, dtype=jnp.float32)
    alpha = jnp.array(1.0, dtype=jnp.float32)
    return {"input_seq": input_seq, "eq_classes": eq_classes, "scale": scale, "alpha": alpha, "edge_masks": edge_masks}


def reference(input_seq, eq_classes, scale, alpha, edge_masks):
    # input_seq: (B, E, S, F) -> sum over features
    x = input_seq.sum(axis=-1)  # (B, E, S)
    edge_is_observed = ~jnp.isnan(x)
    x = jnp.where(edge_is_observed, x, 0.0)
    obs_f = edge_is_observed.astype(jnp.float32)
    m = edge_masks.astype(jnp.float32)  # (A, E)
    # per-assembly segment reduction over the edge axis, vectorized over all assemblies:
    # edge_scores[b, s, a]   = sum_{e: present}  -x[b,e,s] * obs[b,e,s]
    # no_edge_scores[b, s, a] = sum_{e: absent}   1 * obs[b,e,s]
    edge_scores = jnp.einsum('ae,bes->bsa', m, -(x * obs_f))
    no_edge_scores = jnp.einsum('ae,bes->bsa', 1.0 - m, obs_f)
    scores = scale * edge_scores + alpha * no_edge_scores  # (B, S, A)
    out = scores @ eq_classes  # (B, S, C)
    return out

if __name__ == "__main__":
    import jax
    _d = setup_inputs()
    print(jax.jit(kernel)(*tuple(_d.values())))

</pallas_src>

<mosaic_0001>
#map = affine_map<(d0, d1) -> (0, 0, 0, 0, 0)>
#map1 = affine_map<(d0, d1) -> (0, 0)>
#map2 = affine_map<(d0, d1) -> (0)>
module attributes {stable_mosaic.version = 14 : i64} {
  func.func @_sc_body(%arg0: i32, %arg1: i32, %arg2: memref<16x1024x2x8x128xf32, #tpu.memory_space<hbm>>, %arg3: memref<16x1024xf32, #tpu.memory_space<hbm>>, %arg4: memref<16x16xf32, #tpu.memory_space<hbm>>, %arg5: memref<16xf32, #tpu.memory_space<hbm>>, %arg6: memref<16x2048xf32, #tpu.memory_space<hbm>>, %arg7: memref<32x8x128xf32, #tpu.memory_space<vmem>>, %arg8: memref<16x128xf32, #tpu.memory_space<vmem>>, %arg9: memref<16x16xf32, #tpu.memory_space<vmem>>, %arg10: memref<16xf32, #tpu.memory_space<vmem>>, %arg11: memref<1024xf32, #tpu.memory_space<vmem>>, %arg12: memref<1024xf32, #tpu.memory_space<vmem>>, %arg13: memref<8x128xf32, #tpu.memory_space<vmem>>, %arg14: memref<1024xf32, #tpu.memory_space<vmem>>, %arg15: memref<!tpu.dma_semaphore, #tpu.memory_space<semaphore_mem>>) attributes {dimension_semantics = [#tpu.dimension_semantics<core_parallel>, #tpu.dimension_semantics<subcore_parallel>], iteration_bounds = array<i64: 2, 16>, scalar_prefetch = 0 : i64, scratch_operands = 9 : i64, tpu.core_type = #tpu.core_type<sc_vector_subcore>, window_params = [{transform_indices = #map}, {transform_indices = #map1}, {transform_indices = #map1}, {transform_indices = #map2}, {transform_indices = #map1}]} {
    %mul3A = arith.constant 2 : i32
    %mul3A_0 = arith.muli %arg1, %mul3A : i32
    %add3A = arith.addi %mul3A_0, %arg0 : i32
    %jit3A = arith.constant 2 : i32
    %div3A = arith.divsi %add3A, %jit3A : i32
    %sign3A = arith.constant 0 : i32
    %sign3A_1 = arith.cmpi sgt, %add3A, %sign3A : i32
    %sign3A_2 = arith.extui %sign3A_1 : i1 to i32
    %sign3A_3 = arith.constant 0 : i32
    %sign3A_4 = arith.cmpi slt, %add3A, %sign3A_3 : i32
    %sign3A_5 = arith.extui %sign3A_4 : i1 to i32
    %sign3A_6 = arith.subi %sign3A_2, %sign3A_5 : i32
    %sign3A_7 = arith.constant 0 : i32
    %sign3A_8 = arith.cmpi sgt, %jit3A, %sign3A_7 : i32
    %sign3A_9 = arith.extui %sign3A_8 : i1 to i32
    %sign3A_10 = arith.constant 0 : i32
    %sign3A_11 = arith.cmpi slt, %jit3A, %sign3A_10 : i32
    %sign3A_12 = arith.extui %sign3A_11 : i1 to i32
    %sign3A_13 = arith.subi %sign3A_9, %sign3A_12 : i32
    %ne3A = arith.cmpi ne, %sign3A_6, %sign3A_13 : i32
    %rem3A = arith.remsi %add3A, %jit3A : i32
    %ne3A_14 = arith.constant 0 : i32
    %ne3A_15 = arith.cmpi ne, %rem3A, %ne3A_14 : i32
    %and3A = arith.andi %ne3A, %ne3A_15 : i1
    %sub3A = arith.constant 1 : i32
    %sub3A_16 = arith.subi %div3A, %sub3A : i32
    %select_n3A = arith.select %and3A, %sub3A_16, %div3A : i32
    %jit3A_17 = arith.constant 2 : i32
    %eq3A = arith.constant 0 : i32
    %eq3A_18 = arith.cmpi eq, %jit3A_17, %eq3A : i32
    %jit3A_19 = arith.constant 1 : i32
    %select_n3A_20 = arith.select %eq3A_18, %jit3A_19, %jit3A_17 : i32
    %rem3A_21 = arith.remsi %add3A, %select_n3A_20 : i32
    %ne3A_22 = arith.constant 0 : i32
    %ne3A_23 = arith.cmpi ne, %rem3A_21, %ne3A_22 : i32
    %lt3A = arith.constant 0 : i32
    %lt3A_24 = arith.cmpi slt, %rem3A_21, %lt3A : i32
    %lt3A_25 = arith.constant 0 : i32
    %lt3A_26 = arith.cmpi slt, %select_n3A_20, %lt3A_25 : i32
    %ne3A_27 = arith.xori %lt3A_24, %lt3A_26 : i1
    %and3A_28 = arith.andi %ne3A_27, %ne3A_23 : i1
    %add3A_29 = arith.addi %rem3A_21, %select_n3A_20 : i32
    %select_n3A_30 = arith.select %and3A_28, %add3A_29, %rem3A_21 : i32
    "tpu.region"() ({
      %run_scoped3A = tpu.sem_alloc : memref<!tpu.dma_semaphore, #tpu.memory_space<semaphore_mem>>
      %dma_start3A = arith.constant 0 : i32
      %dma_start3A_1416 = arith.constant 896 : i32
      %dma_start3A_1417 = tpu.memref_slice %arg3[%dma_start3A, %dma_start3A_1416] : memref<16x1024xf32, #tpu.memory_space<hbm>> -> memref<16x128xf32, #tpu.memory_space<hbm>>
      %dma_start3A_1418 = arith.constant 0 : i32
      %dma_start3A_1419 = arith.constant 896 : i32
      %dma_start3A_1420 = tpu.memref_slice %arg3[%dma_start3A_1418, %dma_start3A_1419] : memref<16x1024xf32, #tpu.memory_space<hbm>> -> memref<16x128xf32, #tpu.memory_space<hbm>>
      tpu.enqueue_dma source(%dma_start3A_1420 : memref<16x128xf32, #tpu.memory_space<hbm>>) target(%arg8 : memref<16x128xf32, #tpu.memory_space<vmem>>) target_semaphore(%run_scoped3A : memref<!tpu.dma_semaphore, #tpu.memory_space<semaphore_mem>>)
      %dma_wait3A = arith.constant 0 : i32
      %dma_wait3A_1421 = arith.constant 896 : i32
      %dma_wait3A_1422 = tpu.memref_slice %arg3[%dma_wait3A, %dma_wait3A_1421] : memref<16x1024xf32, #tpu.memory_space<hbm>> -> memref<16x128xf32, #tpu.memory_space<hbm>>
      %dma_wait3A_1423 = arith.constant 0 : i32
      %dma_wait3A_1424 = arith.constant 896 : i32
      %dma_wait3A_1425 = tpu.memref_slice %arg3[%dma_wait3A_1423, %dma_wait3A_1424] : memref<16x1024xf32, #tpu.memory_space<hbm>> -> memref<16x128xf32, #tpu.memory_space<hbm>>
      tpu.wait_dma2 semaphore(%run_scoped3A : memref<!tpu.dma_semaphore, #tpu.memory_space<semaphore_mem>>) src(%dma_wait3A_1425 : memref<16x128xf32, #tpu.memory_space<hbm>>) dst(%arg8 : memref<16x128xf32, #tpu.memory_space<vmem>>)
      tpu.yield
    }) : () -> ()
    "tpu.region"() ({
      %run_scoped3A = tpu.sem_alloc : memref<!tpu.dma_semaphore, #tpu.memory_space<semaphore_mem>>
      tpu.enqueue_dma source(%arg4 : memref<16x16xf32, #tpu.memory_space<hbm>>) target(%arg9 : memref<16x16xf32, #tpu.memory_space<vmem>>) target_semaphore(%run_scoped3A : memref<!tpu.dma_semaphore, #tpu.memory_space<semaphore_mem>>)
      tpu.wait_dma2 semaphore(%run_scoped3A : memref<!tpu.dma_semaphore, #tpu.memory_space<semaphore_mem>>) src(%arg4 : memref<16x16xf32, #tpu.memory_space<hbm>>) dst(%arg9 : memref<16x16xf32, #tpu.memory_space<vmem>>)
      tpu.yield
    }) : () -> ()
    "tpu.region"() ({
      %run_scoped3A = tpu.sem_alloc : memref<!tpu.dma_semaphore, #tpu.memory_space<semaphore_mem>>
      tpu.enqueue_dma source(%arg5 : memref<16xf32, #tpu.memory_space<hbm>>) target(%arg10 : memref<16xf32, #tpu.memory_space<vmem>>) target_semaphore(%run_scoped3A : memref<!tpu.dma_semaphore, #tpu.memory_space<semaphore_mem>>)
      tpu.wait_dma2 semaphore(%run_scoped3A : memref<!tpu.dma_semaphore, #tpu.memory_space<semaphore_mem>>) src(%arg5 : memref<16xf32, #tpu.memory_space<hbm>>) dst(%arg10 : memref<16xf32, #tpu.memory_space<vmem>>)
      tpu.yield
    }) : () -> ()
    %get3A = arith.constant 0 : index
    %get3A_31 = tpu.vector_load %arg10[%get3A] {strides = array<i32>} : memref<16xf32, #tpu.memory_space<vmem>>, vector<16xf32>,
    %slice3A = vector.extract_strided_slice %get3A_31 {offsets = [0], sizes = [1], strides = [1]} : vector<16xf32> to vector<1xf32>
    %squeeze3A = vector.extract %slice3A[0] : f32 from vector<1xf32>
    %slice3A_32 = vector.extract_strided_slice %get3A_31 {offsets = [1], sizes = [1], strides = [1]} : vector<16xf32> to vector<1xf32>
    %squeeze3A_33 = vector.extract %slice3A_32[0] : f32 from vector<1xf32>
    %get3A_34 = arith.constant 0 : i32
    %get3A_35 = arith.index_cast %get3A_34 : i32 to index
    %get3A_36 = arith.constant 0 : index
    %get3A_37 = tpu.vector_load %arg9[%get3A_35, %get3A_36] {strides = array<i32>} : memref<16x16xf32, #tpu.memory_space<vmem>>, vector<16xf32>,
    %slice3A_38 = vector.extract_strided_slice %get3A_37 {offsets = [0], sizes = [1], strides = [1]} : vector<16xf32> to vector<1xf32>
    %squeeze3A_39 = vector.extract %slice3A_38[0] : f32 from vector<1xf32>
    %slice3A_40 = vector.extract_strided_slice %get3A_37 {offsets = [1], sizes = [1], strides = [1]} : vector<16xf32> to vector<1xf32>
    %squeeze3A_41 = vector.extract %slice3A_40[0] : f32 from vector<1xf32>
    %slice3A_42 = vector.extract_strided_slice %get3A_37 {offsets = [2], sizes = [1], strides = [1]} : vector<16xf32> to vector<1xf32>
    %squeeze3A_43 = vector.extract %slice3A_42[0] : f32 from vector<1xf32>
    %slice3A_44 = vector.extract_strided_slice %get3A_37 {offsets = [3], sizes = [1], strides = [1]} : vector<16xf32> to vector<1xf32>
    %squeeze3A_45 = vector.extract %slice3A_44[0] : f32 from vector<1xf32>
    %slice3A_46 = vector.extract_strided_slice %get3A_37 {offsets = [4], sizes = [1], strides = [1]} : vector<16xf32> to vector<1xf32>
    %squeeze3A_47 = vector.extract %slice3A_46[0] : f32 from vector<1xf32>
    %slice3A_48 = vector.extract_strided_slice %get3A_37 {offsets = [5], sizes = [1], strides = [1]} : vector<16xf32> to vector<1xf32>
    %squeeze3A_49 = vector.extract %slice3A_48[0] : f32 from vector<1xf32>
    %slice3A_50 = vector.extract_strided_slice %get3A_37 {offsets = [6], sizes = [1], strides = [1]} : vector<16xf32> to vector<1xf32>
    %squeeze3A_51 = vector.extract %slice3A_50[0] : f32 from vector<1xf32>
    %slice3A_52 = vector.extract_strided_slice %get3A_37 {offsets = [7], sizes = [1], strides = [1]} : vector<16xf32> to vector<1xf32>
    %squeeze3A_53 = vector.extract %slice3A_52[0] : f32 from vector<1xf32>
    %get3A_54 = arith.constant 1 : i32
    %get3A_55 = arith.index_cast %get3A_54 : i32 to index
    %get3A_56 = arith.constant 0 : index
    %get3A_57 = tpu.vector_load %arg9[%get3A_55, %get3A_56] {strides = array<i32>} : memref<16x16xf32, #tpu.memory_space<vmem>>, vector<16xf32>,
    %slice3A_58 = vector.extract_strided_slice %get3A_57 {offsets = [0], sizes = [1], strides = [1]} : vector<16xf32> to vector<1xf32>
    %squeeze3A_59 = vector.extract %slice3A_58[0] : f32 from vector<1xf32>
    %slice3A_60 = vector.extract_strided_slice %get3A_57 {offsets = [1], sizes = [1], strides = [1]} : vector<16xf32> to vector<1xf32>
    %squeeze3A_61 = vector.extract %slice3A_60[0] : f32 from vector<1xf32>
    %slice3A_62 = vector.extract_strided_slice %get3A_57 {offsets = [2], sizes = [1], strides = [1]} : vector<16xf32> to vector<1xf32>
    %squeeze3A_63 = vector.extract %slice3A_62[0] : f32 from vector<1xf32>
    %slice3A_64 = vector.extract_strided_slice %get3A_57 {offsets = [3], sizes = [1], strides = [1]} : vector<16xf32> to vector<1xf32>
    %squeeze3A_65 = vector.extract %slice3A_64[0] : f32 from vector<1xf32>
    %slice3A_66 = vector.extract_strided_slice %get3A_57 {offsets = [4], sizes = [1], strides = [1]} : vector<16xf32> to vector<1xf32>
    %squeeze3A_67 = vector.extract %slice3A_66[0] : f32 from vector<1xf32>
    %slice3A_68 = vector.extract_strided_slice %get3A_57 {offsets = [5], sizes = [1], strides = [1]} : vector<16xf32> to vector<1xf32>
    %squeeze3A_69 = vector.extract %slice3A_68[0] : f32 from vector<1xf32>
    %slice3A_70 = vector.extract_strided_slice %get3A_57 {offsets = [6], sizes = [1], strides = [1]} : vector<16xf32> to vector<1xf32>
    %squeeze3A_71 = vector.extract %slice3A_70[0] : f32 from vector<1xf32>
    %slice3A_72 = vector.extract_strided_slice %get3A_57 {offsets = [7], sizes = [1], strides = [1]} : vector<16xf32> to vector<1xf32>
    %squeeze3A_73 = vector.extract %slice3A_72[0] : f32 from vector<1xf32>
    %get3A_74 = arith.constant 2 : i32
    %get3A_75 = arith.index_cast %get3A_74 : i32 to index
    %get3A_76 = arith.constant 0 : index
    %get3A_77 = tpu.vector_load %arg9[%get3A_75, %get3A_76] {strides = array<i32>} : memref<16x16xf32, #tpu.memory_space<vmem>>, vector<16xf32>,
    %slice3A_78 = vector.extract_strided_slice %get3A_77 {offsets = [0], sizes = [1], strides = [1]} : vector<16xf32> to vector<1xf32>
    %squeeze3A_79 = vector.extract %slice3A_78[0] : f32 from vector<1xf32>
    %slice3A_80 = vector.extract_strided_slice %get3A_77 {offsets = [1], sizes = [1], strides = [1]} : vector<16xf32> to vector<1xf32>
    %squeeze3A_81 = vector.extract %slice3A_80[0] : f32 from vector<1xf32>
    %slice3A_82 = vector.extract_strided_slice %get3A_77 {offsets = [2], sizes = [1], strides = [1]} : vector<16xf32> to vector<1xf32>
    %squeeze3A_83 = vector.extract %slice3A_82[0] : f32 from vector<1xf32>
    %slice3A_84 = vector.extract_strided_slice %get3A_77 {offsets = [3], sizes = [1], strides = [1]} : vector<16xf32> to vector<1xf32>
    %squeeze3A_85 = vector.extract %slice3A_84[0] : f32 from vector<1xf32>
    %slice3A_86 = vector.extract_strided_slice %get3A_77 {offsets = [4], sizes = [1], strides = [1]} : vector<16xf32> to vector<1xf32>
    %squeeze3A_87 = vector.extract %slice3A_86[0] : f32 from vector<1xf32>
    %slice3A_88 = vector.extract_strided_slice %get3A_77 {offsets = [5], sizes = [1], strides = [1]} : vector<16xf32> to vector<1xf32>
    %squeeze3A_89 = vector.extract %slice3A_88[0] : f32 from vector<1xf32>
    %slice3A_90 = vector.extract_strided_slice %get3A_77 {offsets = [6], sizes = [1], strides = [1]} : vector<16xf32> to vector<1xf32>
    %squeeze3A_91 = vector.extract %slice3A_90[0] : f32 from vector<1xf32>
    %slice3A_92 = vector.extract_strided_slice %get3A_77 {offsets = [7], sizes = [1], strides = [1]} : vector<16xf32> to vector<1xf32>
    %squeeze3A_93 = vector.extract %slice3A_92[0] : f32 from vector<1xf32>
    %get3A_94 = arith.constant 3 : i32
    %get3A_95 = arith.index_cast %get3A_94 : i32 to index
    %get3A_96 = arith.constant 0 : index
    %get3A_97 = tpu.vector_load %arg9[%get3A_95, %get3A_96] {strides = array<i32>} : memref<16x16xf32, #tpu.memory_space<vmem>>, vector<16xf32>,
    %slice3A_98 = vector.extract_strided_slice %get3A_97 {offsets = [0], sizes = [1], strides = [1]} : vector<16xf32> to vector<1xf32>
    %squeeze3A_99 = vector.extract %slice3A_98[0] : f32 from vector<1xf32>
    %slice3A_100 = vector.extract_strided_slice %get3A_97 {offsets = [1], sizes = [1], strides = [1]} : vector<16xf32> to vector<1xf32>
    %squeeze3A_101 = vector.extract %slice3A_100[0] : f32 from vector<1xf32>
    %slice3A_102 = vector.extract_strided_slice %get3A_97 {offsets = [2], sizes = [1], strides = [1]} : vector<16xf32> to vector<1xf32>
    %squeeze3A_103 = vector.extract %slice3A_102[0] : f32 from vector<1xf32>
    %slice3A_104 = vector.extract_strided_slice %get3A_97 {offsets = [3], sizes = [1], strides = [1]} : vector<16xf32> to vector<1xf32>
    %squeeze3A_105 = vector.extract %slice3A_104[0] : f32 from vector<1xf32>
    %slice3A_106 = vector.extract_strided_slice %get3A_97 {offsets = [4], sizes = [1], strides = [1]} : vector<16xf32> to vector<1xf32>
    %squeeze3A_107 = vector.extract %slice3A_106[0] : f32 from vector<1xf32>
    %slice3A_108 = vector.extract_strided_slice %get3A_97 {offsets = [5], sizes = [1], strides = [1]} : vector<16xf32> to vector<1xf32>
    %squeeze3A_109 = vector.extract %slice3A_108[0] : f32 from vector<1xf32>
    %slice3A_110 = vector.extract_strided_slice %get3A_97 {offsets = [6], sizes = [1], strides = [1]} : vector<16xf32> to vector<1xf32>
    %squeeze3A_111 = vector.extract %slice3A_110[0] : f32 from vector<1xf32>
    %slice3A_112 = vector.extract_strided_slice %get3A_97 {offsets = [7], sizes = [1], strides = [1]} : vector<16xf32> to vector<1xf32>
    %squeeze3A_113 = vector.extract %slice3A_112[0] : f32 from vector<1xf32>
    %get3A_114 = arith.constant 4 : i32
    %get3A_115 = arith.index_cast %get3A_114 : i32 to index
    %get3A_116 = arith.constant 0 : index
    %get3A_117 = tpu.vector_load %arg9[%get3A_115, %get3A_116] {strides = array<i32>} : memref<16x16xf32, #tpu.memory_space<vmem>>, vector<16xf32>,
    %slice3A_118 = vector.extract_strided_slice %get3A_117 {offsets = [0], sizes = [1], strides = [1]} : vector<16xf32> to vector<1xf32>
    %squeeze3A_119 = vector.extract %slice3A_118[0] : f32 from vector<1xf32>
    %slice3A_120 = vector.extract_strided_slice %get3A_117 {offsets = [1], sizes = [1], strides = [1]} : vector<16xf32> to vector<1xf32>
    %squeeze3A_121 = vector.extract %slice3A_120[0] : f32 from vector<1xf32>
    %slice3A_122 = vector.extract_strided_slice %get3A_117 {offsets = [2], sizes = [1], strides = [1]} : vector<16xf32> to vector<1xf32>
    %squeeze3A_123 = vector.extract %slice3A_122[0] : f32 from vector<1xf32>
    %slice3A_124 = vector.extract_strided_slice %get3A_117 {offsets = [3], sizes = [1], strides = [1]} : vector<16xf32> to vector<1xf32>
    %squeeze3A_125 = vector.extract %slice3A_124[0] : f32 from vector<1xf32>
    %slice3A_126 = vector.extract_strided_slice %get3A_117 {offsets = [4], sizes = [1], strides = [1]} : vector<16xf32> to vector<1xf32>
    %squeeze3A_127 = vector.extract %slice3A_126[0] : f32 from vector<1xf32>
    %slice3A_128 = vector.extract_strided_slice %get3A_117 {offsets = [5], sizes = [1], strides = [1]} : vector<16xf32> to vector<1xf32>
    %squeeze3A_129 = vector.extract %slice3A_128[0] : f32 from vector<1xf32>
    %slice3A_130 = vector.extract_strided_slice %get3A_117 {offsets = [6], sizes = [1], strides = [1]} : vector<16xf32> to vector<1xf32>
    %squeeze3A_131 = vector.extract %slice3A_130[0] : f32 from vector<1xf32>
    %slice3A_132 = vector.extract_strided_slice %get3A_117 {offsets = [7], sizes = [1], strides = [1]} : vector<16xf32> to vector<1xf32>
    %squeeze3A_133 = vector.extract %slice3A_132[0] : f32 from vector<1xf32>
    %get3A_134 = arith.constant 5 : i32
    %get3A_135 = arith.index_cast %get3A_134 : i32 to index
    %get3A_136 = arith.constant 0 : index
    %get3A_137 = tpu.vector_load %arg9[%get3A_135, %get3A_136] {strides = array<i32>} : memref<16x16xf32, #tpu.memory_space<vmem>>, vector<16xf32>,
    %slice3A_138 = vector.extract_strided_slice %get3A_137 {offsets = [0], sizes = [1], strides = [1]} : vector<16xf32> to vector<1xf32>
    %squeeze3A_139 = vector.extract %slice3A_138[0] : f32 from vector<1xf32>
    %slice3A_140 = vector.extract_strided_slice %get3A_137 {offsets = [1], sizes = [1], strides = [1]} : vector<16xf32> to vector<1xf32>
    %squeeze3A_141 = vector.extract %slice3A_140[0] : f32 from vector<1xf32>
    %slice3A_142 = vector.extract_strided_slice %get3A_137 {offsets = [2], sizes = [1], strides = [1]} : vector<16xf32> to vector<1xf32>
    %squeeze3A_143 = vector.extract %slice3A_142[0] : f32 from vector<1xf32>
    %slice3A_144 = vector.extract_strided_slice %get3A_137 {offsets = [3], sizes = [1], strides = [1]} : vector<16xf32> to vector<1xf32>
    %squeeze3A_145 = vector.extract %slice3A_144[0] : f32 from vector<1xf32>
    %slice3A_146 = vector.extract_strided_slice %get3A_137 {offsets = [4], sizes = [1], strides = [1]} : vector<16xf32> to vector<1xf32>
    %squeeze3A_147 = vector.extract %slice3A_146[0] : f32 from vector<1xf32>
    %slice3A_148 = vector.extract_strided_slice %get3A_137 {offsets = [5], sizes = [1], strides = [1]} : vector<16xf32> to vector<1xf32>
    %squeeze3A_149 = vector.extract %slice3A_148[0] : f32 from vector<1xf32>
    %slice3A_150 = vector.extract_strided_slice %get3A_137 {offsets = [6], sizes = [1], strides = [1]} : vector<16xf32> to vector<1xf32>
    %squeeze3A_151 = vector.extract %slice3A_150[0] : f32 from vector<1xf32>
    %slice3A_152 = vector.extract_strided_slice %get3A_137 {offsets = [7], sizes = [1], strides = [1]} : vector<16xf32> to vector<1xf32>
    %squeeze3A_153 = vector.extract %slice3A_152[0] : f32 from vector<1xf32>
    %get3A_154 = arith.constant 6 : i32
    %get3A_155 = arith.index_cast %get3A_154 : i32 to index
    %get3A_156 = arith.constant 0 : index
    %get3A_157 = tpu.vector_load %arg9[%get3A_155, %get3A_156] {strides = array<i32>} : memref<16x16xf32, #tpu.memory_space<vmem>>, vector<16xf32>,
    %slice3A_158 = vector.extract_strided_slice %get3A_157 {offsets = [0], sizes = [1], strides = [1]} : vector<16xf32> to vector<1xf32>
    %squeeze3A_159 = vector.extract %slice3A_158[0] : f32 from vector<1xf32>
    %slice3A_160 = vector.extract_strided_slice %get3A_157 {offsets = [1], sizes = [1], strides = [1]} : vector<16xf32> to vector<1xf32>
    %squeeze3A_161 = vector.extract %slice3A_160[0] : f32 from vector<1xf32>
    %slice3A_162 = vector.extract_strided_slice %get3A_157 {offsets = [2], sizes = [1], strides = [1]} : vector<16xf32> to vector<1xf32>
    %squeeze3A_163 = vector.extract %slice3A_162[0] : f32 from vector<1xf32>
    %slice3A_164 = vector.extract_strided_slice %get3A_157 {offsets = [3], sizes = [1], strides = [1]} : vector<16xf32> to vector<1xf32>
    %squeeze3A_165 = vector.extract %slice3A_164[0] : f32 from vector<1xf32>
    %slice3A_166 = vector.extract_strided_slice %get3A_157 {offsets = [4], sizes = [1], strides = [1]} : vector<16xf32> to vector<1xf32>
    %squeeze3A_167 = vector.extract %slice3A_166[0] : f32 from vector<1xf32>
    %slice3A_168 = vector.extract_strided_slice %get3A_157 {offsets = [5], sizes = [1], strides = [1]} : vector<16xf32> to vector<1xf32>
    %squeeze3A_169 = vector.extract %slice3A_168[0] : f32 from vector<1xf32>
    %slice3A_170 = vector.extract_strided_slice %get3A_157 {offsets = [6], sizes = [1], strides = [1]} : vector<16xf32> to vector<1xf32>
    %squeeze3A_171 = vector.extract %slice3A_170[0] : f32 from vector<1xf32>
    %slice3A_172 = vector.extract_strided_slice %get3A_157 {offsets = [7], sizes = [1], strides = [1]} : vector<16xf32> to vector<1xf32>
    %squeeze3A_173 = vector.extract %slice3A_172[0] : f32 from vector<1xf32>
    %get3A_174 = arith.constant 7 : i32
    %get3A_175 = arith.index_cast %get3A_174 : i32 to index
    %get3A_176 = arith.constant 0 : index
    %get3A_177 = tpu.vector_load %arg9[%get3A_175, %get3A_176] {strides = array<i32>} : memref<16x16xf32, #tpu.memory_space<vmem>>, vector<16xf32>,
    %slice3A_178 = vector.extract_strided_slice %get3A_177 {offsets = [0], sizes = [1], strides = [1]} : vector<16xf32> to vector<1xf32>
    %squeeze3A_179 = vector.extract %slice3A_178[0] : f32 from vector<1xf32>
    %slice3A_180 = vector.extract_strided_slice %get3A_177 {offsets = [1], sizes = [1], strides = [1]} : vector<16xf32> to vector<1xf32>
    %squeeze3A_181 = vector.extract %slice3A_180[0] : f32 from vector<1xf32>
    %slice3A_182 = vector.extract_strided_slice %get3A_177 {offsets = [2], sizes = [1], strides = [1]} : vector<16xf32> to vector<1xf32>
    %squeeze3A_183 = vector.extract %slice3A_182[0] : f32 from vector<1xf32>
    %slice3A_184 = vector.extract_strided_slice %get3A_177 {offsets = [3], sizes = [1], strides = [1]} : vector<16xf32> to vector<1xf32>
    %squeeze3A_185 = vector.extract %slice3A_184[0] : f32 from vector<1xf32>
    %slice3A_186 = vector.extract_strided_slice %get3A_177 {offsets = [4], sizes = [1], strides = [1]} : vector<16xf32> to vector<1xf32>
    %squeeze3A_187 = vector.extract %slice3A_186[0] : f32 from vector<1xf32>
    %slice3A_188 = vector.extract_strided_slice %get3A_177 {offsets = [5], sizes = [1], strides = [1]} : vector<16xf32> to vector<1xf32>
    %squeeze3A_189 = vector.extract %slice3A_188[0] : f32 from vector<1xf32>
    %slice3A_190 = vector.extract_strided_slice %get3A_177 {offsets = [6], sizes = [1], strides = [1]} : vector<16xf32> to vector<1xf32>
    %squeeze3A_191 = vector.extract %slice3A_190[0] : f32 from vector<1xf32>
    %slice3A_192 = vector.extract_strided_slice %get3A_177 {offsets = [7], sizes = [1], strides = [1]} : vector<16xf32> to vector<1xf32>
    %squeeze3A_193 = vector.extract %slice3A_192[0] : f32 from vector<1xf32>
    %get3A_194 = arith.constant 8 : i32
    %get3A_195 = arith.index_cast %get3A_194 : i32 to index
    %get3A_196 = arith.constant 0 : index
    %get3A_197 = tpu.vector_load %arg9[%get3A_195, %get3A_196] {strides = array<i32>} : memref<16x16xf32, #tpu.memory_space<vmem>>, vector<16xf32>,
    %slice3A_198 = vector.extract_strided_slice %get3A_197 {offsets = [0], sizes = [1], strides = [1]} : vector<16xf32> to vector<1xf32>
    %squeeze3A_199 = vector.extract %slice3A_198[0] : f32 from vector<1xf32>
    %slice3A_200 = vector.extract_strided_slice %get3A_197 {offsets = [1], sizes = [1], strides = [1]} : vector<16xf32> to vector<1xf32>
    %squeeze3A_201 = vector.extract %slice3A_200[0] : f32 from vector<1xf32>
    %slice3A_202 = vector.extract_strided_slice %get3A_197 {offsets = [2], sizes = [1], strides = [1]} : vector<16xf32> to vector<1xf32>
    %squeeze3A_203 = vector.extract %slice3A_202[0] : f32 from vector<1xf32>
    %slice3A_204 = vector.extract_strided_slice %get3A_197 {offsets = [3], sizes = [1], strides = [1]} : vector<16xf32> to vector<1xf32>
    %squeeze3A_205 = vector.extract %slice3A_204[0] : f32 from vector<1xf32>
    %slice3A_206 = vector.extract_strided_slice %get3A_197 {offsets = [4], sizes = [1], strides = [1]} : vector<16xf32> to vector<1xf32>
    %squeeze3A_207 = vector.extract %slice3A_206[0] : f32 from vector<1xf32>
    %slice3A_208 = vector.extract_strided_slice %get3A_197 {offsets = [5], sizes = [1], strides = [1]} : vector<16xf32> to vector<1xf32>
    %squeeze3A_209 = vector.extract %slice3A_208[0] : f32 from vector<1xf32>
    %slice3A_210 = vector.extract_strided_slice %get3A_197 {offsets = [6], sizes = [1], strides = [1]} : vector<16xf32> to vector<1xf32>
    %squeeze3A_211 = vector.extract %slice3A_210[0] : f32 from vector<1xf32>
    %slice3A_212 = vector.extract_strided_slice %get3A_197 {offsets = [7], sizes = [1], strides = [1]} : vector<16xf32> to vector<1xf32>
    %squeeze3A_213 = vector.extract %slice3A_212[0] : f32 from vector<1xf32>
    %get3A_214 = arith.constant 9 : i32
    %get3A_215 = arith.index_cast %get3A_214 : i32 to index
    %get3A_216 = arith.constant 0 : index
    %get3A_217 = tpu.vector_load %arg9[%get3A_215, %get3A_216] {strides = array<i32>} : memref<16x16xf32, #tpu.memory_space<vmem>>, vector<16xf32>,
    %slice3A_218 = vector.extract_strided_slice %get3A_217 {offsets = [0], sizes = [1], strides = [1]} : vector<16xf32> to vector<1xf32>
    %squeeze3A_219 = vector.extract %slice3A_218[0] : f32 from vector<1xf32>
    %slice3A_220 = vector.extract_strided_slice %get3A_217 {offsets = [1], sizes = [1], strides = [1]} : vector<16xf32> to vector<1xf32>
    %squeeze3A_221 = vector.extract %slice3A_220[0] : f32 from vector<1xf32>
    %slice3A_222 = vector.extract_strided_slice %get3A_217 {offsets = [2], sizes = [1], strides = [1]} : vector<16xf32> to vector<1xf32>
    %squeeze3A_223 = vector.extract %slice3A_222[0] : f32 from vector<1xf32>
    %slice3A_224 = vector.extract_strided_slice %get3A_217 {offsets = [3], sizes = [1], strides = [1]} : vector<16xf32> to vector<1xf32>
    %squeeze3A_225 = vector.extract %slice3A_224[0] : f32 from vector<1xf32>
    %slice3A_226 = vector.extract_strided_slice %get3A_217 {offsets = [4], sizes = [1], strides = [1]} : vector<16xf32> to vector<1xf32>
    %squeeze3A_227 = vector.extract %slice3A_226[0] : f32 from vector<1xf32>
    %slice3A_228 = vector.extract_strided_slice %get3A_217 {offsets = [5], sizes = [1], strides = [1]} : vector<16xf32> to vector<1xf32>
    %squeeze3A_229 = vector.extract %slice3A_228[0] : f32 from vector<1xf32>
    %slice3A_230 = vector.extract_strided_slice %get3A_217 {offsets = [6], sizes = [1], strides = [1]} : vector<16xf32> to vector<1xf32>
    %squeeze3A_231 = vector.extract %slice3A_230[0] : f32 from vector<1xf32>
    %slice3A_232 = vector.extract_strided_slice %get3A_217 {offsets = [7], sizes = [1], strides = [1]} : vector<16xf32> to vector<1xf32>
    %squeeze3A_233 = vector.extract %slice3A_232[0] : f32 from vector<1xf32>
    %get3A_234 = arith.constant 10 : i32
    %get3A_235 = arith.index_cast %get3A_234 : i32 to index
    %get3A_236 = arith.constant 0 : index
    %get3A_237 = tpu.vector_load %arg9[%get3A_235, %get3A_236] {strides = array<i32>} : memref<16x16xf32, #tpu.memory_space<vmem>>, vector<16xf32>,
    %slice3A_238 = vector.extract_strided_slice %get3A_237 {offsets = [0], sizes = [1], strides = [1]} : vector<16xf32> to vector<1xf32>
    %squeeze3A_239 = vector.extract %slice3A_238[0] : f32 from vector<1xf32>
    %slice3A_240 = vector.extract_strided_slice %get3A_237 {offsets = [1], sizes = [1], strides = [1]} : vector<16xf32> to vector<1xf32>
    %squeeze3A_241 = vector.extract %slice3A_240[0] : f32 from vector<1xf32>
    %slice3A_242 = vector.extract_strided_slice %get3A_237 {offsets = [2], sizes = [1], strides = [1]} : vector<16xf32> to vector<1xf32>
    %squeeze3A_243 = vector.extract %slice3A_242[0] : f32 from vector<1xf32>
    %slice3A_244 = vector.extract_strided_slice %get3A_237 {offsets = [3], sizes = [1], strides = [1]} : vector<16xf32> to vector<1xf32>
    %squeeze3A_245 = vector.extract %slice3A_244[0] : f32 from vector<1xf32>
    %slice3A_246 = vector.extract_strided_slice %get3A_237 {offsets = [4], sizes = [1], strides = [1]} : vector<16xf32> to vector<1xf32>
    %squeeze3A_247 = vector.extract %slice3A_246[0] : f32 from vector<1xf32>
    %slice3A_248 = vector.extract_strided_slice %get3A_237 {offsets = [5], sizes = [1], strides = [1]} : vector<16xf32> to vector<1xf32>
    %squeeze3A_249 = vector.extract %slice3A_248[0] : f32 from vector<1xf32>
    %slice3A_250 = vector.extract_strided_slice %get3A_237 {offsets = [6], sizes = [1], strides = [1]} : vector<16xf32> to vector<1xf32>
    %squeeze3A_251 = vector.extract %slice3A_250[0] : f32 from vector<1xf32>
    %slice3A_252 = vector.extract_strided_slice %get3A_237 {offsets = [7], sizes = [1], strides = [1]} : vector<16xf32> to vector<1xf32>
    %squeeze3A_253 = vector.extract %slice3A_252[0] : f32 from vector<1xf32>
    %get3A_254 = arith.constant 11 : i32
    %get3A_255 = arith.index_cast %get3A_254 : i32 to index
    %get3A_256 = arith.constant 0 : index
    %get3A_257 = tpu.vector_load %arg9[%get3A_255, %get3A_256] {strides = array<i32>} : memref<16x16xf32, #tpu.memory_space<vmem>>, vector<16xf32>,
    %slice3A_258 = vector.extract_strided_slice %get3A_257 {offsets = [0], sizes = [1], strides = [1]} : vector<16xf32> to vector<1xf32>
    %squeeze3A_259 = vector.extract %slice3A_258[0] : f32 from vector<1xf32>
    %slice3A_260 = vector.extract_strided_slice %get3A_257 {offsets = [1], sizes = [1], strides = [1]} : vector<16xf32> to vector<1xf32>
    %squeeze3A_261 = vector.extract %slice3A_260[0] : f32 from vector<1xf32>
    %slice3A_262 = vector.extract_strided_slice %get3A_257 {offsets = [2], sizes = [1], strides = [1]} : vector<16xf32> to vector<1xf32>
    %squeeze3A_263 = vector.extract %slice3A_262[0] : f32 from vector<1xf32>
    %slice3A_264 = vector.extract_strided_slice %get3A_257 {offsets = [3], sizes = [1], strides = [1]} : vector<16xf32> to vector<1xf32>
    %squeeze3A_265 = vector.extract %slice3A_264[0] : f32 from vector<1xf32>
    %slice3A_266 = vector.extract_strided_slice %get3A_257 {offsets = [4], sizes = [1], strides = [1]} : vector<16xf32> to vector<1xf32>
    %squeeze3A_267 = vector.extract %slice3A_266[0] : f32 from vector<1xf32>
    %slice3A_268 = vector.extract_strided_slice %get3A_257 {offsets = [5], sizes = [1], strides = [1]} : vector<16xf32> to vector<1xf32>
    %squeeze3A_269 = vector.extract %slice3A_268[0] : f32 from vector<1xf32>
    %slice3A_270 = vector.extract_strided_slice %get3A_257 {offsets = [6], sizes = [1], strides = [1]} : vector<16xf32> to vector<1xf32>
    %squeeze3A_271 = vector.extract %slice3A_270[0] : f32 from vector<1xf32>
    %slice3A_272 = vector.extract_strided_slice %get3A_257 {offsets = [7], sizes = [1], strides = [1]} : vector<16xf32> to vector<1xf32>
    %squeeze3A_273 = vector.extract %slice3A_272[0] : f32 from vector<1xf32>
    %get3A_274 = arith.constant 12 : i32
    %get3A_275 = arith.index_cast %get3A_274 : i32 to index
    %get3A_276 = arith.constant 0 : index
    %get3A_277 = tpu.vector_load %arg9[%get3A_275, %get3A_276] {strides = array<i32>} : memref<16x16xf32, #tpu.memory_space<vmem>>, vector<16xf32>,
    %slice3A_278 = vector.extract_strided_slice %get3A_277 {offsets = [0], sizes = [1], strides = [1]} : vector<16xf32> to vector<1xf32>
    %squeeze3A_279 = vector.extract %slice3A_278[0] : f32 from vector<1xf32>
    %slice3A_280 = vector.extract_strided_slice %get3A_277 {offsets = [1], sizes = [1], strides = [1]} : vector<16xf32> to vector<1xf32>
    %squeeze3A_281 = vector.extract %slice3A_280[0] : f32 from vector<1xf32>
    %slice3A_282 = vector.extract_strided_slice %get3A_277 {offsets = [2], sizes = [1], strides = [1]} : vector<16xf32> to vector<1xf32>
    %squeeze3A_283 = vector.extract %slice3A_282[0] : f32 from vector<1xf32>
    %slice3A_284 = vector.extract_strided_slice %get3A_277 {offsets = [3], sizes = [1], strides = [1]} : vector<16xf32> to vector<1xf32>
    %squeeze3A_285 = vector.extract %slice3A_284[0] : f32 from vector<1xf32>
    %slice3A_286 = vector.extract_strided_slice %get3A_277 {offsets = [4], sizes = [1], strides = [1]} : vector<16xf32> to vector<1xf32>
    %squeeze3A_287 = vector.extract %slice3A_286[0] : f32 from vector<1xf32>
    %slice3A_288 = vector.extract_strided_slice %get3A_277 {offsets = [5], sizes = [1], strides = [1]} : vector<16xf32> to vector<1xf32>
    %squeeze3A_289 = vector.extract %slice3A_288[0] : f32 from vector<1xf32>
    %slice3A_290 = vector.extract_strided_slice %get3A_277 {offsets = [6], sizes = [1], strides = [1]} : vector<16xf32> to vector<1xf32>
    %squeeze3A_291 = vector.extract %slice3A_290[0] : f32 from vector<1xf32>
    %slice3A_292 = vector.extract_strided_slice %get3A_277 {offsets = [7], sizes = [1], strides = [1]} : vector<16xf32> to vector<1xf32>
    %squeeze3A_293 = vector.extract %slice3A_292[0] : f32 from vector<1xf32>
    %get3A_294 = arith.constant 13 : i32
    %get3A_295 = arith.index_cast %get3A_294 : i32 to index
    %get3A_296 = arith.constant 0 : index
    %get3A_297 = tpu.vector_load %arg9[%get3A_295, %get3A_296] {strides = array<i32>} : memref<16x16xf32, #tpu.memory_space<vmem>>, vector<16xf32>,
    %slice3A_298 = vector.extract_strided_slice %get3A_297 {offsets = [0], sizes = [1], strides = [1]} : vector<16xf32> to vector<1xf32>
    %squeeze3A_299 = vector.extract %slice3A_298[0] : f32 from vector<1xf32>
    %slice3A_300 = vector.extract_strided_slice %get3A_297 {offsets = [1], sizes = [1], strides = [1]} : vector<16xf32> to vector<1xf32>
    %squeeze3A_301 = vector.extract %slice3A_300[0] : f32 from vector<1xf32>
    %slice3A_302 = vector.extract_strided_slice %get3A_297 {offsets = [2], sizes = [1], strides = [1]} : vector<16xf32> to vector<1xf32>
    %squeeze3A_303 = vector.extract %slice3A_302[0] : f32 from vector<1xf32>
    %slice3A_304 = vector.extract_strided_slice %get3A_297 {offsets = [3], sizes = [1], strides = [1]} : vector<16xf32> to vector<1xf32>
    %squeeze3A_305 = vector.extract %slice3A_304[0] : f32 from vector<1xf32>
    %slice3A_306 = vector.extract_strided_slice %get3A_297 {offsets = [4], sizes = [1], strides = [1]} : vector<16xf32> to vector<1xf32>
    %squeeze3A_307 = vector.extract %slice3A_306[0] : f32 from vector<1xf32>
    %slice3A_308 = vector.extract_strided_slice %get3A_297 {offsets = [5], sizes = [1], strides = [1]} : vector<16xf32> to vector<1xf32>
    %squeeze3A_309 = vector.extract %slice3A_308[0] : f32 from vector<1xf32>
    %slice3A_310 = vector.extract_strided_slice %get3A_297 {offsets = [6], sizes = [1], strides = [1]} : vector<16xf32> to vector<1xf32>
    %squeeze3A_311 = vector.extract %slice3A_310[0] : f32 from vector<1xf32>
    %slice3A_312 = vector.extract_strided_slice %get3A_297 {offsets = [7], sizes = [1], strides = [1]} : vector<16xf32> to vector<1xf32>
    %squeeze3A_313 = vector.extract %slice3A_312[0] : f32 from vector<1xf32>
    %get3A_314 = arith.constant 14 : i32
    %get3A_315 = arith.index_cast %get3A_314 : i32 to index
    %get3A_316 = arith.constant 0 : index
    %get3A_317 = tpu.vector_load %arg9[%get3A_315, %get3A_316] {strides = array<i32>} : memref<16x16xf32, #tpu.memory_space<vmem>>, vector<16xf32>,
    %slice3A_318 = vector.extract_strided_slice %get3A_317 {offsets = [0], sizes = [1], strides = [1]} : vector<16xf32> to vector<1xf32>
    %squeeze3A_319 = vector.extract %slice3A_318[0] : f32 from vector<1xf32>
    %slice3A_320 = vector.extract_strided_slice %get3A_317 {offsets = [1], sizes = [1], strides = [1]} : vector<16xf32> to vector<1xf32>
    %squeeze3A_321 = vector.extract %slice3A_320[0] : f32 from vector<1xf32>
    %slice3A_322 = vector.extract_strided_slice %get3A_317 {offsets = [2], sizes = [1], strides = [1]} : vector<16xf32> to vector<1xf32>
    %squeeze3A_323 = vector.extract %slice3A_322[0] : f32 from vector<1xf32>
    %slice3A_324 = vector.extract_strided_slice %get3A_317 {offsets = [3], sizes = [1], strides = [1]} : vector<16xf32> to vector<1xf32>
    %squeeze3A_325 = vector.extract %slice3A_324[0] : f32 from vector<1xf32>
    %slice3A_326 = vector.extract_strided_slice %get3A_317 {offsets = [4], sizes = [1], strides = [1]} : vector<16xf32> to vector<1xf32>
    %squeeze3A_327 = vector.extract %slice3A_326[0] : f32 from vector<1xf32>
    %slice3A_328 = vector.extract_strided_slice %get3A_317 {offsets = [5], sizes = [1], strides = [1]} : vector<16xf32> to vector<1xf32>
    %squeeze3A_329 = vector.extract %slice3A_328[0] : f32 from vector<1xf32>
    %slice3A_330 = vector.extract_strided_slice %get3A_317 {offsets = [6], sizes = [1], strides = [1]} : vector<16xf32> to vector<1xf32>
    %squeeze3A_331 = vector.extract %slice3A_330[0] : f32 from vector<1xf32>
    %slice3A_332 = vector.extract_strided_slice %get3A_317 {offsets = [7], sizes = [1], strides = [1]} : vector<16xf32> to vector<1xf32>
    %squeeze3A_333 = vector.extract %slice3A_332[0] : f32 from vector<1xf32>
    %get3A_334 = arith.constant 15 : i32
    %get3A_335 = arith.index_cast %get3A_334 : i32 to index
    %get3A_336 = arith.constant 0 : index
    %get3A_337 = tpu.vector_load %arg9[%get3A_335, %get3A_336] {strides = array<i32>} : memref<16x16xf32, #tpu.memory_space<vmem>>, vector<16xf32>,
    %slice3A_338 = vector.extract_strided_slice %get3A_337 {offsets = [0], sizes = [1], strides = [1]} : vector<16xf32> to vector<1xf32>
    %squeeze3A_339 = vector.extract %slice3A_338[0] : f32 from vector<1xf32>
    %slice3A_340 = vector.extract_strided_slice %get3A_337 {offsets = [1], sizes = [1], strides = [1]} : vector<16xf32> to vector<1xf32>
    %squeeze3A_341 = vector.extract %slice3A_340[0] : f32 from vector<1xf32>
    %slice3A_342 = vector.extract_strided_slice %get3A_337 {offsets = [2], sizes = [1], strides = [1]} : vector<16xf32> to vector<1xf32>
    %squeeze3A_343 = vector.extract %slice3A_342[0] : f32 from vector<1xf32>
    %slice3A_344 = vector.extract_strided_slice %get3A_337 {offsets = [3], sizes = [1], strides = [1]} : vector<16xf32> to vector<1xf32>
    %squeeze3A_345 = vector.extract %slice3A_344[0] : f32 from vector<1xf32>
    %slice3A_346 = vector.extract_strided_slice %get3A_337 {offsets = [4], sizes = [1], strides = [1]} : vector<16xf32> to vector<1xf32>
    %squeeze3A_347 = vector.extract %slice3A_346[0] : f32 from vector<1xf32>
    %slice3A_348 = vector.extract_strided_slice %get3A_337 {offsets = [5], sizes = [1], strides = [1]} : vector<16xf32> to vector<1xf32>
    %squeeze3A_349 = vector.extract %slice3A_348[0] : f32 from vector<1xf32>
    %slice3A_350 = vector.extract_strided_slice %get3A_337 {offsets = [6], sizes = [1], strides = [1]} : vector<16xf32> to vector<1xf32>
    %squeeze3A_351 = vector.extract %slice3A_350[0] : f32 from vector<1xf32>
    %slice3A_352 = vector.extract_strided_slice %get3A_337 {offsets = [7], sizes = [1], strides = [1]} : vector<16xf32> to vector<1xf32>
    %squeeze3A_353 = vector.extract %slice3A_352[0] : f32 from vector<1xf32>
    %add3A_354 = arith.addf %squeeze3A_39, %squeeze3A_59 : f32
    %add3A_355 = arith.addf %add3A_354, %squeeze3A_79 : f32
    %add3A_356 = arith.addf %add3A_355, %squeeze3A_99 : f32
    %add3A_357 = arith.addf %add3A_356, %squeeze3A_119 : f32
    %add3A_358 = arith.addf %add3A_357, %squeeze3A_139 : f32
    %add3A_359 = arith.addf %add3A_358, %squeeze3A_159 : f32
    %add3A_360 = arith.addf %add3A_359, %squeeze3A_179 : f32
    %add3A_361 = arith.addf %add3A_360, %squeeze3A_199 : f32
    %add3A_362 = arith.addf %add3A_361, %squeeze3A_219 : f32
    %add3A_363 = arith.addf %add3A_362, %squeeze3A_239 : f32
    %add3A_364 = arith.addf %add3A_363, %squeeze3A_259 : f32
    %add3A_365 = arith.addf %add3A_364, %squeeze3A_279 : f32
    %add3A_366 = arith.addf %add3A_365, %squeeze3A_299 : f32
    %add3A_367 = arith.addf %add3A_366, %squeeze3A_319 : f32
    %add3A_368 = arith.addf %add3A_367, %squeeze3A_339 : f32
    %add3A_369 = arith.addf %squeeze3A_41, %squeeze3A_61 : f32
    %add3A_370 = arith.addf %add3A_369, %squeeze3A_81 : f32
    %add3A_371 = arith.addf %add3A_370, %squeeze3A_101 : f32
    %add3A_372 = arith.addf %add3A_371, %squeeze3A_121 : f32
    %add3A_373 = arith.addf %add3A_372, %squeeze3A_141 : f32
    %add3A_374 = arith.addf %add3A_373, %squeeze3A_161 : f32
    %add3A_375 = arith.addf %add3A_374, %squeeze3A_181 : f32
    %add3A_376 = arith.addf %add3A_375, %squeeze3A_201 : f32
    %add3A_377 = arith.addf %add3A_376, %squeeze3A_221 : f32
    %add3A_378 = arith.addf %add3A_377, %squeeze3A_241 : f32
    %add3A_379 = arith.addf %add3A_378, %squeeze3A_261 : f32
    %add3A_380 = arith.addf %add3A_379, %squeeze3A_281 : f32
    %add3A_381 = arith.addf %add3A_380, %squeeze3A_301 : f32
    %add3A_382 = arith.addf %add3A_381, %squeeze3A_321 : f32
    %add3A_383 = arith.addf %add3A_382, %squeeze3A_341 : f32
    %add3A_384 = arith.addf %squeeze3A_43, %squeeze3A_63 : f32
    %add3A_385 = arith.addf %add3A_384, %squeeze3A_83 : f32
    %add3A_386 = arith.addf %add3A_385, %squeeze3A_103 : f32
    %add3A_387 = arith.addf %add3A_386, %squeeze3A_123 : f32
    %add3A_388 = arith.addf %add3A_387, %squeeze3A_143 : f32
    %add3A_389 = arith.addf %add3A_388, %squeeze3A_163 : f32
    %add3A_390 = arith.addf %add3A_389, %squeeze3A_183 : f32
    %add3A_391 = arith.addf %add3A_390, %squeeze3A_203 : f32
    %add3A_392 = arith.addf %add3A_391, %squeeze3A_223 : f32
    %add3A_393 = arith.addf %add3A_392, %squeeze3A_243 : f32
    %add3A_394 = arith.addf %add3A_393, %squeeze3A_263 : f32
    %add3A_395 = arith.addf %add3A_394, %squeeze3A_283 : f32
    %add3A_396 = arith.addf %add3A_395, %squeeze3A_303 : f32
    %add3A_397 = arith.addf %add3A_396, %squeeze3A_323 : f32
    %add3A_398 = arith.addf %add3A_397, %squeeze3A_343 : f32
    %add3A_399 = arith.addf %squeeze3A_45, %squeeze3A_65 : f32
    %add3A_400 = arith.addf %add3A_399, %squeeze3A_85 : f32
    %add3A_401 = arith.addf %add3A_400, %squeeze3A_105 : f32
    %add3A_402 = arith.addf %add3A_401, %squeeze3A_125 : f32
    %add3A_403 = arith.addf %add3A_402, %squeeze3A_145 : f32
    %add3A_404 = arith.addf %add3A_403, %squeeze3A_165 : f32
    %add3A_405 = arith.addf %add3A_404, %squeeze3A_185 : f32
    %add3A_406 = arith.addf %add3A_405, %squeeze3A_205 : f32
    %add3A_407 = arith.addf %add3A_406, %squeeze3A_225 : f32
    %add3A_408 = arith.addf %add3A_407, %squeeze3A_245 : f32
    %add3A_409 = arith.addf %add3A_408, %squeeze3A_265 : f32
    %add3A_410 = arith.addf %add3A_409, %squeeze3A_285 : f32
    %add3A_411 = arith.addf %add3A_410, %squeeze3A_305 : f32
    %add3A_412 = arith.addf %add3A_411, %squeeze3A_325 : f32
    %add3A_413 = arith.addf %add3A_412, %squeeze3A_345 : f32
    %add3A_414 = arith.addf %squeeze3A_47, %squeeze3A_67 : f32
    %add3A_415 = arith.addf %add3A_414, %squeeze3A_87 : f32
    %add3A_416 = arith.addf %add3A_415, %squeeze3A_107 : f32
    %add3A_417 = arith.addf %add3A_416, %squeeze3A_127 : f32
    %add3A_418 = arith.addf %add3A_417, %squeeze3A_147 : f32
    %add3A_419 = arith.addf %add3A_418, %squeeze3A_167 : f32
    %add3A_420 = arith.addf %add3A_419, %squeeze3A_187 : f32
    %add3A_421 = arith.addf %add3A_420, %squeeze3A_207 : f32
    %add3A_422 = arith.addf %add3A_421, %squeeze3A_227 : f32
    %add3A_423 = arith.addf %add3A_422, %squeeze3A_247 : f32
    %add3A_424 = arith.addf %add3A_423, %squeeze3A_267 : f32
    %add3A_425 = arith.addf %add3A_424, %squeeze3A_287 : f32
    %add3A_426 = arith.addf %add3A_425, %squeeze3A_307 : f32
    %add3A_427 = arith.addf %add3A_426, %squeeze3A_327 : f32
    %add3A_428 = arith.addf %add3A_427, %squeeze3A_347 : f32
    %add3A_429 = arith.addf %squeeze3A_49, %squeeze3A_69 : f32
    %add3A_430 = arith.addf %add3A_429, %squeeze3A_89 : f32
    %add3A_431 = arith.addf %add3A_430, %squeeze3A_109 : f32
    %add3A_432 = arith.addf %add3A_431, %squeeze3A_129 : f32
    %add3A_433 = arith.addf %add3A_432, %squeeze3A_149 : f32
    %add3A_434 = arith.addf %add3A_433, %squeeze3A_169 : f32
    %add3A_435 = arith.addf %add3A_434, %squeeze3A_189 : f32
    %add3A_436 = arith.addf %add3A_435, %squeeze3A_209 : f32
    %add3A_437 = arith.addf %add3A_436, %squeeze3A_229 : f32
    %add3A_438 = arith.addf %add3A_437, %squeeze3A_249 : f32
    %add3A_439 = arith.addf %add3A_438, %squeeze3A_269 : f32
    %add3A_440 = arith.addf %add3A_439, %squeeze3A_289 : f32
    %add3A_441 = arith.addf %add3A_440, %squeeze3A_309 : f32
    %add3A_442 = arith.addf %add3A_441, %squeeze3A_329 : f32
    %add3A_443 = arith.addf %add3A_442, %squeeze3A_349 : f32
    %add3A_444 = arith.addf %squeeze3A_51, %squeeze3A_71 : f32
    %add3A_445 = arith.addf %add3A_444, %squeeze3A_91 : f32
    %add3A_446 = arith.addf %add3A_445, %squeeze3A_111 : f32
    %add3A_447 = arith.addf %add3A_446, %squeeze3A_131 : f32
    %add3A_448 = arith.addf %add3A_447, %squeeze3A_151 : f32
    %add3A_449 = arith.addf %add3A_448, %squeeze3A_171 : f32
    %add3A_450 = arith.addf %add3A_449, %squeeze3A_191 : f32
    %add3A_451 = arith.addf %add3A_450, %squeeze3A_211 : f32
    %add3A_452 = arith.addf %add3A_451, %squeeze3A_231 : f32
    %add3A_453 = arith.addf %add3A_452, %squeeze3A_251 : f32
    %add3A_454 = arith.addf %add3A_453, %squeeze3A_271 : f32
    %add3A_455 = arith.addf %add3A_454, %squeeze3A_291 : f32
    %add3A_456 = arith.addf %add3A_455, %squeeze3A_311 : f32
    %add3A_457 = arith.addf %add3A_456, %squeeze3A_331 : f32
    %add3A_458 = arith.addf %add3A_457, %squeeze3A_351 : f32
    %add3A_459 = arith.addf %squeeze3A_53, %squeeze3A_73 : f32
    %add3A_460 = arith.addf %add3A_459, %squeeze3A_93 : f32
    %add3A_461 = arith.addf %add3A_460, %squeeze3A_113 : f32
    %add3A_462 = arith.addf %add3A_461, %squeeze3A_133 : f32
    %add3A_463 = arith.addf %add3A_462, %squeeze3A_153 : f32
    %add3A_464 = arith.addf %add3A_463, %squeeze3A_173 : f32
    %add3A_465 = arith.addf %add3A_464, %squeeze3A_193 : f32
    %add3A_466 = arith.addf %add3A_465, %squeeze3A_213 : f32
    %add3A_467 = arith.addf %add3A_466, %squeeze3A_233 : f32
    %add3A_468 = arith.addf %add3A_467, %squeeze3A_253 : f32
    %add3A_469 = arith.addf %add3A_468, %squeeze3A_273 : f32
    %add3A_470 = arith.addf %add3A_469, %squeeze3A_293 : f32
    %add3A_471 = arith.addf %add3A_470, %squeeze3A_313 : f32
    %add3A_472 = arith.addf %add3A_471, %squeeze3A_333 : f32
    %add3A_473 = arith.addf %add3A_472, %squeeze3A_353 : f32
    %scan3A = arith.constant 0 : i32
    %scan3A_474 = arith.constant 0 : i32
    %scan3A_475 = arith.constant 8 : i32
    %scan3A_476 = arith.addi %scan3A_474, %scan3A_475 : i32
    %scan3A_477 = arith.constant 1 : i32
    scf.for %scan3A_1416 = %scan3A_474 to %scan3A_476 step %scan3A_477  : i32 {
      %mul3A_1417 = arith.constant 16 : i32
      %mul3A_1418 = arith.muli %scan3A_1416, %mul3A_1417 : i32
      %get3A_1419 = arith.constant 0 : i32
      %get3A_1420 = arith.index_cast %get3A_1419 : i32 to index
      %get3A_1421 = arith.index_cast %mul3A_1418 : i32 to index
      %get3A_1422 = tpu.vector_load %arg8[%get3A_1420, %get3A_1421] {strides = array<i32>} : memref<16x128xf32, #tpu.memory_space<vmem>>, vector<16xf32>,
      %mul3A_1423 = vector.broadcast %squeeze3A_39 : f32 to vector<16xf32>
      %mul3A_1424 = arith.mulf %get3A_1422, %mul3A_1423 : vector<16xf32>
      %mul3A_1425 = arith.constant 16 : i32
      %mul3A_1426 = arith.muli %scan3A_1416, %mul3A_1425 : i32
      %get3A_1427 = arith.constant 1 : i32
      %get3A_1428 = arith.index_cast %get3A_1427 : i32 to index
      %get3A_1429 = arith.index_cast %mul3A_1426 : i32 to index
      %get3A_1430 = tpu.vector_load %arg8[%get3A_1428, %get3A_1429] {strides = array<i32>} : memref<16x128xf32, #tpu.memory_space<vmem>>, vector<16xf32>,
      %mul3A_1431 = vector.broadcast %squeeze3A_59 : f32 to vector<16xf32>
      %mul3A_1432 = arith.mulf %get3A_1430, %mul3A_1431 : vector<16xf32>
      %add3A_1433 = arith.addf %mul3A_1424, %mul3A_1432 : vector<16xf32>
      %mul3A_1434 = arith.constant 16 : i32
      %mul3A_1435 = arith.muli %scan3A_1416, %mul3A_1434 : i32
      %get3A_1436 = arith.constant 2 : i32
      %get3A_1437 = arith.index_cast %get3A_1436 : i32 to index
      %get3A_1438 = arith.index_cast %mul3A_1435 : i32 to index
      %get3A_1439 = tpu.vector_load %arg8[%get3A_1437, %get3A_1438] {strides = array<i32>} : memref<16x128xf32, #tpu.memory_space<vmem>>, vector<16xf32>,
      %mul3A_1440 = vector.broadcast %squeeze3A_79 : f32 to vector<16xf32>
      %mul3A_1441 = arith.mulf %get3A_1439, %mul3A_1440 : vector<16xf32>
      %add3A_1442 = arith.addf %add3A_1433, %mul3A_1441 : vector<16xf32>
      %mul3A_1443 = arith.constant 16 : i32
      %mul3A_1444 = arith.muli %scan3A_1416, %mul3A_1443 : i32
      %get3A_1445 = arith.constant 3 : i32
      %get3A_1446 = arith.index_cast %get3A_1445 : i32 to index
      %get3A_1447 = arith.index_cast %mul3A_1444 : i32 to index
      %get3A_1448 = tpu.vector_load %arg8[%get3A_1446, %get3A_1447] {strides = array<i32>} : memref<16x128xf32, #tpu.memory_space<vmem>>, vector<16xf32>,
      %mul3A_1449 = vector.broadcast %squeeze3A_99 : f32 to vector<16xf32>
      %mul3A_1450 = arith.mulf %get3A_1448, %mul3A_1449 : vector<16xf32>
      %add3A_1451 = arith.addf %add3A_1442, %mul3A_1450 : vector<16xf32>
      %mul3A_1452 = arith.constant 16 : i32
      %mul3A_1453 = arith.muli %scan3A_1416, %mul3A_1452 : i32
      %get3A_1454 = arith.constant 4 : i32
      %get3A_1455 = arith.index_cast %get3A_1454 : i32 to index
      %get3A_1456 = arith.index_cast %mul3A_1453 : i32 to index
      %get3A_1457 = tpu.vector_load %arg8[%get3A_1455, %get3A_1456] {strides = array<i32>} : memref<16x128xf32, #tpu.memory_space<vmem>>, vector<16xf32>,
      %mul3A_1458 = vector.broadcast %squeeze3A_119 : f32 to vector<16xf32>
      %mul3A_1459 = arith.mulf %get3A_1457, %mul3A_1458 : vector<16xf32>
      %add3A_1460 = arith.addf %add3A_1451, %mul3A_1459 : vector<16xf32>
      %mul3A_1461 = arith.constant 16 : i32
      %mul3A_1462 = arith.muli %scan3A_1416, %mul3A_1461 : i32
      %get3A_1463 = arith.constant 5 : i32
      %get3A_1464 = arith.index_cast %get3A_1463 : i32 to index
      %get3A_1465 = arith.index_cast %mul3A_1462 : i32 to index
      %get3A_1466 = tpu.vector_load %arg8[%get3A_1464, %get3A_1465] {strides = array<i32>} : memref<16x128xf32, #tpu.memory_space<vmem>>, vector<16xf32>,
      %mul3A_1467 = vector.broadcast %squeeze3A_139 : f32 to vector<16xf32>
      %mul3A_1468 = arith.mulf %get3A_1466, %mul3A_1467 : vector<16xf32>
      %add3A_1469 = arith.addf %add3A_1460, %mul3A_1468 : vector<16xf32>
      %mul3A_1470 = arith.constant 16 : i32
      %mul3A_1471 = arith.muli %scan3A_1416, %mul3A_1470 : i32
      %get3A_1472 = arith.constant 6 : i32
      %get3A_1473 = arith.index_cast %get3A_1472 : i32 to index
      %get3A_1474 = arith.index_cast %mul3A_1471 : i32 to index
      %get3A_1475 = tpu.vector_load %arg8[%get3A_1473, %get3A_1474] {strides = array<i32>} : memref<16x128xf32, #tpu.memory_space<vmem>>, vector<16xf32>,
      %mul3A_1476 = vector.broadcast %squeeze3A_159 : f32 to vector<16xf32>
      %mul3A_1477 = arith.mulf %get3A_1475, %mul3A_1476 : vector<16xf32>
      %add3A_1478 = arith.addf %add3A_1469, %mul3A_1477 : vector<16xf32>
      %mul3A_1479 = arith.constant 16 : i32
      %mul3A_1480 = arith.muli %scan3A_1416, %mul3A_1479 : i32
      %get3A_1481 = arith.constant 7 : i32
      %get3A_1482 = arith.index_cast %get3A_1481 : i32 to index
      %get3A_1483 = arith.index_cast %mul3A_1480 : i32 to index
      %get3A_1484 = tpu.vector_load %arg8[%get3A_1482, %get3A_1483] {strides = array<i32>} : memref<16x128xf32, #tpu.memory_space<vmem>>, vector<16xf32>,
      %mul3A_1485 = vector.broadcast %squeeze3A_179 : f32 to vector<16xf32>
      %mul3A_1486 = arith.mulf %get3A_1484, %mul3A_1485 : vector<16xf32>
      %add3A_1487 = arith.addf %add3A_1478, %mul3A_1486 : vector<16xf32>
      %mul3A_1488 = arith.constant 16 : i32
      %mul3A_1489 = arith.muli %scan3A_1416, %mul3A_1488 : i32
      %get3A_1490 = arith.constant 8 : i32
      %get3A_1491 = arith.index_cast %get3A_1490 : i32 to index
      %get3A_1492 = arith.index_cast %mul3A_1489 : i32 to index
      %get3A_1493 = tpu.vector_load %arg8[%get3A_1491, %get3A_1492] {strides = array<i32>} : memref<16x128xf32, #tpu.memory_space<vmem>>, vector<16xf32>,
      %mul3A_1494 = vector.broadcast %squeeze3A_199 : f32 to vector<16xf32>
      %mul3A_1495 = arith.mulf %get3A_1493, %mul3A_1494 : vector<16xf32>
      %add3A_1496 = arith.addf %add3A_1487, %mul3A_1495 : vector<16xf32>
      %mul3A_1497 = arith.constant 16 : i32
      %mul3A_1498 = arith.muli %scan3A_1416, %mul3A_1497 : i32
      %get3A_1499 = arith.constant 9 : i32
      %get3A_1500 = arith.index_cast %get3A_1499 : i32 to index
      %get3A_1501 = arith.index_cast %mul3A_1498 : i32 to index
      %get3A_1502 = tpu.vector_load %arg8[%get3A_1500, %get3A_1501] {strides = array<i32>} : memref<16x128xf32, #tpu.memory_space<vmem>>, vector<16xf32>,
      %mul3A_1503 = vector.broadcast %squeeze3A_219 : f32 to vector<16xf32>
      %mul3A_1504 = arith.mulf %get3A_1502, %mul3A_1503 : vector<16xf32>
      %add3A_1505 = arith.addf %add3A_1496, %mul3A_1504 : vector<16xf32>
      %mul3A_1506 = arith.constant 16 : i32
      %mul3A_1507 = arith.muli %scan3A_1416, %mul3A_1506 : i32
      %get3A_1508 = arith.constant 10 : i32
      %get3A_1509 = arith.index_cast %get3A_1508 : i32 to index
      %get3A_1510 = arith.index_cast %mul3A_1507 : i32 to index
      %get3A_1511 = tpu.vector_load %arg8[%get3A_1509, %get3A_1510] {strides = array<i32>} : memref<16x128xf32, #tpu.memory_space<vmem>>, vector<16xf32>,
      %mul3A_1512 = vector.broadcast %squeeze3A_239 : f32 to vector<16xf32>
      %mul3A_1513 = arith.mulf %get3A_1511, %mul3A_1512 : vector<16xf32>
      %add3A_1514 = arith.addf %add3A_1505, %mul3A_1513 : vector<16xf32>
      %mul3A_1515 = arith.constant 16 : i32
      %mul3A_1516 = arith.muli %scan3A_1416, %mul3A_1515 : i32
      %get3A_1517 = arith.constant 11 : i32
      %get3A_1518 = arith.index_cast %get3A_1517 : i32 to index
      %get3A_1519 = arith.index_cast %mul3A_1516 : i32 to index
      %get3A_1520 = tpu.vector_load %arg8[%get3A_1518, %get3A_1519] {strides = array<i32>} : memref<16x128xf32, #tpu.memory_space<vmem>>, vector<16xf32>,
      %mul3A_1521 = vector.broadcast %squeeze3A_259 : f32 to vector<16xf32>
      %mul3A_1522 = arith.mulf %get3A_1520, %mul3A_1521 : vector<16xf32>
      %add3A_1523 = arith.addf %add3A_1514, %mul3A_1522 : vector<16xf32>
      %mul3A_1524 = arith.constant 16 : i32
      %mul3A_1525 = arith.muli %scan3A_1416, %mul3A_1524 : i32
      %get3A_1526 = arith.constant 12 : i32
      %get3A_1527 = arith.index_cast %get3A_1526 : i32 to index
      %get3A_1528 = arith.index_cast %mul3A_1525 : i32 to index
      %get3A_1529 = tpu.vector_load %arg8[%get3A_1527, %get3A_1528] {strides = array<i32>} : memref<16x128xf32, #tpu.memory_space<vmem>>, vector<16xf32>,
      %mul3A_1530 = vector.broadcast %squeeze3A_279 : f32 to vector<16xf32>
      %mul3A_1531 = arith.mulf %get3A_1529, %mul3A_1530 : vector<16xf32>
      %add3A_1532 = arith.addf %add3A_1523, %mul3A_1531 : vector<16xf32>
      %mul3A_1533 = arith.constant 16 : i32
      %mul3A_1534 = arith.muli %scan3A_1416, %mul3A_1533 : i32
      %get3A_1535 = arith.constant 13 : i32
      %get3A_1536 = arith.index_cast %get3A_1535 : i32 to index
      %get3A_1537 = arith.index_cast %mul3A_1534 : i32 to index
      %get3A_1538 = tpu.vector_load %arg8[%get3A_1536, %get3A_1537] {strides = array<i32>} : memref<16x128xf32, #tpu.memory_space<vmem>>, vector<16xf32>,
      %mul3A_1539 = vector.broadcast %squeeze3A_299 : f32 to vector<16xf32>
      %mul3A_1540 = arith.mulf %get3A_1538, %mul3A_1539 : vector<16xf32>
      %add3A_1541 = arith.addf %add3A_1532, %mul3A_1540 : vector<16xf32>
      %mul3A_1542 = arith.constant 16 : i32
      %mul3A_1543 = arith.muli %scan3A_1416, %mul3A_1542 : i32
      %get3A_1544 = arith.constant 14 : i32
      %get3A_1545 = arith.index_cast %get3A_1544 : i32 to index
      %get3A_1546 = arith.index_cast %mul3A_1543 : i32 to index
      %get3A_1547 = tpu.vector_load %arg8[%get3A_1545, %get3A_1546] {strides = array<i32>} : memref<16x128xf32, #tpu.memory_space<vmem>>, vector<16xf32>,
      %mul3A_1548 = vector.broadcast %squeeze3A_319 : f32 to vector<16xf32>
      %mul3A_1549 = arith.mulf %get3A_1547, %mul3A_1548 : vector<16xf32>
      %add3A_1550 = arith.addf %add3A_1541, %mul3A_1549 : vector<16xf32>
      %mul3A_1551 = arith.constant 16 : i32
      %mul3A_1552 = arith.muli %scan3A_1416, %mul3A_1551 : i32
      %get3A_1553 = arith.constant 15 : i32
      %get3A_1554 = arith.index_cast %get3A_1553 : i32 to index
      %get3A_1555 = arith.index_cast %mul3A_1552 : i32 to index
      %get3A_1556 = tpu.vector_load %arg8[%get3A_1554, %get3A_1555] {strides = array<i32>} : memref<16x128xf32, #tpu.memory_space<vmem>>, vector<16xf32>,
      %mul3A_1557 = vector.broadcast %squeeze3A_339 : f32 to vector<16xf32>
      %mul3A_1558 = arith.mulf %get3A_1556, %mul3A_1557 : vector<16xf32>
      %add3A_1559 = arith.addf %add3A_1550, %mul3A_1558 : vector<16xf32>
      %neg3A = arith.constant 0.000000e+00 : f32
      %neg3A_1560 = arith.subf %neg3A, %squeeze3A : f32
      %mul3A_1561 = vector.broadcast %neg3A_1560 : f32 to vector<16xf32>
      %mul3A_1562 = arith.mulf %add3A_1559, %mul3A_1561 : vector<16xf32>
      %mul3A_1563 = arith.constant 16 : i32
      %mul3A_1564 = arith.muli %scan3A_1416, %mul3A_1563 : i32
      %add3A_1565 = arith.constant 0 : i32
      %add3A_1566 = arith.addi %add3A_1565, %mul3A_1564 : i32
      %swap3A_1567 = arith.index_cast %add3A_1566 : i32 to index
      %swap3A_1568 = tpu.vector_load %arg11[%swap3A_1567] {strides = array<i32>} : memref<1024xf32, #tpu.memory_space<vmem>>, vector<16xf32>,
      tpu.vector_store %arg11[%swap3A_1567], %mul3A_1562 {strides = array<i32>} : memref<1024xf32, #tpu.memory_space<vmem>>, vector<16xf32>,
      %sub3A_1569 = vector.broadcast %add3A_368 : f32 to vector<16xf32>
      %sub3A_1570 = arith.subf %sub3A_1569, %add3A_1559 : vector<16xf32>
      %mul3A_1571 = vector.broadcast %squeeze3A_33 : f32 to vector<16xf32>
      %mul3A_1572 = arith.mulf %sub3A_1570, %mul3A_1571 : vector<16xf32>
      %mul3A_1573 = arith.constant 16 : i32
      %mul3A_1574 = arith.muli %scan3A_1416, %mul3A_1573 : i32
      %add3A_1575 = arith.constant 0 : i32
      %add3A_1576 = arith.addi %add3A_1575, %mul3A_1574 : i32
      %swap3A_1577 = arith.index_cast %add3A_1576 : i32 to index
      %swap3A_1578 = tpu.vector_load %arg12[%swap3A_1577] {strides = array<i32>} : memref<1024xf32, #tpu.memory_space<vmem>>, vector<16xf32>,
      tpu.vector_store %arg12[%swap3A_1577], %mul3A_1572 {strides = array<i32>} : memref<1024xf32, #tpu.memory_space<vmem>>, vector<16xf32>,
      %mul3A_1579 = arith.constant 16 : i32
      %mul3A_1580 = arith.muli %scan3A_1416, %mul3A_1579 : i32
      %get3A_1581 = arith.constant 0 : i32
      %get3A_1582 = arith.index_cast %get3A_1581 : i32 to index
      %get3A_1583 = arith.index_cast %mul3A_1580 : i32 to index
      %get3A_1584 = tpu.vector_load %arg8[%get3A_1582, %get3A_1583] {strides = array<i32>} : memref<16x128xf32, #tpu.memory_space<vmem>>, vector<16xf32>,
      %mul3A_1585 = vector.broadcast %squeeze3A_41 : f32 to vector<16xf32>
      %mul3A_1586 = arith.mulf %get3A_1584, %mul3A_1585 : vector<16xf32>
      %mul3A_1587 = arith.constant 16 : i32
      %mul3A_1588 = arith.muli %scan3A_1416, %mul3A_1587 : i32
      %get3A_1589 = arith.constant 1 : i32
      %get3A_1590 = arith.index_cast %get3A_1589 : i32 to index
      %get3A_1591 = arith.index_cast %mul3A_1588 : i32 to index
      %get3A_1592 = tpu.vector_load %arg8[%get3A_1590, %get3A_1591] {strides = array<i32>} : memref<16x128xf32, #tpu.memory_space<vmem>>, vector<16xf32>,
      %mul3A_1593 = vector.broadcast %squeeze3A_61 : f32 to vector<16xf32>
      %mul3A_1594 = arith.mulf %get3A_1592, %mul3A_1593 : vector<16xf32>
      %add3A_1595 = arith.addf %mul3A_1586, %mul3A_1594 : vector<16xf32>
      %mul3A_1596 = arith.constant 16 : i32
      %mul3A_1597 = arith.muli %scan3A_1416, %mul3A_1596 : i32
      %get3A_1598 = arith.constant 2 : i32
      %get3A_1599 = arith.index_cast %get3A_1598 : i32 to index
      %get3A_1600 = arith.index_cast %mul3A_1597 : i32 to index
      %get3A_1601 = tpu.vector_load %arg8[%get3A_1599, %get3A_1600] {strides = array<i32>} : memref<16x128xf32, #tpu.memory_space<vmem>>, vector<16xf32>,
      %mul3A_1602 = vector.broadcast %squeeze3A_81 : f32 to vector<16xf32>
      %mul3A_1603 = arith.mulf %get3A_1601, %mul3A_1602 : vector<16xf32>
      %add3A_1604 = arith.addf %add3A_1595, %mul3A_1603 : vector<16xf32>
      %mul3A_1605 = arith.constant 16 : i32
      %mul3A_1606 = arith.muli %scan3A_1416, %mul3A_1605 : i32
      %get3A_1607 = arith.constant 3 : i32
      %get3A_1608 = arith.index_cast %get3A_1607 : i32 to index
      %get3A_1609 = arith.index_cast %mul3A_1606 : i32 to index
      %get3A_1610 = tpu.vector_load %arg8[%get3A_1608, %get3A_1609] {strides = array<i32>} : memref<16x128xf32, #tpu.memory_space<vmem>>, vector<16xf32>,
      %mul3A_1611 = vector.broadcast %squeeze3A_101 : f32 to vector<16xf32>
      %mul3A_1612 = arith.mulf %get3A_1610, %mul3A_1611 : vector<16xf32>
      %add3A_1613 = arith.addf %add3A_1604, %mul3A_1612 : vector<16xf32>
      %mul3A_1614 = arith.constant 16 : i32
      %mul3A_1615 = arith.muli %scan3A_1416, %mul3A_1614 : i32
      %get3A_1616 = arith.constant 4 : i32
      %get3A_1617 = arith.index_cast %get3A_1616 : i32 to index
      %get3A_1618 = arith.index_cast %mul3A_1615 : i32 to index
      %get3A_1619 = tpu.vector_load %arg8[%get3A_1617, %get3A_1618] {strides = array<i32>} : memref<16x128xf32, #tpu.memory_space<vmem>>, vector<16xf32>,
      %mul3A_1620 = vector.broadcast %squeeze3A_121 : f32 to vector<16xf32>
      %mul3A_1621 = arith.mulf %get3A_1619, %mul3A_1620 : vector<16xf32>
      %add3A_1622 = arith.addf %add3A_1613, %mul3A_1621 : vector<16xf32>
      %mul3A_1623 = arith.constant 16 : i32
      %mul3A_1624 = arith.muli %scan3A_1416, %mul3A_1623 : i32
      %get3A_1625 = arith.constant 5 : i32
      %get3A_1626 = arith.index_cast %get3A_1625 : i32 to index
      %get3A_1627 = arith.index_cast %mul3A_1624 : i32 to index
      %get3A_1628 = tpu.vector_load %arg8[%get3A_1626, %get3A_1627] {strides = array<i32>} : memref<16x128xf32, #tpu.memory_space<vmem>>, vector<16xf32>,
      %mul3A_1629 = vector.broadcast %squeeze3A_141 : f32 to vector<16xf32>
      %mul3A_1630 = arith.mulf %get3A_1628, %mul3A_1629 : vector<16xf32>
      %add3A_1631 = arith.addf %add3A_1622, %mul3A_1630 : vector<16xf32>
      %mul3A_1632 = arith.constant 16 : i32
      %mul3A_1633 = arith.muli %scan3A_1416, %mul3A_1632 : i32
      %get3A_1634 = arith.constant 6 : i32
      %get3A_1635 = arith.index_cast %get3A_1634 : i32 to index
      %get3A_1636 = arith.index_cast %mul3A_1633 : i32 to index
      %get3A_1637 = tpu.vector_load %arg8[%get3A_1635, %get3A_1636] {strides = array<i32>} : memref<16x128xf32, #tpu.memory_space<vmem>>, vector<16xf32>,
      %mul3A_1638 = vector.broadcast %squeeze3A_161 : f32 to vector<16xf32>
      %mul3A_1639 = arith.mulf %get3A_1637, %mul3A_1638 : vector<16xf32>
      %add3A_1640 = arith.addf %add3A_1631, %mul3A_1639 : vector<16xf32>
      %mul3A_1641 = arith.constant 16 : i32
      %mul3A_1642 = arith.muli %scan3A_1416, %mul3A_1641 : i32
      %get3A_1643 = arith.constant 7 : i32
      %get3A_1644 = arith.index_cast %get3A_1643 : i32 to index
      %get3A_1645 = arith.index_cast %mul3A_1642 : i32 to index
      %get3A_1646 = tpu.vector_load %arg8[%get3A_1644, %get3A_1645] {strides = array<i32>} : memref<16x128xf32, #tpu.memory_space<vmem>>, vector<16xf32>,
      %mul3A_1647 = vector.broadcast %squeeze3A_181 : f32 to vector<16xf32>
      %mul3A_1648 = arith.mulf %get3A_1646, %mul3A_1647 : vector<16xf32>
      %add3A_1649 = arith.addf %add3A_1640, %mul3A_1648 : vector<16xf32>
      %mul3A_1650 = arith.constant 16 : i32
      %mul3A_1651 = arith.muli %scan3A_1416, %mul3A_1650 : i32
      %get3A_1652 = arith.constant 8 : i32
      %get3A_1653 = arith.index_cast %get3A_1652 : i32 to index
      %get3A_1654 = arith.index_cast %mul3A_1651 : i32 to index
      %get3A_1655 = tpu.vector_load %arg8[%get3A_1653, %get3A_1654] {strides = array<i32>} : memref<16x128xf32, #tpu.memory_space<vmem>>, vector<16xf32>,
      %mul3A_1656 = vector.broadcast %squeeze3A_201 : f32 to vector<16xf32>
      %mul3A_1657 = arith.mulf %get3A_1655, %mul3A_1656 : vector<16xf32>
      %add3A_1658 = arith.addf %add3A_1649, %mul3A_1657 : vector<16xf32>
      %mul3A_1659 = arith.constant 16 : i32
      %mul3A_1660 = arith.muli %scan3A_1416, %mul3A_1659 : i32
      %get3A_1661 = arith.constant 9 : i32
      %get3A_1662 = arith.index_cast %get3A_1661 : i32 to index
      %get3A_1663 = arith.index_cast %mul3A_1660 : i32 to index
      %get3A_1664 = tpu.vector_load %arg8[%get3A_1662, %get3A_1663] {strides = array<i32>} : memref<16x128xf32, #tpu.memory_space<vmem>>, vector<16xf32>,
      %mul3A_1665 = vector.broadcast %squeeze3A_221 : f32 to vector<16xf32>
      %mul3A_1666 = arith.mulf %get3A_1664, %mul3A_1665 : vector<16xf32>
      %add3A_1667 = arith.addf %add3A_1658, %mul3A_1666 : vector<16xf32>
      %mul3A_1668 = arith.constant 16 : i32
      %mul3A_1669 = arith.muli %scan3A_1416, %mul3A_1668 : i32
      %get3A_1670 = arith.constant 10 : i32
      %get3A_1671 = arith.index_cast %get3A_1670 : i32 to index
      %get3A_1672 = arith.index_cast %mul3A_1669 : i32 to index
      %get3A_1673 = tpu.vector_load %arg8[%get3A_1671, %get3A_1672] {strides = array<i32>} : memref<16x128xf32, #tpu.memory_space<vmem>>, vector<16xf32>,
      %mul3A_1674 = vector.broadcast %squeeze3A_241 : f32 to vector<16xf32>
      %mul3A_1675 = arith.mulf %get3A_1673, %mul3A_1674 : vector<16xf32>
      %add3A_1676 = arith.addf %add3A_1667, %mul3A_1675 : vector<16xf32>
      %mul3A_1677 = arith.constant 16 : i32
      %mul3A_1678 = arith.muli %scan3A_1416, %mul3A_1677 : i32
      %get3A_1679 = arith.constant 11 : i32
      %get3A_1680 = arith.index_cast %get3A_1679 : i32 to index
      %get3A_1681 = arith.index_cast %mul3A_1678 : i32 to index
      %get3A_1682 = tpu.vector_load %arg8[%get3A_1680, %get3A_1681] {strides = array<i32>} : memref<16x128xf32, #tpu.memory_space<vmem>>, vector<16xf32>,
      %mul3A_1683 = vector.broadcast %squeeze3A_261 : f32 to vector<16xf32>
      %mul3A_1684 = arith.mulf %get3A_1682, %mul3A_1683 : vector<16xf32>
      %add3A_1685 = arith.addf %add3A_1676, %mul3A_1684 : vector<16xf32>
      %mul3A_1686 = arith.constant 16 : i32
      %mul3A_1687 = arith.muli %scan3A_1416, %mul3A_1686 : i32
      %get3A_1688 = arith.constant 12 : i32
      %get3A_1689 = arith.index_cast %get3A_1688 : i32 to index
      %get3A_1690 = arith.index_cast %mul3A_1687 : i32 to index
      %get3A_1691 = tpu.vector_load %arg8[%get3A_1689, %get3A_1690] {strides = array<i32>} : memref<16x128xf32, #tpu.memory_space<vmem>>, vector<16xf32>,
      %mul3A_1692 = vector.broadcast %squeeze3A_281 : f32 to vector<16xf32>
      %mul3A_1693 = arith.mulf %get3A_1691, %mul3A_1692 : vector<16xf32>
      %add3A_1694 = arith.addf %add3A_1685, %mul3A_1693 : vector<16xf32>
      %mul3A_1695 = arith.constant 16 : i32
      %mul3A_1696 = arith.muli %scan3A_1416, %mul3A_1695 : i32
      %get3A_1697 = arith.constant 13 : i32
      %get3A_1698 = arith.index_cast %get3A_1697 : i32 to index
      %get3A_1699 = arith.index_cast %mul3A_1696 : i32 to index
      %get3A_1700 = tpu.vector_load %arg8[%get3A_1698, %get3A_1699] {strides = array<i32>} : memref<16x128xf32, #tpu.memory_space<vmem>>, vector<16xf32>,
      %mul3A_1701 = vector.broadcast %squeeze3A_301 : f32 to vector<16xf32>
      %mul3A_1702 = arith.mulf %get3A_1700, %mul3A_1701 : vector<16xf32>
      %add3A_1703 = arith.addf %add3A_1694, %mul3A_1702 : vector<16xf32>
      %mul3A_1704 = arith.constant 16 : i32
      %mul3A_1705 = arith.muli %scan3A_1416, %mul3A_1704 : i32
      %get3A_1706 = arith.constant 14 : i32
      %get3A_1707 = arith.index_cast %get3A_1706 : i32 to index
      %get3A_1708 = arith.index_cast %mul3A_1705 : i32 to index
      %get3A_1709 = tpu.vector_load %arg8[%get3A_1707, %get3A_1708] {strides = array<i32>} : memref<16x128xf32, #tpu.memory_space<vmem>>, vector<16xf32>,
      %mul3A_1710 = vector.broadcast %squeeze3A_321 : f32 to vector<16xf32>
      %mul3A_1711 = arith.mulf %get3A_1709, %mul3A_1710 : vector<16xf32>
      %add3A_1712 = arith.addf %add3A_1703, %mul3A_1711 : vector<16xf32>
      %mul3A_1713 = arith.constant 16 : i32
      %mul3A_1714 = arith.muli %scan3A_1416, %mul3A_1713 : i32
      %get3A_1715 = arith.constant 15 : i32
      %get3A_1716 = arith.index_cast %get3A_1715 : i32 to index
      %get3A_1717 = arith.index_cast %mul3A_1714 : i32 to index
      %get3A_1718 = tpu.vector_load %arg8[%get3A_1716, %get3A_1717] {strides = array<i32>} : memref<16x128xf32, #tpu.memory_space<vmem>>, vector<16xf32>,
      %mul3A_1719 = vector.broadcast %squeeze3A_341 : f32 to vector<16xf32>
      %mul3A_1720 = arith.mulf %get3A_1718, %mul3A_1719 : vector<16xf32>
      %add3A_1721 = arith.addf %add3A_1712, %mul3A_1720 : vector<16xf32>
      %neg3A_1722 = arith.constant 0.000000e+00 : f32
      %neg3A_1723 = arith.subf %neg3A_1722, %squeeze3A : f32
      %mul3A_1724 = vector.broadcast %neg3A_1723 : f32 to vector<16xf32>
      %mul3A_1725 = arith.mulf %add3A_1721, %mul3A_1724 : vector<16xf32>
      %mul3A_1726 = arith.constant 16 : i32
      %mul3A_1727 = arith.muli %scan3A_1416, %mul3A_1726 : i32
      %add3A_1728 = arith.constant 128 : i32
      %add3A_1729 = arith.addi %add3A_1728, %mul3A_1727 : i32
      %swap3A_1730 = arith.index_cast %add3A_1729 : i32 to index
      %swap3A_1731 = tpu.vector_load %arg11[%swap3A_1730] {strides = array<i32>} : memref<1024xf32, #tpu.memory_space<vmem>>, vector<16xf32>,
      tpu.vector_store %arg11[%swap3A_1730], %mul3A_1725 {strides = array<i32>} : memref<1024xf32, #tpu.memory_space<vmem>>, vector<16xf32>,
      %sub3A_1732 = vector.broadcast %add3A_383 : f32 to vector<16xf32>
      %sub3A_1733 = arith.subf %sub3A_1732, %add3A_1721 : vector<16xf32>
      %mul3A_1734 = vector.broadcast %squeeze3A_33 : f32 to vector<16xf32>
      %mul3A_1735 = arith.mulf %sub3A_1733, %mul3A_1734 : vector<16xf32>
      %mul3A_1736 = arith.constant 16 : i32
      %mul3A_1737 = arith.muli %scan3A_1416, %mul3A_1736 : i32
      %add3A_1738 = arith.constant 128 : i32
      %add3A_1739 = arith.addi %add3A_1738, %mul3A_1737 : i32
      %swap3A_1740 = arith.index_cast %add3A_1739 : i32 to index
      %swap3A_1741 = tpu.vector_load %arg12[%swap3A_1740] {strides = array<i32>} : memref<1024xf32, #tpu.memory_space<vmem>>, vector<16xf32>,
      tpu.vector_store %arg12[%swap3A_1740], %mul3A_1735 {strides = array<i32>} : memref<1024xf32, #tpu.memory_space<vmem>>, vector<16xf32>,
      %mul3A_1742 = arith.constant 16 : i32
      %mul3A_1743 = arith.muli %scan3A_1416, %mul3A_1742 : i32
      %get3A_1744 = arith.constant 0 : i32
      %get3A_1745 = arith.index_cast %get3A_1744 : i32 to index
      %get3A_1746 = arith.index_cast %mul3A_1743 : i32 to index
      %get3A_1747 = tpu.vector_load %arg8[%get3A_1745, %get3A_1746] {strides = array<i32>} : memref<16x128xf32, #tpu.memory_space<vmem>>, vector<16xf32>,
      %mul3A_1748 = vector.broadcast %squeeze3A_43 : f32 to vector<16xf32>
      %mul3A_1749 = arith.mulf %get3A_1747, %mul3A_1748 : vector<16xf32>
      %mul3A_1750 = arith.constant 16 : i32
      %mul3A_1751 = arith.muli %scan3A_1416, %mul3A_1750 : i32
      %get3A_1752 = arith.constant 1 : i32
      %get3A_1753 = arith.index_cast %get3A_1752 : i32 to index
      %get3A_1754 = arith.index_cast %mul3A_1751 : i32 to index
      %get3A_1755 = tpu.vector_load %arg8[%get3A_1753, %get3A_1754] {strides = array<i32>} : memref<16x128xf32, #tpu.memory_space<vmem>>, vector<16xf32>,
      %mul3A_1756 = vector.broadcast %squeeze3A_63 : f32 to vector<16xf32>
      %mul3A_1757 = arith.mulf %get3A_1755, %mul3A_1756 : vector<16xf32>
      %add3A_1758 = arith.addf %mul3A_1749, %mul3A_1757 : vector<16xf32>
      %mul3A_1759 = arith.constant 16 : i32
      %mul3A_1760 = arith.muli %scan3A_1416, %mul3A_1759 : i32
      %get3A_1761 = arith.constant 2 : i32
      %get3A_1762 = arith.index_cast %get3A_1761 : i32 to index
      %get3A_1763 = arith.index_cast %mul3A_1760 : i32 to index
      %get3A_1764 = tpu.vector_load %arg8[%get3A_1762, %get3A_1763] {strides = array<i32>} : memref<16x128xf32, #tpu.memory_space<vmem>>, vector<16xf32>,
      %mul3A_1765 = vector.broadcast %squeeze3A_83 : f32 to vector<16xf32>
      %mul3A_1766 = arith.mulf %get3A_1764, %mul3A_1765 : vector<16xf32>
      %add3A_1767 = arith.addf %add3A_1758, %mul3A_1766 : vector<16xf32>
      %mul3A_1768 = arith.constant 16 : i32
      %mul3A_1769 = arith.muli %scan3A_1416, %mul3A_1768 : i32
      %get3A_1770 = arith.constant 3 : i32
      %get3A_1771 = arith.index_cast %get3A_1770 : i32 to index
      %get3A_1772 = arith.index_cast %mul3A_1769 : i32 to index
      %get3A_1773 = tpu.vector_load %arg8[%get3A_1771, %get3A_1772] {strides = array<i32>} : memref<16x128xf32, #tpu.memory_space<vmem>>, vector<16xf32>,
      %mul3A_1774 = vector.broadcast %squeeze3A_103 : f32 to vector<16xf32>
      %mul3A_1775 = arith.mulf %get3A_1773, %mul3A_1774 : vector<16xf32>
      %add3A_1776 = arith.addf %add3A_1767, %mul3A_1775 : vector<16xf32>
      %mul3A_1777 = arith.constant 16 : i32
      %mul3A_1778 = arith.muli %scan3A_1416, %mul3A_1777 : i32
      %get3A_1779 = arith.constant 4 : i32
      %get3A_1780 = arith.index_cast %get3A_1779 : i32 to index
      %get3A_1781 = arith.index_cast %mul3A_1778 : i32 to index
      %get3A_1782 = tpu.vector_load %arg8[%get3A_1780, %get3A_1781] {strides = array<i32>} : memref<16x128xf32, #tpu.memory_space<vmem>>, vector<16xf32>,
      %mul3A_1783 = vector.broadcast %squeeze3A_123 : f32 to vector<16xf32>
      %mul3A_1784 = arith.mulf %get3A_1782, %mul3A_1783 : vector<16xf32>
      %add3A_1785 = arith.addf %add3A_1776, %mul3A_1784 : vector<16xf32>
      %mul3A_1786 = arith.constant 16 : i32
      %mul3A_1787 = arith.muli %scan3A_1416, %mul3A_1786 : i32
      %get3A_1788 = arith.constant 5 : i32
      %get3A_1789 = arith.index_cast %get3A_1788 : i32 to index
      %get3A_1790 = arith.index_cast %mul3A_1787 : i32 to index
      %get3A_1791 = tpu.vector_load %arg8[%get3A_1789, %get3A_1790] {strides = array<i32>} : memref<16x128xf32, #tpu.memory_space<vmem>>, vector<16xf32>,
      %mul3A_1792 = vector.broadcast %squeeze3A_143 : f32 to vector<16xf32>
      %mul3A_1793 = arith.mulf %get3A_1791, %mul3A_1792 : vector<16xf32>
      %add3A_1794 = arith.addf %add3A_1785, %mul3A_1793 : vector<16xf32>
      %mul3A_1795 = arith.constant 16 : i32
      %mul3A_1796 = arith.muli %scan3A_1416, %mul3A_1795 : i32
      %get3A_1797 = arith.constant 6 : i32
      %get3A_1798 = arith.index_cast %get3A_1797 : i32 to index
      %get3A_1799 = arith.index_cast %mul3A_1796 : i32 to index
      %get3A_1800 = tpu.vector_load %arg8[%get3A_1798, %get3A_1799] {strides = array<i32>} : memref<16x128xf32, #tpu.memory_space<vmem>>, vector<16xf32>,
      %mul3A_1801 = vector.broadcast %squeeze3A_163 : f32 to vector<16xf32>
      %mul3A_1802 = arith.mulf %get3A_1800, %mul3A_1801 : vector<16xf32>
      %add3A_1803 = arith.addf %add3A_1794, %mul3A_1802 : vector<16xf32>
      %mul3A_1804 = arith.constant 16 : i32
      %mul3A_1805 = arith.muli %scan3A_1416, %mul3A_1804 : i32
      %get3A_1806 = arith.constant 7 : i32
      %get3A_1807 = arith.index_cast %get3A_1806 : i32 to index
      %get3A_1808 = arith.index_cast %mul3A_1805 : i32 to index
      %get3A_1809 = tpu.vector_load %arg8[%get3A_1807, %get3A_1808] {strides = array<i32>} : memref<16x128xf32, #tpu.memory_space<vmem>>, vector<16xf32>,
      %mul3A_1810 = vector.broadcast %squeeze3A_183 : f32 to vector<16xf32>
      %mul3A_1811 = arith.mulf %get3A_1809, %mul3A_1810 : vector<16xf32>
      %add3A_1812 = arith.addf %add3A_1803, %mul3A_1811 : vector<16xf32>
      %mul3A_1813 = arith.constant 16 : i32
      %mul3A_1814 = arith.muli %scan3A_1416, %mul3A_1813 : i32
      %get3A_1815 = arith.constant 8 : i32
      %get3A_1816 = arith.index_cast %get3A_1815 : i32 to index
      %get3A_1817 = arith.index_cast %mul3A_1814 : i32 to index
      %get3A_1818 = tpu.vector_load %arg8[%get3A_1816, %get3A_1817] {strides = array<i32>} : memref<16x128xf32, #tpu.memory_space<vmem>>, vector<16xf32>,
      %mul3A_1819 = vector.broadcast %squeeze3A_203 : f32 to vector<16xf32>
      %mul3A_1820 = arith.mulf %get3A_1818, %mul3A_1819 : vector<16xf32>
      %add3A_1821 = arith.addf %add3A_1812, %mul3A_1820 : vector<16xf32>
      %mul3A_1822 = arith.constant 16 : i32
      %mul3A_1823 = arith.muli %scan3A_1416, %mul3A_1822 : i32
      %get3A_1824 = arith.constant 9 : i32
      %get3A_1825 = arith.index_cast %get3A_1824 : i32 to index
      %get3A_1826 = arith.index_cast %mul3A_1823 : i32 to index
      %get3A_1827 = tpu.vector_load %arg8[%get3A_1825, %get3A_1826] {strides = array<i32>} : memref<16x128xf32, #tpu.memory_space<vmem>>, vector<16xf32>,
      %mul3A_1828 = vector.broadcast %squeeze3A_223 : f32 to vector<16xf32>
      %mul3A_1829 = arith.mulf %get3A_1827, %mul3A_1828 : vector<16xf32>
      %add3A_1830 = arith.addf %add3A_1821, %mul3A_1829 : vector<16xf32>
      %mul3A_1831 = arith.constant 16 : i32
      %mul3A_1832 = arith.muli %scan3A_1416, %mul3A_1831 : i32
      %get3A_1833 = arith.constant 10 : i32
      %get3A_1834 = arith.index_cast %get3A_1833 : i32 to index
      %get3A_1835 = arith.index_cast %mul3A_1832 : i32 to index
      %get3A_1836 = tpu.vector_load %arg8[%get3A_1834, %get3A_1835] {strides = array<i32>} : memref<16x128xf32, #tpu.memory_space<vmem>>, vector<16xf32>,
      %mul3A_1837 = vector.broadcast %squeeze3A_243 : f32 to vector<16xf32>
      %mul3A_1838 = arith.mulf %get3A_1836, %mul3A_1837 : vector<16xf32>
      %add3A_1839 = arith.addf %add3A_1830, %mul3A_1838 : vector<16xf32>
      %mul3A_1840 = arith.constant 16 : i32
      %mul3A_1841 = arith.muli %scan3A_1416, %mul3A_1840 : i32
      %get3A_1842 = arith.constant 11 : i32
      %get3A_1843 = arith.index_cast %get3A_1842 : i32 to index
      %get3A_1844 = arith.index_cast %mul3A_1841 : i32 to index
      %get3A_1845 = tpu.vector_load %arg8[%get3A_1843, %get3A_1844] {strides = array<i32>} : memref<16x128xf32, #tpu.memory_space<vmem>>, vector<16xf32>,
      %mul3A_1846 = vector.broadcast %squeeze3A_263 : f32 to vector<16xf32>
      %mul3A_1847 = arith.mulf %get3A_1845, %mul3A_1846 : vector<16xf32>
      %add3A_1848 = arith.addf %add3A_1839, %mul3A_1847 : vector<16xf32>
      %mul3A_1849 = arith.constant 16 : i32
      %mul3A_1850 = arith.muli %scan3A_1416, %mul3A_1849 : i32
      %get3A_1851 = arith.constant 12 : i32
      %get3A_1852 = arith.index_cast %get3A_1851 : i32 to index
      %get3A_1853 = arith.index_cast %mul3A_1850 : i32 to index
      %get3A_1854 = tpu.vector_load %arg8[%get3A_1852, %get3A_1853] {strides = array<i32>} : memref<16x128xf32, #tpu.memory_space<vmem>>, vector<16xf32>,
      %mul3A_1855 = vector.broadcast %squeeze3A_283 : f32 to vector<16xf32>
      %mul3A_1856 = arith.mulf %get3A_1854, %mul3A_1855 : vector<16xf32>
      %add3A_1857 = arith.addf %add3A_1848, %mul3A_1856 : vector<16xf32>
      %mul3A_1858 = arith.constant 16 : i32
      %mul3A_1859 = arith.muli %scan3A_1416, %mul3A_1858 : i32
      %get3A_1860 = arith.constant 13 : i32
      %get3A_1861 = arith.index_cast %get3A_1860 : i32 to index
      %get3A_1862 = arith.index_cast %mul3A_1859 : i32 to index
      %get3A_1863 = tpu.vector_load %arg8[%get3A_1861, %get3A_1862] {strides = array<i32>} : memref<16x128xf32, #tpu.memory_space<vmem>>, vector<16xf32>,
      %mul3A_1864 = vector.broadcast %squeeze3A_303 : f32 to vector<16xf32>
      %mul3A_1865 = arith.mulf %get3A_1863, %mul3A_1864 : vector<16xf32>
      %add3A_1866 = arith.addf %add3A_1857, %mul3A_1865 : vector<16xf32>
      %mul3A_1867 = arith.constant 16 : i32
      %mul3A_1868 = arith.muli %scan3A_1416, %mul3A_1867 : i32
      %get3A_1869 = arith.constant 14 : i32
      %get3A_1870 = arith.index_cast %get3A_1869 : i32 to index
      %get3A_1871 = arith.index_cast %mul3A_1868 : i32 to index
      %get3A_1872 = tpu.vector_load %arg8[%get3A_1870, %get3A_1871] {strides = array<i32>} : memref<16x128xf32, #tpu.memory_space<vmem>>, vector<16xf32>,
      %mul3A_1873 = vector.broadcast %squeeze3A_323 : f32 to vector<16xf32>
      %mul3A_1874 = arith.mulf %get3A_1872, %mul3A_1873 : vector<16xf32>
      %add3A_1875 = arith.addf %add3A_1866, %mul3A_1874 : vector<16xf32>
      %mul3A_1876 = arith.constant 16 : i32
      %mul3A_1877 = arith.muli %scan3A_1416, %mul3A_1876 : i32
      %get3A_1878 = arith.constant 15 : i32
      %get3A_1879 = arith.index_cast %get3A_1878 : i32 to index
      %get3A_1880 = arith.index_cast %mul3A_1877 : i32 to index
      %get3A_1881 = tpu.vector_load %arg8[%get3A_1879, %get3A_1880] {strides = array<i32>} : memref<16x128xf32, #tpu.memory_space<vmem>>, vector<16xf32>,
      %mul3A_1882 = vector.broadcast %squeeze3A_343 : f32 to vector<16xf32>
      %mul3A_1883 = arith.mulf %get3A_1881, %mul3A_1882 : vector<16xf32>
      %add3A_1884 = arith.addf %add3A_1875, %mul3A_1883 : vector<16xf32>
      %neg3A_1885 = arith.constant 0.000000e+00 : f32
      %neg3A_1886 = arith.subf %neg3A_1885, %squeeze3A : f32
      %mul3A_1887 = vector.broadcast %neg3A_1886 : f32 to vector<16xf32>
      %mul3A_1888 = arith.mulf %add3A_1884, %mul3A_1887 : vector<16xf32>
      %mul3A_1889 = arith.constant 16 : i32
      %mul3A_1890 = arith.muli %scan3A_1416, %mul3A_1889 : i32
      %add3A_1891 = arith.constant 256 : i32
      %add3A_1892 = arith.addi %add3A_1891, %mul3A_1890 : i32
      %swap3A_1893 = arith.index_cast %add3A_1892 : i32 to index
      %swap3A_1894 = tpu.vector_load %arg11[%swap3A_1893] {strides = array<i32>} : memref<1024xf32, #tpu.memory_space<vmem>>, vector<16xf32>,
      tpu.vector_store %arg11[%swap3A_1893], %mul3A_1888 {strides = array<i32>} : memref<1024xf32, #tpu.memory_space<vmem>>, vector<16xf32>,
      %sub3A_1895 = vector.broadcast %add3A_398 : f32 to vector<16xf32>
      %sub3A_1896 = arith.subf %sub3A_1895, %add3A_1884 : vector<16xf32>
      %mul3A_1897 = vector.broadcast %squeeze3A_33 : f32 to vector<16xf32>
      %mul3A_1898 = arith.mulf %sub3A_1896, %mul3A_1897 : vector<16xf32>
      %mul3A_1899 = arith.constant 16 : i32
      %mul3A_1900 = arith.muli %scan3A_1416, %mul3A_1899 : i32
      %add3A_1901 = arith.constant 256 : i32
      %add3A_1902 = arith.addi %add3A_1901, %mul3A_1900 : i32
      %swap3A_1903 = arith.index_cast %add3A_1902 : i32 to index
      %swap3A_1904 = tpu.vector_load %arg12[%swap3A_1903] {strides = array<i32>} : memref<1024xf32, #tpu.memory_space<vmem>>, vector<16xf32>,
      tpu.vector_store %arg12[%swap3A_1903], %mul3A_1898 {strides = array<i32>} : memref<1024xf32, #tpu.memory_space<vmem>>, vector<16xf32>,
      %mul3A_1905 = arith.constant 16 : i32
      %mul3A_1906 = arith.muli %scan3A_1416, %mul3A_1905 : i32
      %get3A_1907 = arith.constant 0 : i32
      %get3A_1908 = arith.index_cast %get3A_1907 : i32 to index
      %get3A_1909 = arith.index_cast %mul3A_1906 : i32 to index
      %get3A_1910 = tpu.vector_load %arg8[%get3A_1908, %get3A_1909] {strides = array<i32>} : memref<16x128xf32, #tpu.memory_space<vmem>>, vector<16xf32>,
      %mul3A_1911 = vector.broadcast %squeeze3A_45 : f32 to vector<16xf32>
      %mul3A_1912 = arith.mulf %get3A_1910, %mul3A_1911 : vector<16xf32>
      %mul3A_1913 = arith.constant 16 : i32
      %mul3A_1914 = arith.muli %scan3A_1416, %mul3A_1913 : i32
      %get3A_1915 = arith.constant 1 : i32
      %get3A_1916 = arith.index_cast %get3A_1915 : i32 to index
      %get3A_1917 = arith.index_cast %mul3A_1914 : i32 to index
      %get3A_1918 = tpu.vector_load %arg8[%get3A_1916, %get3A_1917] {strides = array<i32>} : memref<16x128xf32, #tpu.memory_space<vmem>>, vector<16xf32>,
      %mul3A_1919 = vector.broadcast %squeeze3A_65 : f32 to vector<16xf32>
      %mul3A_1920 = arith.mulf %get3A_1918, %mul3A_1919 : vector<16xf32>
      %add3A_1921 = arith.addf %mul3A_1912, %mul3A_1920 : vector<16xf32>
      %mul3A_1922 = arith.constant 16 : i32
      %mul3A_1923 = arith.muli %scan3A_1416, %mul3A_1922 : i32
      %get3A_1924 = arith.constant 2 : i32
      %get3A_1925 = arith.index_cast %get3A_1924 : i32 to index
      %get3A_1926 = arith.index_cast %mul3A_1923 : i32 to index
      %get3A_1927 = tpu.vector_load %arg8[%get3A_1925, %get3A_1926] {strides = array<i32>} : memref<16x128xf32, #tpu.memory_space<vmem>>, vector<16xf32>,
      %mul3A_1928 = vector.broadcast %squeeze3A_85 : f32 to vector<16xf32>
      %mul3A_1929 = arith.mulf %get3A_1927, %mul3A_1928 : vector<16xf32>
      %add3A_1930 = arith.addf %add3A_1921, %mul3A_1929 : vector<16xf32>
      %mul3A_1931 = arith.constant 16 : i32
      %mul3A_1932 = arith.muli %scan3A_1416, %mul3A_1931 : i32
      %get3A_1933 = arith.constant 3 : i32
      %get3A_1934 = arith.index_cast %get3A_1933 : i32 to index
      %get3A_1935 = arith.index_cast %mul3A_1932 : i32 to index
      %get3A_1936 = tpu.vector_load %arg8[%get3A_1934, %get3A_1935] {strides = array<i32>} : memref<16x128xf32, #tpu.memory_space<vmem>>, vector<16xf32>,
      %mul3A_1937 = vector.broadcast %squeeze3A_105 : f32 to vector<16xf32>
      %mul3A_1938 = arith.mulf %get3A_1936, %mul3A_1937 : vector<16xf32>
      %add3A_1939 = arith.addf %add3A_1930, %mul3A_1938 : vector<16xf32>
      %mul3A_1940 = arith.constant 16 : i32
      %mul3A_1941 = arith.muli %scan3A_1416, %mul3A_1940 : i32
      %get3A_1942 = arith.constant 4 : i32
      %get3A_1943 = arith.index_cast %get3A_1942 : i32 to index
      %get3A_1944 = arith.index_cast %mul3A_1941 : i32 to index
      %get3A_1945 = tpu.vector_load %arg8[%get3A_1943, %get3A_1944] {strides = array<i32>} : memref<16x128xf32, #tpu.memory_space<vmem>>, vector<16xf32>,
      %mul3A_1946 = vector.broadcast %squeeze3A_125 : f32 to vector<16xf32>
      %mul3A_1947 = arith.mulf %get3A_1945, %mul3A_1946 : vector<16xf32>
      %add3A_1948 = arith.addf %add3A_1939, %mul3A_1947 : vector<16xf32>
      %mul3A_1949 = arith.constant 16 : i32
      %mul3A_1950 = arith.muli %scan3A_1416, %mul3A_1949 : i32
      %get3A_1951 = arith.constant 5 : i32
      %get3A_1952 = arith.index_cast %get3A_1951 : i32 to index
      %get3A_1953 = arith.index_cast %mul3A_1950 : i32 to index
      %get3A_1954 = tpu.vector_load %arg8[%get3A_1952, %get3A_1953] {strides = array<i32>} : memref<16x128xf32, #tpu.memory_space<vmem>>, vector<16xf32>,
      %mul3A_1955 = vector.broadcast %squeeze3A_145 : f32 to vector<16xf32>
      %mul3A_1956 = arith.mulf %get3A_1954, %mul3A_1955 : vector<16xf32>
      %add3A_1957 = arith.addf %add3A_1948, %mul3A_1956 : vector<16xf32>
      %mul3A_1958 = arith.constant 16 : i32
      %mul3A_1959 = arith.muli %scan3A_1416, %mul3A_1958 : i32
      %get3A_1960 = arith.constant 6 : i32
      %get3A_1961 = arith.index_cast %get3A_1960 : i32 to index
      %get3A_1962 = arith.index_cast %mul3A_1959 : i32 to index
      %get3A_1963 = tpu.vector_load %arg8[%get3A_1961, %get3A_1962] {strides = array<i32>} : memref<16x128xf32, #tpu.memory_space<vmem>>, vector<16xf32>,
      %mul3A_1964 = vector.broadcast %squeeze3A_165 : f32 to vector<16xf32>
      %mul3A_1965 = arith.mulf %get3A_1963, %mul3A_1964 : vector<16xf32>
      %add3A_1966 = arith.addf %add3A_1957, %mul3A_1965 : vector<16xf32>
      %mul3A_1967 = arith.constant 16 : i32
      %mul3A_1968 = arith.muli %scan3A_1416, %mul3A_1967 : i32
      %get3A_1969 = arith.constant 7 : i32
      %get3A_1970 = arith.index_cast %get3A_1969 : i32 to index
      %get3A_1971 = arith.index_cast %mul3A_1968 : i32 to index
      %get3A_1972 = tpu.vector_load %arg8[%get3A_1970, %get3A_1971] {strides = array<i32>} : memref<16x128xf32, #tpu.memory_space<vmem>>, vector<16xf32>,
      %mul3A_1973 = vector.broadcast %squeeze3A_185 : f32 to vector<16xf32>
      %mul3A_1974 = arith.mulf %get3A_1972, %mul3A_1973 : vector<16xf32>
      %add3A_1975 = arith.addf %add3A_1966, %mul3A_1974 : vector<16xf32>
      %mul3A_1976 = arith.constant 16 : i32
      %mul3A_1977 = arith.muli %scan3A_1416, %mul3A_1976 : i32
      %get3A_1978 = arith.constant 8 : i32
      %get3A_1979 = arith.index_cast %get3A_1978 : i32 to index
      %get3A_1980 = arith.index_cast %mul3A_1977 : i32 to index
      %get3A_1981 = tpu.vector_load %arg8[%get3A_1979, %get3A_1980] {strides = array<i32>} : memref<16x128xf32, #tpu.memory_space<vmem>>, vector<16xf32>,
      %mul3A_1982 = vector.broadcast %squeeze3A_205 : f32 to vector<16xf32>
      %mul3A_1983 = arith.mulf %get3A_1981, %mul3A_1982 : vector<16xf32>
      %add3A_1984 = arith.addf %add3A_1975, %mul3A_1983 : vector<16xf32>
      %mul3A_1985 = arith.constant 16 : i32
      %mul3A_1986 = arith.muli %scan3A_1416, %mul3A_1985 : i32
      %get3A_1987 = arith.constant 9 : i32
      %get3A_1988 = arith.index_cast %get3A_1987 : i32 to index
      %get3A_1989 = arith.index_cast %mul3A_1986 : i32 to index
      %get3A_1990 = tpu.vector_load %arg8[%get3A_1988, %get3A_1989] {strides = array<i32>} : memref<16x128xf32, #tpu.memory_space<vmem>>, vector<16xf32>,
      %mul3A_1991 = vector.broadcast %squeeze3A_225 : f32 to vector<16xf32>
      %mul3A_1992 = arith.mulf %get3A_1990, %mul3A_1991 : vector<16xf32>
      %add3A_1993 = arith.addf %add3A_1984, %mul3A_1992 : vector<16xf32>
      %mul3A_1994 = arith.constant 16 : i32
      %mul3A_1995 = arith.muli %scan3A_1416, %mul3A_1994 : i32
      %get3A_1996 = arith.constant 10 : i32
      %get3A_1997 = arith.index_cast %get3A_1996 : i32 to index
      %get3A_1998 = arith.index_cast %mul3A_1995 : i32 to index
      %get3A_1999 = tpu.vector_load %arg8[%get3A_1997, %get3A_1998] {strides = array<i32>} : memref<16x128xf32, #tpu.memory_space<vmem>>, vector<16xf32>,
      %mul3A_2000 = vector.broadcast %squeeze3A_245 : f32 to vector<16xf32>
      %mul3A_2001 = arith.mulf %get3A_1999, %mul3A_2000 : vector<16xf32>
      %add3A_2002 = arith.addf %add3A_1993, %mul3A_2001 : vector<16xf32>
      %mul3A_2003 = arith.constant 16 : i32
      %mul3A_2004 = arith.muli %scan3A_1416, %mul3A_2003 : i32
      %get3A_2005 = arith.constant 11 : i32
      %get3A_2006 = arith.index_cast %get3A_2005 : i32 to index
      %get3A_2007 = arith.index_cast %mul3A_2004 : i32 to index
      %get3A_2008 = tpu.vector_load %arg8[%get3A_2006, %get3A_2007] {strides = array<i32>} : memref<16x128xf32, #tpu.memory_space<vmem>>, vector<16xf32>,
      %mul3A_2009 = vector.broadcast %squeeze3A_265 : f32 to vector<16xf32>
      %mul3A_2010 = arith.mulf %get3A_2008, %mul3A_2009 : vector<16xf32>
      %add3A_2011 = arith.addf %add3A_2002, %mul3A_2010 : vector<16xf32>
      %mul3A_2012 = arith.constant 16 : i32
      %mul3A_2013 = arith.muli %scan3A_1416, %mul3A_2012 : i32
      %get3A_2014 = arith.constant 12 : i32
      %get3A_2015 = arith.index_cast %get3A_2014 : i32 to index
      %get3A_2016 = arith.index_cast %mul3A_2013 : i32 to index
      %get3A_2017 = tpu.vector_load %arg8[%get3A_2015, %get3A_2016] {strides = array<i32>} : memref<16x128xf32, #tpu.memory_space<vmem>>, vector<16xf32>,
      %mul3A_2018 = vector.broadcast %squeeze3A_285 : f32 to vector<16xf32>
      %mul3A_2019 = arith.mulf %get3A_2017, %mul3A_2018 : vector<16xf32>
      %add3A_2020 = arith.addf %add3A_2011, %mul3A_2019 : vector<16xf32>
      %mul3A_2021 = arith.constant 16 : i32
      %mul3A_2022 = arith.muli %scan3A_1416, %mul3A_2021 : i32
      %get3A_2023 = arith.constant 13 : i32
      %get3A_2024 = arith.index_cast %get3A_2023 : i32 to index
      %get3A_2025 = arith.index_cast %mul3A_2022 : i32 to index
      %get3A_2026 = tpu.vector_load %arg8[%get3A_2024, %get3A_2025] {strides = array<i32>} : memref<16x128xf32, #tpu.memory_space<vmem>>, vector<16xf32>,
      %mul3A_2027 = vector.broadcast %squeeze3A_305 : f32 to vector<16xf32>
      %mul3A_2028 = arith.mulf %get3A_2026, %mul3A_2027 : vector<16xf32>
      %add3A_2029 = arith.addf %add3A_2020, %mul3A_2028 : vector<16xf32>
      %mul3A_2030 = arith.constant 16 : i32
      %mul3A_2031 = arith.muli %scan3A_1416, %mul3A_2030 : i32
      %get3A_2032 = arith.constant 14 : i32
      %get3A_2033 = arith.index_cast %get3A_2032 : i32 to index
      %get3A_2034 = arith.index_cast %mul3A_2031 : i32 to index
      %get3A_2035 = tpu.vector_load %arg8[%get3A_2033, %get3A_2034] {strides = array<i32>} : memref<16x128xf32, #tpu.memory_space<vmem>>, vector<16xf32>,
      %mul3A_2036 = vector.broadcast %squeeze3A_325 : f32 to vector<16xf32>
      %mul3A_2037 = arith.mulf %get3A_2035, %mul3A_2036 : vector<16xf32>
      %add3A_2038 = arith.addf %add3A_2029, %mul3A_2037 : vector<16xf32>
      %mul3A_2039 = arith.constant 16 : i32
      %mul3A_2040 = arith.muli %scan3A_1416, %mul3A_2039 : i32
      %get3A_2041 = arith.constant 15 : i32
      %get3A_2042 = arith.index_cast %get3A_2041 : i32 to index
      %get3A_2043 = arith.index_cast %mul3A_2040 : i32 to index
      %get3A_2044 = tpu.vector_load %arg8[%get3A_2042, %get3A_2043] {strides = array<i32>} : memref<16x128xf32, #tpu.memory_space<vmem>>, vector<16xf32>,
      %mul3A_2045 = vector.broadcast %squeeze3A_345 : f32 to vector<16xf32>
      %mul3A_2046 = arith.mulf %get3A_2044, %mul3A_2045 : vector<16xf32>
      %add3A_2047 = arith.addf %add3A_2038, %mul3A_2046 : vector<16xf32>
      %neg3A_2048 = arith.constant 0.000000e+00 : f32
      %neg3A_2049 = arith.subf %neg3A_2048, %squeeze3A : f32
      %mul3A_2050 = vector.broadcast %neg3A_2049 : f32 to vector<16xf32>
      %mul3A_2051 = arith.mulf %add3A_2047, %mul3A_2050 : vector<16xf32>
      %mul3A_2052 = arith.constant 16 : i32
      %mul3A_2053 = arith.muli %scan3A_1416, %mul3A_2052 : i32
      %add3A_2054 = arith.constant 384 : i32
      %add3A_2055 = arith.addi %add3A_2054, %mul3A_2053 : i32
      %swap3A_2056 = arith.index_cast %add3A_2055 : i32 to index
      %swap3A_2057 = tpu.vector_load %arg11[%swap3A_2056] {strides = array<i32>} : memref<1024xf32, #tpu.memory_space<vmem>>, vector<16xf32>,
      tpu.vector_store %arg11[%swap3A_2056], %mul3A_2051 {strides = array<i32>} : memref<1024xf32, #tpu.memory_space<vmem>>, vector<16xf32>,
      %sub3A_2058 = vector.broadcast %add3A_413 : f32 to vector<16xf32>
      %sub3A_2059 = arith.subf %sub3A_2058, %add3A_2047 : vector<16xf32>
      %mul3A_2060 = vector.broadcast %squeeze3A_33 : f32 to vector<16xf32>
      %mul3A_2061 = arith.mulf %sub3A_2059, %mul3A_2060 : vector<16xf32>
      %mul3A_2062 = arith.constant 16 : i32
      %mul3A_2063 = arith.muli %scan3A_1416, %mul3A_2062 : i32
      %add3A_2064 = arith.constant 384 : i32
      %add3A_2065 = arith.addi %add3A_2064, %mul3A_2063 : i32
      %swap3A_2066 = arith.index_cast %add3A_2065 : i32 to index
      %swap3A_2067 = tpu.vector_load %arg12[%swap3A_2066] {strides = array<i32>} : memref<1024xf32, #tpu.memory_space<vmem>>, vector<16xf32>,
      tpu.vector_store %arg12[%swap3A_2066], %mul3A_2061 {strides = array<i32>} : memref<1024xf32, #tpu.memory_space<vmem>>, vector<16xf32>,
      %mul3A_2068 = arith.constant 16 : i32
      %mul3A_2069 = arith.muli %scan3A_1416, %mul3A_2068 : i32
      %get3A_2070 = arith.constant 0 : i32
      %get3A_2071 = arith.index_cast %get3A_2070 : i32 to index
      %get3A_2072 = arith.index_cast %mul3A_2069 : i32 to index
      %get3A_2073 = tpu.vector_load %arg8[%get3A_2071, %get3A_2072] {strides = array<i32>} : memref<16x128xf32, #tpu.memory_space<vmem>>, vector<16xf32>,
      %mul3A_2074 = vector.broadcast %squeeze3A_47 : f32 to vector<16xf32>
      %mul3A_2075 = arith.mulf %get3A_2073, %mul3A_2074 : vector<16xf32>
      %mul3A_2076 = arith.constant 16 : i32
      %mul3A_2077 = arith.muli %scan3A_1416, %mul3A_2076 : i32
      %get3A_2078 = arith.constant 1 : i32
      %get3A_2079 = arith.index_cast %get3A_2078 : i32 to index
      %get3A_2080 = arith.index_cast %mul3A_2077 : i32 to index
      %get3A_2081 = tpu.vector_load %arg8[%get3A_2079, %get3A_2080] {strides = array<i32>} : memref<16x128xf32, #tpu.memory_space<vmem>>, vector<16xf32>,
      %mul3A_2082 = vector.broadcast %squeeze3A_67 : f32 to vector<16xf32>
      %mul3A_2083 = arith.mulf %get3A_2081, %mul3A_2082 : vector<16xf32>
      %add3A_2084 = arith.addf %mul3A_2075, %mul3A_2083 : vector<16xf32>
      %mul3A_2085 = arith.constant 16 : i32
      %mul3A_2086 = arith.muli %scan3A_1416, %mul3A_2085 : i32
      %get3A_2087 = arith.constant 2 : i32
      %get3A_2088 = arith.index_cast %get3A_2087 : i32 to index
      %get3A_2089 = arith.index_cast %mul3A_2086 : i32 to index
      %get3A_2090 = tpu.vector_load %arg8[%get3A_2088, %get3A_2089] {strides = array<i32>} : memref<16x128xf32, #tpu.memory_space<vmem>>, vector<16xf32>,
      %mul3A_2091 = vector.broadcast %squeeze3A_87 : f32 to vector<16xf32>
      %mul3A_2092 = arith.mulf %get3A_2090, %mul3A_2091 : vector<16xf32>
      %add3A_2093 = arith.addf %add3A_2084, %mul3A_2092 : vector<16xf32>
      %mul3A_2094 = arith.constant 16 : i32
      %mul3A_2095 = arith.muli %scan3A_1416, %mul3A_2094 : i32
      %get3A_2096 = arith.constant 3 : i32
      %get3A_2097 = arith.index_cast %get3A_2096 : i32 to index
      %get3A_2098 = arith.index_cast %mul3A_2095 : i32 to index
      %get3A_2099 = tpu.vector_load %arg8[%get3A_2097, %get3A_2098] {strides = array<i32>} : memref<16x128xf32, #tpu.memory_space<vmem>>, vector<16xf32>,
      %mul3A_2100 = vector.broadcast %squeeze3A_107 : f32 to vector<16xf32>
      %mul3A_2101 = arith.mulf %get3A_2099, %mul3A_2100 : vector<16xf32>
      %add3A_2102 = arith.addf %add3A_2093, %mul3A_2101 : vector<16xf32>
      %mul3A_2103 = arith.constant 16 : i32
      %mul3A_2104 = arith.muli %scan3A_1416, %mul3A_2103 : i32
      %get3A_2105 = arith.constant 4 : i32
      %get3A_2106 = arith.index_cast %get3A_2105 : i32 to index
      %get3A_2107 = arith.index_cast %mul3A_2104 : i32 to index
      %get3A_2108 = tpu.vector_load %arg8[%get3A_2106, %get3A_2107] {strides = array<i32>} : memref<16x128xf32, #tpu.memory_space<vmem>>, vector<16xf32>,
      %mul3A_2109 = vector.broadcast %squeeze3A_127 : f32 to vector<16xf32>
      %mul3A_2110 = arith.mulf %get3A_2108, %mul3A_2109 : vector<16xf32>
      %add3A_2111 = arith.addf %add3A_2102, %mul3A_2110 : vector<16xf32>
      %mul3A_2112 = arith.constant 16 : i32
      %mul3A_2113 = arith.muli %scan3A_1416, %mul3A_2112 : i32
      %get3A_2114 = arith.constant 5 : i32
      %get3A_2115 = arith.index_cast %get3A_2114 : i32 to index
      %get3A_2116 = arith.index_cast %mul3A_2113 : i32 to index
      %get3A_2117 = tpu.vector_load %arg8[%get3A_2115, %get3A_2116] {strides = array<i32>} : memref<16x128xf32, #tpu.memory_space<vmem>>, vector<16xf32>,
      %mul3A_2118 = vector.broadcast %squeeze3A_147 : f32 to vector<16xf32>
      %mul3A_2119 = arith.mulf %get3A_2117, %mul3A_2118 : vector<16xf32>
      %add3A_2120 = arith.addf %add3A_2111, %mul3A_2119 : vector<16xf32>
      %mul3A_2121 = arith.constant 16 : i32
      %mul3A_2122 = arith.muli %scan3A_1416, %mul3A_2121 : i32
      %get3A_2123 = arith.constant 6 : i32
      %get3A_2124 = arith.index_cast %get3A_2123 : i32 to index
      %get3A_2125 = arith.index_cast %mul3A_2122 : i32 to index
      %get3A_2126 = tpu.vector_load %arg8[%get3A_2124, %get3A_2125] {strides = array<i32>} : memref<16x128xf32, #tpu.memory_space<vmem>>, vector<16xf32>,
      %mul3A_2127 = vector.broadcast %squeeze3A_167 : f32 to vector<16xf32>
      %mul3A_2128 = arith.mulf %get3A_2126, %mul3A_2127 : vector<16xf32>
      %add3A_2129 = arith.addf %add3A_2120, %mul3A_2128 : vector<16xf32>
      %mul3A_2130 = arith.constant 16 : i32
      %mul3A_2131 = arith.muli %scan3A_1416, %mul3A_2130 : i32
      %get3A_2132 = arith.constant 7 : i32
      %get3A_2133 = arith.index_cast %get3A_2132 : i32 to index
      %get3A_2134 = arith.index_cast %mul3A_2131 : i32 to index
      %get3A_2135 = tpu.vector_load %arg8[%get3A_2133, %get3A_2134] {strides = array<i32>} : memref<16x128xf32, #tpu.memory_space<vmem>>, vector<16xf32>,
      %mul3A_2136 = vector.broadcast %squeeze3A_187 : f32 to vector<16xf32>
      %mul3A_2137 = arith.mulf %get3A_2135, %mul3A_2136 : vector<16xf32>
      %add3A_2138 = arith.addf %add3A_2129, %mul3A_2137 : vector<16xf32>
      %mul3A_2139 = arith.constant 16 : i32
      %mul3A_2140 = arith.muli %scan3A_1416, %mul3A_2139 : i32
      %get3A_2141 = arith.constant 8 : i32
      %get3A_2142 = arith.index_cast %get3A_2141 : i32 to index
      %get3A_2143 = arith.index_cast %mul3A_2140 : i32 to index
      %get3A_2144 = tpu.vector_load %arg8[%get3A_2142, %get3A_2143] {strides = array<i32>} : memref<16x128xf32, #tpu.memory_space<vmem>>, vector<16xf32>,
      %mul3A_2145 = vector.broadcast %squeeze3A_207 : f32 to vector<16xf32>
      %mul3A_2146 = arith.mulf %get3A_2144, %mul3A_2145 : vector<16xf32>
      %add3A_2147 = arith.addf %add3A_2138, %mul3A_2146 : vector<16xf32>
      %mul3A_2148 = arith.constant 16 : i32
      %mul3A_2149 = arith.muli %scan3A_1416, %mul3A_2148 : i32
      %get3A_2150 = arith.constant 9 : i32
      %get3A_2151 = arith.index_cast %get3A_2150 : i32 to index
      %get3A_2152 = arith.index_cast %mul3A_2149 : i32 to index
      %get3A_2153 = tpu.vector_load %arg8[%get3A_2151, %get3A_2152] {strides = array<i32>} : memref<16x128xf32, #tpu.memory_space<vmem>>, vector<16xf32>,
      %mul3A_2154 = vector.broadcast %squeeze3A_227 : f32 to vector<16xf32>
      %mul3A_2155 = arith.mulf %get3A_2153, %mul3A_2154 : vector<16xf32>
      %add3A_2156 = arith.addf %add3A_2147, %mul3A_2155 : vector<16xf32>
      %mul3A_2157 = arith.constant 16 : i32
      %mul3A_2158 = arith.muli %scan3A_1416, %mul3A_2157 : i32
      %get3A_2159 = arith.constant 10 : i32
      %get3A_2160 = arith.index_cast %get3A_2159 : i32 to index
      %get3A_2161 = arith.index_cast %mul3A_2158 : i32 to index
      %get3A_2162 = tpu.vector_load %arg8[%get3A_2160, %get3A_2161] {strides = array<i32>} : memref<16x128xf32, #tpu.memory_space<vmem>>, vector<16xf32>,
      %mul3A_2163 = vector.broadcast %squeeze3A_247 : f32 to vector<16xf32>
      %mul3A_2164 = arith.mulf %get3A_2162, %mul3A_2163 : vector<16xf32>
      %add3A_2165 = arith.addf %add3A_2156, %mul3A_2164 : vector<16xf32>
      %mul3A_2166 = arith.constant 16 : i32
      %mul3A_2167 = arith.muli %scan3A_1416, %mul3A_2166 : i32
      %get3A_2168 = arith.constant 11 : i32
      %get3A_2169 = arith.index_cast %get3A_2168 : i32 to index
      %get3A_2170 = arith.index_cast %mul3A_2167 : i32 to index
      %get3A_2171 = tpu.vector_load %arg8[%get3A_2169, %get3A_2170] {strides = array<i32>} : memref<16x128xf32, #tpu.memory_space<vmem>>, vector<16xf32>,
      %mul3A_2172 = vector.broadcast %squeeze3A_267 : f32 to vector<16xf32>
      %mul3A_2173 = arith.mulf %get3A_2171, %mul3A_2172 : vector<16xf32>
      %add3A_2174 = arith.addf %add3A_2165, %mul3A_2173 : vector<16xf32>
      %mul3A_2175 = arith.constant 16 : i32
      %mul3A_2176 = arith.muli %scan3A_1416, %mul3A_2175 : i32
      %get3A_2177 = arith.constant 12 : i32
      %get3A_2178 = arith.index_cast %get3A_2177 : i32 to index
      %get3A_2179 = arith.index_cast %mul3A_2176 : i32 to index
      %get3A_2180 = tpu.vector_load %arg8[%get3A_2178, %get3A_2179] {strides = array<i32>} : memref<16x128xf32, #tpu.memory_space<vmem>>, vector<16xf32>,
      %mul3A_2181 = vector.broadcast %squeeze3A_287 : f32 to vector<16xf32>
      %mul3A_2182 = arith.mulf %get3A_2180, %mul3A_2181 : vector<16xf32>
      %add3A_2183 = arith.addf %add3A_2174, %mul3A_2182 : vector<16xf32>
      %mul3A_2184 = arith.constant 16 : i32
      %mul3A_2185 = arith.muli %scan3A_1416, %mul3A_2184 : i32
      %get3A_2186 = arith.constant 13 : i32
      %get3A_2187 = arith.index_cast %get3A_2186 : i32 to index
      %get3A_2188 = arith.index_cast %mul3A_2185 : i32 to index
      %get3A_2189 = tpu.vector_load %arg8[%get3A_2187, %get3A_2188] {strides = array<i32>} : memref<16x128xf32, #tpu.memory_space<vmem>>, vector<16xf32>,
      %mul3A_2190 = vector.broadcast %squeeze3A_307 : f32 to vector<16xf32>
      %mul3A_2191 = arith.mulf %get3A_2189, %mul3A_2190 : vector<16xf32>
      %add3A_2192 = arith.addf %add3A_2183, %mul3A_2191 : vector<16xf32>
      %mul3A_2193 = arith.constant 16 : i32
      %mul3A_2194 = arith.muli %scan3A_1416, %mul3A_2193 : i32
      %get3A_2195 = arith.constant 14 : i32
      %get3A_2196 = arith.index_cast %get3A_2195 : i32 to index
      %get3A_2197 = arith.index_cast %mul3A_2194 : i32 to index
      %get3A_2198 = tpu.vector_load %arg8[%get3A_2196, %get3A_2197] {strides = array<i32>} : memref<16x128xf32, #tpu.memory_space<vmem>>, vector<16xf32>,
      %mul3A_2199 = vector.broadcast %squeeze3A_327 : f32 to vector<16xf32>
      %mul3A_2200 = arith.mulf %get3A_2198, %mul3A_2199 : vector<16xf32>
      %add3A_2201 = arith.addf %add3A_2192, %mul3A_2200 : vector<16xf32>
      %mul3A_2202 = arith.constant 16 : i32
      %mul3A_2203 = arith.muli %scan3A_1416, %mul3A_2202 : i32
      %get3A_2204 = arith.constant 15 : i32
      %get3A_2205 = arith.index_cast %get3A_2204 : i32 to index
      %get3A_2206 = arith.index_cast %mul3A_2203 : i32 to index
      %get3A_2207 = tpu.vector_load %arg8[%get3A_2205, %get3A_2206] {strides = array<i32>} : memref<16x128xf32, #tpu.memory_space<vmem>>, vector<16xf32>,
      %mul3A_2208 = vector.broadcast %squeeze3A_347 : f32 to vector<16xf32>
      %mul3A_2209 = arith.mulf %get3A_2207, %mul3A_2208 : vector<16xf32>
      %add3A_2210 = arith.addf %add3A_2201, %mul3A_2209 : vector<16xf32>
      %neg3A_2211 = arith.constant 0.000000e+00 : f32
      %neg3A_2212 = arith.subf %neg3A_2211, %squeeze3A : f32
      %mul3A_2213 = vector.broadcast %neg3A_2212 : f32 to vector<16xf32>
      %mul3A_2214 = arith.mulf %add3A_2210, %mul3A_2213 : vector<16xf32>
      %mul3A_2215 = arith.constant 16 : i32
      %mul3A_2216 = arith.muli %scan3A_1416, %mul3A_2215 : i32
      %add3A_2217 = arith.constant 512 : i32
      %add3A_2218 = arith.addi %add3A_2217, %mul3A_2216 : i32
      %swap3A_2219 = arith.index_cast %add3A_2218 : i32 to index
      %swap3A_2220 = tpu.vector_load %arg11[%swap3A_2219] {strides = array<i32>} : memref<1024xf32, #tpu.memory_space<vmem>>, vector<16xf32>,
      tpu.vector_store %arg11[%swap3A_2219], %mul3A_2214 {strides = array<i32>} : memref<1024xf32, #tpu.memory_space<vmem>>, vector<16xf32>,
      %sub3A_2221 = vector.broadcast %add3A_428 : f32 to vector<16xf32>
      %sub3A_2222 = arith.subf %sub3A_2221, %add3A_2210 : vector<16xf32>
      %mul3A_2223 = vector.broadcast %squeeze3A_33 : f32 to vector<16xf32>
      %mul3A_2224 = arith.mulf %sub3A_2222, %mul3A_2223 : vector<16xf32>
      %mul3A_2225 = arith.constant 16 : i32
      %mul3A_2226 = arith.muli %scan3A_1416, %mul3A_2225 : i32
      %add3A_2227 = arith.constant 512 : i32
      %add3A_2228 = arith.addi %add3A_2227, %mul3A_2226 : i32
      %swap3A_2229 = arith.index_cast %add3A_2228 : i32 to index
      %swap3A_2230 = tpu.vector_load %arg12[%swap3A_2229] {strides = array<i32>} : memref<1024xf32, #tpu.memory_space<vmem>>, vector<16xf32>,
      tpu.vector_store %arg12[%swap3A_2229], %mul3A_2224 {strides = array<i32>} : memref<1024xf32, #tpu.memory_space<vmem>>, vector<16xf32>,
      %mul3A_2231 = arith.constant 16 : i32
      %mul3A_2232 = arith.muli %scan3A_1416, %mul3A_2231 : i32
      %get3A_2233 = arith.constant 0 : i32
      %get3A_2234 = arith.index_cast %get3A_2233 : i32 to index
      %get3A_2235 = arith.index_cast %mul3A_2232 : i32 to index
      %get3A_2236 = tpu.vector_load %arg8[%get3A_2234, %get3A_2235] {strides = array<i32>} : memref<16x128xf32, #tpu.memory_space<vmem>>, vector<16xf32>,
      %mul3A_2237 = vector.broadcast %squeeze3A_49 : f32 to vector<16xf32>
      %mul3A_2238 = arith.mulf %get3A_2236, %mul3A_2237 : vector<16xf32>
      %mul3A_2239 = arith.constant 16 : i32
      %mul3A_2240 = arith.muli %scan3A_1416, %mul3A_2239 : i32
      %get3A_2241 = arith.constant 1 : i32
      %get3A_2242 = arith.index_cast %get3A_2241 : i32 to index
      %get3A_2243 = arith.index_cast %mul3A_2240 : i32 to index
      %get3A_2244 = tpu.vector_load %arg8[%get3A_2242, %get3A_2243] {strides = array<i32>} : memref<16x128xf32, #tpu.memory_space<vmem>>, vector<16xf32>,
      %mul3A_2245 = vector.broadcast %squeeze3A_69 : f32 to vector<16xf32>
      %mul3A_2246 = arith.mulf %get3A_2244, %mul3A_2245 : vector<16xf32>
      %add3A_2247 = arith.addf %mul3A_2238, %mul3A_2246 : vector<16xf32>
      %mul3A_2248 = arith.constant 16 : i32
      %mul3A_2249 = arith.muli %scan3A_1416, %mul3A_2248 : i32
      %get3A_2250 = arith.constant 2 : i32
      %get3A_2251 = arith.index_cast %get3A_2250 : i32 to index
      %get3A_2252 = arith.index_cast %mul3A_2249 : i32 to index
      %get3A_2253 = tpu.vector_load %arg8[%get3A_2251, %get3A_2252] {strides = array<i32>} : memref<16x128xf32, #tpu.memory_space<vmem>>, vector<16xf32>,
      %mul3A_2254 = vector.broadcast %squeeze3A_89 : f32 to vector<16xf32>
      %mul3A_2255 = arith.mulf %get3A_2253, %mul3A_2254 : vector<16xf32>
      %add3A_2256 = arith.addf %add3A_2247, %mul3A_2255 : vector<16xf32>
      %mul3A_2257 = arith.constant 16 : i32
      %mul3A_2258 = arith.muli %scan3A_1416, %mul3A_2257 : i32
      %get3A_2259 = arith.constant 3 : i32
      %get3A_2260 = arith.index_cast %get3A_2259 : i32 to index
      %get3A_2261 = arith.index_cast %mul3A_2258 : i32 to index
      %get3A_2262 = tpu.vector_load %arg8[%get3A_2260, %get3A_2261] {strides = array<i32>} : memref<16x128xf32, #tpu.memory_space<vmem>>, vector<16xf32>,
      %mul3A_2263 = vector.broadcast %squeeze3A_109 : f32 to vector<16xf32>
      %mul3A_2264 = arith.mulf %get3A_2262, %mul3A_2263 : vector<16xf32>
      %add3A_2265 = arith.addf %add3A_2256, %mul3A_2264 : vector<16xf32>
      %mul3A_2266 = arith.constant 16 : i32
      %mul3A_2267 = arith.muli %scan3A_1416, %mul3A_2266 : i32
      %get3A_2268 = arith.constant 4 : i32
      %get3A_2269 = arith.index_cast %get3A_2268 : i32 to index
      %get3A_2270 = arith.index_cast %mul3A_2267 : i32 to index
      %get3A_2271 = tpu.vector_load %arg8[%get3A_2269, %get3A_2270] {strides = array<i32>} : memref<16x128xf32, #tpu.memory_space<vmem>>, vector<16xf32>,
      %mul3A_2272 = vector.broadcast %squeeze3A_129 : f32 to vector<16xf32>
      %mul3A_2273 = arith.mulf %get3A_2271, %mul3A_2272 : vector<16xf32>
      %add3A_2274 = arith.addf %add3A_2265, %mul3A_2273 : vector<16xf32>
      %mul3A_2275 = arith.constant 16 : i32
      %mul3A_2276 = arith.muli %scan3A_1416, %mul3A_2275 : i32
      %get3A_2277 = arith.constant 5 : i32
      %get3A_2278 = arith.index_cast %get3A_2277 : i32 to index
      %get3A_2279 = arith.index_cast %mul3A_2276 : i32 to index
      %get3A_2280 = tpu.vector_load %arg8[%get3A_2278, %get3A_2279] {strides = array<i32>} : memref<16x128xf32, #tpu.memory_space<vmem>>, vector<16xf32>,
      %mul3A_2281 = vector.broadcast %squeeze3A_149 : f32 to vector<16xf32>
      %mul3A_2282 = arith.mulf %get3A_2280, %mul3A_2281 : vector<16xf32>
      %add3A_2283 = arith.addf %add3A_2274, %mul3A_2282 : vector<16xf32>
      %mul3A_2284 = arith.constant 16 : i32
      %mul3A_2285 = arith.muli %scan3A_1416, %mul3A_2284 : i32
      %get3A_2286 = arith.constant 6 : i32
      %get3A_2287 = arith.index_cast %get3A_2286 : i32 to index
      %get3A_2288 = arith.index_cast %mul3A_2285 : i32 to index
      %get3A_2289 = tpu.vector_load %arg8[%get3A_2287, %get3A_2288] {strides = array<i32>} : memref<16x128xf32, #tpu.memory_space<vmem>>, vector<16xf32>,
      %mul3A_2290 = vector.broadcast %squeeze3A_169 : f32 to vector<16xf32>
      %mul3A_2291 = arith.mulf %get3A_2289, %mul3A_2290 : vector<16xf32>
      %add3A_2292 = arith.addf %add3A_2283, %mul3A_2291 : vector<16xf32>
      %mul3A_2293 = arith.constant 16 : i32
      %mul3A_2294 = arith.muli %scan3A_1416, %mul3A_2293 : i32
      %get3A_2295 = arith.constant 7 : i32
      %get3A_2296 = arith.index_cast %get3A_2295 : i32 to index
      %get3A_2297 = arith.index_cast %mul3A_2294 : i32 to index
      %get3A_2298 = tpu.vector_load %arg8[%get3A_2296, %get3A_2297] {strides = array<i32>} : memref<16x128xf32, #tpu.memory_space<vmem>>, vector<16xf32>,
      %mul3A_2299 = vector.broadcast %squeeze3A_189 : f32 to vector<16xf32>
      %mul3A_2300 = arith.mulf %get3A_2298, %mul3A_2299 : vector<16xf32>
      %add3A_2301 = arith.addf %add3A_2292, %mul3A_2300 : vector<16xf32>
      %mul3A_2302 = arith.constant 16 : i32
      %mul3A_2303 = arith.muli %scan3A_1416, %mul3A_2302 : i32
      %get3A_2304 = arith.constant 8 : i32
      %get3A_2305 = arith.index_cast %get3A_2304 : i32 to index
      %get3A_2306 = arith.index_cast %mul3A_2303 : i32 to index
      %get3A_2307 = tpu.vector_load %arg8[%get3A_2305, %get3A_2306] {strides = array<i32>} : memref<16x128xf32, #tpu.memory_space<vmem>>, vector<16xf32>,
      %mul3A_2308 = vector.broadcast %squeeze3A_209 : f32 to vector<16xf32>
      %mul3A_2309 = arith.mulf %get3A_2307, %mul3A_2308 : vector<16xf32>
      %add3A_2310 = arith.addf %add3A_2301, %mul3A_2309 : vector<16xf32>
      %mul3A_2311 = arith.constant 16 : i32
      %mul3A_2312 = arith.muli %scan3A_1416, %mul3A_2311 : i32
      %get3A_2313 = arith.constant 9 : i32
      %get3A_2314 = arith.index_cast %get3A_2313 : i32 to index
      %get3A_2315 = arith.index_cast %mul3A_2312 : i32 to index
      %get3A_2316 = tpu.vector_load %arg8[%get3A_2314, %get3A_2315] {strides = array<i32>} : memref<16x128xf32, #tpu.memory_space<vmem>>, vector<16xf32>,
      %mul3A_2317 = vector.broadcast %squeeze3A_229 : f32 to vector<16xf32>
      %mul3A_2318 = arith.mulf %get3A_2316, %mul3A_2317 : vector<16xf32>
      %add3A_2319 = arith.addf %add3A_2310, %mul3A_2318 : vector<16xf32>
      %mul3A_2320 = arith.constant 16 : i32
      %mul3A_2321 = arith.muli %scan3A_1416, %mul3A_2320 : i32
      %get3A_2322 = arith.constant 10 : i32
      %get3A_2323 = arith.index_cast %get3A_2322 : i32 to index
      %get3A_2324 = arith.index_cast %mul3A_2321 : i32 to index
      %get3A_2325 = tpu.vector_load %arg8[%get3A_2323, %get3A_2324] {strides = array<i32>} : memref<16x128xf32, #tpu.memory_space<vmem>>, vector<16xf32>,
      %mul3A_2326 = vector.broadcast %squeeze3A_249 : f32 to vector<16xf32>
      %mul3A_2327 = arith.mulf %get3A_2325, %mul3A_2326 : vector<16xf32>
      %add3A_2328 = arith.addf %add3A_2319, %mul3A_2327 : vector<16xf32>
      %mul3A_2329 = arith.constant 16 : i32
      %mul3A_2330 = arith.muli %scan3A_1416, %mul3A_2329 : i32
      %get3A_2331 = arith.constant 11 : i32
      %get3A_2332 = arith.index_cast %get3A_2331 : i32 to index
      %get3A_2333 = arith.index_cast %mul3A_2330 : i32 to index
      %get3A_2334 = tpu.vector_load %arg8[%get3A_2332, %get3A_2333] {strides = array<i32>} : memref<16x128xf32, #tpu.memory_space<vmem>>, vector<16xf32>,
      %mul3A_2335 = vector.broadcast %squeeze3A_269 : f32 to vector<16xf32>
      %mul3A_2336 = arith.mulf %get3A_2334, %mul3A_2335 : vector<16xf32>
      %add3A_2337 = arith.addf %add3A_2328, %mul3A_2336 : vector<16xf32>
      %mul3A_2338 = arith.constant 16 : i32
      %mul3A_2339 = arith.muli %scan3A_1416, %mul3A_2338 : i32
      %get3A_2340 = arith.constant 12 : i32
      %get3A_2341 = arith.index_cast %get3A_2340 : i32 to index
      %get3A_2342 = arith.index_cast %mul3A_2339 : i32 to index
      %get3A_2343 = tpu.vector_load %arg8[%get3A_2341, %get3A_2342] {strides = array<i32>} : memref<16x128xf32, #tpu.memory_space<vmem>>, vector<16xf32>,
      %mul3A_2344 = vector.broadcast %squeeze3A_289 : f32 to vector<16xf32>
      %mul3A_2345 = arith.mulf %get3A_2343, %mul3A_2344 : vector<16xf32>
      %add3A_2346 = arith.addf %add3A_2337, %mul3A_2345 : vector<16xf32>
      %mul3A_2347 = arith.constant 16 : i32
      %mul3A_2348 = arith.muli %scan3A_1416, %mul3A_2347 : i32
      %get3A_2349 = arith.constant 13 : i32
      %get3A_2350 = arith.index_cast %get3A_2349 : i32 to index
      %get3A_2351 = arith.index_cast %mul3A_2348 : i32 to index
      %get3A_2352 = tpu.vector_load %arg8[%get3A_2350, %get3A_2351] {strides = array<i32>} : memref<16x128xf32, #tpu.memory_space<vmem>>, vector<16xf32>,
      %mul3A_2353 = vector.broadcast %squeeze3A_309 : f32 to vector<16xf32>
      %mul3A_2354 = arith.mulf %get3A_2352, %mul3A_2353 : vector<16xf32>
      %add3A_2355 = arith.addf %add3A_2346, %mul3A_2354 : vector<16xf32>
      %mul3A_2356 = arith.constant 16 : i32
      %mul3A_2357 = arith.muli %scan3A_1416, %mul3A_2356 : i32
      %get3A_2358 = arith.constant 14 : i32
      %get3A_2359 = arith.index_cast %get3A_2358 : i32 to index
      %get3A_2360 = arith.index_cast %mul3A_2357 : i32 to index
      %get3A_2361 = tpu.vector_load %arg8[%get3A_2359, %get3A_2360] {strides = array<i32>} : memref<16x128xf32, #tpu.memory_space<vmem>>, vector<16xf32>,
      %mul3A_2362 = vector.broadcast %squeeze3A_329 : f32 to vector<16xf32>
      %mul3A_2363 = arith.mulf %get3A_2361, %mul3A_2362 : vector<16xf32>
      %add3A_2364 = arith.addf %add3A_2355, %mul3A_2363 : vector<16xf32>
      %mul3A_2365 = arith.constant 16 : i32
      %mul3A_2366 = arith.muli %scan3A_1416, %mul3A_2365 : i32
      %get3A_2367 = arith.constant 15 : i32
      %get3A_2368 = arith.index_cast %get3A_2367 : i32 to index
      %get3A_2369 = arith.index_cast %mul3A_2366 : i32 to index
      %get3A_2370 = tpu.vector_load %arg8[%get3A_2368, %get3A_2369] {strides = array<i32>} : memref<16x128xf32, #tpu.memory_space<vmem>>, vector<16xf32>,
      %mul3A_2371 = vector.broadcast %squeeze3A_349 : f32 to vector<16xf32>
      %mul3A_2372 = arith.mulf %get3A_2370, %mul3A_2371 : vector<16xf32>
      %add3A_2373 = arith.addf %add3A_2364, %mul3A_2372 : vector<16xf32>
      %neg3A_2374 = arith.constant 0.000000e+00 : f32
      %neg3A_2375 = arith.subf %neg3A_2374, %squeeze3A : f32
      %mul3A_2376 = vector.broadcast %neg3A_2375 : f32 to vector<16xf32>
      %mul3A_2377 = arith.mulf %add3A_2373, %mul3A_2376 : vector<16xf32>
      %mul3A_2378 = arith.constant 16 : i32
      %mul3A_2379 = arith.muli %scan3A_1416, %mul3A_2378 : i32
      %add3A_2380 = arith.constant 640 : i32
      %add3A_2381 = arith.addi %add3A_2380, %mul3A_2379 : i32
      %swap3A_2382 = arith.index_cast %add3A_2381 : i32 to index
      %swap3A_2383 = tpu.vector_load %arg11[%swap3A_2382] {strides = array<i32>} : memref<1024xf32, #tpu.memory_space<vmem>>, vector<16xf32>,
      tpu.vector_store %arg11[%swap3A_2382], %mul3A_2377 {strides = array<i32>} : memref<1024xf32, #tpu.memory_space<vmem>>, vector<16xf32>,
      %sub3A_2384 = vector.broadcast %add3A_443 : f32 to vector<16xf32>
      %sub3A_2385 = arith.subf %sub3A_2384, %add3A_2373 : vector<16xf32>
      %mul3A_2386 = vector.broadcast %squeeze3A_33 : f32 to vector<16xf32>
      %mul3A_2387 = arith.mulf %sub3A_2385, %mul3A_2386 : vector<16xf32>
      %mul3A_2388 = arith.constant 16 : i32
      %mul3A_2389 = arith.muli %scan3A_1416, %mul3A_2388 : i32
      %add3A_2390 = arith.constant 640 : i32
      %add3A_2391 = arith.addi %add3A_2390, %mul3A_2389 : i32
      %swap3A_2392 = arith.index_cast %add3A_2391 : i32 to index
      %swap3A_2393 = tpu.vector_load %arg12[%swap3A_2392] {strides = array<i32>} : memref<1024xf32, #tpu.memory_space<vmem>>, vector<16xf32>,
      tpu.vector_store %arg12[%swap3A_2392], %mul3A_2387 {strides = array<i32>} : memref<1024xf32, #tpu.memory_space<vmem>>, vector<16xf32>,
      %mul3A_2394 = arith.constant 16 : i32
      %mul3A_2395 = arith.muli %scan3A_1416, %mul3A_2394 : i32
      %get3A_2396 = arith.constant 0 : i32
      %get3A_2397 = arith.index_cast %get3A_2396 : i32 to index
      %get3A_2398 = arith.index_cast %mul3A_2395 : i32 to index
      %get3A_2399 = tpu.vector_load %arg8[%get3A_2397, %get3A_2398] {strides = array<i32>} : memref<16x128xf32, #tpu.memory_space<vmem>>, vector<16xf32>,
      %mul3A_2400 = vector.broadcast %squeeze3A_51 : f32 to vector<16xf32>
      %mul3A_2401 = arith.mulf %get3A_2399, %mul3A_2400 : vector<16xf32>
      %mul3A_2402 = arith.constant 16 : i32
      %mul3A_2403 = arith.muli %scan3A_1416, %mul3A_2402 : i32
      %get3A_2404 = arith.constant 1 : i32
      %get3A_2405 = arith.index_cast %get3A_2404 : i32 to index
      %get3A_2406 = arith.index_cast %mul3A_2403 : i32 to index
      %get3A_2407 = tpu.vector_load %arg8[%get3A_2405, %get3A_2406] {strides = array<i32>} : memref<16x128xf32, #tpu.memory_space<vmem>>, vector<16xf32>,
      %mul3A_2408 = vector.broadcast %squeeze3A_71 : f32 to vector<16xf32>
      %mul3A_2409 = arith.mulf %get3A_2407, %mul3A_2408 : vector<16xf32>
      %add3A_2410 = arith.addf %mul3A_2401, %mul3A_2409 : vector<16xf32>
      %mul3A_2411 = arith.constant 16 : i32
      %mul3A_2412 = arith.muli %scan3A_1416, %mul3A_2411 : i32
      %get3A_2413 = arith.constant 2 : i32
      %get3A_2414 = arith.index_cast %get3A_2413 : i32 to index
      %get3A_2415 = arith.index_cast %mul3A_2412 : i32 to index
      %get3A_2416 = tpu.vector_load %arg8[%get3A_2414, %get3A_2415] {strides = array<i32>} : memref<16x128xf32, #tpu.memory_space<vmem>>, vector<16xf32>,
      %mul3A_2417 = vector.broadcast %squeeze3A_91 : f32 to vector<16xf32>
      %mul3A_2418 = arith.mulf %get3A_2416, %mul3A_2417 : vector<16xf32>
      %add3A_2419 = arith.addf %add3A_2410, %mul3A_2418 : vector<16xf32>
      %mul3A_2420 = arith.constant 16 : i32
      %mul3A_2421 = arith.muli %scan3A_1416, %mul3A_2420 : i32
      %get3A_2422 = arith.constant 3 : i32
      %get3A_2423 = arith.index_cast %get3A_2422 : i32 to index
      %get3A_2424 = arith.index_cast %mul3A_2421 : i32 to index
      %get3A_2425 = tpu.vector_load %arg8[%get3A_2423, %get3A_2424] {strides = array<i32>} : memref<16x128xf32, #tpu.memory_space<vmem>>, vector<16xf32>,
      %mul3A_2426 = vector.broadcast %squeeze3A_111 : f32 to vector<16xf32>
      %mul3A_2427 = arith.mulf %get3A_2425, %mul3A_2426 : vector<16xf32>
      %add3A_2428 = arith.addf %add3A_2419, %mul3A_2427 : vector<16xf32>
      %mul3A_2429 = arith.constant 16 : i32
      %mul3A_2430 = arith.muli %scan3A_1416, %mul3A_2429 : i32
      %get3A_2431 = arith.constant 4 : i32
      %get3A_2432 = arith.index_cast %get3A_2431 : i32 to index
      %get3A_2433 = arith.index_cast %mul3A_2430 : i32 to index
      %get3A_2434 = tpu.vector_load %arg8[%get3A_2432, %get3A_2433] {strides = array<i32>} : memref<16x128xf32, #tpu.memory_space<vmem>>, vector<16xf32>,
      %mul3A_2435 = vector.broadcast %squeeze3A_131 : f32 to vector<16xf32>
      %mul3A_2436 = arith.mulf %get3A_2434, %mul3A_2435 : vector<16xf32>
      %add3A_2437 = arith.addf %add3A_2428, %mul3A_2436 : vector<16xf32>
      %mul3A_2438 = arith.constant 16 : i32
      %mul3A_2439 = arith.muli %scan3A_1416, %mul3A_2438 : i32
      %get3A_2440 = arith.constant 5 : i32
      %get3A_2441 = arith.index_cast %get3A_2440 : i32 to index
      %get3A_2442 = arith.index_cast %mul3A_2439 : i32 to index
      %get3A_2443 = tpu.vector_load %arg8[%get3A_2441, %get3A_2442] {strides = array<i32>} : memref<16x128xf32, #tpu.memory_space<vmem>>, vector<16xf32>,
      %mul3A_2444 = vector.broadcast %squeeze3A_151 : f32 to vector<16xf32>
      %mul3A_2445 = arith.mulf %get3A_2443, %mul3A_2444 : vector<16xf32>
      %add3A_2446 = arith.addf %add3A_2437, %mul3A_2445 : vector<16xf32>
      %mul3A_2447 = arith.constant 16 : i32
      %mul3A_2448 = arith.muli %scan3A_1416, %mul3A_2447 : i32
      %get3A_2449 = arith.constant 6 : i32
      %get3A_2450 = arith.index_cast %get3A_2449 : i32 to index
      %get3A_2451 = arith.index_cast %mul3A_2448 : i32 to index
      %get3A_2452 = tpu.vector_load %arg8[%get3A_2450, %get3A_2451] {strides = array<i32>} : memref<16x128xf32, #tpu.memory_space<vmem>>, vector<16xf32>,
      %mul3A_2453 = vector.broadcast %squeeze3A_171 : f32 to vector<16xf32>
      %mul3A_2454 = arith.mulf %get3A_2452, %mul3A_2453 : vector<16xf32>
      %add3A_2455 = arith.addf %add3A_2446, %mul3A_2454 : vector<16xf32>
      %mul3A_2456 = arith.constant 16 : i32
      %mul3A_2457 = arith.muli %scan3A_1416, %mul3A_2456 : i32
      %get3A_2458 = arith.constant 7 : i32
      %get3A_2459 = arith.index_cast %get3A_2458 : i32 to index
      %get3A_2460 = arith.index_cast %mul3A_2457 : i32 to index
      %get3A_2461 = tpu.vector_load %arg8[%get3A_2459, %get3A_2460] {strides = array<i32>} : memref<16x128xf32, #tpu.memory_space<vmem>>, vector<16xf32>,
      %mul3A_2462 = vector.broadcast %squeeze3A_191 : f32 to vector<16xf32>
      %mul3A_2463 = arith.mulf %get3A_2461, %mul3A_2462 : vector<16xf32>
      %add3A_2464 = arith.addf %add3A_2455, %mul3A_2463 : vector<16xf32>
      %mul3A_2465 = arith.constant 16 : i32
      %mul3A_2466 = arith.muli %scan3A_1416, %mul3A_2465 : i32
      %get3A_2467 = arith.constant 8 : i32
      %get3A_2468 = arith.index_cast %get3A_2467 : i32 to index
      %get3A_2469 = arith.index_cast %mul3A_2466 : i32 to index
      %get3A_2470 = tpu.vector_load %arg8[%get3A_2468, %get3A_2469] {strides = array<i32>} : memref<16x128xf32, #tpu.memory_space<vmem>>, vector<16xf32>,
      %mul3A_2471 = vector.broadcast %squeeze3A_211 : f32 to vector<16xf32>
      %mul3A_2472 = arith.mulf %get3A_2470, %mul3A_2471 : vector<16xf32>
      %add3A_2473 = arith.addf %add3A_2464, %mul3A_2472 : vector<16xf32>
      %mul3A_2474 = arith.constant 16 : i32
      %mul3A_2475 = arith.muli %scan3A_1416, %mul3A_2474 : i32
      %get3A_2476 = arith.constant 9 : i32
      %get3A_2477 = arith.index_cast %get3A_2476 : i32 to index
      %get3A_2478 = arith.index_cast %mul3A_2475 : i32 to index
      %get3A_2479 = tpu.vector_load %arg8[%get3A_2477, %get3A_2478] {strides = array<i32>} : memref<16x128xf32, #tpu.memory_space<vmem>>, vector<16xf32>,
      %mul3A_2480 = vector.broadcast %squeeze3A_231 : f32 to vector<16xf32>
      %mul3A_2481 = arith.mulf %get3A_2479, %mul3A_2480 : vector<16xf32>
      %add3A_2482 = arith.addf %add3A_2473, %mul3A_2481 : vector<16xf32>
      %mul3A_2483 = arith.constant 16 : i32
      %mul3A_2484 = arith.muli %scan3A_1416, %mul3A_2483 : i32
      %get3A_2485 = arith.constant 10 : i32
      %get3A_2486 = arith.index_cast %get3A_2485 : i32 to index
      %get3A_2487 = arith.index_cast %mul3A_2484 : i32 to index
      %get3A_2488 = tpu.vector_load %arg8[%get3A_2486, %get3A_2487] {strides = array<i32>} : memref<16x128xf32, #tpu.memory_space<vmem>>, vector<16xf32>,
      %mul3A_2489 = vector.broadcast %squeeze3A_251 : f32 to vector<16xf32>
      %mul3A_2490 = arith.mulf %get3A_2488, %mul3A_2489 : vector<16xf32>
      %add3A_2491 = arith.addf %add3A_2482, %mul3A_2490 : vector<16xf32>
      %mul3A_2492 = arith.constant 16 : i32
      %mul3A_2493 = arith.muli %scan3A_1416, %mul3A_2492 : i32
      %get3A_2494 = arith.constant 11 : i32
      %get3A_2495 = arith.index_cast %get3A_2494 : i32 to index
      %get3A_2496 = arith.index_cast %mul3A_2493 : i32 to index
      %get3A_2497 = tpu.vector_load %arg8[%get3A_2495, %get3A_2496] {strides = array<i32>} : memref<16x128xf32, #tpu.memory_space<vmem>>, vector<16xf32>,
      %mul3A_2498 = vector.broadcast %squeeze3A_271 : f32 to vector<16xf32>
      %mul3A_2499 = arith.mulf %get3A_2497, %mul3A_2498 : vector<16xf32>
      %add3A_2500 = arith.addf %add3A_2491, %mul3A_2499 : vector<16xf32>
      %mul3A_2501 = arith.constant 16 : i32
      %mul3A_2502 = arith.muli %scan3A_1416, %mul3A_2501 : i32
      %get3A_2503 = arith.constant 12 : i32
      %get3A_2504 = arith.index_cast %get3A_2503 : i32 to index
      %get3A_2505 = arith.index_cast %mul3A_2502 : i32 to index
      %get3A_2506 = tpu.vector_load %arg8[%get3A_2504, %get3A_2505] {strides = array<i32>} : memref<16x128xf32, #tpu.memory_space<vmem>>, vector<16xf32>,
      %mul3A_2507 = vector.broadcast %squeeze3A_291 : f32 to vector<16xf32>
      %mul3A_2508 = arith.mulf %get3A_2506, %mul3A_2507 : vector<16xf32>
      %add3A_2509 = arith.addf %add3A_2500, %mul3A_2508 : vector<16xf32>
      %mul3A_2510 = arith.constant 16 : i32
      %mul3A_2511 = arith.muli %scan3A_1416, %mul3A_2510 : i32
      %get3A_2512 = arith.constant 13 : i32
      %get3A_2513 = arith.index_cast %get3A_2512 : i32 to index
      %get3A_2514 = arith.index_cast %mul3A_2511 : i32 to index
      %get3A_2515 = tpu.vector_load %arg8[%get3A_2513, %get3A_2514] {strides = array<i32>} : memref<16x128xf32, #tpu.memory_space<vmem>>, vector<16xf32>,
      %mul3A_2516 = vector.broadcast %squeeze3A_311 : f32 to vector<16xf32>
      %mul3A_2517 = arith.mulf %get3A_2515, %mul3A_2516 : vector<16xf32>
      %add3A_2518 = arith.addf %add3A_2509, %mul3A_2517 : vector<16xf32>
      %mul3A_2519 = arith.constant 16 : i32
      %mul3A_2520 = arith.muli %scan3A_1416, %mul3A_2519 : i32
      %get3A_2521 = arith.constant 14 : i32
      %get3A_2522 = arith.index_cast %get3A_2521 : i32 to index
      %get3A_2523 = arith.index_cast %mul3A_2520 : i32 to index
      %get3A_2524 = tpu.vector_load %arg8[%get3A_2522, %get3A_2523] {strides = array<i32>} : memref<16x128xf32, #tpu.memory_space<vmem>>, vector<16xf32>,
      %mul3A_2525 = vector.broadcast %squeeze3A_331 : f32 to vector<16xf32>
      %mul3A_2526 = arith.mulf %get3A_2524, %mul3A_2525 : vector<16xf32>
      %add3A_2527 = arith.addf %add3A_2518, %mul3A_2526 : vector<16xf32>
      %mul3A_2528 = arith.constant 16 : i32
      %mul3A_2529 = arith.muli %scan3A_1416, %mul3A_2528 : i32
      %get3A_2530 = arith.constant 15 : i32
      %get3A_2531 = arith.index_cast %get3A_2530 : i32 to index
      %get3A_2532 = arith.index_cast %mul3A_2529 : i32 to index
      %get3A_2533 = tpu.vector_load %arg8[%get3A_2531, %get3A_2532] {strides = array<i32>} : memref<16x128xf32, #tpu.memory_space<vmem>>, vector<16xf32>,
      %mul3A_2534 = vector.broadcast %squeeze3A_351 : f32 to vector<16xf32>
      %mul3A_2535 = arith.mulf %get3A_2533, %mul3A_2534 : vector<16xf32>
      %add3A_2536 = arith.addf %add3A_2527, %mul3A_2535 : vector<16xf32>
      %neg3A_2537 = arith.constant 0.000000e+00 : f32
      %neg3A_2538 = arith.subf %neg3A_2537, %squeeze3A : f32
      %mul3A_2539 = vector.broadcast %neg3A_2538 : f32 to vector<16xf32>
      %mul3A_2540 = arith.mulf %add3A_2536, %mul3A_2539 : vector<16xf32>
      %mul3A_2541 = arith.constant 16 : i32
      %mul3A_2542 = arith.muli %scan3A_1416, %mul3A_2541 : i32
      %add3A_2543 = arith.constant 768 : i32
      %add3A_2544 = arith.addi %add3A_2543, %mul3A_2542 : i32
      %swap3A_2545 = arith.index_cast %add3A_2544 : i32 to index
      %swap3A_2546 = tpu.vector_load %arg11[%swap3A_2545] {strides = array<i32>} : memref<1024xf32, #tpu.memory_space<vmem>>, vector<16xf32>,
      tpu.vector_store %arg11[%swap3A_2545], %mul3A_2540 {strides = array<i32>} : memref<1024xf32, #tpu.memory_space<vmem>>, vector<16xf32>,
      %sub3A_2547 = vector.broadcast %add3A_458 : f32 to vector<16xf32>
      %sub3A_2548 = arith.subf %sub3A_2547, %add3A_2536 : vector<16xf32>
      %mul3A_2549 = vector.broadcast %squeeze3A_33 : f32 to vector<16xf32>
      %mul3A_2550 = arith.mulf %sub3A_2548, %mul3A_2549 : vector<16xf32>
      %mul3A_2551 = arith.constant 16 : i32
      %mul3A_2552 = arith.muli %scan3A_1416, %mul3A_2551 : i32
      %add3A_2553 = arith.constant 768 : i32
      %add3A_2554 = arith.addi %add3A_2553, %mul3A_2552 : i32
      %swap3A_2555 = arith.index_cast %add3A_2554 : i32 to index
      %swap3A_2556 = tpu.vector_load %arg12[%swap3A_2555] {strides = array<i32>} : memref<1024xf32, #tpu.memory_space<vmem>>, vector<16xf32>,
      tpu.vector_store %arg12[%swap3A_2555], %mul3A_2550 {strides = array<i32>} : memref<1024xf32, #tpu.memory_space<vmem>>, vector<16xf32>,
      %mul3A_2557 = arith.constant 16 : i32
      %mul3A_2558 = arith.muli %scan3A_1416, %mul3A_2557 : i32
      %get3A_2559 = arith.constant 0 : i32
      %get3A_2560 = arith.index_cast %get3A_2559 : i32 to index
      %get3A_2561 = arith.index_cast %mul3A_2558 : i32 to index
      %get3A_2562 = tpu.vector_load %arg8[%get3A_2560, %get3A_2561] {strides = array<i32>} : memref<16x128xf32, #tpu.memory_space<vmem>>, vector<16xf32>,
      %mul3A_2563 = vector.broadcast %squeeze3A_53 : f32 to vector<16xf32>
      %mul3A_2564 = arith.mulf %get3A_2562, %mul3A_2563 : vector<16xf32>
      %mul3A_2565 = arith.constant 16 : i32
      %mul3A_2566 = arith.muli %scan3A_1416, %mul3A_2565 : i32
      %get3A_2567 = arith.constant 1 : i32
      %get3A_2568 = arith.index_cast %get3A_2567 : i32 to index
      %get3A_2569 = arith.index_cast %mul3A_2566 : i32 to index
      %get3A_2570 = tpu.vector_load %arg8[%get3A_2568, %get3A_2569] {strides = array<i32>} : memref<16x128xf32, #tpu.memory_space<vmem>>, vector<16xf32>,
      %mul3A_2571 = vector.broadcast %squeeze3A_73 : f32 to vector<16xf32>
      %mul3A_2572 = arith.mulf %get3A_2570, %mul3A_2571 : vector<16xf32>
      %add3A_2573 = arith.addf %mul3A_2564, %mul3A_2572 : vector<16xf32>
      %mul3A_2574 = arith.constant 16 : i32
      %mul3A_2575 = arith.muli %scan3A_1416, %mul3A_2574 : i32
      %get3A_2576 = arith.constant 2 : i32
      %get3A_2577 = arith.index_cast %get3A_2576 : i32 to index
      %get3A_2578 = arith.index_cast %mul3A_2575 : i32 to index
      %get3A_2579 = tpu.vector_load %arg8[%get3A_2577, %get3A_2578] {strides = array<i32>} : memref<16x128xf32, #tpu.memory_space<vmem>>, vector<16xf32>,
      %mul3A_2580 = vector.broadcast %squeeze3A_93 : f32 to vector<16xf32>
      %mul3A_2581 = arith.mulf %get3A_2579, %mul3A_2580 : vector<16xf32>
      %add3A_2582 = arith.addf %add3A_2573, %mul3A_2581 : vector<16xf32>
      %mul3A_2583 = arith.constant 16 : i32
      %mul3A_2584 = arith.muli %scan3A_1416, %mul3A_2583 : i32
      %get3A_2585 = arith.constant 3 : i32
      %get3A_2586 = arith.index_cast %get3A_2585 : i32 to index
      %get3A_2587 = arith.index_cast %mul3A_2584 : i32 to index
      %get3A_2588 = tpu.vector_load %arg8[%get3A_2586, %get3A_2587] {strides = array<i32>} : memref<16x128xf32, #tpu.memory_space<vmem>>, vector<16xf32>,
      %mul3A_2589 = vector.broadcast %squeeze3A_113 : f32 to vector<16xf32>
      %mul3A_2590 = arith.mulf %get3A_2588, %mul3A_2589 : vector<16xf32>
      %add3A_2591 = arith.addf %add3A_2582, %mul3A_2590 : vector<16xf32>
      %mul3A_2592 = arith.constant 16 : i32
      %mul3A_2593 = arith.muli %scan3A_1416, %mul3A_2592 : i32
      %get3A_2594 = arith.constant 4 : i32
      %get3A_2595 = arith.index_cast %get3A_2594 : i32 to index
      %get3A_2596 = arith.index_cast %mul3A_2593 : i32 to index
      %get3A_2597 = tpu.vector_load %arg8[%get3A_2595, %get3A_2596] {strides = array<i32>} : memref<16x128xf32, #tpu.memory_space<vmem>>, vector<16xf32>,
      %mul3A_2598 = vector.broadcast %squeeze3A_133 : f32 to vector<16xf32>
      %mul3A_2599 = arith.mulf %get3A_2597, %mul3A_2598 : vector<16xf32>
      %add3A_2600 = arith.addf %add3A_2591, %mul3A_2599 : vector<16xf32>
      %mul3A_2601 = arith.constant 16 : i32
      %mul3A_2602 = arith.muli %scan3A_1416, %mul3A_2601 : i32
      %get3A_2603 = arith.constant 5 : i32
      %get3A_2604 = arith.index_cast %get3A_2603 : i32 to index
      %get3A_2605 = arith.index_cast %mul3A_2602 : i32 to index
      %get3A_2606 = tpu.vector_load %arg8[%get3A_2604, %get3A_2605] {strides = array<i32>} : memref<16x128xf32, #tpu.memory_space<vmem>>, vector<16xf32>,
      %mul3A_2607 = vector.broadcast %squeeze3A_153 : f32 to vector<16xf32>
      %mul3A_2608 = arith.mulf %get3A_2606, %mul3A_2607 : vector<16xf32>
      %add3A_2609 = arith.addf %add3A_2600, %mul3A_2608 : vector<16xf32>
      %mul3A_2610 = arith.constant 16 : i32
      %mul3A_2611 = arith.muli %scan3A_1416, %mul3A_2610 : i32
      %get3A_2612 = arith.constant 6 : i32
      %get3A_2613 = arith.index_cast %get3A_2612 : i32 to index
      %get3A_2614 = arith.index_cast %mul3A_2611 : i32 to index
      %get3A_2615 = tpu.vector_load %arg8[%get3A_2613, %get3A_2614] {strides = array<i32>} : memref<16x128xf32, #tpu.memory_space<vmem>>, vector<16xf32>,
      %mul3A_2616 = vector.broadcast %squeeze3A_173 : f32 to vector<16xf32>
      %mul3A_2617 = arith.mulf %get3A_2615, %mul3A_2616 : vector<16xf32>
      %add3A_2618 = arith.addf %add3A_2609, %mul3A_2617 : vector<16xf32>
      %mul3A_2619 = arith.constant 16 : i32
      %mul3A_2620 = arith.muli %scan3A_1416, %mul3A_2619 : i32
      %get3A_2621 = arith.constant 7 : i32
      %get3A_2622 = arith.index_cast %get3A_2621 : i32 to index
      %get3A_2623 = arith.index_cast %mul3A_2620 : i32 to index
      %get3A_2624 = tpu.vector_load %arg8[%get3A_2622, %get3A_2623] {strides = array<i32>} : memref<16x128xf32, #tpu.memory_space<vmem>>, vector<16xf32>,
      %mul3A_2625 = vector.broadcast %squeeze3A_193 : f32 to vector<16xf32>
      %mul3A_2626 = arith.mulf %get3A_2624, %mul3A_2625 : vector<16xf32>
      %add3A_2627 = arith.addf %add3A_2618, %mul3A_2626 : vector<16xf32>
      %mul3A_2628 = arith.constant 16 : i32
      %mul3A_2629 = arith.muli %scan3A_1416, %mul3A_2628 : i32
      %get3A_2630 = arith.constant 8 : i32
      %get3A_2631 = arith.index_cast %get3A_2630 : i32 to index
      %get3A_2632 = arith.index_cast %mul3A_2629 : i32 to index
      %get3A_2633 = tpu.vector_load %arg8[%get3A_2631, %get3A_2632] {strides = array<i32>} : memref<16x128xf32, #tpu.memory_space<vmem>>, vector<16xf32>,
      %mul3A_2634 = vector.broadcast %squeeze3A_213 : f32 to vector<16xf32>
      %mul3A_2635 = arith.mulf %get3A_2633, %mul3A_2634 : vector<16xf32>
      %add3A_2636 = arith.addf %add3A_2627, %mul3A_2635 : vector<16xf32>
      %mul3A_2637 = arith.constant 16 : i32
      %mul3A_2638 = arith.muli %scan3A_1416, %mul3A_2637 : i32
      %get3A_2639 = arith.constant 9 : i32
      %get3A_2640 = arith.index_cast %get3A_2639 : i32 to index
      %get3A_2641 = arith.index_cast %mul3A_2638 : i32 to index
      %get3A_2642 = tpu.vector_load %arg8[%get3A_2640, %get3A_2641] {strides = array<i32>} : memref<16x128xf32, #tpu.memory_space<vmem>>, vector<16xf32>,
      %mul3A_2643 = vector.broadcast %squeeze3A_233 : f32 to vector<16xf32>
      %mul3A_2644 = arith.mulf %get3A_2642, %mul3A_2643 : vector<16xf32>
      %add3A_2645 = arith.addf %add3A_2636, %mul3A_2644 : vector<16xf32>
      %mul3A_2646 = arith.constant 16 : i32
      %mul3A_2647 = arith.muli %scan3A_1416, %mul3A_2646 : i32
      %get3A_2648 = arith.constant 10 : i32
      %get3A_2649 = arith.index_cast %get3A_2648 : i32 to index
      %get3A_2650 = arith.index_cast %mul3A_2647 : i32 to index
      %get3A_2651 = tpu.vector_load %arg8[%get3A_2649, %get3A_2650] {strides = array<i32>} : memref<16x128xf32, #tpu.memory_space<vmem>>, vector<16xf32>,
      %mul3A_2652 = vector.broadcast %squeeze3A_253 : f32 to vector<16xf32>
      %mul3A_2653 = arith.mulf %get3A_2651, %mul3A_2652 : vector<16xf32>
      %add3A_2654 = arith.addf %add3A_2645, %mul3A_2653 : vector<16xf32>
      %mul3A_2655 = arith.constant 16 : i32
      %mul3A_2656 = arith.muli %scan3A_1416, %mul3A_2655 : i32
      %get3A_2657 = arith.constant 11 : i32
      %get3A_2658 = arith.index_cast %get3A_2657 : i32 to index
      %get3A_2659 = arith.index_cast %mul3A_2656 : i32 to index
      %get3A_2660 = tpu.vector_load %arg8[%get3A_2658, %get3A_2659] {strides = array<i32>} : memref<16x128xf32, #tpu.memory_space<vmem>>, vector<16xf32>,
      %mul3A_2661 = vector.broadcast %squeeze3A_273 : f32 to vector<16xf32>
      %mul3A_2662 = arith.mulf %get3A_2660, %mul3A_2661 : vector<16xf32>
      %add3A_2663 = arith.addf %add3A_2654, %mul3A_2662 : vector<16xf32>
      %mul3A_2664 = arith.constant 16 : i32
      %mul3A_2665 = arith.muli %scan3A_1416, %mul3A_2664 : i32
      %get3A_2666 = arith.constant 12 : i32
      %get3A_2667 = arith.index_cast %get3A_2666 : i32 to index
      %get3A_2668 = arith.index_cast %mul3A_2665 : i32 to index
      %get3A_2669 = tpu.vector_load %arg8[%get3A_2667, %get3A_2668] {strides = array<i32>} : memref<16x128xf32, #tpu.memory_space<vmem>>, vector<16xf32>,
      %mul3A_2670 = vector.broadcast %squeeze3A_293 : f32 to vector<16xf32>
      %mul3A_2671 = arith.mulf %get3A_2669, %mul3A_2670 : vector<16xf32>
      %add3A_2672 = arith.addf %add3A_2663, %mul3A_2671 : vector<16xf32>
      %mul3A_2673 = arith.constant 16 : i32
      %mul3A_2674 = arith.muli %scan3A_1416, %mul3A_2673 : i32
      %get3A_2675 = arith.constant 13 : i32
      %get3A_2676 = arith.index_cast %get3A_2675 : i32 to index
      %get3A_2677 = arith.index_cast %mul3A_2674 : i32 to index
      %get3A_2678 = tpu.vector_load %arg8[%get3A_2676, %get3A_2677] {strides = array<i32>} : memref<16x128xf32, #tpu.memory_space<vmem>>, vector<16xf32>,
      %mul3A_2679 = vector.broadcast %squeeze3A_313 : f32 to vector<16xf32>
      %mul3A_2680 = arith.mulf %get3A_2678, %mul3A_2679 : vector<16xf32>
      %add3A_2681 = arith.addf %add3A_2672, %mul3A_2680 : vector<16xf32>
      %mul3A_2682 = arith.constant 16 : i32
      %mul3A_2683 = arith.muli %scan3A_1416, %mul3A_2682 : i32
      %get3A_2684 = arith.constant 14 : i32
      %get3A_2685 = arith.index_cast %get3A_2684 : i32 to index
      %get3A_2686 = arith.index_cast %mul3A_2683 : i32 to index
      %get3A_2687 = tpu.vector_load %arg8[%get3A_2685, %get3A_2686] {strides = array<i32>} : memref<16x128xf32, #tpu.memory_space<vmem>>, vector<16xf32>,
      %mul3A_2688 = vector.broadcast %squeeze3A_333 : f32 to vector<16xf32>
      %mul3A_2689 = arith.mulf %get3A_2687, %mul3A_2688 : vector<16xf32>
      %add3A_2690 = arith.addf %add3A_2681, %mul3A_2689 : vector<16xf32>
      %mul3A_2691 = arith.constant 16 : i32
      %mul3A_2692 = arith.muli %scan3A_1416, %mul3A_2691 : i32
      %get3A_2693 = arith.constant 15 : i32
      %get3A_2694 = arith.index_cast %get3A_2693 : i32 to index
      %get3A_2695 = arith.index_cast %mul3A_2692 : i32 to index
      %get3A_2696 = tpu.vector_load %arg8[%get3A_2694, %get3A_2695] {strides = array<i32>} : memref<16x128xf32, #tpu.memory_space<vmem>>, vector<16xf32>,
      %mul3A_2697 = vector.broadcast %squeeze3A_353 : f32 to vector<16xf32>
      %mul3A_2698 = arith.mulf %get3A_2696, %mul3A_2697 : vector<16xf32>
      %add3A_2699 = arith.addf %add3A_2690, %mul3A_2698 : vector<16xf32>
      %neg3A_2700 = arith.constant 0.000000e+00 : f32
      %neg3A_2701 = arith.subf %neg3A_2700, %squeeze3A : f32
      %mul3A_2702 = vector.broadcast %neg3A_2701 : f32 to vector<16xf32>
      %mul3A_2703 = arith.mulf %add3A_2699, %mul3A_2702 : vector<16xf32>
      %mul3A_2704 = arith.constant 16 : i32
      %mul3A_2705 = arith.muli %scan3A_1416, %mul3A_2704 : i32
      %add3A_2706 = arith.constant 896 : i32
      %add3A_2707 = arith.addi %add3A_2706, %mul3A_2705 : i32
      %swap3A_2708 = arith.index_cast %add3A_2707 : i32 to index
      %swap3A_2709 = tpu.vector_load %arg11[%swap3A_2708] {strides = array<i32>} : memref<1024xf32, #tpu.memory_space<vmem>>, vector<16xf32>,
      tpu.vector_store %arg11[%swap3A_2708], %mul3A_2703 {strides = array<i32>} : memref<1024xf32, #tpu.memory_space<vmem>>, vector<16xf32>,
      %sub3A_2710 = vector.broadcast %add3A_473 : f32 to vector<16xf32>
      %sub3A_2711 = arith.subf %sub3A_2710, %add3A_2699 : vector<16xf32>
      %mul3A_2712 = vector.broadcast %squeeze3A_33 : f32 to vector<16xf32>
      %mul3A_2713 = arith.mulf %sub3A_2711, %mul3A_2712 : vector<16xf32>
      %mul3A_2714 = arith.constant 16 : i32
      %mul3A_2715 = arith.muli %scan3A_1416, %mul3A_2714 : i32
      %add3A_2716 = arith.constant 896 : i32
      %add3A_2717 = arith.addi %add3A_2716, %mul3A_2715 : i32
      %swap3A_2718 = arith.index_cast %add3A_2717 : i32 to index
      %swap3A_2719 = tpu.vector_load %arg12[%swap3A_2718] {strides = array<i32>} : memref<1024xf32, #tpu.memory_space<vmem>>, vector<16xf32>,
      tpu.vector_store %arg12[%swap3A_2718], %mul3A_2713 {strides = array<i32>} : memref<1024xf32, #tpu.memory_space<vmem>>, vector<16xf32>,
    }
    %scan3A_478 = arith.constant 8 : i32
    %broadcast_in_dim3A = arith.constant 0.000000e+00 : f32
    %broadcast_in_dim3A_479 = vector.broadcast %broadcast_in_dim3A : f32 to vector<16xf32>
    %swap3A = arith.constant 0 : i32
    %swap3A_480 = arith.index_cast %swap3A : i32 to index
    %swap3A_481 = arith.constant 0 : index
    %swap3A_482 = tpu.vector_load %arg13[%swap3A_480, %swap3A_481] {strides = array<i32>} : memref<8x128xf32, #tpu.memory_space<vmem>>, vector<16xf32>,
    tpu.vector_store %arg13[%swap3A_480, %swap3A_481], %broadcast_in_dim3A_479 {strides = array<i32>} : memref<8x128xf32, #tpu.memory_space<vmem>>, vector<16xf32>,
    %swap3A_483 = arith.constant 0 : i32
    %swap3A_484 = arith.index_cast %swap3A_483 : i32 to index
    %swap3A_485 = arith.constant 16 : index
    %swap3A_486 = tpu.vector_load %arg13[%swap3A_484, %swap3A_485] {strides = array<i32>} : memref<8x128xf32, #tpu.memory_space<vmem>>, vector<16xf32>,
    tpu.vector_store %arg13[%swap3A_484, %swap3A_485], %broadcast_in_dim3A_479 {strides = array<i32>} : memref<8x128xf32, #tpu.memory_space<vmem>>, vector<16xf32>,
    %swap3A_487 = arith.constant 0 : i32
    %swap3A_488 = arith.index_cast %swap3A_487 : i32 to index
    %swap3A_489 = arith.constant 32 : index
    %swap3A_490 = tpu.vector_load %arg13[%swap3A_488, %swap3A_489] {strides = array<i32>} : memref<8x128xf32, #tpu.memory_space<vmem>>, vector<16xf32>,
    tpu.vector_store %arg13[%swap3A_488, %swap3A_489], %broadcast_in_dim3A_479 {strides = array<i32>} : memref<8x128xf32, #tpu.memory_space<vmem>>, vector<16xf32>,
    %swap3A_491 = arith.constant 0 : i32
    %swap3A_492 = arith.index_cast %swap3A_491 : i32 to index
    %swap3A_493 = arith.constant 48 : index
    %swap3A_494 = tpu.vector_load %arg13[%swap3A_492, %swap3A_493] {strides = array<i32>} : memref<8x128xf32, #tpu.memory_space<vmem>>, vector<16xf32>,
    tpu.vector_store %arg13[%swap3A_492, %swap3A_493], %broadcast_in_dim3A_479 {strides = array<i32>} : memref<8x128xf32, #tpu.memory_space<vmem>>, vector<16xf32>,
    %swap3A_495 = arith.constant 0 : i32
    %swap3A_496 = arith.index_cast %swap3A_495 : i32 to index
    %swap3A_497 = arith.constant 64 : index
    %swap3A_498 = tpu.vector_load %arg13[%swap3A_496, %swap3A_497] {strides = array<i32>} : memref<8x128xf32, #tpu.memory_space<vmem>>, vector<16xf32>,
    tpu.vector_store %arg13[%swap3A_496, %swap3A_497], %broadcast_in_dim3A_479 {strides = array<i32>} : memref<8x128xf32, #tpu.memory_space<vmem>>, vector<16xf32>,
    %swap3A_499 = arith.constant 0 : i32
    %swap3A_500 = arith.index_cast %swap3A_499 : i32 to index
    %swap3A_501 = arith.constant 80 : index
    %swap3A_502 = tpu.vector_load %arg13[%swap3A_500, %swap3A_501] {strides = array<i32>} : memref<8x128xf32, #tpu.memory_space<vmem>>, vector<16xf32>,
    tpu.vector_store %arg13[%swap3A_500, %swap3A_501], %broadcast_in_dim3A_479 {strides = array<i32>} : memref<8x128xf32, #tpu.memory_space<vmem>>, vector<16xf32>,
    %swap3A_503 = arith.constant 0 : i32
    %swap3A_504 = arith.index_cast %swap3A_503 : i32 to index
    %swap3A_505 = arith.constant 96 : index
    %swap3A_506 = tpu.vector_load %arg13[%swap3A_504, %swap3A_505] {strides = array<i32>} : memref<8x128xf32, #tpu.memory_space<vmem>>, vector<16xf32>,
    tpu.vector_store %arg13[%swap3A_504, %swap3A_505], %broadcast_in_dim3A_479 {strides = array<i32>} : memref<8x128xf32, #tpu.memory_space<vmem>>, vector<16xf32>,
    %swap3A_507 = arith.constant 0 : i32
    %swap3A_508 = arith.index_cast %swap3A_507 : i32 to index
    %swap3A_509 = arith.constant 112 : index
    %swap3A_510 = tpu.vector_load %arg13[%swap3A_508, %swap3A_509] {strides = array<i32>} : memref<8x128xf32, #tpu.memory_space<vmem>>, vector<16xf32>,
    tpu.vector_store %arg13[%swap3A_508, %swap3A_509], %broadcast_in_dim3A_479 {strides = array<i32>} : memref<8x128xf32, #tpu.memory_space<vmem>>, vector<16xf32>,
    %swap3A_511 = arith.constant 1 : i32
    %swap3A_512 = arith.index_cast %swap3A_511 : i32 to index
    %swap3A_513 = arith.constant 0 : index
    %swap3A_514 = tpu.vector_load %arg13[%swap3A_512, %swap3A_513] {strides = array<i32>} : memref<8x128xf32, #tpu.memory_space<vmem>>, vector<16xf32>,
    tpu.vector_store %arg13[%swap3A_512, %swap3A_513], %broadcast_in_dim3A_479 {strides = array<i32>} : memref<8x128xf32, #tpu.memory_space<vmem>>, vector<16xf32>,
    %swap3A_515 = arith.constant 1 : i32
    %swap3A_516 = arith.index_cast %swap3A_515 : i32 to index
    %swap3A_517 = arith.constant 16 : index
    %swap3A_518 = tpu.vector_load %arg13[%swap3A_516, %swap3A_517] {strides = array<i32>} : memref<8x128xf32, #tpu.memory_space<vmem>>, vector<16xf32>,
    tpu.vector_store %arg13[%swap3A_516, %swap3A_517], %broadcast_in_dim3A_479 {strides = array<i32>} : memref<8x128xf32, #tpu.memory_space<vmem>>, vector<16xf32>,
    %swap3A_519 = arith.constant 1 : i32
    %swap3A_520 = arith.index_cast %swap3A_519 : i32 to index
    %swap3A_521 = arith.constant 32 : index
    %swap3A_522 = tpu.vector_load %arg13[%swap3A_520, %swap3A_521] {strides = array<i32>} : memref<8x128xf32, #tpu.memory_space<vmem>>, vector<16xf32>,
    tpu.vector_store %arg13[%swap3A_520, %swap3A_521], %broadcast_in_dim3A_479 {strides = array<i32>} : memref<8x128xf32, #tpu.memory_space<vmem>>, vector<16xf32>,
    %swap3A_523 = arith.constant 1 : i32
    %swap3A_524 = arith.index_cast %swap3A_523 : i32 to index
    %swap3A_525 = arith.constant 48 : index
    %swap3A_526 = tpu.vector_load %arg13[%swap3A_524, %swap3A_525] {strides = array<i32>} : memref<8x128xf32, #tpu.memory_space<vmem>>, vector<16xf32>,
    tpu.vector_store %arg13[%swap3A_524, %swap3A_525], %broadcast_in_dim3A_479 {strides = array<i32>} : memref<8x128xf32, #tpu.memory_space<vmem>>, vector<16xf32>,
    %swap3A_527 = arith.constant 1 : i32
    %swap3A_528 = arith.index_cast %swap3A_527 : i32 to index
    %swap3A_529 = arith.constant 64 : index
    %swap3A_530 = tpu.vector_load %arg13[%swap3A_528, %swap3A_529] {strides = array<i32>} : memref<8x128xf32, #tpu.memory_space<vmem>>, vector<16xf32>,
    tpu.vector_store %arg13[%swap3A_528, %swap3A_529], %broadcast_in_dim3A_479 {strides = array<i32>} : memref<8x128xf32, #tpu.memory_space<vmem>>, vector<16xf32>,
    %swap3A_531 = arith.constant 1 : i32
    %swap3A_532 = arith.index_cast %swap3A_531 : i32 to index
    %swap3A_533 = arith.constant 80 : index
    %swap3A_534 = tpu.vector_load %arg13[%swap3A_532, %swap3A_533] {strides = array<i32>} : memref<8x128xf32, #tpu.memory_space<vmem>>, vector<16xf32>,
    tpu.vector_store %arg13[%swap3A_532, %swap3A_533], %broadcast_in_dim3A_479 {strides = array<i32>} : memref<8x128xf32, #tpu.memory_space<vmem>>, vector<16xf32>,
    %swap3A_535 = arith.constant 1 : i32
    %swap3A_536 = arith.index_cast %swap3A_535 : i32 to index
    %swap3A_537 = arith.constant 96 : index
    %swap3A_538 = tpu.vector_load %arg13[%swap3A_536, %swap3A_537] {strides = array<i32>} : memref<8x128xf32, #tpu.memory_space<vmem>>, vector<16xf32>,
    tpu.vector_store %arg13[%swap3A_536, %swap3A_537], %broadcast_in_dim3A_479 {strides = array<i32>} : memref<8x128xf32, #tpu.memory_space<vmem>>, vector<16xf32>,
    %swap3A_539 = arith.constant 1 : i32
    %swap3A_540 = arith.index_cast %swap3A_539 : i32 to index
    %swap3A_541 = arith.constant 112 : index
    %swap3A_542 = tpu.vector_load %arg13[%swap3A_540, %swap3A_541] {strides = array<i32>} : memref<8x128xf32, #tpu.memory_space<vmem>>, vector<16xf32>,
    tpu.vector_store %arg13[%swap3A_540, %swap3A_541], %broadcast_in_dim3A_479 {strides = array<i32>} : memref<8x128xf32, #tpu.memory_space<vmem>>, vector<16xf32>,
    %swap3A_543 = arith.constant 2 : i32
    %swap3A_544 = arith.index_cast %swap3A_543 : i32 to index
    %swap3A_545 = arith.constant 0 : index
    %swap3A_546 = tpu.vector_load %arg13[%swap3A_544, %swap3A_545] {strides = array<i32>} : memref<8x128xf32, #tpu.memory_space<vmem>>, vector<16xf32>,
    tpu.vector_store %arg13[%swap3A_544, %swap3A_545], %broadcast_in_dim3A_479 {strides = array<i32>} : memref<8x128xf32, #tpu.memory_space<vmem>>, vector<16xf32>,
    %swap3A_547 = arith.constant 2 : i32
    %swap3A_548 = arith.index_cast %swap3A_547 : i32 to index
    %swap3A_549 = arith.constant 16 : index
    %swap3A_550 = tpu.vector_load %arg13[%swap3A_548, %swap3A_549] {strides = array<i32>} : memref<8x128xf32, #tpu.memory_space<vmem>>, vector<16xf32>,
    tpu.vector_store %arg13[%swap3A_548, %swap3A_549], %broadcast_in_dim3A_479 {strides = array<i32>} : memref<8x128xf32, #tpu.memory_space<vmem>>, vector<16xf32>,
    %swap3A_551 = arith.constant 2 : i32
    %swap3A_552 = arith.index_cast %swap3A_551 : i32 to index
    %swap3A_553 = arith.constant 32 : index
    %swap3A_554 = tpu.vector_load %arg13[%swap3A_552, %swap3A_553] {strides = array<i32>} : memref<8x128xf32, #tpu.memory_space<vmem>>, vector<16xf32>,
    tpu.vector_store %arg13[%swap3A_552, %swap3A_553], %broadcast_in_dim3A_479 {strides = array<i32>} : memref<8x128xf32, #tpu.memory_space<vmem>>, vector<16xf32>,
    %swap3A_555 = arith.constant 2 : i32
    %swap3A_556 = arith.index_cast %swap3A_555 : i32 to index
    %swap3A_557 = arith.constant 48 : index
    %swap3A_558 = tpu.vector_load %arg13[%swap3A_556, %swap3A_557] {strides = array<i32>} : memref<8x128xf32, #tpu.memory_space<vmem>>, vector<16xf32>,
    tpu.vector_store %arg13[%swap3A_556, %swap3A_557], %broadcast_in_dim3A_479 {strides = array<i32>} : memref<8x128xf32, #tpu.memory_space<vmem>>, vector<16xf32>,
    %swap3A_559 = arith.constant 2 : i32
    %swap3A_560 = arith.index_cast %swap3A_559 : i32 to index
    %swap3A_561 = arith.constant 64 : index
    %swap3A_562 = tpu.vector_load %arg13[%swap3A_560, %swap3A_561] {strides = array<i32>} : memref<8x128xf32, #tpu.memory_space<vmem>>, vector<16xf32>,
    tpu.vector_store %arg13[%swap3A_560, %swap3A_561], %broadcast_in_dim3A_479 {strides = array<i32>} : memref<8x128xf32, #tpu.memory_space<vmem>>, vector<16xf32>,
    %swap3A_563 = arith.constant 2 : i32
    %swap3A_564 = arith.index_cast %swap3A_563 : i32 to index
    %swap3A_565 = arith.constant 80 : index
    %swap3A_566 = tpu.vector_load %arg13[%swap3A_564, %swap3A_565] {strides = array<i32>} : memref<8x128xf32, #tpu.memory_space<vmem>>, vector<16xf32>,
    tpu.vector_store %arg13[%swap3A_564, %swap3A_565], %broadcast_in_dim3A_479 {strides = array<i32>} : memref<8x128xf32, #tpu.memory_space<vmem>>, vector<16xf32>,
    %swap3A_567 = arith.constant 2 : i32
    %swap3A_568 = arith.index_cast %swap3A_567 : i32 to index
    %swap3A_569 = arith.constant 96 : index
    %swap3A_570 = tpu.vector_load %arg13[%swap3A_568, %swap3A_569] {strides = array<i32>} : memref<8x128xf32, #tpu.memory_space<vmem>>, vector<16xf32>,
    tpu.vector_store %arg13[%swap3A_568, %swap3A_569], %broadcast_in_dim3A_479 {strides = array<i32>} : memref<8x128xf32, #tpu.memory_space<vmem>>, vector<16xf32>,
    %swap3A_571 = arith.constant 2 : i32
    %swap3A_572 = arith.index_cast %swap3A_571 : i32 to index
    %swap3A_573 = arith.constant 112 : index
    %swap3A_574 = tpu.vector_load %arg13[%swap3A_572, %swap3A_573] {strides = array<i32>} : memref<8x128xf32, #tpu.memory_space<vmem>>, vector<16xf32>,
    tpu.vector_store %arg13[%swap3A_572, %swap3A_573], %broadcast_in_dim3A_479 {strides = array<i32>} : memref<8x128xf32, #tpu.memory_space<vmem>>, vector<16xf32>,
    %swap3A_575 = arith.constant 3 : i32
    %swap3A_576 = arith.index_cast %swap3A_575 : i32 to index
    %swap3A_577 = arith.constant 0 : index
    %swap3A_578 = tpu.vector_load %arg13[%swap3A_576, %swap3A_577] {strides = array<i32>} : memref<8x128xf32, #tpu.memory_space<vmem>>, vector<16xf32>,
    tpu.vector_store %arg13[%swap3A_576, %swap3A_577], %broadcast_in_dim3A_479 {strides = array<i32>} : memref<8x128xf32, #tpu.memory_space<vmem>>, vector<16xf32>,
    %swap3A_579 = arith.constant 3 : i32
    %swap3A_580 = arith.index_cast %swap3A_579 : i32 to index
    %swap3A_581 = arith.constant 16 : index
    %swap3A_582 = tpu.vector_load %arg13[%swap3A_580, %swap3A_581] {strides = array<i32>} : memref<8x128xf32, #tpu.memory_space<vmem>>, vector<16xf32>,
    tpu.vector_store %arg13[%swap3A_580, %swap3A_581], %broadcast_in_dim3A_479 {strides = array<i32>} : memref<8x128xf32, #tpu.memory_space<vmem>>, vector<16xf32>,
    %swap3A_583 = arith.constant 3 : i32
    %swap3A_584 = arith.index_cast %swap3A_583 : i32 to index
    %swap3A_585 = arith.constant 32 : index
    %swap3A_586 = tpu.vector_load %arg13[%swap3A_584, %swap3A_585] {strides = array<i32>} : memref<8x128xf32, #tpu.memory_space<vmem>>, vector<16xf32>,
    tpu.vector_store %arg13[%swap3A_584, %swap3A_585], %broadcast_in_dim3A_479 {strides = array<i32>} : memref<8x128xf32, #tpu.memory_space<vmem>>, vector<16xf32>,
    %swap3A_587 = arith.constant 3 : i32
    %swap3A_588 = arith.index_cast %swap3A_587 : i32 to index
    %swap3A_589 = arith.constant 48 : index
    %swap3A_590 = tpu.vector_load %arg13[%swap3A_588, %swap3A_589] {strides = array<i32>} : memref<8x128xf32, #tpu.memory_space<vmem>>, vector<16xf32>,
    tpu.vector_store %arg13[%swap3A_588, %swap3A_589], %broadcast_in_dim3A_479 {strides = array<i32>} : memref<8x128xf32, #tpu.memory_space<vmem>>, vector<16xf32>,
    %swap3A_591 = arith.constant 3 : i32
    %swap3A_592 = arith.index_cast %swap3A_591 : i32 to index
    %swap3A_593 = arith.constant 64 : index
    %swap3A_594 = tpu.vector_load %arg13[%swap3A_592, %swap3A_593] {strides = array<i32>} : memref<8x128xf32, #tpu.memory_space<vmem>>, vector<16xf32>,
    tpu.vector_store %arg13[%swap3A_592, %swap3A_593], %broadcast_in_dim3A_479 {strides = array<i32>} : memref<8x128xf32, #tpu.memory_space<vmem>>, vector<16xf32>,
    %swap3A_595 = arith.constant 3 : i32
    %swap3A_596 = arith.index_cast %swap3A_595 : i32 to index
    %swap3A_597 = arith.constant 80 : index
    %swap3A_598 = tpu.vector_load %arg13[%swap3A_596, %swap3A_597] {strides = array<i32>} : memref<8x128xf32, #tpu.memory_space<vmem>>, vector<16xf32>,
    tpu.vector_store %arg13[%swap3A_596, %swap3A_597], %broadcast_in_dim3A_479 {strides = array<i32>} : memref<8x128xf32, #tpu.memory_space<vmem>>, vector<16xf32>,
    %swap3A_599 = arith.constant 3 : i32
    %swap3A_600 = arith.index_cast %swap3A_599 : i32 to index
    %swap3A_601 = arith.constant 96 : index
    %swap3A_602 = tpu.vector_load %arg13[%swap3A_600, %swap3A_601] {strides = array<i32>} : memref<8x128xf32, #tpu.memory_space<vmem>>, vector<16xf32>,
    tpu.vector_store %arg13[%swap3A_600, %swap3A_601], %broadcast_in_dim3A_479 {strides = array<i32>} : memref<8x128xf32, #tpu.memory_space<vmem>>, vector<16xf32>,
    %swap3A_603 = arith.constant 3 : i32
    %swap3A_604 = arith.index_cast %swap3A_603 : i32 to index
    %swap3A_605 = arith.constant 112 : index
    %swap3A_606 = tpu.vector_load %arg13[%swap3A_604, %swap3A_605] {strides = array<i32>} : memref<8x128xf32, #tpu.memory_space<vmem>>, vector<16xf32>,
    tpu.vector_store %arg13[%swap3A_604, %swap3A_605], %broadcast_in_dim3A_479 {strides = array<i32>} : memref<8x128xf32, #tpu.memory_space<vmem>>, vector<16xf32>,
    %swap3A_607 = arith.constant 4 : i32
    %swap3A_608 = arith.index_cast %swap3A_607 : i32 to index
    %swap3A_609 = arith.constant 0 : index
    %swap3A_610 = tpu.vector_load %arg13[%swap3A_608, %swap3A_609] {strides = array<i32>} : memref<8x128xf32, #tpu.memory_space<vmem>>, vector<16xf32>,
    tpu.vector_store %arg13[%swap3A_608, %swap3A_609], %broadcast_in_dim3A_479 {strides = array<i32>} : memref<8x128xf32, #tpu.memory_space<vmem>>, vector<16xf32>,
    %swap3A_611 = arith.constant 4 : i32
    %swap3A_612 = arith.index_cast %swap3A_611 : i32 to index
    %swap3A_613 = arith.constant 16 : index
    %swap3A_614 = tpu.vector_load %arg13[%swap3A_612, %swap3A_613] {strides = array<i32>} : memref<8x128xf32, #tpu.memory_space<vmem>>, vector<16xf32>,
    tpu.vector_store %arg13[%swap3A_612, %swap3A_613], %broadcast_in_dim3A_479 {strides = array<i32>} : memref<8x128xf32, #tpu.memory_space<vmem>>, vector<16xf32>,
    %swap3A_615 = arith.constant 4 : i32
    %swap3A_616 = arith.index_cast %swap3A_615 : i32 to index
    %swap3A_617 = arith.constant 32 : index
    %swap3A_618 = tpu.vector_load %arg13[%swap3A_616, %swap3A_617] {strides = array<i32>} : memref<8x128xf32, #tpu.memory_space<vmem>>, vector<16xf32>,
    tpu.vector_store %arg13[%swap3A_616, %swap3A_617], %broadcast_in_dim3A_479 {strides = array<i32>} : memref<8x128xf32, #tpu.memory_space<vmem>>, vector<16xf32>,
    %swap3A_619 = arith.constant 4 : i32
    %swap3A_620 = arith.index_cast %swap3A_619 : i32 to index
    %swap3A_621 = arith.constant 48 : index
    %swap3A_622 = tpu.vector_load %arg13[%swap3A_620, %swap3A_621] {strides = array<i32>} : memref<8x128xf32, #tpu.memory_space<vmem>>, vector<16xf32>,
    tpu.vector_store %arg13[%swap3A_620, %swap3A_621], %broadcast_in_dim3A_479 {strides = array<i32>} : memref<8x128xf32, #tpu.memory_space<vmem>>, vector<16xf32>,
    %swap3A_623 = arith.constant 4 : i32
    %swap3A_624 = arith.index_cast %swap3A_623 : i32 to index
    %swap3A_625 = arith.constant 64 : index
    %swap3A_626 = tpu.vector_load %arg13[%swap3A_624, %swap3A_625] {strides = array<i32>} : memref<8x128xf32, #tpu.memory_space<vmem>>, vector<16xf32>,
    tpu.vector_store %arg13[%swap3A_624, %swap3A_625], %broadcast_in_dim3A_479 {strides = array<i32>} : memref<8x128xf32, #tpu.memory_space<vmem>>, vector<16xf32>,
    %swap3A_627 = arith.constant 4 : i32
    %swap3A_628 = arith.index_cast %swap3A_627 : i32 to index
    %swap3A_629 = arith.constant 80 : index
    %swap3A_630 = tpu.vector_load %arg13[%swap3A_628, %swap3A_629] {strides = array<i32>} : memref<8x128xf32, #tpu.memory_space<vmem>>, vector<16xf32>,
    tpu.vector_store %arg13[%swap3A_628, %swap3A_629], %broadcast_in_dim3A_479 {strides = array<i32>} : memref<8x128xf32, #tpu.memory_space<vmem>>, vector<16xf32>,
    %swap3A_631 = arith.constant 4 : i32
    %swap3A_632 = arith.index_cast %swap3A_631 : i32 to index
    %swap3A_633 = arith.constant 96 : index
    %swap3A_634 = tpu.vector_load %arg13[%swap3A_632, %swap3A_633] {strides = array<i32>} : memref<8x128xf32, #tpu.memory_space<vmem>>, vector<16xf32>,
    tpu.vector_store %arg13[%swap3A_632, %swap3A_633], %broadcast_in_dim3A_479 {strides = array<i32>} : memref<8x128xf32, #tpu.memory_space<vmem>>, vector<16xf32>,
    %swap3A_635 = arith.constant 4 : i32
    %swap3A_636 = arith.index_cast %swap3A_635 : i32 to index
    %swap3A_637 = arith.constant 112 : index
    %swap3A_638 = tpu.vector_load %arg13[%swap3A_636, %swap3A_637] {strides = array<i32>} : memref<8x128xf32, #tpu.memory_space<vmem>>, vector<16xf32>,
    tpu.vector_store %arg13[%swap3A_636, %swap3A_637], %broadcast_in_dim3A_479 {strides = array<i32>} : memref<8x128xf32, #tpu.memory_space<vmem>>, vector<16xf32>,
    %swap3A_639 = arith.constant 5 : i32
    %swap3A_640 = arith.index_cast %swap3A_639 : i32 to index
    %swap3A_641 = arith.constant 0 : index
    %swap3A_642 = tpu.vector_load %arg13[%swap3A_640, %swap3A_641] {strides = array<i32>} : memref<8x128xf32, #tpu.memory_space<vmem>>, vector<16xf32>,
    tpu.vector_store %arg13[%swap3A_640, %swap3A_641], %broadcast_in_dim3A_479 {strides = array<i32>} : memref<8x128xf32, #tpu.memory_space<vmem>>, vector<16xf32>,
    %swap3A_643 = arith.constant 5 : i32
    %swap3A_644 = arith.index_cast %swap3A_643 : i32 to index
    %swap3A_645 = arith.constant 16 : index
    %swap3A_646 = tpu.vector_load %arg13[%swap3A_644, %swap3A_645] {strides = array<i32>} : memref<8x128xf32, #tpu.memory_space<vmem>>, vector<16xf32>,
    tpu.vector_store %arg13[%swap3A_644, %swap3A_645], %broadcast_in_dim3A_479 {strides = array<i32>} : memref<8x128xf32, #tpu.memory_space<vmem>>, vector<16xf32>,
    %swap3A_647 = arith.constant 5 : i32
    %swap3A_648 = arith.index_cast %swap3A_647 : i32 to index
    %swap3A_649 = arith.constant 32 : index
    %swap3A_650 = tpu.vector_load %arg13[%swap3A_648, %swap3A_649] {strides = array<i32>} : memref<8x128xf32, #tpu.memory_space<vmem>>, vector<16xf32>,
    tpu.vector_store %arg13[%swap3A_648, %swap3A_649], %broadcast_in_dim3A_479 {strides = array<i32>} : memref<8x128xf32, #tpu.memory_space<vmem>>, vector<16xf32>,
    %swap3A_651 = arith.constant 5 : i32
    %swap3A_652 = arith.index_cast %swap3A_651 : i32 to index
    %swap3A_653 = arith.constant 48 : index
    %swap3A_654 = tpu.vector_load %arg13[%swap3A_652, %swap3A_653] {strides = array<i32>} : memref<8x128xf32, #tpu.memory_space<vmem>>, vector<16xf32>,
    tpu.vector_store %arg13[%swap3A_652, %swap3A_653], %broadcast_in_dim3A_479 {strides = array<i32>} : memref<8x128xf32, #tpu.memory_space<vmem>>, vector<16xf32>,
    %swap3A_655 = arith.constant 5 : i32
    %swap3A_656 = arith.index_cast %swap3A_655 : i32 to index
    %swap3A_657 = arith.constant 64 : index
    %swap3A_658 = tpu.vector_load %arg13[%swap3A_656, %swap3A_657] {strides = array<i32>} : memref<8x128xf32, #tpu.memory_space<vmem>>, vector<16xf32>,
    tpu.vector_store %arg13[%swap3A_656, %swap3A_657], %broadcast_in_dim3A_479 {strides = array<i32>} : memref<8x128xf32, #tpu.memory_space<vmem>>, vector<16xf32>,
    %swap3A_659 = arith.constant 5 : i32
    %swap3A_660 = arith.index_cast %swap3A_659 : i32 to index
    %swap3A_661 = arith.constant 80 : index
    %swap3A_662 = tpu.vector_load %arg13[%swap3A_660, %swap3A_661] {strides = array<i32>} : memref<8x128xf32, #tpu.memory_space<vmem>>, vector<16xf32>,
    tpu.vector_store %arg13[%swap3A_660, %swap3A_661], %broadcast_in_dim3A_479 {strides = array<i32>} : memref<8x128xf32, #tpu.memory_space<vmem>>, vector<16xf32>,
    %swap3A_663 = arith.constant 5 : i32
    %swap3A_664 = arith.index_cast %swap3A_663 : i32 to index
    %swap3A_665 = arith.constant 96 : index
    %swap3A_666 = tpu.vector_load %arg13[%swap3A_664, %swap3A_665] {strides = array<i32>} : memref<8x128xf32, #tpu.memory_space<vmem>>, vector<16xf32>,
    tpu.vector_store %arg13[%swap3A_664, %swap3A_665], %broadcast_in_dim3A_479 {strides = array<i32>} : memref<8x128xf32, #tpu.memory_space<vmem>>, vector<16xf32>,
    %swap3A_667 = arith.constant 5 : i32
    %swap3A_668 = arith.index_cast %swap3A_667 : i32 to index
    %swap3A_669 = arith.constant 112 : index
    %swap3A_670 = tpu.vector_load %arg13[%swap3A_668, %swap3A_669] {strides = array<i32>} : memref<8x128xf32, #tpu.memory_space<vmem>>, vector<16xf32>,
    tpu.vector_store %arg13[%swap3A_668, %swap3A_669], %broadcast_in_dim3A_479 {strides = array<i32>} : memref<8x128xf32, #tpu.memory_space<vmem>>, vector<16xf32>,
    %swap3A_671 = arith.constant 6 : i32
    %swap3A_672 = arith.index_cast %swap3A_671 : i32 to index
    %swap3A_673 = arith.constant 0 : index
    %swap3A_674 = tpu.vector_load %arg13[%swap3A_672, %swap3A_673] {strides = array<i32>} : memref<8x128xf32, #tpu.memory_space<vmem>>, vector<16xf32>,
    tpu.vector_store %arg13[%swap3A_672, %swap3A_673], %broadcast_in_dim3A_479 {strides = array<i32>} : memref<8x128xf32, #tpu.memory_space<vmem>>, vector<16xf32>,
    %swap3A_675 = arith.constant 6 : i32
    %swap3A_676 = arith.index_cast %swap3A_675 : i32 to index
    %swap3A_677 = arith.constant 16 : index
    %swap3A_678 = tpu.vector_load %arg13[%swap3A_676, %swap3A_677] {strides = array<i32>} : memref<8x128xf32, #tpu.memory_space<vmem>>, vector<16xf32>,
    tpu.vector_store %arg13[%swap3A_676, %swap3A_677], %broadcast_in_dim3A_479 {strides = array<i32>} : memref<8x128xf32, #tpu.memory_space<vmem>>, vector<16xf32>,
    %swap3A_679 = arith.constant 6 : i32
    %swap3A_680 = arith.index_cast %swap3A_679 : i32 to index
    %swap3A_681 = arith.constant 32 : index
    %swap3A_682 = tpu.vector_load %arg13[%swap3A_680, %swap3A_681] {strides = array<i32>} : memref<8x128xf32, #tpu.memory_space<vmem>>, vector<16xf32>,
    tpu.vector_store %arg13[%swap3A_680, %swap3A_681], %broadcast_in_dim3A_479 {strides = array<i32>} : memref<8x128xf32, #tpu.memory_space<vmem>>, vector<16xf32>,
    %swap3A_683 = arith.constant 6 : i32
    %swap3A_684 = arith.index_cast %swap3A_683 : i32 to index
    %swap3A_685 = arith.constant 48 : index
    %swap3A_686 = tpu.vector_load %arg13[%swap3A_684, %swap3A_685] {strides = array<i32>} : memref<8x128xf32, #tpu.memory_space<vmem>>, vector<16xf32>,
    tpu.vector_store %arg13[%swap3A_684, %swap3A_685], %broadcast_in_dim3A_479 {strides = array<i32>} : memref<8x128xf32, #tpu.memory_space<vmem>>, vector<16xf32>,
    %swap3A_687 = arith.constant 6 : i32
    %swap3A_688 = arith.index_cast %swap3A_687 : i32 to index
    %swap3A_689 = arith.constant 64 : index
    %swap3A_690 = tpu.vector_load %arg13[%swap3A_688, %swap3A_689] {strides = array<i32>} : memref<8x128xf32, #tpu.memory_space<vmem>>, vector<16xf32>,
    tpu.vector_store %arg13[%swap3A_688, %swap3A_689], %broadcast_in_dim3A_479 {strides = array<i32>} : memref<8x128xf32, #tpu.memory_space<vmem>>, vector<16xf32>,
    %swap3A_691 = arith.constant 6 : i32
    %swap3A_692 = arith.index_cast %swap3A_691 : i32 to index
    %swap3A_693 = arith.constant 80 : index
    %swap3A_694 = tpu.vector_load %arg13[%swap3A_692, %swap3A_693] {strides = array<i32>} : memref<8x128xf32, #tpu.memory_space<vmem>>, vector<16xf32>,
    tpu.vector_store %arg13[%swap3A_692, %swap3A_693], %broadcast_in_dim3A_479 {strides = array<i32>} : memref<8x128xf32, #tpu.memory_space<vmem>>, vector<16xf32>,
    %swap3A_695 = arith.constant 6 : i32
    %swap3A_696 = arith.index_cast %swap3A_695 : i32 to index
    %swap3A_697 = arith.constant 96 : index
    %swap3A_698 = tpu.vector_load %arg13[%swap3A_696, %swap3A_697] {strides = array<i32>} : memref<8x128xf32, #tpu.memory_space<vmem>>, vector<16xf32>,
    tpu.vector_store %arg13[%swap3A_696, %swap3A_697], %broadcast_in_dim3A_479 {strides = array<i32>} : memref<8x128xf32, #tpu.memory_space<vmem>>, vector<16xf32>,
    %swap3A_699 = arith.constant 6 : i32
    %swap3A_700 = arith.index_cast %swap3A_699 : i32 to index
    %swap3A_701 = arith.constant 112 : index
    %swap3A_702 = tpu.vector_load %arg13[%swap3A_700, %swap3A_701] {strides = array<i32>} : memref<8x128xf32, #tpu.memory_space<vmem>>, vector<16xf32>,
    tpu.vector_store %arg13[%swap3A_700, %swap3A_701], %broadcast_in_dim3A_479 {strides = array<i32>} : memref<8x128xf32, #tpu.memory_space<vmem>>, vector<16xf32>,
    %swap3A_703 = arith.constant 7 : i32
    %swap3A_704 = arith.index_cast %swap3A_703 : i32 to index
    %swap3A_705 = arith.constant 0 : index
    %swap3A_706 = tpu.vector_load %arg13[%swap3A_704, %swap3A_705] {strides = array<i32>} : memref<8x128xf32, #tpu.memory_space<vmem>>, vector<16xf32>,
    tpu.vector_store %arg13[%swap3A_704, %swap3A_705], %broadcast_in_dim3A_479 {strides = array<i32>} : memref<8x128xf32, #tpu.memory_space<vmem>>, vector<16xf32>,
    %swap3A_707 = arith.constant 7 : i32
    %swap3A_708 = arith.index_cast %swap3A_707 : i32 to index
    %swap3A_709 = arith.constant 16 : index
    %swap3A_710 = tpu.vector_load %arg13[%swap3A_708, %swap3A_709] {strides = array<i32>} : memref<8x128xf32, #tpu.memory_space<vmem>>, vector<16xf32>,
    tpu.vector_store %arg13[%swap3A_708, %swap3A_709], %broadcast_in_dim3A_479 {strides = array<i32>} : memref<8x128xf32, #tpu.memory_space<vmem>>, vector<16xf32>,
    %swap3A_711 = arith.constant 7 : i32
    %swap3A_712 = arith.index_cast %swap3A_711 : i32 to index
    %swap3A_713 = arith.constant 32 : index
    %swap3A_714 = tpu.vector_load %arg13[%swap3A_712, %swap3A_713] {strides = array<i32>} : memref<8x128xf32, #tpu.memory_space<vmem>>, vector<16xf32>,
    tpu.vector_store %arg13[%swap3A_712, %swap3A_713], %broadcast_in_dim3A_479 {strides = array<i32>} : memref<8x128xf32, #tpu.memory_space<vmem>>, vector<16xf32>,
    %swap3A_715 = arith.constant 7 : i32
    %swap3A_716 = arith.index_cast %swap3A_715 : i32 to index
    %swap3A_717 = arith.constant 48 : index
    %swap3A_718 = tpu.vector_load %arg13[%swap3A_716, %swap3A_717] {strides = array<i32>} : memref<8x128xf32, #tpu.memory_space<vmem>>, vector<16xf32>,
    tpu.vector_store %arg13[%swap3A_716, %swap3A_717], %broadcast_in_dim3A_479 {strides = array<i32>} : memref<8x128xf32, #tpu.memory_space<vmem>>, vector<16xf32>,
    %swap3A_719 = arith.constant 7 : i32
    %swap3A_720 = arith.index_cast %swap3A_719 : i32 to index
    %swap3A_721 = arith.constant 64 : index
    %swap3A_722 = tpu.vector_load %arg13[%swap3A_720, %swap3A_721] {strides = array<i32>} : memref<8x128xf32, #tpu.memory_space<vmem>>, vector<16xf32>,
    tpu.vector_store %arg13[%swap3A_720, %swap3A_721], %broadcast_in_dim3A_479 {strides = array<i32>} : memref<8x128xf32, #tpu.memory_space<vmem>>, vector<16xf32>,
    %swap3A_723 = arith.constant 7 : i32
    %swap3A_724 = arith.index_cast %swap3A_723 : i32 to index
    %swap3A_725 = arith.constant 80 : index
    %swap3A_726 = tpu.vector_load %arg13[%swap3A_724, %swap3A_725] {strides = array<i32>} : memref<8x128xf32, #tpu.memory_space<vmem>>, vector<16xf32>,
    tpu.vector_store %arg13[%swap3A_724, %swap3A_725], %broadcast_in_dim3A_479 {strides = array<i32>} : memref<8x128xf32, #tpu.memory_space<vmem>>, vector<16xf32>,
    %swap3A_727 = arith.constant 7 : i32
    %swap3A_728 = arith.index_cast %swap3A_727 : i32 to index
    %swap3A_729 = arith.constant 96 : index
    %swap3A_730 = tpu.vector_load %arg13[%swap3A_728, %swap3A_729] {strides = array<i32>} : memref<8x128xf32, #tpu.memory_space<vmem>>, vector<16xf32>,
    tpu.vector_store %arg13[%swap3A_728, %swap3A_729], %broadcast_in_dim3A_479 {strides = array<i32>} : memref<8x128xf32, #tpu.memory_space<vmem>>, vector<16xf32>,
    %swap3A_731 = arith.constant 7 : i32
    %swap3A_732 = arith.index_cast %swap3A_731 : i32 to index
    %swap3A_733 = arith.constant 112 : index
    %swap3A_734 = tpu.vector_load %arg13[%swap3A_732, %swap3A_733] {strides = array<i32>} : memref<8x128xf32, #tpu.memory_space<vmem>>, vector<16xf32>,
    tpu.vector_store %arg13[%swap3A_732, %swap3A_733], %broadcast_in_dim3A_479 {strides = array<i32>} : memref<8x128xf32, #tpu.memory_space<vmem>>, vector<16xf32>,
    %scan3A_735 = arith.constant 0 : i32
    %scan3A_736 = arith.constant 0 : i32
    %scan3A_737 = arith.constant 4 : i32
    %scan3A_738 = arith.addi %scan3A_736, %scan3A_737 : i32
    %scan3A_739 = arith.constant 1 : i32
    scf.for %scan3A_1416 = %scan3A_736 to %scan3A_738 step %scan3A_739  : i32 {
      %mul3A_1417 = arith.constant 32 : i32
      %mul3A_1418 = arith.muli %scan3A_1416, %mul3A_1417 : i32
      %add3A_1419 = arith.constant 896 : i32
      %add3A_1420 = arith.addi %add3A_1419, %mul3A_1418 : i32
      "tpu.region"() ({
        %run_scoped3A = tpu.sem_alloc : memref<!tpu.dma_semaphore, #tpu.memory_space<semaphore_mem>>
        %dma_start3A = arith.constant 0 : i32
        %dma_start3A_1426 = arith.constant 0 : i32
        %dma_start3A_1427 = tpu.memref_slice %arg2[%select_n3A, %add3A_1420, %select_n3A_30, %dma_start3A, %dma_start3A_1426] : memref<16x1024x2x8x128xf32, #tpu.memory_space<hbm>> -> memref<1x32x1x8x128xf32, #tpu.memory_space<hbm>>
        %dma_start3A_1428 = tpu.memref_squeeze %dma_start3A_1427 : memref<1x32x1x8x128xf32, #tpu.memory_space<hbm>> -> memref<32x8x128xf32, #tpu.memory_space<hbm>>
        %dma_start3A_1429 = arith.constant 0 : i32
        %dma_start3A_1430 = arith.constant 0 : i32
        %dma_start3A_1431 = tpu.memref_slice %arg2[%select_n3A, %add3A_1420, %select_n3A_30, %dma_start3A_1429, %dma_start3A_1430] : memref<16x1024x2x8x128xf32, #tpu.memory_space<hbm>> -> memref<1x32x1x8x128xf32, #tpu.memory_space<hbm>>
        %dma_start3A_1432 = tpu.memref_squeeze %dma_start3A_1431 : memref<1x32x1x8x128xf32, #tpu.memory_space<hbm>> -> memref<32x8x128xf32, #tpu.memory_space<hbm>>
        tpu.enqueue_dma source(%dma_start3A_1432 : memref<32x8x128xf32, #tpu.memory_space<hbm>>) target(%arg7 : memref<32x8x128xf32, #tpu.memory_space<vmem>>) target_semaphore(%run_scoped3A : memref<!tpu.dma_semaphore, #tpu.memory_space<semaphore_mem>>)
        %dma_wait3A = arith.constant 0 : i32
        %dma_wait3A_1433 = arith.constant 0 : i32
        %dma_wait3A_1434 = tpu.memref_slice %arg2[%select_n3A, %add3A_1420, %select_n3A_30, %dma_wait3A, %dma_wait3A_1433] : memref<16x1024x2x8x128xf32, #tpu.memory_space<hbm>> -> memref<1x32x1x8x128xf32, #tpu.memory_space<hbm>>
        %dma_wait3A_1435 = tpu.memref_squeeze %dma_wait3A_1434 : memref<1x32x1x8x128xf32, #tpu.memory_space<hbm>> -> memref<32x8x128xf32, #tpu.memory_space<hbm>>
        %dma_wait3A_1436 = arith.constant 0 : i32
        %dma_wait3A_1437 = arith.constant 0 : i32
        %dma_wait3A_1438 = tpu.memref_slice %arg2[%select_n3A, %add3A_1420, %select_n3A_30, %dma_wait3A_1436, %dma_wait3A_1437] : memref<16x1024x2x8x128xf32, #tpu.memory_space<hbm>> -> memref<1x32x1x8x128xf32, #tpu.memory_space<hbm>>
        %dma_wait3A_1439 = tpu.memref_squeeze %dma_wait3A_1438 : memref<1x32x1x8x128xf32, #tpu.memory_space<hbm>> -> memref<32x8x128xf32, #tpu.memory_space<hbm>>
        tpu.wait_dma2 semaphore(%run_scoped3A : memref<!tpu.dma_semaphore, #tpu.memory_space<semaphore_mem>>) src(%dma_wait3A_1439 : memref<32x8x128xf32, #tpu.memory_space<hbm>>) dst(%arg7 : memref<32x8x128xf32, #tpu.memory_space<vmem>>)
        tpu.yield
      }) : () -> ()
      %scan3A_1421 = arith.constant 0 : i32
      %scan3A_1422 = arith.constant 32 : i32
      %scan3A_1423 = arith.addi %scan3A_1421, %scan3A_1422 : i32
      %scan3A_1424 = arith.constant 1 : i32
      scf.for %scan3A_1426 = %scan3A_1421 to %scan3A_1423 step %scan3A_1424  : i32 {
        %mul3A_1427 = arith.constant 32 : i32
        %mul3A_1428 = arith.muli %scan3A_1416, %mul3A_1427 : i32
        %add3A_1429 = arith.addi %mul3A_1428, %scan3A_1426 : i32
        %broadcast_in_dim3A_1430 = vector.broadcast %add3A_1429 : i32 to vector<16xi32>
        %add3A_1431 = arith.constant 0 : i32
        %add3A_1432 = vector.broadcast %add3A_1431 : i32 to vector<16xi32>
        %add3A_1433 = arith.addi %broadcast_in_dim3A_1430, %add3A_1432 : vector<16xi32>
        %gather3A = tpu.vector_load_idx %arg11[%add3A_1433] : memref<1024xf32, #tpu.memory_space<vmem>>[vector<16xi32>], vector<16xf32>,
        %add3A_1434 = arith.constant 128 : i32
        %add3A_1435 = vector.broadcast %add3A_1434 : i32 to vector<16xi32>
        %add3A_1436 = arith.addi %broadcast_in_dim3A_1430, %add3A_1435 : vector<16xi32>
        %gather3A_1437 = tpu.vector_load_idx %arg11[%add3A_1436] : memref<1024xf32, #tpu.memory_space<vmem>>[vector<16xi32>], vector<16xf32>,
        %add3A_1438 = arith.constant 256 : i32
        %add3A_1439 = vector.broadcast %add3A_1438 : i32 to vector<16xi32>
        %add3A_1440 = arith.addi %broadcast_in_dim3A_1430, %add3A_1439 : vector<16xi32>
        %gather3A_1441 = tpu.vector_load_idx %arg11[%add3A_1440] : memref<1024xf32, #tpu.memory_space<vmem>>[vector<16xi32>], vector<16xf32>,
        %add3A_1442 = arith.constant 384 : i32
        %add3A_1443 = vector.broadcast %add3A_1442 : i32 to vector<16xi32>
        %add3A_1444 = arith.addi %broadcast_in_dim3A_1430, %add3A_1443 : vector<16xi32>
        %gather3A_1445 = tpu.vector_load_idx %arg11[%add3A_1444] : memref<1024xf32, #tpu.memory_space<vmem>>[vector<16xi32>], vector<16xf32>,
        %add3A_1446 = arith.constant 512 : i32
        %add3A_1447 = vector.broadcast %add3A_1446 : i32 to vector<16xi32>
        %add3A_1448 = arith.addi %broadcast_in_dim3A_1430, %add3A_1447 : vector<16xi32>
        %gather3A_1449 = tpu.vector_load_idx %arg11[%add3A_1448] : memref<1024xf32, #tpu.memory_space<vmem>>[vector<16xi32>], vector<16xf32>,
        %add3A_1450 = arith.constant 640 : i32
        %add3A_1451 = vector.broadcast %add3A_1450 : i32 to vector<16xi32>
        %add3A_1452 = arith.addi %broadcast_in_dim3A_1430, %add3A_1451 : vector<16xi32>
        %gather3A_1453 = tpu.vector_load_idx %arg11[%add3A_1452] : memref<1024xf32, #tpu.memory_space<vmem>>[vector<16xi32>], vector<16xf32>,
        %add3A_1454 = arith.constant 768 : i32
        %add3A_1455 = vector.broadcast %add3A_1454 : i32 to vector<16xi32>
        %add3A_1456 = arith.addi %broadcast_in_dim3A_1430, %add3A_1455 : vector<16xi32>
        %gather3A_1457 = tpu.vector_load_idx %arg11[%add3A_1456] : memref<1024xf32, #tpu.memory_space<vmem>>[vector<16xi32>], vector<16xf32>,
        %add3A_1458 = arith.constant 896 : i32
        %add3A_1459 = vector.broadcast %add3A_1458 : i32 to vector<16xi32>
        %add3A_1460 = arith.addi %broadcast_in_dim3A_1430, %add3A_1459 : vector<16xi32>
        %gather3A_1461 = tpu.vector_load_idx %arg11[%add3A_1460] : memref<1024xf32, #tpu.memory_space<vmem>>[vector<16xi32>], vector<16xf32>,
        %add3A_1462 = arith.constant 0 : i32
        %add3A_1463 = vector.broadcast %add3A_1462 : i32 to vector<16xi32>
        %add3A_1464 = arith.addi %broadcast_in_dim3A_1430, %add3A_1463 : vector<16xi32>
        %gather3A_1465 = tpu.vector_load_idx %arg12[%add3A_1464] : memref<1024xf32, #tpu.memory_space<vmem>>[vector<16xi32>], vector<16xf32>,
        %add3A_1466 = arith.constant 128 : i32
        %add3A_1467 = vector.broadcast %add3A_1466 : i32 to vector<16xi32>
        %add3A_1468 = arith.addi %broadcast_in_dim3A_1430, %add3A_1467 : vector<16xi32>
        %gather3A_1469 = tpu.vector_load_idx %arg12[%add3A_1468] : memref<1024xf32, #tpu.memory_space<vmem>>[vector<16xi32>], vector<16xf32>,
        %add3A_1470 = arith.constant 256 : i32
        %add3A_1471 = vector.broadcast %add3A_1470 : i32 to vector<16xi32>
        %add3A_1472 = arith.addi %broadcast_in_dim3A_1430, %add3A_1471 : vector<16xi32>
        %gather3A_1473 = tpu.vector_load_idx %arg12[%add3A_1472] : memref<1024xf32, #tpu.memory_space<vmem>>[vector<16xi32>], vector<16xf32>,
        %add3A_1474 = arith.constant 384 : i32
        %add3A_1475 = vector.broadcast %add3A_1474 : i32 to vector<16xi32>
        %add3A_1476 = arith.addi %broadcast_in_dim3A_1430, %add3A_1475 : vector<16xi32>
        %gather3A_1477 = tpu.vector_load_idx %arg12[%add3A_1476] : memref<1024xf32, #tpu.memory_space<vmem>>[vector<16xi32>], vector<16xf32>,
        %add3A_1478 = arith.constant 512 : i32
        %add3A_1479 = vector.broadcast %add3A_1478 : i32 to vector<16xi32>
        %add3A_1480 = arith.addi %broadcast_in_dim3A_1430, %add3A_1479 : vector<16xi32>
        %gather3A_1481 = tpu.vector_load_idx %arg12[%add3A_1480] : memref<1024xf32, #tpu.memory_space<vmem>>[vector<16xi32>], vector<16xf32>,
        %add3A_1482 = arith.constant 640 : i32
        %add3A_1483 = vector.broadcast %add3A_1482 : i32 to vector<16xi32>
        %add3A_1484 = arith.addi %broadcast_in_dim3A_1430, %add3A_1483 : vector<16xi32>
        %gather3A_1485 = tpu.vector_load_idx %arg12[%add3A_1484] : memref<1024xf32, #tpu.memory_space<vmem>>[vector<16xi32>], vector<16xf32>,
        %add3A_1486 = arith.constant 768 : i32
        %add3A_1487 = vector.broadcast %add3A_1486 : i32 to vector<16xi32>
        %add3A_1488 = arith.addi %broadcast_in_dim3A_1430, %add3A_1487 : vector<16xi32>
        %gather3A_1489 = tpu.vector_load_idx %arg12[%add3A_1488] : memref<1024xf32, #tpu.memory_space<vmem>>[vector<16xi32>], vector<16xf32>,
        %add3A_1490 = arith.constant 896 : i32
        %add3A_1491 = vector.broadcast %add3A_1490 : i32 to vector<16xi32>
        %add3A_1492 = arith.addi %broadcast_in_dim3A_1430, %add3A_1491 : vector<16xi32>
        %gather3A_1493 = tpu.vector_load_idx %arg12[%add3A_1492] : memref<1024xf32, #tpu.memory_space<vmem>>[vector<16xi32>], vector<16xf32>,
        %get3A_1494 = arith.constant 0 : i32
        %get3A_1495 = arith.index_cast %scan3A_1426 : i32 to index
        %get3A_1496 = arith.index_cast %get3A_1494 : i32 to index
        %get3A_1497 = arith.constant 0 : index
        %get3A_1498 = tpu.vector_load %arg7[%get3A_1495, %get3A_1496, %get3A_1497] {strides = array<i32>} : memref<32x8x128xf32, #tpu.memory_space<vmem>>, vector<16xf32>,
        %get3A_1499 = arith.constant 1 : i32
        %get3A_1500 = arith.index_cast %scan3A_1426 : i32 to index
        %get3A_1501 = arith.index_cast %get3A_1499 : i32 to index
        %get3A_1502 = arith.constant 0 : index
        %get3A_1503 = tpu.vector_load %arg7[%get3A_1500, %get3A_1501, %get3A_1502] {strides = array<i32>} : memref<32x8x128xf32, #tpu.memory_space<vmem>>, vector<16xf32>,
        %add3A_1504 = arith.addf %get3A_1498, %get3A_1503 : vector<16xf32>
        %get3A_1505 = arith.constant 2 : i32
        %get3A_1506 = arith.index_cast %scan3A_1426 : i32 to index
        %get3A_1507 = arith.index_cast %get3A_1505 : i32 to index
        %get3A_1508 = arith.constant 0 : index
        %get3A_1509 = tpu.vector_load %arg7[%get3A_1506, %get3A_1507, %get3A_1508] {strides = array<i32>} : memref<32x8x128xf32, #tpu.memory_space<vmem>>, vector<16xf32>,
        %add3A_1510 = arith.addf %add3A_1504, %get3A_1509 : vector<16xf32>
        %get3A_1511 = arith.constant 3 : i32
        %get3A_1512 = arith.index_cast %scan3A_1426 : i32 to index
        %get3A_1513 = arith.index_cast %get3A_1511 : i32 to index
        %get3A_1514 = arith.constant 0 : index
        %get3A_1515 = tpu.vector_load %arg7[%get3A_1512, %get3A_1513, %get3A_1514] {strides = array<i32>} : memref<32x8x128xf32, #tpu.memory_space<vmem>>, vector<16xf32>,
        %add3A_1516 = arith.addf %add3A_1510, %get3A_1515 : vector<16xf32>
        %get3A_1517 = arith.constant 4 : i32
        %get3A_1518 = arith.index_cast %scan3A_1426 : i32 to index
        %get3A_1519 = arith.index_cast %get3A_1517 : i32 to index
        %get3A_1520 = arith.constant 0 : index
        %get3A_1521 = tpu.vector_load %arg7[%get3A_1518, %get3A_1519, %get3A_1520] {strides = array<i32>} : memref<32x8x128xf32, #tpu.memory_space<vmem>>, vector<16xf32>,
        %add3A_1522 = arith.addf %add3A_1516, %get3A_1521 : vector<16xf32>
        %get3A_1523 = arith.constant 5 : i32
        %get3A_1524 = arith.index_cast %scan3A_1426 : i32 to index
        %get3A_1525 = arith.index_cast %get3A_1523 : i32 to index
        %get3A_1526 = arith.constant 0 : index
        %get3A_1527 = tpu.vector_load %arg7[%get3A_1524, %get3A_1525, %get3A_1526] {strides = array<i32>} : memref<32x8x128xf32, #tpu.memory_space<vmem>>, vector<16xf32>,
        %add3A_1528 = arith.addf %add3A_1522, %get3A_1527 : vector<16xf32>
        %get3A_1529 = arith.constant 6 : i32
        %get3A_1530 = arith.index_cast %scan3A_1426 : i32 to index
        %get3A_1531 = arith.index_cast %get3A_1529 : i32 to index
        %get3A_1532 = arith.constant 0 : index
        %get3A_1533 = tpu.vector_load %arg7[%get3A_1530, %get3A_1531, %get3A_1532] {strides = array<i32>} : memref<32x8x128xf32, #tpu.memory_space<vmem>>, vector<16xf32>,
        %add3A_1534 = arith.addf %add3A_1528, %get3A_1533 : vector<16xf32>
        %get3A_1535 = arith.constant 7 : i32
        %get3A_1536 = arith.index_cast %scan3A_1426 : i32 to index
        %get3A_1537 = arith.index_cast %get3A_1535 : i32 to index
        %get3A_1538 = arith.constant 0 : index
        %get3A_1539 = tpu.vector_load %arg7[%get3A_1536, %get3A_1537, %get3A_1538] {strides = array<i32>} : memref<32x8x128xf32, #tpu.memory_space<vmem>>, vector<16xf32>,
        %add3A_1540 = arith.addf %add3A_1534, %get3A_1539 : vector<16xf32>
        %eq3A_1541 = arith.cmpf oeq, %add3A_1540, %add3A_1540 : vector<16xf32>
        %mul3A_1542 = arith.mulf %add3A_1540, %gather3A : vector<16xf32>
        %add3A_1543 = arith.addf %mul3A_1542, %gather3A_1465 : vector<16xf32>
        %jit3A_1544 = arith.constant 0.000000e+00 : f32
        %broadcast_in_dim3A_1545 = vector.broadcast %jit3A_1544 : f32 to vector<16xf32>
        %select_n3A_1546 = arith.select %eq3A_1541, %add3A_1543, %broadcast_in_dim3A_1545 : vector<16xi1>, vector<16xf32>
        %swap3A_1547 = arith.constant 0 : i32
        %swap3A_1548 = arith.index_cast %swap3A_1547 : i32 to index
        %swap3A_1549 = arith.constant 0 : index
        %swap3A_1550 = tpu.vector_load %arg13[%swap3A_1548, %swap3A_1549] {strides = array<i32>} : memref<8x128xf32, #tpu.memory_space<vmem>>, vector<16xf32>,
        tpu.vector_store %arg13[%swap3A_1548, %swap3A_1549], %select_n3A_1546 {add = true, strides = array<i32>} : memref<8x128xf32, #tpu.memory_space<vmem>>, vector<16xf32>,
        %mul3A_1551 = arith.mulf %add3A_1540, %gather3A_1437 : vector<16xf32>
        %add3A_1552 = arith.addf %mul3A_1551, %gather3A_1469 : vector<16xf32>
        %jit3A_1553 = arith.constant 0.000000e+00 : f32
        %broadcast_in_dim3A_1554 = vector.broadcast %jit3A_1553 : f32 to vector<16xf32>
        %select_n3A_1555 = arith.select %eq3A_1541, %add3A_1552, %broadcast_in_dim3A_1554 : vector<16xi1>, vector<16xf32>
        %swap3A_1556 = arith.constant 1 : i32
        %swap3A_1557 = arith.index_cast %swap3A_1556 : i32 to index
        %swap3A_1558 = arith.constant 0 : index
        %swap3A_1559 = tpu.vector_load %arg13[%swap3A_1557, %swap3A_1558] {strides = array<i32>} : memref<8x128xf32, #tpu.memory_space<vmem>>, vector<16xf32>,
        tpu.vector_store %arg13[%swap3A_1557, %swap3A_1558], %select_n3A_1555 {add = true, strides = array<i32>} : memref<8x128xf32, #tpu.memory_space<vmem>>, vector<16xf32>,
        %mul3A_1560 = arith.mulf %add3A_1540, %gather3A_1441 : vector<16xf32>
        %add3A_1561 = arith.addf %mul3A_1560, %gather3A_1473 : vector<16xf32>
        %jit3A_1562 = arith.constant 0.000000e+00 : f32
        %broadcast_in_dim3A_1563 = vector.broadcast %jit3A_1562 : f32 to vector<16xf32>
        %select_n3A_1564 = arith.select %eq3A_1541, %add3A_1561, %broadcast_in_dim3A_1563 : vector<16xi1>, vector<16xf32>
        %swap3A_1565 = arith.constant 2 : i32
        %swap3A_1566 = arith.index_cast %swap3A_1565 : i32 to index
        %swap3A_1567 = arith.constant 0 : index
        %swap3A_1568 = tpu.vector_load %arg13[%swap3A_1566, %swap3A_1567] {strides = array<i32>} : memref<8x128xf32, #tpu.memory_space<vmem>>, vector<16xf32>,
        tpu.vector_store %arg13[%swap3A_1566, %swap3A_1567], %select_n3A_1564 {add = true, strides = array<i32>} : memref<8x128xf32, #tpu.memory_space<vmem>>, vector<16xf32>,
        %mul3A_1569 = arith.mulf %add3A_1540, %gather3A_1445 : vector<16xf32>
        %add3A_1570 = arith.addf %mul3A_1569, %gather3A_1477 : vector<16xf32>
        %jit3A_1571 = arith.constant 0.000000e+00 : f32
        %broadcast_in_dim3A_1572 = vector.broadcast %jit3A_1571 : f32 to vector<16xf32>
        %select_n3A_1573 = arith.select %eq3A_1541, %add3A_1570, %broadcast_in_dim3A_1572 : vector<16xi1>, vector<16xf32>
        %swap3A_1574 = arith.constant 3 : i32
        %swap3A_1575 = arith.index_cast %swap3A_1574 : i32 to index
        %swap3A_1576 = arith.constant 0 : index
        %swap3A_1577 = tpu.vector_load %arg13[%swap3A_1575, %swap3A_1576] {strides = array<i32>} : memref<8x128xf32, #tpu.memory_space<vmem>>, vector<16xf32>,
        tpu.vector_store %arg13[%swap3A_1575, %swap3A_1576], %select_n3A_1573 {add = true, strides = array<i32>} : memref<8x128xf32, #tpu.memory_space<vmem>>, vector<16xf32>,
        %mul3A_1578 = arith.mulf %add3A_1540, %gather3A_1449 : vector<16xf32>
        %add3A_1579 = arith.addf %mul3A_1578, %gather3A_1481 : vector<16xf32>
        %jit3A_1580 = arith.constant 0.000000e+00 : f32
        %broadcast_in_dim3A_1581 = vector.broadcast %jit3A_1580 : f32 to vector<16xf32>
        %select_n3A_1582 = arith.select %eq3A_1541, %add3A_1579, %broadcast_in_dim3A_1581 : vector<16xi1>, vector<16xf32>
        %swap3A_1583 = arith.constant 4 : i32
        %swap3A_1584 = arith.index_cast %swap3A_1583 : i32 to index
        %swap3A_1585 = arith.constant 0 : index
        %swap3A_1586 = tpu.vector_load %arg13[%swap3A_1584, %swap3A_1585] {strides = array<i32>} : memref<8x128xf32, #tpu.memory_space<vmem>>, vector<16xf32>,
        tpu.vector_store %arg13[%swap3A_1584, %swap3A_1585], %select_n3A_1582 {add = true, strides = array<i32>} : memref<8x128xf32, #tpu.memory_space<vmem>>, vector<16xf32>,
        %mul3A_1587 = arith.mulf %add3A_1540, %gather3A_1453 : vector<16xf32>
        %add3A_1588 = arith.addf %mul3A_1587, %gather3A_1485 : vector<16xf32>
        %jit3A_1589 = arith.constant 0.000000e+00 : f32
        %broadcast_in_dim3A_1590 = vector.broadcast %jit3A_1589 : f32 to vector<16xf32>
        %select_n3A_1591 = arith.select %eq3A_1541, %add3A_1588, %broadcast_in_dim3A_1590 : vector<16xi1>, vector<16xf32>
        %swap3A_1592 = arith.constant 5 : i32
        %swap3A_1593 = arith.index_cast %swap3A_1592 : i32 to index
        %swap3A_1594 = arith.constant 0 : index
        %swap3A_1595 = tpu.vector_load %arg13[%swap3A_1593, %swap3A_1594] {strides = array<i32>} : memref<8x128xf32, #tpu.memory_space<vmem>>, vector<16xf32>,
        tpu.vector_store %arg13[%swap3A_1593, %swap3A_1594], %select_n3A_1591 {add = true, strides = array<i32>} : memref<8x128xf32, #tpu.memory_space<vmem>>, vector<16xf32>,
        %mul3A_1596 = arith.mulf %add3A_1540, %gather3A_1457 : vector<16xf32>
        %add3A_1597 = arith.addf %mul3A_1596, %gather3A_1489 : vector<16xf32>
        %jit3A_1598 = arith.constant 0.000000e+00 : f32
        %broadcast_in_dim3A_1599 = vector.broadcast %jit3A_1598 : f32 to vector<16xf32>
        %select_n3A_1600 = arith.select %eq3A_1541, %add3A_1597, %broadcast_in_dim3A_1599 : vector<16xi1>, vector<16xf32>
        %swap3A_1601 = arith.constant 6 : i32
        %swap3A_1602 = arith.index_cast %swap3A_1601 : i32 to index
        %swap3A_1603 = arith.constant 0 : index
        %swap3A_1604 = tpu.vector_load %arg13[%swap3A_1602, %swap3A_1603] {strides = array<i32>} : memref<8x128xf32, #tpu.memory_space<vmem>>, vector<16xf32>,
        tpu.vector_store %arg13[%swap3A_1602, %swap3A_1603], %select_n3A_1600 {add = true, strides = array<i32>} : memref<8x128xf32, #tpu.memory_space<vmem>>, vector<16xf32>,
        %mul3A_1605 = arith.mulf %add3A_1540, %gather3A_1461 : vector<16xf32>
        %add3A_1606 = arith.addf %mul3A_1605, %gather3A_1493 : vector<16xf32>
        %jit3A_1607 = arith.constant 0.000000e+00 : f32
        %broadcast_in_dim3A_1608 = vector.broadcast %jit3A_1607 : f32 to vector<16xf32>
        %select_n3A_1609 = arith.select %eq3A_1541, %add3A_1606, %broadcast_in_dim3A_1608 : vector<16xi1>, vector<16xf32>
        %swap3A_1610 = arith.constant 7 : i32
        %swap3A_1611 = arith.index_cast %swap3A_1610 : i32 to index
        %swap3A_1612 = arith.constant 0 : index
        %swap3A_1613 = tpu.vector_load %arg13[%swap3A_1611, %swap3A_1612] {strides = array<i32>} : memref<8x128xf32, #tpu.memory_space<vmem>>, vector<16xf32>,
        tpu.vector_store %arg13[%swap3A_1611, %swap3A_1612], %select_n3A_1609 {add = true, strides = array<i32>} : memref<8x128xf32, #tpu.memory_space<vmem>>, vector<16xf32>,
        %get3A_1614 = arith.constant 0 : i32
        %get3A_1615 = arith.index_cast %scan3A_1426 : i32 to index
        %get3A_1616 = arith.index_cast %get3A_1614 : i32 to index
        %get3A_1617 = arith.constant 16 : index
        %get3A_1618 = tpu.vector_load %arg7[%get3A_1615, %get3A_1616, %get3A_1617] {strides = array<i32>} : memref<32x8x128xf32, #tpu.memory_space<vmem>>, vector<16xf32>,
        %get3A_1619 = arith.constant 1 : i32
        %get3A_1620 = arith.index_cast %scan3A_1426 : i32 to index
        %get3A_1621 = arith.index_cast %get3A_1619 : i32 to index
        %get3A_1622 = arith.constant 16 : index
        %get3A_1623 = tpu.vector_load %arg7[%get3A_1620, %get3A_1621, %get3A_1622] {strides = array<i32>} : memref<32x8x128xf32, #tpu.memory_space<vmem>>, vector<16xf32>,
        %add3A_1624 = arith.addf %get3A_1618, %get3A_1623 : vector<16xf32>
        %get3A_1625 = arith.constant 2 : i32
        %get3A_1626 = arith.index_cast %scan3A_1426 : i32 to index
        %get3A_1627 = arith.index_cast %get3A_1625 : i32 to index
        %get3A_1628 = arith.constant 16 : index
        %get3A_1629 = tpu.vector_load %arg7[%get3A_1626, %get3A_1627, %get3A_1628] {strides = array<i32>} : memref<32x8x128xf32, #tpu.memory_space<vmem>>, vector<16xf32>,
        %add3A_1630 = arith.addf %add3A_1624, %get3A_1629 : vector<16xf32>
        %get3A_1631 = arith.constant 3 : i32
        %get3A_1632 = arith.index_cast %scan3A_1426 : i32 to index
        %get3A_1633 = arith.index_cast %get3A_1631 : i32 to index
        %get3A_1634 = arith.constant 16 : index
        %get3A_1635 = tpu.vector_load %arg7[%get3A_1632, %get3A_1633, %get3A_1634] {strides = array<i32>} : memref<32x8x128xf32, #tpu.memory_space<vmem>>, vector<16xf32>,
        %add3A_1636 = arith.addf %add3A_1630, %get3A_1635 : vector<16xf32>
        %get3A_1637 = arith.constant 4 : i32
        %get3A_1638 = arith.index_cast %scan3A_1426 : i32 to index
        %get3A_1639 = arith.index_cast %get3A_1637 : i32 to index
        %get3A_1640 = arith.constant 16 : index
        %get3A_1641 = tpu.vector_load %arg7[%get3A_1638, %get3A_1639, %get3A_1640] {strides = array<i32>} : memref<32x8x128xf32, #tpu.memory_space<vmem>>, vector<16xf32>,
        %add3A_1642 = arith.addf %add3A_1636, %get3A_1641 : vector<16xf32>
        %get3A_1643 = arith.constant 5 : i32
        %get3A_1644 = arith.index_cast %scan3A_1426 : i32 to index
        %get3A_1645 = arith.index_cast %get3A_1643 : i32 to index
        %get3A_1646 = arith.constant 16 : index
        %get3A_1647 = tpu.vector_load %arg7[%get3A_1644, %get3A_1645, %get3A_1646] {strides = array<i32>} : memref<32x8x128xf32, #tpu.memory_space<vmem>>, vector<16xf32>,
        %add3A_1648 = arith.addf %add3A_1642, %get3A_1647 : vector<16xf32>
        %get3A_1649 = arith.constant 6 : i32
        %get3A_1650 = arith.index_cast %scan3A_1426 : i32 to index
        %get3A_1651 = arith.index_cast %get3A_1649 : i32 to index
        %get3A_1652 = arith.constant 16 : index
        %get3A_1653 = tpu.vector_load %arg7[%get3A_1650, %get3A_1651, %get3A_1652] {strides = array<i32>} : memref<32x8x128xf32, #tpu.memory_space<vmem>>, vector<16xf32>,
        %add3A_1654 = arith.addf %add3A_1648, %get3A_1653 : vector<16xf32>
        %get3A_1655 = arith.constant 7 : i32
        %get3A_1656 = arith.index_cast %scan3A_1426 : i32 to index
        %get3A_1657 = arith.index_cast %get3A_1655 : i32 to index
        %get3A_1658 = arith.constant 16 : index
        %get3A_1659 = tpu.vector_load %arg7[%get3A_1656, %get3A_1657, %get3A_1658] {strides = array<i32>} : memref<32x8x128xf32, #tpu.memory_space<vmem>>, vector<16xf32>,
        %add3A_1660 = arith.addf %add3A_1654, %get3A_1659 : vector<16xf32>
        %eq3A_1661 = arith.cmpf oeq, %add3A_1660, %add3A_1660 : vector<16xf32>
        %mul3A_1662 = arith.mulf %add3A_1660, %gather3A : vector<16xf32>
        %add3A_1663 = arith.addf %mul3A_1662, %gather3A_1465 : vector<16xf32>
        %jit3A_1664 = arith.constant 0.000000e+00 : f32
        %broadcast_in_dim3A_1665 = vector.broadcast %jit3A_1664 : f32 to vector<16xf32>
        %select_n3A_1666 = arith.select %eq3A_1661, %add3A_1663, %broadcast_in_dim3A_1665 : vector<16xi1>, vector<16xf32>
        %swap3A_1667 = arith.constant 0 : i32
        %swap3A_1668 = arith.index_cast %swap3A_1667 : i32 to index
        %swap3A_1669 = arith.constant 16 : index
        %swap3A_1670 = tpu.vector_load %arg13[%swap3A_1668, %swap3A_1669] {strides = array<i32>} : memref<8x128xf32, #tpu.memory_space<vmem>>, vector<16xf32>,
        tpu.vector_store %arg13[%swap3A_1668, %swap3A_1669], %select_n3A_1666 {add = true, strides = array<i32>} : memref<8x128xf32, #tpu.memory_space<vmem>>, vector<16xf32>,
        %mul3A_1671 = arith.mulf %add3A_1660, %gather3A_1437 : vector<16xf32>
        %add3A_1672 = arith.addf %mul3A_1671, %gather3A_1469 : vector<16xf32>
        %jit3A_1673 = arith.constant 0.000000e+00 : f32
        %broadcast_in_dim3A_1674 = vector.broadcast %jit3A_1673 : f32 to vector<16xf32>
        %select_n3A_1675 = arith.select %eq3A_1661, %add3A_1672, %broadcast_in_dim3A_1674 : vector<16xi1>, vector<16xf32>
        %swap3A_1676 = arith.constant 1 : i32
        %swap3A_1677 = arith.index_cast %swap3A_1676 : i32 to index
        %swap3A_1678 = arith.constant 16 : index
        %swap3A_1679 = tpu.vector_load %arg13[%swap3A_1677, %swap3A_1678] {strides = array<i32>} : memref<8x128xf32, #tpu.memory_space<vmem>>, vector<16xf32>,
        tpu.vector_store %arg13[%swap3A_1677, %swap3A_1678], %select_n3A_1675 {add = true, strides = array<i32>} : memref<8x128xf32, #tpu.memory_space<vmem>>, vector<16xf32>,
        %mul3A_1680 = arith.mulf %add3A_1660, %gather3A_1441 : vector<16xf32>
        %add3A_1681 = arith.addf %mul3A_1680, %gather3A_1473 : vector<16xf32>
        %jit3A_1682 = arith.constant 0.000000e+00 : f32
        %broadcast_in_dim3A_1683 = vector.broadcast %jit3A_1682 : f32 to vector<16xf32>
        %select_n3A_1684 = arith.select %eq3A_1661, %add3A_1681, %broadcast_in_dim3A_1683 : vector<16xi1>, vector<16xf32>
        %swap3A_1685 = arith.constant 2 : i32
        %swap3A_1686 = arith.index_cast %swap3A_1685 : i32 to index
        %swap3A_1687 = arith.constant 16 : index
        %swap3A_1688 = tpu.vector_load %arg13[%swap3A_1686, %swap3A_1687] {strides = array<i32>} : memref<8x128xf32, #tpu.memory_space<vmem>>, vector<16xf32>,
        tpu.vector_store %arg13[%swap3A_1686, %swap3A_1687], %select_n3A_1684 {add = true, strides = array<i32>} : memref<8x128xf32, #tpu.memory_space<vmem>>, vector<16xf32>,
        %mul3A_1689 = arith.mulf %add3A_1660, %gather3A_1445 : vector<16xf32>
        %add3A_1690 = arith.addf %mul3A_1689, %gather3A_1477 : vector<16xf32>
        %jit3A_1691 = arith.constant 0.000000e+00 : f32
        %broadcast_in_dim3A_1692 = vector.broadcast %jit3A_1691 : f32 to vector<16xf32>
        %select_n3A_1693 = arith.select %eq3A_1661, %add3A_1690, %broadcast_in_dim3A_1692 : vector<16xi1>, vector<16xf32>
        %swap3A_1694 = arith.constant 3 : i32
        %swap3A_1695 = arith.index_cast %swap3A_1694 : i32 to index
        %swap3A_1696 = arith.constant 16 : index
        %swap3A_1697 = tpu.vector_load %arg13[%swap3A_1695, %swap3A_1696] {strides = array<i32>} : memref<8x128xf32, #tpu.memory_space<vmem>>, vector<16xf32>,
        tpu.vector_store %arg13[%swap3A_1695, %swap3A_1696], %select_n3A_1693 {add = true, strides = array<i32>} : memref<8x128xf32, #tpu.memory_space<vmem>>, vector<16xf32>,
        %mul3A_1698 = arith.mulf %add3A_1660, %gather3A_1449 : vector<16xf32>
        %add3A_1699 = arith.addf %mul3A_1698, %gather3A_1481 : vector<16xf32>
        %jit3A_1700 = arith.constant 0.000000e+00 : f32
        %broadcast_in_dim3A_1701 = vector.broadcast %jit3A_1700 : f32 to vector<16xf32>
        %select_n3A_1702 = arith.select %eq3A_1661, %add3A_1699, %broadcast_in_dim3A_1701 : vector<16xi1>, vector<16xf32>
        %swap3A_1703 = arith.constant 4 : i32
        %swap3A_1704 = arith.index_cast %swap3A_1703 : i32 to index
        %swap3A_1705 = arith.constant 16 : index
        %swap3A_1706 = tpu.vector_load %arg13[%swap3A_1704, %swap3A_1705] {strides = array<i32>} : memref<8x128xf32, #tpu.memory_space<vmem>>, vector<16xf32>,
        tpu.vector_store %arg13[%swap3A_1704, %swap3A_1705], %select_n3A_1702 {add = true, strides = array<i32>} : memref<8x128xf32, #tpu.memory_space<vmem>>, vector<16xf32>,
        %mul3A_1707 = arith.mulf %add3A_1660, %gather3A_1453 : vector<16xf32>
        %add3A_1708 = arith.addf %mul3A_1707, %gather3A_1485 : vector<16xf32>
        %jit3A_1709 = arith.constant 0.000000e+00 : f32
        %broadcast_in_dim3A_1710 = vector.broadcast %jit3A_1709 : f32 to vector<16xf32>
        %select_n3A_1711 = arith.select %eq3A_1661, %add3A_1708, %broadcast_in_dim3A_1710 : vector<16xi1>, vector<16xf32>
        %swap3A_1712 = arith.constant 5 : i32
        %swap3A_1713 = arith.index_cast %swap3A_1712 : i32 to index
        %swap3A_1714 = arith.constant 16 : index
        %swap3A_1715 = tpu.vector_load %arg13[%swap3A_1713, %swap3A_1714] {strides = array<i32>} : memref<8x128xf32, #tpu.memory_space<vmem>>, vector<16xf32>,
        tpu.vector_store %arg13[%swap3A_1713, %swap3A_1714], %select_n3A_1711 {add = true, strides = array<i32>} : memref<8x128xf32, #tpu.memory_space<vmem>>, vector<16xf32>,
        %mul3A_1716 = arith.mulf %add3A_1660, %gather3A_1457 : vector<16xf32>
        %add3A_1717 = arith.addf %mul3A_1716, %gather3A_1489 : vector<16xf32>
        %jit3A_1718 = arith.constant 0.000000e+00 : f32
        %broadcast_in_dim3A_1719 = vector.broadcast %jit3A_1718 : f32 to vector<16xf32>
        %select_n3A_1720 = arith.select %eq3A_1661, %add3A_1717, %broadcast_in_dim3A_1719 : vector<16xi1>, vector<16xf32>
        %swap3A_1721 = arith.constant 6 : i32
        %swap3A_1722 = arith.index_cast %swap3A_1721 : i32 to index
        %swap3A_1723 = arith.constant 16 : index
        %swap3A_1724 = tpu.vector_load %arg13[%swap3A_1722, %swap3A_1723] {strides = array<i32>} : memref<8x128xf32, #tpu.memory_space<vmem>>, vector<16xf32>,
        tpu.vector_store %arg13[%swap3A_1722, %swap3A_1723], %select_n3A_1720 {add = true, strides = array<i32>} : memref<8x128xf32, #tpu.memory_space<vmem>>, vector<16xf32>,
        %mul3A_1725 = arith.mulf %add3A_1660, %gather3A_1461 : vector<16xf32>
        %add3A_1726 = arith.addf %mul3A_1725, %gather3A_1493 : vector<16xf32>
        %jit3A_1727 = arith.constant 0.000000e+00 : f32
        %broadcast_in_dim3A_1728 = vector.broadcast %jit3A_1727 : f32 to vector<16xf32>
        %select_n3A_1729 = arith.select %eq3A_1661, %add3A_1726, %broadcast_in_dim3A_1728 : vector<16xi1>, vector<16xf32>
        %swap3A_1730 = arith.constant 7 : i32
        %swap3A_1731 = arith.index_cast %swap3A_1730 : i32 to index
        %swap3A_1732 = arith.constant 16 : index
        %swap3A_1733 = tpu.vector_load %arg13[%swap3A_1731, %swap3A_1732] {strides = array<i32>} : memref<8x128xf32, #tpu.memory_space<vmem>>, vector<16xf32>,
        tpu.vector_store %arg13[%swap3A_1731, %swap3A_1732], %select_n3A_1729 {add = true, strides = array<i32>} : memref<8x128xf32, #tpu.memory_space<vmem>>, vector<16xf32>,
        %get3A_1734 = arith.constant 0 : i32
        %get3A_1735 = arith.index_cast %scan3A_1426 : i32 to index
        %get3A_1736 = arith.index_cast %get3A_1734 : i32 to index
        %get3A_1737 = arith.constant 32 : index
        %get3A_1738 = tpu.vector_load %arg7[%get3A_1735, %get3A_1736, %get3A_1737] {strides = array<i32>} : memref<32x8x128xf32, #tpu.memory_space<vmem>>, vector<16xf32>,
        %get3A_1739 = arith.constant 1 : i32
        %get3A_1740 = arith.index_cast %scan3A_1426 : i32 to index
        %get3A_1741 = arith.index_cast %get3A_1739 : i32 to index
        %get3A_1742 = arith.constant 32 : index
        %get3A_1743 = tpu.vector_load %arg7[%get3A_1740, %get3A_1741, %get3A_1742] {strides = array<i32>} : memref<32x8x128xf32, #tpu.memory_space<vmem>>, vector<16xf32>,
        %add3A_1744 = arith.addf %get3A_1738, %get3A_1743 : vector<16xf32>
        %get3A_1745 = arith.constant 2 : i32
        %get3A_1746 = arith.index_cast %scan3A_1426 : i32 to index
        %get3A_1747 = arith.index_cast %get3A_1745 : i32 to index
        %get3A_1748 = arith.constant 32 : index
        %get3A_1749 = tpu.vector_load %arg7[%get3A_1746, %get3A_1747, %get3A_1748] {strides = array<i32>} : memref<32x8x128xf32, #tpu.memory_space<vmem>>, vector<16xf32>,
        %add3A_1750 = arith.addf %add3A_1744, %get3A_1749 : vector<16xf32>
        %get3A_1751 = arith.constant 3 : i32
        %get3A_1752 = arith.index_cast %scan3A_1426 : i32 to index
        %get3A_1753 = arith.index_cast %get3A_1751 : i32 to index
        %get3A_1754 = arith.constant 32 : index
        %get3A_1755 = tpu.vector_load %arg7[%get3A_1752, %get3A_1753, %get3A_1754] {strides = array<i32>} : memref<32x8x128xf32, #tpu.memory_space<vmem>>, vector<16xf32>,
        %add3A_1756 = arith.addf %add3A_1750, %get3A_1755 : vector<16xf32>
        %get3A_1757 = arith.constant 4 : i32
        %get3A_1758 = arith.index_cast %scan3A_1426 : i32 to index
        %get3A_1759 = arith.index_cast %get3A_1757 : i32 to index
        %get3A_1760 = arith.constant 32 : index
        %get3A_1761 = tpu.vector_load %arg7[%get3A_1758, %get3A_1759, %get3A_1760] {strides = array<i32>} : memref<32x8x128xf32, #tpu.memory_space<vmem>>, vector<16xf32>,
        %add3A_1762 = arith.addf %add3A_1756, %get3A_1761 : vector<16xf32>
        %get3A_1763 = arith.constant 5 : i32
        %get3A_1764 = arith.index_cast %scan3A_1426 : i32 to index
        %get3A_1765 = arith.index_cast %get3A_1763 : i32 to index
        %get3A_1766 = arith.constant 32 : index
        %get3A_1767 = tpu.vector_load %arg7[%get3A_1764, %get3A_1765, %get3A_1766] {strides = array<i32>} : memref<32x8x128xf32, #tpu.memory_space<vmem>>, vector<16xf32>,
        %add3A_1768 = arith.addf %add3A_1762, %get3A_1767 : vector<16xf32>
        %get3A_1769 = arith.constant 6 : i32
        %get3A_1770 = arith.index_cast %scan3A_1426 : i32 to index
        %get3A_1771 = arith.index_cast %get3A_1769 : i32 to index
        %get3A_1772 = arith.constant 32 : index
        %get3A_1773 = tpu.vector_load %arg7[%get3A_1770, %get3A_1771, %get3A_1772] {strides = array<i32>} : memref<32x8x128xf32, #tpu.memory_space<vmem>>, vector<16xf32>,
        %add3A_1774 = arith.addf %add3A_1768, %get3A_1773 : vector<16xf32>
        %get3A_1775 = arith.constant 7 : i32
        %get3A_1776 = arith.index_cast %scan3A_1426 : i32 to index
        %get3A_1777 = arith.index_cast %get3A_1775 : i32 to index
        %get3A_1778 = arith.constant 32 : index
        %get3A_1779 = tpu.vector_load %arg7[%get3A_1776, %get3A_1777, %get3A_1778] {strides = array<i32>} : memref<32x8x128xf32, #tpu.memory_space<vmem>>, vector<16xf32>,
        %add3A_1780 = arith.addf %add3A_1774, %get3A_1779 : vector<16xf32>
        %eq3A_1781 = arith.cmpf oeq, %add3A_1780, %add3A_1780 : vector<16xf32>
        %mul3A_1782 = arith.mulf %add3A_1780, %gather3A : vector<16xf32>
        %add3A_1783 = arith.addf %mul3A_1782, %gather3A_1465 : vector<16xf32>
        %jit3A_1784 = arith.constant 0.000000e+00 : f32
        %broadcast_in_dim3A_1785 = vector.broadcast %jit3A_1784 : f32 to vector<16xf32>
        %select_n3A_1786 = arith.select %eq3A_1781, %add3A_1783, %broadcast_in_dim3A_1785 : vector<16xi1>, vector<16xf32>
        %swap3A_1787 = arith.constant 0 : i32
        %swap3A_1788 = arith.index_cast %swap3A_1787 : i32 to index
        %swap3A_1789 = arith.constant 32 : index
        %swap3A_1790 = tpu.vector_load %arg13[%swap3A_1788, %swap3A_1789] {strides = array<i32>} : memref<8x128xf32, #tpu.memory_space<vmem>>, vector<16xf32>,
        tpu.vector_store %arg13[%swap3A_1788, %swap3A_1789], %select_n3A_1786 {add = true, strides = array<i32>} : memref<8x128xf32, #tpu.memory_space<vmem>>, vector<16xf32>,
        %mul3A_1791 = arith.mulf %add3A_1780, %gather3A_1437 : vector<16xf32>
        %add3A_1792 = arith.addf %mul3A_1791, %gather3A_1469 : vector<16xf32>
        %jit3A_1793 = arith.constant 0.000000e+00 : f32
        %broadcast_in_dim3A_1794 = vector.broadcast %jit3A_1793 : f32 to vector<16xf32>
        %select_n3A_1795 = arith.select %eq3A_1781, %add3A_1792, %broadcast_in_dim3A_1794 : vector<16xi1>, vector<16xf32>
        %swap3A_1796 = arith.constant 1 : i32
        %swap3A_1797 = arith.index_cast %swap3A_1796 : i32 to index
        %swap3A_1798 = arith.constant 32 : index
        %swap3A_1799 = tpu.vector_load %arg13[%swap3A_1797, %swap3A_1798] {strides = array<i32>} : memref<8x128xf32, #tpu.memory_space<vmem>>, vector<16xf32>,
        tpu.vector_store %arg13[%swap3A_1797, %swap3A_1798], %select_n3A_1795 {add = true, strides = array<i32>} : memref<8x128xf32, #tpu.memory_space<vmem>>, vector<16xf32>,
        %mul3A_1800 = arith.mulf %add3A_1780, %gather3A_1441 : vector<16xf32>
        %add3A_1801 = arith.addf %mul3A_1800, %gather3A_1473 : vector<16xf32>
        %jit3A_1802 = arith.constant 0.000000e+00 : f32
        %broadcast_in_dim3A_1803 = vector.broadcast %jit3A_1802 : f32 to vector<16xf32>
        %select_n3A_1804 = arith.select %eq3A_1781, %add3A_1801, %broadcast_in_dim3A_1803 : vector<16xi1>, vector<16xf32>
        %swap3A_1805 = arith.constant 2 : i32
        %swap3A_1806 = arith.index_cast %swap3A_1805 : i32 to index
        %swap3A_1807 = arith.constant 32 : index
        %swap3A_1808 = tpu.vector_load %arg13[%swap3A_1806, %swap3A_1807] {strides = array<i32>} : memref<8x128xf32, #tpu.memory_space<vmem>>, vector<16xf32>,
        tpu.vector_store %arg13[%swap3A_1806, %swap3A_1807], %select_n3A_1804 {add = true, strides = array<i32>} : memref<8x128xf32, #tpu.memory_space<vmem>>, vector<16xf32>,
        %mul3A_1809 = arith.mulf %add3A_1780, %gather3A_1445 : vector<16xf32>
        %add3A_1810 = arith.addf %mul3A_1809, %gather3A_1477 : vector<16xf32>
        %jit3A_1811 = arith.constant 0.000000e+00 : f32
        %broadcast_in_dim3A_1812 = vector.broadcast %jit3A_1811 : f32 to vector<16xf32>
        %select_n3A_1813 = arith.select %eq3A_1781, %add3A_1810, %broadcast_in_dim3A_1812 : vector<16xi1>, vector<16xf32>
        %swap3A_1814 = arith.constant 3 : i32
        %swap3A_1815 = arith.index_cast %swap3A_1814 : i32 to index
        %swap3A_1816 = arith.constant 32 : index
        %swap3A_1817 = tpu.vector_load %arg13[%swap3A_1815, %swap3A_1816] {strides = array<i32>} : memref<8x128xf32, #tpu.memory_space<vmem>>, vector<16xf32>,
        tpu.vector_store %arg13[%swap3A_1815, %swap3A_1816], %select_n3A_1813 {add = true, strides = array<i32>} : memref<8x128xf32, #tpu.memory_space<vmem>>, vector<16xf32>,
        %mul3A_1818 = arith.mulf %add3A_1780, %gather3A_1449 : vector<16xf32>
        %add3A_1819 = arith.addf %mul3A_1818, %gather3A_1481 : vector<16xf32>
        %jit3A_1820 = arith.constant 0.000000e+00 : f32
        %broadcast_in_dim3A_1821 = vector.broadcast %jit3A_1820 : f32 to vector<16xf32>
        %select_n3A_1822 = arith.select %eq3A_1781, %add3A_1819, %broadcast_in_dim3A_1821 : vector<16xi1>, vector<16xf32>
        %swap3A_1823 = arith.constant 4 : i32
        %swap3A_1824 = arith.index_cast %swap3A_1823 : i32 to index
        %swap3A_1825 = arith.constant 32 : index
        %swap3A_1826 = tpu.vector_load %arg13[%swap3A_1824, %swap3A_1825] {strides = array<i32>} : memref<8x128xf32, #tpu.memory_space<vmem>>, vector<16xf32>,
        tpu.vector_store %arg13[%swap3A_1824, %swap3A_1825], %select_n3A_1822 {add = true, strides = array<i32>} : memref<8x128xf32, #tpu.memory_space<vmem>>, vector<16xf32>,
        %mul3A_1827 = arith.mulf %add3A_1780, %gather3A_1453 : vector<16xf32>
        %add3A_1828 = arith.addf %mul3A_1827, %gather3A_1485 : vector<16xf32>
        %jit3A_1829 = arith.constant 0.000000e+00 : f32
        %broadcast_in_dim3A_1830 = vector.broadcast %jit3A_1829 : f32 to vector<16xf32>
        %select_n3A_1831 = arith.select %eq3A_1781, %add3A_1828, %broadcast_in_dim3A_1830 : vector<16xi1>, vector<16xf32>
        %swap3A_1832 = arith.constant 5 : i32
        %swap3A_1833 = arith.index_cast %swap3A_1832 : i32 to index
        %swap3A_1834 = arith.constant 32 : index
        %swap3A_1835 = tpu.vector_load %arg13[%swap3A_1833, %swap3A_1834] {strides = array<i32>} : memref<8x128xf32, #tpu.memory_space<vmem>>, vector<16xf32>,
        tpu.vector_store %arg13[%swap3A_1833, %swap3A_1834], %select_n3A_1831 {add = true, strides = array<i32>} : memref<8x128xf32, #tpu.memory_space<vmem>>, vector<16xf32>,
        %mul3A_1836 = arith.mulf %add3A_1780, %gather3A_1457 : vector<16xf32>
        %add3A_1837 = arith.addf %mul3A_1836, %gather3A_1489 : vector<16xf32>
        %jit3A_1838 = arith.constant 0.000000e+00 : f32
        %broadcast_in_dim3A_1839 = vector.broadcast %jit3A_1838 : f32 to vector<16xf32>
        %select_n3A_1840 = arith.select %eq3A_1781, %add3A_1837, %broadcast_in_dim3A_1839 : vector<16xi1>, vector<16xf32>
        %swap3A_1841 = arith.constant 6 : i32
        %swap3A_1842 = arith.index_cast %swap3A_1841 : i32 to index
        %swap3A_1843 = arith.constant 32 : index
        %swap3A_1844 = tpu.vector_load %arg13[%swap3A_1842, %swap3A_1843] {strides = array<i32>} : memref<8x128xf32, #tpu.memory_space<vmem>>, vector<16xf32>,
        tpu.vector_store %arg13[%swap3A_1842, %swap3A_1843], %select_n3A_1840 {add = true, strides = array<i32>} : memref<8x128xf32, #tpu.memory_space<vmem>>, vector<16xf32>,
        %mul3A_1845 = arith.mulf %add3A_1780, %gather3A_1461 : vector<16xf32>
        %add3A_1846 = arith.addf %mul3A_1845, %gather3A_1493 : vector<16xf32>
        %jit3A_1847 = arith.constant 0.000000e+00 : f32
        %broadcast_in_dim3A_1848 = vector.broadcast %jit3A_1847 : f32 to vector<16xf32>
        %select_n3A_1849 = arith.select %eq3A_1781, %add3A_1846, %broadcast_in_dim3A_1848 : vector<16xi1>, vector<16xf32>
        %swap3A_1850 = arith.constant 7 : i32
        %swap3A_1851 = arith.index_cast %swap3A_1850 : i32 to index
        %swap3A_1852 = arith.constant 32 : index
        %swap3A_1853 = tpu.vector_load %arg13[%swap3A_1851, %swap3A_1852] {strides = array<i32>} : memref<8x128xf32, #tpu.memory_space<vmem>>, vector<16xf32>,
        tpu.vector_store %arg13[%swap3A_1851, %swap3A_1852], %select_n3A_1849 {add = true, strides = array<i32>} : memref<8x128xf32, #tpu.memory_space<vmem>>, vector<16xf32>,
        %get3A_1854 = arith.constant 0 : i32
        %get3A_1855 = arith.index_cast %scan3A_1426 : i32 to index
        %get3A_1856 = arith.index_cast %get3A_1854 : i32 to index
        %get3A_1857 = arith.constant 48 : index
        %get3A_1858 = tpu.vector_load %arg7[%get3A_1855, %get3A_1856, %get3A_1857] {strides = array<i32>} : memref<32x8x128xf32, #tpu.memory_space<vmem>>, vector<16xf32>,
        %get3A_1859 = arith.constant 1 : i32
        %get3A_1860 = arith.index_cast %scan3A_1426 : i32 to index
        %get3A_1861 = arith.index_cast %get3A_1859 : i32 to index
        %get3A_1862 = arith.constant 48 : index
        %get3A_1863 = tpu.vector_load %arg7[%get3A_1860, %get3A_1861, %get3A_1862] {strides = array<i32>} : memref<32x8x128xf32, #tpu.memory_space<vmem>>, vector<16xf32>,
        %add3A_1864 = arith.addf %get3A_1858, %get3A_1863 : vector<16xf32>
        %get3A_1865 = arith.constant 2 : i32
        %get3A_1866 = arith.index_cast %scan3A_1426 : i32 to index
        %get3A_1867 = arith.index_cast %get3A_1865 : i32 to index
        %get3A_1868 = arith.constant 48 : index
        %get3A_1869 = tpu.vector_load %arg7[%get3A_1866, %get3A_1867, %get3A_1868] {strides = array<i32>} : memref<32x8x128xf32, #tpu.memory_space<vmem>>, vector<16xf32>,
        %add3A_1870 = arith.addf %add3A_1864, %get3A_1869 : vector<16xf32>
        %get3A_1871 = arith.constant 3 : i32
        %get3A_1872 = arith.index_cast %scan3A_1426 : i32 to index
        %get3A_1873 = arith.index_cast %get3A_1871 : i32 to index
        %get3A_1874 = arith.constant 48 : index
        %get3A_1875 = tpu.vector_load %arg7[%get3A_1872, %get3A_1873, %get3A_1874] {strides = array<i32>} : memref<32x8x128xf32, #tpu.memory_space<vmem>>, vector<16xf32>,
        %add3A_1876 = arith.addf %add3A_1870, %get3A_1875 : vector<16xf32>
        %get3A_1877 = arith.constant 4 : i32
        %get3A_1878 = arith.index_cast %scan3A_1426 : i32 to index
        %get3A_1879 = arith.index_cast %get3A_1877 : i32 to index
        %get3A_1880 = arith.constant 48 : index
        %get3A_1881 = tpu.vector_load %arg7[%get3A_1878, %get3A_1879, %get3A_1880] {strides = array<i32>} : memref<32x8x128xf32, #tpu.memory_space<vmem>>, vector<16xf32>,
        %add3A_1882 = arith.addf %add3A_1876, %get3A_1881 : vector<16xf32>
        %get3A_1883 = arith.constant 5 : i32
        %get3A_1884 = arith.index_cast %scan3A_1426 : i32 to index
        %get3A_1885 = arith.index_cast %get3A_1883 : i32 to index
        %get3A_1886 = arith.constant 48 : index
        %get3A_1887 = tpu.vector_load %arg7[%get3A_1884, %get3A_1885, %get3A_1886] {strides = array<i32>} : memref<32x8x128xf32, #tpu.memory_space<vmem>>, vector<16xf32>,
        %add3A_1888 = arith.addf %add3A_1882, %get3A_1887 : vector<16xf32>
        %get3A_1889 = arith.constant 6 : i32
        %get3A_1890 = arith.index_cast %scan3A_1426 : i32 to index
        %get3A_1891 = arith.index_cast %get3A_1889 : i32 to index
        %get3A_1892 = arith.constant 48 : index
        %get3A_1893 = tpu.vector_load %arg7[%get3A_1890, %get3A_1891, %get3A_1892] {strides = array<i32>} : memref<32x8x128xf32, #tpu.memory_space<vmem>>, vector<16xf32>,
        %add3A_1894 = arith.addf %add3A_1888, %get3A_1893 : vector<16xf32>
        %get3A_1895 = arith.constant 7 : i32
        %get3A_1896 = arith.index_cast %scan3A_1426 : i32 to index
        %get3A_1897 = arith.index_cast %get3A_1895 : i32 to index
        %get3A_1898 = arith.constant 48 : index
        %get3A_1899 = tpu.vector_load %arg7[%get3A_1896, %get3A_1897, %get3A_1898] {strides = array<i32>} : memref<32x8x128xf32, #tpu.memory_space<vmem>>, vector<16xf32>,
        %add3A_1900 = arith.addf %add3A_1894, %get3A_1899 : vector<16xf32>
        %eq3A_1901 = arith.cmpf oeq, %add3A_1900, %add3A_1900 : vector<16xf32>
        %mul3A_1902 = arith.mulf %add3A_1900, %gather3A : vector<16xf32>
        %add3A_1903 = arith.addf %mul3A_1902, %gather3A_1465 : vector<16xf32>
        %jit3A_1904 = arith.constant 0.000000e+00 : f32
        %broadcast_in_dim3A_1905 = vector.broadcast %jit3A_1904 : f32 to vector<16xf32>
        %select_n3A_1906 = arith.select %eq3A_1901, %add3A_1903, %broadcast_in_dim3A_1905 : vector<16xi1>, vector<16xf32>
        %swap3A_1907 = arith.constant 0 : i32
        %swap3A_1908 = arith.index_cast %swap3A_1907 : i32 to index
        %swap3A_1909 = arith.constant 48 : index
        %swap3A_1910 = tpu.vector_load %arg13[%swap3A_1908, %swap3A_1909] {strides = array<i32>} : memref<8x128xf32, #tpu.memory_space<vmem>>, vector<16xf32>,
        tpu.vector_store %arg13[%swap3A_1908, %swap3A_1909], %select_n3A_1906 {add = true, strides = array<i32>} : memref<8x128xf32, #tpu.memory_space<vmem>>, vector<16xf32>,
        %mul3A_1911 = arith.mulf %add3A_1900, %gather3A_1437 : vector<16xf32>
        %add3A_1912 = arith.addf %mul3A_1911, %gather3A_1469 : vector<16xf32>
        %jit3A_1913 = arith.constant 0.000000e+00 : f32
        %broadcast_in_dim3A_1914 = vector.broadcast %jit3A_1913 : f32 to vector<16xf32>
        %select_n3A_1915 = arith.select %eq3A_1901, %add3A_1912, %broadcast_in_dim3A_1914 : vector<16xi1>, vector<16xf32>
        %swap3A_1916 = arith.constant 1 : i32
        %swap3A_1917 = arith.index_cast %swap3A_1916 : i32 to index
        %swap3A_1918 = arith.constant 48 : index
        %swap3A_1919 = tpu.vector_load %arg13[%swap3A_1917, %swap3A_1918] {strides = array<i32>} : memref<8x128xf32, #tpu.memory_space<vmem>>, vector<16xf32>,
        tpu.vector_store %arg13[%swap3A_1917, %swap3A_1918], %select_n3A_1915 {add = true, strides = array<i32>} : memref<8x128xf32, #tpu.memory_space<vmem>>, vector<16xf32>,
        %mul3A_1920 = arith.mulf %add3A_1900, %gather3A_1441 : vector<16xf32>
        %add3A_1921 = arith.addf %mul3A_1920, %gather3A_1473 : vector<16xf32>
        %jit3A_1922 = arith.constant 0.000000e+00 : f32
        %broadcast_in_dim3A_1923 = vector.broadcast %jit3A_1922 : f32 to vector<16xf32>
        %select_n3A_1924 = arith.select %eq3A_1901, %add3A_1921, %broadcast_in_dim3A_1923 : vector<16xi1>, vector<16xf32>
        %swap3A_1925 = arith.constant 2 : i32
        %swap3A_1926 = arith.index_cast %swap3A_1925 : i32 to index
        %swap3A_1927 = arith.constant 48 : index
        %swap3A_1928 = tpu.vector_load %arg13[%swap3A_1926, %swap3A_1927] {strides = array<i32>} : memref<8x128xf32, #tpu.memory_space<vmem>>, vector<16xf32>,
        tpu.vector_store %arg13[%swap3A_1926, %swap3A_1927], %select_n3A_1924 {add = true, strides = array<i32>} : memref<8x128xf32, #tpu.memory_space<vmem>>, vector<16xf32>,
        %mul3A_1929 = arith.mulf %add3A_1900, %gather3A_1445 : vector<16xf32>
        %add3A_1930 = arith.addf %mul3A_1929, %gather3A_1477 : vector<16xf32>
        %jit3A_1931 = arith.constant 0.000000e+00 : f32
        %broadcast_in_dim3A_1932 = vector.broadcast %jit3A_1931 : f32 to vector<16xf32>
        %select_n3A_1933 = arith.select %eq3A_1901, %add3A_1930, %broadcast_in_dim3A_1932 : vector<16xi1>, vector<16xf32>
        %swap3A_1934 = arith.constant 3 : i32
        %swap3A_1935 = arith.index_cast %swap3A_1934 : i32 to index
        %swap3A_1936 = arith.constant 48 : index
        %swap3A_1937 = tpu.vector_load %arg13[%swap3A_1935, %swap3A_1936] {strides = array<i32>} : memref<8x128xf32, #tpu.memory_space<vmem>>, vector<16xf32>,
        tpu.vector_store %arg13[%swap3A_1935, %swap3A_1936], %select_n3A_1933 {add = true, strides = array<i32>} : memref<8x128xf32, #tpu.memory_space<vmem>>, vector<16xf32>,
        %mul3A_1938 = arith.mulf %add3A_1900, %gather3A_1449 : vector<16xf32>
        %add3A_1939 = arith.addf %mul3A_1938, %gather3A_1481 : vector<16xf32>
        %jit3A_1940 = arith.constant 0.000000e+00 : f32
        %broadcast_in_dim3A_1941 = vector.broadcast %jit3A_1940 : f32 to vector<16xf32>
        %select_n3A_1942 = arith.select %eq3A_1901, %add3A_1939, %broadcast_in_dim3A_1941 : vector<16xi1>, vector<16xf32>
        %swap3A_1943 = arith.constant 4 : i32
        %swap3A_1944 = arith.index_cast %swap3A_1943 : i32 to index
        %swap3A_1945 = arith.constant 48 : index
        %swap3A_1946 = tpu.vector_load %arg13[%swap3A_1944, %swap3A_1945] {strides = array<i32>} : memref<8x128xf32, #tpu.memory_space<vmem>>, vector<16xf32>,
        tpu.vector_store %arg13[%swap3A_1944, %swap3A_1945], %select_n3A_1942 {add = true, strides = array<i32>} : memref<8x128xf32, #tpu.memory_space<vmem>>, vector<16xf32>,
        %mul3A_1947 = arith.mulf %add3A_1900, %gather3A_1453 : vector<16xf32>
        %add3A_1948 = arith.addf %mul3A_1947, %gather3A_1485 : vector<16xf32>
        %jit3A_1949 = arith.constant 0.000000e+00 : f32
        %broadcast_in_dim3A_1950 = vector.broadcast %jit3A_1949 : f32 to vector<16xf32>
        %select_n3A_1951 = arith.select %eq3A_1901, %add3A_1948, %broadcast_in_dim3A_1950 : vector<16xi1>, vector<16xf32>
        %swap3A_1952 = arith.constant 5 : i32
        %swap3A_1953 = arith.index_cast %swap3A_1952 : i32 to index
        %swap3A_1954 = arith.constant 48 : index
        %swap3A_1955 = tpu.vector_load %arg13[%swap3A_1953, %swap3A_1954] {strides = array<i32>} : memref<8x128xf32, #tpu.memory_space<vmem>>, vector<16xf32>,
        tpu.vector_store %arg13[%swap3A_1953, %swap3A_1954], %select_n3A_1951 {add = true, strides = array<i32>} : memref<8x128xf32, #tpu.memory_space<vmem>>, vector<16xf32>,
        %mul3A_1956 = arith.mulf %add3A_1900, %gather3A_1457 : vector<16xf32>
        %add3A_1957 = arith.addf %mul3A_1956, %gather3A_1489 : vector<16xf32>
        %jit3A_1958 = arith.constant 0.000000e+00 : f32
        %broadcast_in_dim3A_1959 = vector.broadcast %jit3A_1958 : f32 to vector<16xf32>
        %select_n3A_1960 = arith.select %eq3A_1901, %add3A_1957, %broadcast_in_dim3A_1959 : vector<16xi1>, vector<16xf32>
        %swap3A_1961 = arith.constant 6 : i32
        %swap3A_1962 = arith.index_cast %swap3A_1961 : i32 to index
        %swap3A_1963 = arith.constant 48 : index
        %swap3A_1964 = tpu.vector_load %arg13[%swap3A_1962, %swap3A_1963] {strides = array<i32>} : memref<8x128xf32, #tpu.memory_space<vmem>>, vector<16xf32>,
        tpu.vector_store %arg13[%swap3A_1962, %swap3A_1963], %select_n3A_1960 {add = true, strides = array<i32>} : memref<8x128xf32, #tpu.memory_space<vmem>>, vector<16xf32>,
        %mul3A_1965 = arith.mulf %add3A_1900, %gather3A_1461 : vector<16xf32>
        %add3A_1966 = arith.addf %mul3A_1965, %gather3A_1493 : vector<16xf32>
        %jit3A_1967 = arith.constant 0.000000e+00 : f32
        %broadcast_in_dim3A_1968 = vector.broadcast %jit3A_1967 : f32 to vector<16xf32>
        %select_n3A_1969 = arith.select %eq3A_1901, %add3A_1966, %broadcast_in_dim3A_1968 : vector<16xi1>, vector<16xf32>
        %swap3A_1970 = arith.constant 7 : i32
        %swap3A_1971 = arith.index_cast %swap3A_1970 : i32 to index
        %swap3A_1972 = arith.constant 48 : index
        %swap3A_1973 = tpu.vector_load %arg13[%swap3A_1971, %swap3A_1972] {strides = array<i32>} : memref<8x128xf32, #tpu.memory_space<vmem>>, vector<16xf32>,
        tpu.vector_store %arg13[%swap3A_1971, %swap3A_1972], %select_n3A_1969 {add = true, strides = array<i32>} : memref<8x128xf32, #tpu.memory_space<vmem>>, vector<16xf32>,
        %get3A_1974 = arith.constant 0 : i32
        %get3A_1975 = arith.index_cast %scan3A_1426 : i32 to index
        %get3A_1976 = arith.index_cast %get3A_1974 : i32 to index
        %get3A_1977 = arith.constant 64 : index
        %get3A_1978 = tpu.vector_load %arg7[%get3A_1975, %get3A_1976, %get3A_1977] {strides = array<i32>} : memref<32x8x128xf32, #tpu.memory_space<vmem>>, vector<16xf32>,
        %get3A_1979 = arith.constant 1 : i32
        %get3A_1980 = arith.index_cast %scan3A_1426 : i32 to index
        %get3A_1981 = arith.index_cast %get3A_1979 : i32 to index
        %get3A_1982 = arith.constant 64 : index
        %get3A_1983 = tpu.vector_load %arg7[%get3A_1980, %get3A_1981, %get3A_1982] {strides = array<i32>} : memref<32x8x128xf32, #tpu.memory_space<vmem>>, vector<16xf32>,
        %add3A_1984 = arith.addf %get3A_1978, %get3A_1983 : vector<16xf32>
        %get3A_1985 = arith.constant 2 : i32
        %get3A_1986 = arith.index_cast %scan3A_1426 : i32 to index
        %get3A_1987 = arith.index_cast %get3A_1985 : i32 to index
        %get3A_1988 = arith.constant 64 : index
        %get3A_1989 = tpu.vector_load %arg7[%get3A_1986, %get3A_1987, %get3A_1988] {strides = array<i32>} : memref<32x8x128xf32, #tpu.memory_space<vmem>>, vector<16xf32>,
        %add3A_1990 = arith.addf %add3A_1984, %get3A_1989 : vector<16xf32>
        %get3A_1991 = arith.constant 3 : i32
        %get3A_1992 = arith.index_cast %scan3A_1426 : i32 to index
        %get3A_1993 = arith.index_cast %get3A_1991 : i32 to index
        %get3A_1994 = arith.constant 64 : index
        %get3A_1995 = tpu.vector_load %arg7[%get3A_1992, %get3A_1993, %get3A_1994] {strides = array<i32>} : memref<32x8x128xf32, #tpu.memory_space<vmem>>, vector<16xf32>,
        %add3A_1996 = arith.addf %add3A_1990, %get3A_1995 : vector<16xf32>
        %get3A_1997 = arith.constant 4 : i32
        %get3A_1998 = arith.index_cast %scan3A_1426 : i32 to index
        %get3A_1999 = arith.index_cast %get3A_1997 : i32 to index
        %get3A_2000 = arith.constant 64 : index
        %get3A_2001 = tpu.vector_load %arg7[%get3A_1998, %get3A_1999, %get3A_2000] {strides = array<i32>} : memref<32x8x128xf32, #tpu.memory_space<vmem>>, vector<16xf32>,
        %add3A_2002 = arith.addf %add3A_1996, %get3A_2001 : vector<16xf32>
        %get3A_2003 = arith.constant 5 : i32
        %get3A_2004 = arith.index_cast %scan3A_1426 : i32 to index
        %get3A_2005 = arith.index_cast %get3A_2003 : i32 to index
        %get3A_2006 = arith.constant 64 : index
        %get3A_2007 = tpu.vector_load %arg7[%get3A_2004, %get3A_2005, %get3A_2006] {strides = array<i32>} : memref<32x8x128xf32, #tpu.memory_space<vmem>>, vector<16xf32>,
        %add3A_2008 = arith.addf %add3A_2002, %get3A_2007 : vector<16xf32>
        %get3A_2009 = arith.constant 6 : i32
        %get3A_2010 = arith.index_cast %scan3A_1426 : i32 to index
        %get3A_2011 = arith.index_cast %get3A_2009 : i32 to index
        %get3A_2012 = arith.constant 64 : index
        %get3A_2013 = tpu.vector_load %arg7[%get3A_2010, %get3A_2011, %get3A_2012] {strides = array<i32>} : memref<32x8x128xf32, #tpu.memory_space<vmem>>, vector<16xf32>,
        %add3A_2014 = arith.addf %add3A_2008, %get3A_2013 : vector<16xf32>
        %get3A_2015 = arith.constant 7 : i32
        %get3A_2016 = arith.index_cast %scan3A_1426 : i32 to index
        %get3A_2017 = arith.index_cast %get3A_2015 : i32 to index
        %get3A_2018 = arith.constant 64 : index
        %get3A_2019 = tpu.vector_load %arg7[%get3A_2016, %get3A_2017, %get3A_2018] {strides = array<i32>} : memref<32x8x128xf32, #tpu.memory_space<vmem>>, vector<16xf32>,
        %add3A_2020 = arith.addf %add3A_2014, %get3A_2019 : vector<16xf32>
        %eq3A_2021 = arith.cmpf oeq, %add3A_2020, %add3A_2020 : vector<16xf32>
        %mul3A_2022 = arith.mulf %add3A_2020, %gather3A : vector<16xf32>
        %add3A_2023 = arith.addf %mul3A_2022, %gather3A_1465 : vector<16xf32>
        %jit3A_2024 = arith.constant 0.000000e+00 : f32
        %broadcast_in_dim3A_2025 = vector.broadcast %jit3A_2024 : f32 to vector<16xf32>
        %select_n3A_2026 = arith.select %eq3A_2021, %add3A_2023, %broadcast_in_dim3A_2025 : vector<16xi1>, vector<16xf32>
        %swap3A_2027 = arith.constant 0 : i32
        %swap3A_2028 = arith.index_cast %swap3A_2027 : i32 to index
        %swap3A_2029 = arith.constant 64 : index
        %swap3A_2030 = tpu.vector_load %arg13[%swap3A_2028, %swap3A_2029] {strides = array<i32>} : memref<8x128xf32, #tpu.memory_space<vmem>>, vector<16xf32>,
        tpu.vector_store %arg13[%swap3A_2028, %swap3A_2029], %select_n3A_2026 {add = true, strides = array<i32>} : memref<8x128xf32, #tpu.memory_space<vmem>>, vector<16xf32>,
        %mul3A_2031 = arith.mulf %add3A_2020, %gather3A_1437 : vector<16xf32>
        %add3A_2032 = arith.addf %mul3A_2031, %gather3A_1469 : vector<16xf32>
        %jit3A_2033 = arith.constant 0.000000e+00 : f32
        %broadcast_in_dim3A_2034 = vector.broadcast %jit3A_2033 : f32 to vector<16xf32>
        %select_n3A_2035 = arith.select %eq3A_2021, %add3A_2032, %broadcast_in_dim3A_2034 : vector<16xi1>, vector<16xf32>
        %swap3A_2036 = arith.constant 1 : i32
        %swap3A_2037 = arith.index_cast %swap3A_2036 : i32 to index
        %swap3A_2038 = arith.constant 64 : index
        %swap3A_2039 = tpu.vector_load %arg13[%swap3A_2037, %swap3A_2038] {strides = array<i32>} : memref<8x128xf32, #tpu.memory_space<vmem>>, vector<16xf32>,
        tpu.vector_store %arg13[%swap3A_2037, %swap3A_2038], %select_n3A_2035 {add = true, strides = array<i32>} : memref<8x128xf32, #tpu.memory_space<vmem>>, vector<16xf32>,
        %mul3A_2040 = arith.mulf %add3A_2020, %gather3A_1441 : vector<16xf32>
        %add3A_2041 = arith.addf %mul3A_2040, %gather3A_1473 : vector<16xf32>
        %jit3A_2042 = arith.constant 0.000000e+00 : f32
        %broadcast_in_dim3A_2043 = vector.broadcast %jit3A_2042 : f32 to vector<16xf32>
        %select_n3A_2044 = arith.select %eq3A_2021, %add3A_2041, %broadcast_in_dim3A_2043 : vector<16xi1>, vector<16xf32>
        %swap3A_2045 = arith.constant 2 : i32
        %swap3A_2046 = arith.index_cast %swap3A_2045 : i32 to index
        %swap3A_2047 = arith.constant 64 : index
        %swap3A_2048 = tpu.vector_load %arg13[%swap3A_2046, %swap3A_2047] {strides = array<i32>} : memref<8x128xf32, #tpu.memory_space<vmem>>, vector<16xf32>,
        tpu.vector_store %arg13[%swap3A_2046, %swap3A_2047], %select_n3A_2044 {add = true, strides = array<i32>} : memref<8x128xf32, #tpu.memory_space<vmem>>, vector<16xf32>,
        %mul3A_2049 = arith.mulf %add3A_2020, %gather3A_1445 : vector<16xf32>
        %add3A_2050 = arith.addf %mul3A_2049, %gather3A_1477 : vector<16xf32>
        %jit3A_2051 = arith.constant 0.000000e+00 : f32
        %broadcast_in_dim3A_2052 = vector.broadcast %jit3A_2051 : f32 to vector<16xf32>
        %select_n3A_2053 = arith.select %eq3A_2021, %add3A_2050, %broadcast_in_dim3A_2052 : vector<16xi1>, vector<16xf32>
        %swap3A_2054 = arith.constant 3 : i32
        %swap3A_2055 = arith.index_cast %swap3A_2054 : i32 to index
        %swap3A_2056 = arith.constant 64 : index
        %swap3A_2057 = tpu.vector_load %arg13[%swap3A_2055, %swap3A_2056] {strides = array<i32>} : memref<8x128xf32, #tpu.memory_space<vmem>>, vector<16xf32>,
        tpu.vector_store %arg13[%swap3A_2055, %swap3A_2056], %select_n3A_2053 {add = true, strides = array<i32>} : memref<8x128xf32, #tpu.memory_space<vmem>>, vector<16xf32>,
        %mul3A_2058 = arith.mulf %add3A_2020, %gather3A_1449 : vector<16xf32>
        %add3A_2059 = arith.addf %mul3A_2058, %gather3A_1481 : vector<16xf32>
        %jit3A_2060 = arith.constant 0.000000e+00 : f32
        %broadcast_in_dim3A_2061 = vector.broadcast %jit3A_2060 : f32 to vector<16xf32>
        %select_n3A_2062 = arith.select %eq3A_2021, %add3A_2059, %broadcast_in_dim3A_2061 : vector<16xi1>, vector<16xf32>
        %swap3A_2063 = arith.constant 4 : i32
        %swap3A_2064 = arith.index_cast %swap3A_2063 : i32 to index
        %swap3A_2065 = arith.constant 64 : index
        %swap3A_2066 = tpu.vector_load %arg13[%swap3A_2064, %swap3A_2065] {strides = array<i32>} : memref<8x128xf32, #tpu.memory_space<vmem>>, vector<16xf32>,
        tpu.vector_store %arg13[%swap3A_2064, %swap3A_2065], %select_n3A_2062 {add = true, strides = array<i32>} : memref<8x128xf32, #tpu.memory_space<vmem>>, vector<16xf32>,
        %mul3A_2067 = arith.mulf %add3A_2020, %gather3A_1453 : vector<16xf32>
        %add3A_2068 = arith.addf %mul3A_2067, %gather3A_1485 : vector<16xf32>
        %jit3A_2069 = arith.constant 0.000000e+00 : f32
        %broadcast_in_dim3A_2070 = vector.broadcast %jit3A_2069 : f32 to vector<16xf32>
        %select_n3A_2071 = arith.select %eq3A_2021, %add3A_2068, %broadcast_in_dim3A_2070 : vector<16xi1>, vector<16xf32>
        %swap3A_2072 = arith.constant 5 : i32
        %swap3A_2073 = arith.index_cast %swap3A_2072 : i32 to index
        %swap3A_2074 = arith.constant 64 : index
        %swap3A_2075 = tpu.vector_load %arg13[%swap3A_2073, %swap3A_2074] {strides = array<i32>} : memref<8x128xf32, #tpu.memory_space<vmem>>, vector<16xf32>,
        tpu.vector_store %arg13[%swap3A_2073, %swap3A_2074], %select_n3A_2071 {add = true, strides = array<i32>} : memref<8x128xf32, #tpu.memory_space<vmem>>, vector<16xf32>,
        %mul3A_2076 = arith.mulf %add3A_2020, %gather3A_1457 : vector<16xf32>
        %add3A_2077 = arith.addf %mul3A_2076, %gather3A_1489 : vector<16xf32>
        %jit3A_2078 = arith.constant 0.000000e+00 : f32
        %broadcast_in_dim3A_2079 = vector.broadcast %jit3A_2078 : f32 to vector<16xf32>
        %select_n3A_2080 = arith.select %eq3A_2021, %add3A_2077, %broadcast_in_dim3A_2079 : vector<16xi1>, vector<16xf32>
        %swap3A_2081 = arith.constant 6 : i32
        %swap3A_2082 = arith.index_cast %swap3A_2081 : i32 to index
        %swap3A_2083 = arith.constant 64 : index
        %swap3A_2084 = tpu.vector_load %arg13[%swap3A_2082, %swap3A_2083] {strides = array<i32>} : memref<8x128xf32, #tpu.memory_space<vmem>>, vector<16xf32>,
        tpu.vector_store %arg13[%swap3A_2082, %swap3A_2083], %select_n3A_2080 {add = true, strides = array<i32>} : memref<8x128xf32, #tpu.memory_space<vmem>>, vector<16xf32>,
        %mul3A_2085 = arith.mulf %add3A_2020, %gather3A_1461 : vector<16xf32>
        %add3A_2086 = arith.addf %mul3A_2085, %gather3A_1493 : vector<16xf32>
        %jit3A_2087 = arith.constant 0.000000e+00 : f32
        %broadcast_in_dim3A_2088 = vector.broadcast %jit3A_2087 : f32 to vector<16xf32>
        %select_n3A_2089 = arith.select %eq3A_2021, %add3A_2086, %broadcast_in_dim3A_2088 : vector<16xi1>, vector<16xf32>
        %swap3A_2090 = arith.constant 7 : i32
        %swap3A_2091 = arith.index_cast %swap3A_2090 : i32 to index
        %swap3A_2092 = arith.constant 64 : index
        %swap3A_2093 = tpu.vector_load %arg13[%swap3A_2091, %swap3A_2092] {strides = array<i32>} : memref<8x128xf32, #tpu.memory_space<vmem>>, vector<16xf32>,
        tpu.vector_store %arg13[%swap3A_2091, %swap3A_2092], %select_n3A_2089 {add = true, strides = array<i32>} : memref<8x128xf32, #tpu.memory_space<vmem>>, vector<16xf32>,
        %get3A_2094 = arith.constant 0 : i32
        %get3A_2095 = arith.index_cast %scan3A_1426 : i32 to index
        %get3A_2096 = arith.index_cast %get3A_2094 : i32 to index
        %get3A_2097 = arith.constant 80 : index
        %get3A_2098 = tpu.vector_load %arg7[%get3A_2095, %get3A_2096, %get3A_2097] {strides = array<i32>} : memref<32x8x128xf32, #tpu.memory_space<vmem>>, vector<16xf32>,
        %get3A_2099 = arith.constant 1 : i32
        %get3A_2100 = arith.index_cast %scan3A_1426 : i32 to index
        %get3A_2101 = arith.index_cast %get3A_2099 : i32 to index
        %get3A_2102 = arith.constant 80 : index
        %get3A_2103 = tpu.vector_load %arg7[%get3A_2100, %get3A_2101, %get3A_2102] {strides = array<i32>} : memref<32x8x128xf32, #tpu.memory_space<vmem>>, vector<16xf32>,
        %add3A_2104 = arith.addf %get3A_2098, %get3A_2103 : vector<16xf32>
        %get3A_2105 = arith.constant 2 : i32
        %get3A_2106 = arith.index_cast %scan3A_1426 : i32 to index
        %get3A_2107 = arith.index_cast %get3A_2105 : i32 to index
        %get3A_2108 = arith.constant 80 : index
        %get3A_2109 = tpu.vector_load %arg7[%get3A_2106, %get3A_2107, %get3A_2108] {strides = array<i32>} : memref<32x8x128xf32, #tpu.memory_space<vmem>>, vector<16xf32>,
        %add3A_2110 = arith.addf %add3A_2104, %get3A_2109 : vector<16xf32>
        %get3A_2111 = arith.constant 3 : i32
        %get3A_2112 = arith.index_cast %scan3A_1426 : i32 to index
        %get3A_2113 = arith.index_cast %get3A_2111 : i32 to index
        %get3A_2114 = arith.constant 80 : index
        %get3A_2115 = tpu.vector_load %arg7[%get3A_2112, %get3A_2113, %get3A_2114] {strides = array<i32>} : memref<32x8x128xf32, #tpu.memory_space<vmem>>, vector<16xf32>,
        %add3A_2116 = arith.addf %add3A_2110, %get3A_2115 : vector<16xf32>
        %get3A_2117 = arith.constant 4 : i32
        %get3A_2118 = arith.index_cast %scan3A_1426 : i32 to index
        %get3A_2119 = arith.index_cast %get3A_2117 : i32 to index
        %get3A_2120 = arith.constant 80 : index
        %get3A_2121 = tpu.vector_load %arg7[%get3A_2118, %get3A_2119, %get3A_2120] {strides = array<i32>} : memref<32x8x128xf32, #tpu.memory_space<vmem>>, vector<16xf32>,
        %add3A_2122 = arith.addf %add3A_2116, %get3A_2121 : vector<16xf32>
        %get3A_2123 = arith.constant 5 : i32
        %get3A_2124 = arith.index_cast %scan3A_1426 : i32 to index
        %get3A_2125 = arith.index_cast %get3A_2123 : i32 to index
        %get3A_2126 = arith.constant 80 : index
        %get3A_2127 = tpu.vector_load %arg7[%get3A_2124, %get3A_2125, %get3A_2126] {strides = array<i32>} : memref<32x8x128xf32, #tpu.memory_space<vmem>>, vector<16xf32>,
        %add3A_2128 = arith.addf %add3A_2122, %get3A_2127 : vector<16xf32>
        %get3A_2129 = arith.constant 6 : i32
        %get3A_2130 = arith.index_cast %scan3A_1426 : i32 to index
        %get3A_2131 = arith.index_cast %get3A_2129 : i32 to index
        %get3A_2132 = arith.constant 80 : index
        %get3A_2133 = tpu.vector_load %arg7[%get3A_2130, %get3A_2131, %get3A_2132] {strides = array<i32>} : memref<32x8x128xf32, #tpu.memory_space<vmem>>, vector<16xf32>,
        %add3A_2134 = arith.addf %add3A_2128, %get3A_2133 : vector<16xf32>
        %get3A_2135 = arith.constant 7 : i32
        %get3A_2136 = arith.index_cast %scan3A_1426 : i32 to index
        %get3A_2137 = arith.index_cast %get3A_2135 : i32 to index
        %get3A_2138 = arith.constant 80 : index
        %get3A_2139 = tpu.vector_load %arg7[%get3A_2136, %get3A_2137, %get3A_2138] {strides = array<i32>} : memref<32x8x128xf32, #tpu.memory_space<vmem>>, vector<16xf32>,
        %add3A_2140 = arith.addf %add3A_2134, %get3A_2139 : vector<16xf32>
        %eq3A_2141 = arith.cmpf oeq, %add3A_2140, %add3A_2140 : vector<16xf32>
        %mul3A_2142 = arith.mulf %add3A_2140, %gather3A : vector<16xf32>
        %add3A_2143 = arith.addf %mul3A_2142, %gather3A_1465 : vector<16xf32>
        %jit3A_2144 = arith.constant 0.000000e+00 : f32
        %broadcast_in_dim3A_2145 = vector.broadcast %jit3A_2144 : f32 to vector<16xf32>
        %select_n3A_2146 = arith.select %eq3A_2141, %add3A_2143, %broadcast_in_dim3A_2145 : vector<16xi1>, vector<16xf32>
        %swap3A_2147 = arith.constant 0 : i32
        %swap3A_2148 = arith.index_cast %swap3A_2147 : i32 to index
        %swap3A_2149 = arith.constant 80 : index
        %swap3A_2150 = tpu.vector_load %arg13[%swap3A_2148, %swap3A_2149] {strides = array<i32>} : memref<8x128xf32, #tpu.memory_space<vmem>>, vector<16xf32>,
        tpu.vector_store %arg13[%swap3A_2148, %swap3A_2149], %select_n3A_2146 {add = true, strides = array<i32>} : memref<8x128xf32, #tpu.memory_space<vmem>>, vector<16xf32>,
        %mul3A_2151 = arith.mulf %add3A_2140, %gather3A_1437 : vector<16xf32>
        %add3A_2152 = arith.addf %mul3A_2151, %gather3A_1469 : vector<16xf32>
        %jit3A_2153 = arith.constant 0.000000e+00 : f32
        %broadcast_in_dim3A_2154 = vector.broadcast %jit3A_2153 : f32 to vector<16xf32>
        %select_n3A_2155 = arith.select %eq3A_2141, %add3A_2152, %broadcast_in_dim3A_2154 : vector<16xi1>, vector<16xf32>
        %swap3A_2156 = arith.constant 1 : i32
        %swap3A_2157 = arith.index_cast %swap3A_2156 : i32 to index
        %swap3A_2158 = arith.constant 80 : index
        %swap3A_2159 = tpu.vector_load %arg13[%swap3A_2157, %swap3A_2158] {strides = array<i32>} : memref<8x128xf32, #tpu.memory_space<vmem>>, vector<16xf32>,
        tpu.vector_store %arg13[%swap3A_2157, %swap3A_2158], %select_n3A_2155 {add = true, strides = array<i32>} : memref<8x128xf32, #tpu.memory_space<vmem>>, vector<16xf32>,
        %mul3A_2160 = arith.mulf %add3A_2140, %gather3A_1441 : vector<16xf32>
        %add3A_2161 = arith.addf %mul3A_2160, %gather3A_1473 : vector<16xf32>
        %jit3A_2162 = arith.constant 0.000000e+00 : f32
        %broadcast_in_dim3A_2163 = vector.broadcast %jit3A_2162 : f32 to vector<16xf32>
        %select_n3A_2164 = arith.select %eq3A_2141, %add3A_2161, %broadcast_in_dim3A_2163 : vector<16xi1>, vector<16xf32>
        %swap3A_2165 = arith.constant 2 : i32
        %swap3A_2166 = arith.index_cast %swap3A_2165 : i32 to index
        %swap3A_2167 = arith.constant 80 : index
        %swap3A_2168 = tpu.vector_load %arg13[%swap3A_2166, %swap3A_2167] {strides = array<i32>} : memref<8x128xf32, #tpu.memory_space<vmem>>, vector<16xf32>,
        tpu.vector_store %arg13[%swap3A_2166, %swap3A_2167], %select_n3A_2164 {add = true, strides = array<i32>} : memref<8x128xf32, #tpu.memory_space<vmem>>, vector<16xf32>,
        %mul3A_2169 = arith.mulf %add3A_2140, %gather3A_1445 : vector<16xf32>
        %add3A_2170 = arith.addf %mul3A_2169, %gather3A_1477 : vector<16xf32>
        %jit3A_2171 = arith.constant 0.000000e+00 : f32
        %broadcast_in_dim3A_2172 = vector.broadcast %jit3A_2171 : f32 to vector<16xf32>
        %select_n3A_2173 = arith.select %eq3A_2141, %add3A_2170, %broadcast_in_dim3A_2172 : vector<16xi1>, vector<16xf32>
        %swap3A_2174 = arith.constant 3 : i32
        %swap3A_2175 = arith.index_cast %swap3A_2174 : i32 to index
        %swap3A_2176 = arith.constant 80 : index
        %swap3A_2177 = tpu.vector_load %arg13[%swap3A_2175, %swap3A_2176] {strides = array<i32>} : memref<8x128xf32, #tpu.memory_space<vmem>>, vector<16xf32>,
        tpu.vector_store %arg13[%swap3A_2175, %swap3A_2176], %select_n3A_2173 {add = true, strides = array<i32>} : memref<8x128xf32, #tpu.memory_space<vmem>>, vector<16xf32>,
        %mul3A_2178 = arith.mulf %add3A_2140, %gather3A_1449 : vector<16xf32>
        %add3A_2179 = arith.addf %mul3A_2178, %gather3A_1481 : vector<16xf32>
        %jit3A_2180 = arith.constant 0.000000e+00 : f32
        %broadcast_in_dim3A_2181 = vector.broadcast %jit3A_2180 : f32 to vector<16xf32>
        %select_n3A_2182 = arith.select %eq3A_2141, %add3A_2179, %broadcast_in_dim3A_2181 : vector<16xi1>, vector<16xf32>
        %swap3A_2183 = arith.constant 4 : i32
        %swap3A_2184 = arith.index_cast %swap3A_2183 : i32 to index
        %swap3A_2185 = arith.constant 80 : index
        %swap3A_2186 = tpu.vector_load %arg13[%swap3A_2184, %swap3A_2185] {strides = array<i32>} : memref<8x128xf32, #tpu.memory_space<vmem>>, vector<16xf32>,
        tpu.vector_store %arg13[%swap3A_2184, %swap3A_2185], %select_n3A_2182 {add = true, strides = array<i32>} : memref<8x128xf32, #tpu.memory_space<vmem>>, vector<16xf32>,
        %mul3A_2187 = arith.mulf %add3A_2140, %gather3A_1453 : vector<16xf32>
        %add3A_2188 = arith.addf %mul3A_2187, %gather3A_1485 : vector<16xf32>
        %jit3A_2189 = arith.constant 0.000000e+00 : f32
        %broadcast_in_dim3A_2190 = vector.broadcast %jit3A_2189 : f32 to vector<16xf32>
        %select_n3A_2191 = arith.select %eq3A_2141, %add3A_2188, %broadcast_in_dim3A_2190 : vector<16xi1>, vector<16xf32>
        %swap3A_2192 = arith.constant 5 : i32
        %swap3A_2193 = arith.index_cast %swap3A_2192 : i32 to index
        %swap3A_2194 = arith.constant 80 : index
        %swap3A_2195 = tpu.vector_load %arg13[%swap3A_2193, %swap3A_2194] {strides = array<i32>} : memref<8x128xf32, #tpu.memory_space<vmem>>, vector<16xf32>,
        tpu.vector_store %arg13[%swap3A_2193, %swap3A_2194], %select_n3A_2191 {add = true, strides = array<i32>} : memref<8x128xf32, #tpu.memory_space<vmem>>, vector<16xf32>,
        %mul3A_2196 = arith.mulf %add3A_2140, %gather3A_1457 : vector<16xf32>
        %add3A_2197 = arith.addf %mul3A_2196, %gather3A_1489 : vector<16xf32>
        %jit3A_2198 = arith.constant 0.000000e+00 : f32
        %broadcast_in_dim3A_2199 = vector.broadcast %jit3A_2198 : f32 to vector<16xf32>
        %select_n3A_2200 = arith.select %eq3A_2141, %add3A_2197, %broadcast_in_dim3A_2199 : vector<16xi1>, vector<16xf32>
        %swap3A_2201 = arith.constant 6 : i32
        %swap3A_2202 = arith.index_cast %swap3A_2201 : i32 to index
        %swap3A_2203 = arith.constant 80 : index
        %swap3A_2204 = tpu.vector_load %arg13[%swap3A_2202, %swap3A_2203] {strides = array<i32>} : memref<8x128xf32, #tpu.memory_space<vmem>>, vector<16xf32>,
        tpu.vector_store %arg13[%swap3A_2202, %swap3A_2203], %select_n3A_2200 {add = true, strides = array<i32>} : memref<8x128xf32, #tpu.memory_space<vmem>>, vector<16xf32>,
        %mul3A_2205 = arith.mulf %add3A_2140, %gather3A_1461 : vector<16xf32>
        %add3A_2206 = arith.addf %mul3A_2205, %gather3A_1493 : vector<16xf32>
        %jit3A_2207 = arith.constant 0.000000e+00 : f32
        %broadcast_in_dim3A_2208 = vector.broadcast %jit3A_2207 : f32 to vector<16xf32>
        %select_n3A_2209 = arith.select %eq3A_2141, %add3A_2206, %broadcast_in_dim3A_2208 : vector<16xi1>, vector<16xf32>
        %swap3A_2210 = arith.constant 7 : i32
        %swap3A_2211 = arith.index_cast %swap3A_2210 : i32 to index
        %swap3A_2212 = arith.constant 80 : index
        %swap3A_2213 = tpu.vector_load %arg13[%swap3A_2211, %swap3A_2212] {strides = array<i32>} : memref<8x128xf32, #tpu.memory_space<vmem>>, vector<16xf32>,
        tpu.vector_store %arg13[%swap3A_2211, %swap3A_2212], %select_n3A_2209 {add = true, strides = array<i32>} : memref<8x128xf32, #tpu.memory_space<vmem>>, vector<16xf32>,
        %get3A_2214 = arith.constant 0 : i32
        %get3A_2215 = arith.index_cast %scan3A_1426 : i32 to index
        %get3A_2216 = arith.index_cast %get3A_2214 : i32 to index
        %get3A_2217 = arith.constant 96 : index
        %get3A_2218 = tpu.vector_load %arg7[%get3A_2215, %get3A_2216, %get3A_2217] {strides = array<i32>} : memref<32x8x128xf32, #tpu.memory_space<vmem>>, vector<16xf32>,
        %get3A_2219 = arith.constant 1 : i32
        %get3A_2220 = arith.index_cast %scan3A_1426 : i32 to index
        %get3A_2221 = arith.index_cast %get3A_2219 : i32 to index
        %get3A_2222 = arith.constant 96 : index
        %get3A_2223 = tpu.vector_load %arg7[%get3A_2220, %get3A_2221, %get3A_2222] {strides = array<i32>} : memref<32x8x128xf32, #tpu.memory_space<vmem>>, vector<16xf32>,
        %add3A_2224 = arith.addf %get3A_2218, %get3A_2223 : vector<16xf32>
        %get3A_2225 = arith.constant 2 : i32
        %get3A_2226 = arith.index_cast %scan3A_1426 : i32 to index
        %get3A_2227 = arith.index_cast %get3A_2225 : i32 to index
        %get3A_2228 = arith.constant 96 : index
        %get3A_2229 = tpu.vector_load %arg7[%get3A_2226, %get3A_2227, %get3A_2228] {strides = array<i32>} : memref<32x8x128xf32, #tpu.memory_space<vmem>>, vector<16xf32>,
        %add3A_2230 = arith.addf %add3A_2224, %get3A_2229 : vector<16xf32>
        %get3A_2231 = arith.constant 3 : i32
        %get3A_2232 = arith.index_cast %scan3A_1426 : i32 to index
        %get3A_2233 = arith.index_cast %get3A_2231 : i32 to index
        %get3A_2234 = arith.constant 96 : index
        %get3A_2235 = tpu.vector_load %arg7[%get3A_2232, %get3A_2233, %get3A_2234] {strides = array<i32>} : memref<32x8x128xf32, #tpu.memory_space<vmem>>, vector<16xf32>,
        %add3A_2236 = arith.addf %add3A_2230, %get3A_2235 : vector<16xf32>
        %get3A_2237 = arith.constant 4 : i32
        %get3A_2238 = arith.index_cast %scan3A_1426 : i32 to index
        %get3A_2239 = arith.index_cast %get3A_2237 : i32 to index
        %get3A_2240 = arith.constant 96 : index
        %get3A_2241 = tpu.vector_load %arg7[%get3A_2238, %get3A_2239, %get3A_2240] {strides = array<i32>} : memref<32x8x128xf32, #tpu.memory_space<vmem>>, vector<16xf32>,
        %add3A_2242 = arith.addf %add3A_2236, %get3A_2241 : vector<16xf32>
        %get3A_2243 = arith.constant 5 : i32
        %get3A_2244 = arith.index_cast %scan3A_1426 : i32 to index
        %get3A_2245 = arith.index_cast %get3A_2243 : i32 to index
        %get3A_2246 = arith.constant 96 : index
        %get3A_2247 = tpu.vector_load %arg7[%get3A_2244, %get3A_2245, %get3A_2246] {strides = array<i32>} : memref<32x8x128xf32, #tpu.memory_space<vmem>>, vector<16xf32>,
        %add3A_2248 = arith.addf %add3A_2242, %get3A_2247 : vector<16xf32>
        %get3A_2249 = arith.constant 6 : i32
        %get3A_2250 = arith.index_cast %scan3A_1426 : i32 to index
        %get3A_2251 = arith.index_cast %get3A_2249 : i32 to index
        %get3A_2252 = arith.constant 96 : index
        %get3A_2253 = tpu.vector_load %arg7[%get3A_2250, %get3A_2251, %get3A_2252] {strides = array<i32>} : memref<32x8x128xf32, #tpu.memory_space<vmem>>, vector<16xf32>,
        %add3A_2254 = arith.addf %add3A_2248, %get3A_2253 : vector<16xf32>
        %get3A_2255 = arith.constant 7 : i32
        %get3A_2256 = arith.index_cast %scan3A_1426 : i32 to index
        %get3A_2257 = arith.index_cast %get3A_2255 : i32 to index
        %get3A_2258 = arith.constant 96 : index
        %get3A_2259 = tpu.vector_load %arg7[%get3A_2256, %get3A_2257, %get3A_2258] {strides = array<i32>} : memref<32x8x128xf32, #tpu.memory_space<vmem>>, vector<16xf32>,
        %add3A_2260 = arith.addf %add3A_2254, %get3A_2259 : vector<16xf32>
        %eq3A_2261 = arith.cmpf oeq, %add3A_2260, %add3A_2260 : vector<16xf32>
        %mul3A_2262 = arith.mulf %add3A_2260, %gather3A : vector<16xf32>
        %add3A_2263 = arith.addf %mul3A_2262, %gather3A_1465 : vector<16xf32>
        %jit3A_2264 = arith.constant 0.000000e+00 : f32
        %broadcast_in_dim3A_2265 = vector.broadcast %jit3A_2264 : f32 to vector<16xf32>
        %select_n3A_2266 = arith.select %eq3A_2261, %add3A_2263, %broadcast_in_dim3A_2265 : vector<16xi1>, vector<16xf32>
        %swap3A_2267 = arith.constant 0 : i32
        %swap3A_2268 = arith.index_cast %swap3A_2267 : i32 to index
        %swap3A_2269 = arith.constant 96 : index
        %swap3A_2270 = tpu.vector_load %arg13[%swap3A_2268, %swap3A_2269] {strides = array<i32>} : memref<8x128xf32, #tpu.memory_space<vmem>>, vector<16xf32>,
        tpu.vector_store %arg13[%swap3A_2268, %swap3A_2269], %select_n3A_2266 {add = true, strides = array<i32>} : memref<8x128xf32, #tpu.memory_space<vmem>>, vector<16xf32>,
        %mul3A_2271 = arith.mulf %add3A_2260, %gather3A_1437 : vector<16xf32>
        %add3A_2272 = arith.addf %mul3A_2271, %gather3A_1469 : vector<16xf32>
        %jit3A_2273 = arith.constant 0.000000e+00 : f32
        %broadcast_in_dim3A_2274 = vector.broadcast %jit3A_2273 : f32 to vector<16xf32>
        %select_n3A_2275 = arith.select %eq3A_2261, %add3A_2272, %broadcast_in_dim3A_2274 : vector<16xi1>, vector<16xf32>
        %swap3A_2276 = arith.constant 1 : i32
        %swap3A_2277 = arith.index_cast %swap3A_2276 : i32 to index
        %swap3A_2278 = arith.constant 96 : index
        %swap3A_2279 = tpu.vector_load %arg13[%swap3A_2277, %swap3A_2278] {strides = array<i32>} : memref<8x128xf32, #tpu.memory_space<vmem>>, vector<16xf32>,
        tpu.vector_store %arg13[%swap3A_2277, %swap3A_2278], %select_n3A_2275 {add = true, strides = array<i32>} : memref<8x128xf32, #tpu.memory_space<vmem>>, vector<16xf32>,
        %mul3A_2280 = arith.mulf %add3A_2260, %gather3A_1441 : vector<16xf32>
        %add3A_2281 = arith.addf %mul3A_2280, %gather3A_1473 : vector<16xf32>
        %jit3A_2282 = arith.constant 0.000000e+00 : f32
        %broadcast_in_dim3A_2283 = vector.broadcast %jit3A_2282 : f32 to vector<16xf32>
        %select_n3A_2284 = arith.select %eq3A_2261, %add3A_2281, %broadcast_in_dim3A_2283 : vector<16xi1>, vector<16xf32>
        %swap3A_2285 = arith.constant 2 : i32
        %swap3A_2286 = arith.index_cast %swap3A_2285 : i32 to index
        %swap3A_2287 = arith.constant 96 : index
        %swap3A_2288 = tpu.vector_load %arg13[%swap3A_2286, %swap3A_2287] {strides = array<i32>} : memref<8x128xf32, #tpu.memory_space<vmem>>, vector<16xf32>,
        tpu.vector_store %arg13[%swap3A_2286, %swap3A_2287], %select_n3A_2284 {add = true, strides = array<i32>} : memref<8x128xf32, #tpu.memory_space<vmem>>, vector<16xf32>,
        %mul3A_2289 = arith.mulf %add3A_2260, %gather3A_1445 : vector<16xf32>
        %add3A_2290 = arith.addf %mul3A_2289, %gather3A_1477 : vector<16xf32>
        %jit3A_2291 = arith.constant 0.000000e+00 : f32
        %broadcast_in_dim3A_2292 = vector.broadcast %jit3A_2291 : f32 to vector<16xf32>
        %select_n3A_2293 = arith.select %eq3A_2261, %add3A_2290, %broadcast_in_dim3A_2292 : vector<16xi1>, vector<16xf32>
        %swap3A_2294 = arith.constant 3 : i32
        %swap3A_2295 = arith.index_cast %swap3A_2294 : i32 to index
        %swap3A_2296 = arith.constant 96 : index
        %swap3A_2297 = tpu.vector_load %arg13[%swap3A_2295, %swap3A_2296] {strides = array<i32>} : memref<8x128xf32, #tpu.memory_space<vmem>>, vector<16xf32>,
        tpu.vector_store %arg13[%swap3A_2295, %swap3A_2296], %select_n3A_2293 {add = true, strides = array<i32>} : memref<8x128xf32, #tpu.memory_space<vmem>>, vector<16xf32>,
        %mul3A_2298 = arith.mulf %add3A_2260, %gather3A_1449 : vector<16xf32>
        %add3A_2299 = arith.addf %mul3A_2298, %gather3A_1481 : vector<16xf32>
        %jit3A_2300 = arith.constant 0.000000e+00 : f32
        %broadcast_in_dim3A_2301 = vector.broadcast %jit3A_2300 : f32 to vector<16xf32>
        %select_n3A_2302 = arith.select %eq3A_2261, %add3A_2299, %broadcast_in_dim3A_2301 : vector<16xi1>, vector<16xf32>
        %swap3A_2303 = arith.constant 4 : i32
        %swap3A_2304 = arith.index_cast %swap3A_2303 : i32 to index
        %swap3A_2305 = arith.constant 96 : index
        %swap3A_2306 = tpu.vector_load %arg13[%swap3A_2304, %swap3A_2305] {strides = array<i32>} : memref<8x128xf32, #tpu.memory_space<vmem>>, vector<16xf32>,
        tpu.vector_store %arg13[%swap3A_2304, %swap3A_2305], %select_n3A_2302 {add = true, strides = array<i32>} : memref<8x128xf32, #tpu.memory_space<vmem>>, vector<16xf32>,
        %mul3A_2307 = arith.mulf %add3A_2260, %gather3A_1453 : vector<16xf32>
        %add3A_2308 = arith.addf %mul3A_2307, %gather3A_1485 : vector<16xf32>
        %jit3A_2309 = arith.constant 0.000000e+00 : f32
        %broadcast_in_dim3A_2310 = vector.broadcast %jit3A_2309 : f32 to vector<16xf32>
        %select_n3A_2311 = arith.select %eq3A_2261, %add3A_2308, %broadcast_in_dim3A_2310 : vector<16xi1>, vector<16xf32>
        %swap3A_2312 = arith.constant 5 : i32
        %swap3A_2313 = arith.index_cast %swap3A_2312 : i32 to index
        %swap3A_2314 = arith.constant 96 : index
        %swap3A_2315 = tpu.vector_load %arg13[%swap3A_2313, %swap3A_2314] {strides = array<i32>} : memref<8x128xf32, #tpu.memory_space<vmem>>, vector<16xf32>,
        tpu.vector_store %arg13[%swap3A_2313, %swap3A_2314], %select_n3A_2311 {add = true, strides = array<i32>} : memref<8x128xf32, #tpu.memory_space<vmem>>, vector<16xf32>,
        %mul3A_2316 = arith.mulf %add3A_2260, %gather3A_1457 : vector<16xf32>
        %add3A_2317 = arith.addf %mul3A_2316, %gather3A_1489 : vector<16xf32>
        %jit3A_2318 = arith.constant 0.000000e+00 : f32
        %broadcast_in_dim3A_2319 = vector.broadcast %jit3A_2318 : f32 to vector<16xf32>
        %select_n3A_2320 = arith.select %eq3A_2261, %add3A_2317, %broadcast_in_dim3A_2319 : vector<16xi1>, vector<16xf32>
        %swap3A_2321 = arith.constant 6 : i32
        %swap3A_2322 = arith.index_cast %swap3A_2321 : i32 to index
        %swap3A_2323 = arith.constant 96 : index
        %swap3A_2324 = tpu.vector_load %arg13[%swap3A_2322, %swap3A_2323] {strides = array<i32>} : memref<8x128xf32, #tpu.memory_space<vmem>>, vector<16xf32>,
        tpu.vector_store %arg13[%swap3A_2322, %swap3A_2323], %select_n3A_2320 {add = true, strides = array<i32>} : memref<8x128xf32, #tpu.memory_space<vmem>>, vector<16xf32>,
        %mul3A_2325 = arith.mulf %add3A_2260, %gather3A_1461 : vector<16xf32>
        %add3A_2326 = arith.addf %mul3A_2325, %gather3A_1493 : vector<16xf32>
        %jit3A_2327 = arith.constant 0.000000e+00 : f32
        %broadcast_in_dim3A_2328 = vector.broadcast %jit3A_2327 : f32 to vector<16xf32>
        %select_n3A_2329 = arith.select %eq3A_2261, %add3A_2326, %broadcast_in_dim3A_2328 : vector<16xi1>, vector<16xf32>
        %swap3A_2330 = arith.constant 7 : i32
        %swap3A_2331 = arith.index_cast %swap3A_2330 : i32 to index
        %swap3A_2332 = arith.constant 96 : index
        %swap3A_2333 = tpu.vector_load %arg13[%swap3A_2331, %swap3A_2332] {strides = array<i32>} : memref<8x128xf32, #tpu.memory_space<vmem>>, vector<16xf32>,
        tpu.vector_store %arg13[%swap3A_2331, %swap3A_2332], %select_n3A_2329 {add = true, strides = array<i32>} : memref<8x128xf32, #tpu.memory_space<vmem>>, vector<16xf32>,
        %get3A_2334 = arith.constant 0 : i32
        %get3A_2335 = arith.index_cast %scan3A_1426 : i32 to index
        %get3A_2336 = arith.index_cast %get3A_2334 : i32 to index
        %get3A_2337 = arith.constant 112 : index
        %get3A_2338 = tpu.vector_load %arg7[%get3A_2335, %get3A_2336, %get3A_2337] {strides = array<i32>} : memref<32x8x128xf32, #tpu.memory_space<vmem>>, vector<16xf32>,
        %get3A_2339 = arith.constant 1 : i32
        %get3A_2340 = arith.index_cast %scan3A_1426 : i32 to index
        %get3A_2341 = arith.index_cast %get3A_2339 : i32 to index
        %get3A_2342 = arith.constant 112 : index
        %get3A_2343 = tpu.vector_load %arg7[%get3A_2340, %get3A_2341, %get3A_2342] {strides = array<i32>} : memref<32x8x128xf32, #tpu.memory_space<vmem>>, vector<16xf32>,
        %add3A_2344 = arith.addf %get3A_2338, %get3A_2343 : vector<16xf32>
        %get3A_2345 = arith.constant 2 : i32
        %get3A_2346 = arith.index_cast %scan3A_1426 : i32 to index
        %get3A_2347 = arith.index_cast %get3A_2345 : i32 to index
        %get3A_2348 = arith.constant 112 : index
        %get3A_2349 = tpu.vector_load %arg7[%get3A_2346, %get3A_2347, %get3A_2348] {strides = array<i32>} : memref<32x8x128xf32, #tpu.memory_space<vmem>>, vector<16xf32>,
        %add3A_2350 = arith.addf %add3A_2344, %get3A_2349 : vector<16xf32>
        %get3A_2351 = arith.constant 3 : i32
        %get3A_2352 = arith.index_cast %scan3A_1426 : i32 to index
        %get3A_2353 = arith.index_cast %get3A_2351 : i32 to index
        %get3A_2354 = arith.constant 112 : index
        %get3A_2355 = tpu.vector_load %arg7[%get3A_2352, %get3A_2353, %get3A_2354] {strides = array<i32>} : memref<32x8x128xf32, #tpu.memory_space<vmem>>, vector<16xf32>,
        %add3A_2356 = arith.addf %add3A_2350, %get3A_2355 : vector<16xf32>
        %get3A_2357 = arith.constant 4 : i32
        %get3A_2358 = arith.index_cast %scan3A_1426 : i32 to index
        %get3A_2359 = arith.index_cast %get3A_2357 : i32 to index
        %get3A_2360 = arith.constant 112 : index
        %get3A_2361 = tpu.vector_load %arg7[%get3A_2358, %get3A_2359, %get3A_2360] {strides = array<i32>} : memref<32x8x128xf32, #tpu.memory_space<vmem>>, vector<16xf32>,
        %add3A_2362 = arith.addf %add3A_2356, %get3A_2361 : vector<16xf32>
        %get3A_2363 = arith.constant 5 : i32
        %get3A_2364 = arith.index_cast %scan3A_1426 : i32 to index
        %get3A_2365 = arith.index_cast %get3A_2363 : i32 to index
        %get3A_2366 = arith.constant 112 : index
        %get3A_2367 = tpu.vector_load %arg7[%get3A_2364, %get3A_2365, %get3A_2366] {strides = array<i32>} : memref<32x8x128xf32, #tpu.memory_space<vmem>>, vector<16xf32>,
        %add3A_2368 = arith.addf %add3A_2362, %get3A_2367 : vector<16xf32>
        %get3A_2369 = arith.constant 6 : i32
        %get3A_2370 = arith.index_cast %scan3A_1426 : i32 to index
        %get3A_2371 = arith.index_cast %get3A_2369 : i32 to index
        %get3A_2372 = arith.constant 112 : index
        %get3A_2373 = tpu.vector_load %arg7[%get3A_2370, %get3A_2371, %get3A_2372] {strides = array<i32>} : memref<32x8x128xf32, #tpu.memory_space<vmem>>, vector<16xf32>,
        %add3A_2374 = arith.addf %add3A_2368, %get3A_2373 : vector<16xf32>
        %get3A_2375 = arith.constant 7 : i32
        %get3A_2376 = arith.index_cast %scan3A_1426 : i32 to index
        %get3A_2377 = arith.index_cast %get3A_2375 : i32 to index
        %get3A_2378 = arith.constant 112 : index
        %get3A_2379 = tpu.vector_load %arg7[%get3A_2376, %get3A_2377, %get3A_2378] {strides = array<i32>} : memref<32x8x128xf32, #tpu.memory_space<vmem>>, vector<16xf32>,
        %add3A_2380 = arith.addf %add3A_2374, %get3A_2379 : vector<16xf32>
        %eq3A_2381 = arith.cmpf oeq, %add3A_2380, %add3A_2380 : vector<16xf32>
        %mul3A_2382 = arith.mulf %add3A_2380, %gather3A : vector<16xf32>
        %add3A_2383 = arith.addf %mul3A_2382, %gather3A_1465 : vector<16xf32>
        %jit3A_2384 = arith.constant 0.000000e+00 : f32
        %broadcast_in_dim3A_2385 = vector.broadcast %jit3A_2384 : f32 to vector<16xf32>
        %select_n3A_2386 = arith.select %eq3A_2381, %add3A_2383, %broadcast_in_dim3A_2385 : vector<16xi1>, vector<16xf32>
        %swap3A_2387 = arith.constant 0 : i32
        %swap3A_2388 = arith.index_cast %swap3A_2387 : i32 to index
        %swap3A_2389 = arith.constant 112 : index
        %swap3A_2390 = tpu.vector_load %arg13[%swap3A_2388, %swap3A_2389] {strides = array<i32>} : memref<8x128xf32, #tpu.memory_space<vmem>>, vector<16xf32>,
        tpu.vector_store %arg13[%swap3A_2388, %swap3A_2389], %select_n3A_2386 {add = true, strides = array<i32>} : memref<8x128xf32, #tpu.memory_space<vmem>>, vector<16xf32>,
        %mul3A_2391 = arith.mulf %add3A_2380, %gather3A_1437 : vector<16xf32>
        %add3A_2392 = arith.addf %mul3A_2391, %gather3A_1469 : vector<16xf32>
        %jit3A_2393 = arith.constant 0.000000e+00 : f32
        %broadcast_in_dim3A_2394 = vector.broadcast %jit3A_2393 : f32 to vector<16xf32>
        %select_n3A_2395 = arith.select %eq3A_2381, %add3A_2392, %broadcast_in_dim3A_2394 : vector<16xi1>, vector<16xf32>
        %swap3A_2396 = arith.constant 1 : i32
        %swap3A_2397 = arith.index_cast %swap3A_2396 : i32 to index
        %swap3A_2398 = arith.constant 112 : index
        %swap3A_2399 = tpu.vector_load %arg13[%swap3A_2397, %swap3A_2398] {strides = array<i32>} : memref<8x128xf32, #tpu.memory_space<vmem>>, vector<16xf32>,
        tpu.vector_store %arg13[%swap3A_2397, %swap3A_2398], %select_n3A_2395 {add = true, strides = array<i32>} : memref<8x128xf32, #tpu.memory_space<vmem>>, vector<16xf32>,
        %mul3A_2400 = arith.mulf %add3A_2380, %gather3A_1441 : vector<16xf32>
        %add3A_2401 = arith.addf %mul3A_2400, %gather3A_1473 : vector<16xf32>
        %jit3A_2402 = arith.constant 0.000000e+00 : f32
        %broadcast_in_dim3A_2403 = vector.broadcast %jit3A_2402 : f32 to vector<16xf32>
        %select_n3A_2404 = arith.select %eq3A_2381, %add3A_2401, %broadcast_in_dim3A_2403 : vector<16xi1>, vector<16xf32>
        %swap3A_2405 = arith.constant 2 : i32
        %swap3A_2406 = arith.index_cast %swap3A_2405 : i32 to index
        %swap3A_2407 = arith.constant 112 : index
        %swap3A_2408 = tpu.vector_load %arg13[%swap3A_2406, %swap3A_2407] {strides = array<i32>} : memref<8x128xf32, #tpu.memory_space<vmem>>, vector<16xf32>,
        tpu.vector_store %arg13[%swap3A_2406, %swap3A_2407], %select_n3A_2404 {add = true, strides = array<i32>} : memref<8x128xf32, #tpu.memory_space<vmem>>, vector<16xf32>,
        %mul3A_2409 = arith.mulf %add3A_2380, %gather3A_1445 : vector<16xf32>
        %add3A_2410 = arith.addf %mul3A_2409, %gather3A_1477 : vector<16xf32>
        %jit3A_2411 = arith.constant 0.000000e+00 : f32
        %broadcast_in_dim3A_2412 = vector.broadcast %jit3A_2411 : f32 to vector<16xf32>
        %select_n3A_2413 = arith.select %eq3A_2381, %add3A_2410, %broadcast_in_dim3A_2412 : vector<16xi1>, vector<16xf32>
        %swap3A_2414 = arith.constant 3 : i32
        %swap3A_2415 = arith.index_cast %swap3A_2414 : i32 to index
        %swap3A_2416 = arith.constant 112 : index
        %swap3A_2417 = tpu.vector_load %arg13[%swap3A_2415, %swap3A_2416] {strides = array<i32>} : memref<8x128xf32, #tpu.memory_space<vmem>>, vector<16xf32>,
        tpu.vector_store %arg13[%swap3A_2415, %swap3A_2416], %select_n3A_2413 {add = true, strides = array<i32>} : memref<8x128xf32, #tpu.memory_space<vmem>>, vector<16xf32>,
        %mul3A_2418 = arith.mulf %add3A_2380, %gather3A_1449 : vector<16xf32>
        %add3A_2419 = arith.addf %mul3A_2418, %gather3A_1481 : vector<16xf32>
        %jit3A_2420 = arith.constant 0.000000e+00 : f32
        %broadcast_in_dim3A_2421 = vector.broadcast %jit3A_2420 : f32 to vector<16xf32>
        %select_n3A_2422 = arith.select %eq3A_2381, %add3A_2419, %broadcast_in_dim3A_2421 : vector<16xi1>, vector<16xf32>
        %swap3A_2423 = arith.constant 4 : i32
        %swap3A_2424 = arith.index_cast %swap3A_2423 : i32 to index
        %swap3A_2425 = arith.constant 112 : index
        %swap3A_2426 = tpu.vector_load %arg13[%swap3A_2424, %swap3A_2425] {strides = array<i32>} : memref<8x128xf32, #tpu.memory_space<vmem>>, vector<16xf32>,
        tpu.vector_store %arg13[%swap3A_2424, %swap3A_2425], %select_n3A_2422 {add = true, strides = array<i32>} : memref<8x128xf32, #tpu.memory_space<vmem>>, vector<16xf32>,
        %mul3A_2427 = arith.mulf %add3A_2380, %gather3A_1453 : vector<16xf32>
        %add3A_2428 = arith.addf %mul3A_2427, %gather3A_1485 : vector<16xf32>
        %jit3A_2429 = arith.constant 0.000000e+00 : f32
        %broadcast_in_dim3A_2430 = vector.broadcast %jit3A_2429 : f32 to vector<16xf32>
        %select_n3A_2431 = arith.select %eq3A_2381, %add3A_2428, %broadcast_in_dim3A_2430 : vector<16xi1>, vector<16xf32>
        %swap3A_2432 = arith.constant 5 : i32
        %swap3A_2433 = arith.index_cast %swap3A_2432 : i32 to index
        %swap3A_2434 = arith.constant 112 : index
        %swap3A_2435 = tpu.vector_load %arg13[%swap3A_2433, %swap3A_2434] {strides = array<i32>} : memref<8x128xf32, #tpu.memory_space<vmem>>, vector<16xf32>,
        tpu.vector_store %arg13[%swap3A_2433, %swap3A_2434], %select_n3A_2431 {add = true, strides = array<i32>} : memref<8x128xf32, #tpu.memory_space<vmem>>, vector<16xf32>,
        %mul3A_2436 = arith.mulf %add3A_2380, %gather3A_1457 : vector<16xf32>
        %add3A_2437 = arith.addf %mul3A_2436, %gather3A_1489 : vector<16xf32>
        %jit3A_2438 = arith.constant 0.000000e+00 : f32
        %broadcast_in_dim3A_2439 = vector.broadcast %jit3A_2438 : f32 to vector<16xf32>
        %select_n3A_2440 = arith.select %eq3A_2381, %add3A_2437, %broadcast_in_dim3A_2439 : vector<16xi1>, vector<16xf32>
        %swap3A_2441 = arith.constant 6 : i32
        %swap3A_2442 = arith.index_cast %swap3A_2441 : i32 to index
        %swap3A_2443 = arith.constant 112 : index
        %swap3A_2444 = tpu.vector_load %arg13[%swap3A_2442, %swap3A_2443] {strides = array<i32>} : memref<8x128xf32, #tpu.memory_space<vmem>>, vector<16xf32>,
        tpu.vector_store %arg13[%swap3A_2442, %swap3A_2443], %select_n3A_2440 {add = true, strides = array<i32>} : memref<8x128xf32, #tpu.memory_space<vmem>>, vector<16xf32>,
        %mul3A_2445 = arith.mulf %add3A_2380, %gather3A_1461 : vector<16xf32>
        %add3A_2446 = arith.addf %mul3A_2445, %gather3A_1493 : vector<16xf32>
        %jit3A_2447 = arith.constant 0.000000e+00 : f32
        %broadcast_in_dim3A_2448 = vector.broadcast %jit3A_2447 : f32 to vector<16xf32>
        %select_n3A_2449 = arith.select %eq3A_2381, %add3A_2446, %broadcast_in_dim3A_2448 : vector<16xi1>, vector<16xf32>
        %swap3A_2450 = arith.constant 7 : i32
        %swap3A_2451 = arith.index_cast %swap3A_2450 : i32 to index
        %swap3A_2452 = arith.constant 112 : index
        %swap3A_2453 = tpu.vector_load %arg13[%swap3A_2451, %swap3A_2452] {strides = array<i32>} : memref<8x128xf32, #tpu.memory_space<vmem>>, vector<16xf32>,
        tpu.vector_store %arg13[%swap3A_2451, %swap3A_2452], %select_n3A_2449 {add = true, strides = array<i32>} : memref<8x128xf32, #tpu.memory_space<vmem>>, vector<16xf32>,
      }
      %scan3A_1425 = arith.constant 32 : i32
    }
    %scan3A_740 = arith.constant 4 : i32
    %iota3A = tpu.iota {dimensions = array<i32: 0>} : vector<16xi32>
    %add3A_741 = arith.constant 0 : i32
    %add3A_742 = vector.broadcast %add3A_741 : i32 to vector<16xi32>
    %add3A_743 = arith.addi %iota3A, %add3A_742 : vector<16xi32>
    %get3A_744 = arith.constant 0 : i32
    %get3A_745 = arith.index_cast %get3A_744 : i32 to index
    %get3A_746 = arith.constant 0 : index
    %get3A_747 = tpu.vector_load %arg13[%get3A_745, %get3A_746] {strides = array<i32>} : memref<8x128xf32, #tpu.memory_space<vmem>>, vector<16xf32>,
    %mul3A_748 = arith.constant 8 : i32
    %mul3A_749 = vector.broadcast %mul3A_748 : i32 to vector<16xi32>
    %mul3A_750 = arith.muli %add3A_743, %mul3A_749 : vector<16xi32>
    %add3A_751 = arith.constant 0 : i32
    %add3A_752 = vector.broadcast %add3A_751 : i32 to vector<16xi32>
    %add3A_753 = arith.addi %mul3A_750, %add3A_752 : vector<16xi32>
    tpu.vector_store_idx %arg14[%add3A_753], %get3A_747 : memref<1024xf32, #tpu.memory_space<vmem>>[vector<16xi32>], vector<16xf32>,
    %get3A_754 = arith.constant 1 : i32
    %get3A_755 = arith.index_cast %get3A_754 : i32 to index
    %get3A_756 = arith.constant 0 : index
    %get3A_757 = tpu.vector_load %arg13[%get3A_755, %get3A_756] {strides = array<i32>} : memref<8x128xf32, #tpu.memory_space<vmem>>, vector<16xf32>,
    %mul3A_758 = arith.constant 8 : i32
    %mul3A_759 = vector.broadcast %mul3A_758 : i32 to vector<16xi32>
    %mul3A_760 = arith.muli %add3A_743, %mul3A_759 : vector<16xi32>
    %add3A_761 = arith.constant 1 : i32
    %add3A_762 = vector.broadcast %add3A_761 : i32 to vector<16xi32>
    %add3A_763 = arith.addi %mul3A_760, %add3A_762 : vector<16xi32>
    tpu.vector_store_idx %arg14[%add3A_763], %get3A_757 : memref<1024xf32, #tpu.memory_space<vmem>>[vector<16xi32>], vector<16xf32>,
    %get3A_764 = arith.constant 2 : i32
    %get3A_765 = arith.index_cast %get3A_764 : i32 to index
    %get3A_766 = arith.constant 0 : index
    %get3A_767 = tpu.vector_load %arg13[%get3A_765, %get3A_766] {strides = array<i32>} : memref<8x128xf32, #tpu.memory_space<vmem>>, vector<16xf32>,
    %mul3A_768 = arith.constant 8 : i32
    %mul3A_769 = vector.broadcast %mul3A_768 : i32 to vector<16xi32>
    %mul3A_770 = arith.muli %add3A_743, %mul3A_769 : vector<16xi32>
    %add3A_771 = arith.constant 2 : i32
    %add3A_772 = vector.broadcast %add3A_771 : i32 to vector<16xi32>
    %add3A_773 = arith.addi %mul3A_770, %add3A_772 : vector<16xi32>
    tpu.vector_store_idx %arg14[%add3A_773], %get3A_767 : memref<1024xf32, #tpu.memory_space<vmem>>[vector<16xi32>], vector<16xf32>,
    %get3A_774 = arith.constant 3 : i32
    %get3A_775 = arith.index_cast %get3A_774 : i32 to index
    %get3A_776 = arith.constant 0 : index
    %get3A_777 = tpu.vector_load %arg13[%get3A_775, %get3A_776] {strides = array<i32>} : memref<8x128xf32, #tpu.memory_space<vmem>>, vector<16xf32>,
    %mul3A_778 = arith.constant 8 : i32
    %mul3A_779 = vector.broadcast %mul3A_778 : i32 to vector<16xi32>
    %mul3A_780 = arith.muli %add3A_743, %mul3A_779 : vector<16xi32>
    %add3A_781 = arith.constant 3 : i32
    %add3A_782 = vector.broadcast %add3A_781 : i32 to vector<16xi32>
    %add3A_783 = arith.addi %mul3A_780, %add3A_782 : vector<16xi32>
    tpu.vector_store_idx %arg14[%add3A_783], %get3A_777 : memref<1024xf32, #tpu.memory_space<vmem>>[vector<16xi32>], vector<16xf32>,
    %get3A_784 = arith.constant 4 : i32
    %get3A_785 = arith.index_cast %get3A_784 : i32 to index
    %get3A_786 = arith.constant 0 : index
    %get3A_787 = tpu.vector_load %arg13[%get3A_785, %get3A_786] {strides = array<i32>} : memref<8x128xf32, #tpu.memory_space<vmem>>, vector<16xf32>,
    %mul3A_788 = arith.constant 8 : i32
    %mul3A_789 = vector.broadcast %mul3A_788 : i32 to vector<16xi32>
    %mul3A_790 = arith.muli %add3A_743, %mul3A_789 : vector<16xi32>
    %add3A_791 = arith.constant 4 : i32
    %add3A_792 = vector.broadcast %add3A_791 : i32 to vector<16xi32>
    %add3A_793 = arith.addi %mul3A_790, %add3A_792 : vector<16xi32>
    tpu.vector_store_idx %arg14[%add3A_793], %get3A_787 : memref<1024xf32, #tpu.memory_space<vmem>>[vector<16xi32>], vector<16xf32>,
    %get3A_794 = arith.constant 5 : i32
    %get3A_795 = arith.index_cast %get3A_794 : i32 to index
    %get3A_796 = arith.constant 0 : index
    %get3A_797 = tpu.vector_load %arg13[%get3A_795, %get3A_796] {strides = array<i32>} : memref<8x128xf32, #tpu.memory_space<vmem>>, vector<16xf32>,
    %mul3A_798 = arith.constant 8 : i32
    %mul3A_799 = vector.broadcast %mul3A_798 : i32 to vector<16xi32>
    %mul3A_800 = arith.muli %add3A_743, %mul3A_799 : vector<16xi32>
    %add3A_801 = arith.constant 5 : i32
    %add3A_802 = vector.broadcast %add3A_801 : i32 to vector<16xi32>
    %add3A_803 = arith.addi %mul3A_800, %add3A_802 : vector<16xi32>
    tpu.vector_store_idx %arg14[%add3A_803], %get3A_797 : memref<1024xf32, #tpu.memory_space<vmem>>[vector<16xi32>], vector<16xf32>,
    %get3A_804 = arith.constant 6 : i32
    %get3A_805 = arith.index_cast %get3A_804 : i32 to index
    %get3A_806 = arith.constant 0 : index
    %get3A_807 = tpu.vector_load %arg13[%get3A_805, %get3A_806] {strides = array<i32>} : memref<8x128xf32, #tpu.memory_space<vmem>>, vector<16xf32>,
    %mul3A_808 = arith.constant 8 : i32
    %mul3A_809 = vector.broadcast %mul3A_808 : i32 to vector<16xi32>
    %mul3A_810 = arith.muli %add3A_743, %mul3A_809 : vector<16xi32>
    %add3A_811 = arith.constant 6 : i32
    %add3A_812 = vector.broadcast %add3A_811 : i32 to vector<16xi32>
    %add3A_813 = arith.addi %mul3A_810, %add3A_812 : vector<16xi32>
    tpu.vector_store_idx %arg14[%add3A_813], %get3A_807 : memref<1024xf32, #tpu.memory_space<vmem>>[vector<16xi32>], vector<16xf32>,
    %get3A_814 = arith.constant 7 : i32
    %get3A_815 = arith.index_cast %get3A_814 : i32 to index
    %get3A_816 = arith.constant 0 : index
    %get3A_817 = tpu.vector_load %arg13[%get3A_815, %get3A_816] {strides = array<i32>} : memref<8x128xf32, #tpu.memory_space<vmem>>, vector<16xf32>,
    %mul3A_818 = arith.constant 8 : i32
    %mul3A_819 = vector.broadcast %mul3A_818 : i32 to vector<16xi32>
    %mul3A_820 = arith.muli %add3A_743, %mul3A_819 : vector<16xi32>
    %add3A_821 = arith.constant 7 : i32
    %add3A_822 = vector.broadcast %add3A_821 : i32 to vector<16xi32>
    %add3A_823 = arith.addi %mul3A_820, %add3A_822 : vector<16xi32>
    tpu.vector_store_idx %arg14[%add3A_823], %get3A_817 : memref<1024xf32, #tpu.memory_space<vmem>>[vector<16xi32>], vector<16xf32>,
    %iota3A_824 = tpu.iota {dimensions = array<i32: 0>} : vector<16xi32>
    %add3A_825 = arith.constant 16 : i32
    %add3A_826 = vector.broadcast %add3A_825 : i32 to vector<16xi32>
    %add3A_827 = arith.addi %iota3A_824, %add3A_826 : vector<16xi32>
    %get3A_828 = arith.constant 0 : i32
    %get3A_829 = arith.index_cast %get3A_828 : i32 to index
    %get3A_830 = arith.constant 16 : index
    %get3A_831 = tpu.vector_load %arg13[%get3A_829, %get3A_830] {strides = array<i32>} : memref<8x128xf32, #tpu.memory_space<vmem>>, vector<16xf32>,
    %mul3A_832 = arith.constant 8 : i32
    %mul3A_833 = vector.broadcast %mul3A_832 : i32 to vector<16xi32>
    %mul3A_834 = arith.muli %add3A_827, %mul3A_833 : vector<16xi32>
    %add3A_835 = arith.constant 0 : i32
    %add3A_836 = vector.broadcast %add3A_835 : i32 to vector<16xi32>
    %add3A_837 = arith.addi %mul3A_834, %add3A_836 : vector<16xi32>
    tpu.vector_store_idx %arg14[%add3A_837], %get3A_831 : memref<1024xf32, #tpu.memory_space<vmem>>[vector<16xi32>], vector<16xf32>,
    %get3A_838 = arith.constant 1 : i32
    %get3A_839 = arith.index_cast %get3A_838 : i32 to index
    %get3A_840 = arith.constant 16 : index
    %get3A_841 = tpu.vector_load %arg13[%get3A_839, %get3A_840] {strides = array<i32>} : memref<8x128xf32, #tpu.memory_space<vmem>>, vector<16xf32>,
    %mul3A_842 = arith.constant 8 : i32
    %mul3A_843 = vector.broadcast %mul3A_842 : i32 to vector<16xi32>
    %mul3A_844 = arith.muli %add3A_827, %mul3A_843 : vector<16xi32>
    %add3A_845 = arith.constant 1 : i32
    %add3A_846 = vector.broadcast %add3A_845 : i32 to vector<16xi32>
    %add3A_847 = arith.addi %mul3A_844, %add3A_846 : vector<16xi32>
    tpu.vector_store_idx %arg14[%add3A_847], %get3A_841 : memref<1024xf32, #tpu.memory_space<vmem>>[vector<16xi32>], vector<16xf32>,
    %get3A_848 = arith.constant 2 : i32
    %get3A_849 = arith.index_cast %get3A_848 : i32 to index
    %get3A_850 = arith.constant 16 : index
    %get3A_851 = tpu.vector_load %arg13[%get3A_849, %get3A_850] {strides = array<i32>} : memref<8x128xf32, #tpu.memory_space<vmem>>, vector<16xf32>,
    %mul3A_852 = arith.constant 8 : i32
    %mul3A_853 = vector.broadcast %mul3A_852 : i32 to vector<16xi32>
    %mul3A_854 = arith.muli %add3A_827, %mul3A_853 : vector<16xi32>
    %add3A_855 = arith.constant 2 : i32
    %add3A_856 = vector.broadcast %add3A_855 : i32 to vector<16xi32>
    %add3A_857 = arith.addi %mul3A_854, %add3A_856 : vector<16xi32>
    tpu.vector_store_idx %arg14[%add3A_857], %get3A_851 : memref<1024xf32, #tpu.memory_space<vmem>>[vector<16xi32>], vector<16xf32>,
    %get3A_858 = arith.constant 3 : i32
    %get3A_859 = arith.index_cast %get3A_858 : i32 to index
    %get3A_860 = arith.constant 16 : index
    %get3A_861 = tpu.vector_load %arg13[%get3A_859, %get3A_860] {strides = array<i32>} : memref<8x128xf32, #tpu.memory_space<vmem>>, vector<16xf32>,
    %mul3A_862 = arith.constant 8 : i32
    %mul3A_863 = vector.broadcast %mul3A_862 : i32 to vector<16xi32>
    %mul3A_864 = arith.muli %add3A_827, %mul3A_863 : vector<16xi32>
    %add3A_865 = arith.constant 3 : i32
    %add3A_866 = vector.broadcast %add3A_865 : i32 to vector<16xi32>
    %add3A_867 = arith.addi %mul3A_864, %add3A_866 : vector<16xi32>
    tpu.vector_store_idx %arg14[%add3A_867], %get3A_861 : memref<1024xf32, #tpu.memory_space<vmem>>[vector<16xi32>], vector<16xf32>,
    %get3A_868 = arith.constant 4 : i32
    %get3A_869 = arith.index_cast %get3A_868 : i32 to index
    %get3A_870 = arith.constant 16 : index
    %get3A_871 = tpu.vector_load %arg13[%get3A_869, %get3A_870] {strides = array<i32>} : memref<8x128xf32, #tpu.memory_space<vmem>>, vector<16xf32>,
    %mul3A_872 = arith.constant 8 : i32
    %mul3A_873 = vector.broadcast %mul3A_872 : i32 to vector<16xi32>
    %mul3A_874 = arith.muli %add3A_827, %mul3A_873 : vector<16xi32>
    %add3A_875 = arith.constant 4 : i32
    %add3A_876 = vector.broadcast %add3A_875 : i32 to vector<16xi32>
    %add3A_877 = arith.addi %mul3A_874, %add3A_876 : vector<16xi32>
    tpu.vector_store_idx %arg14[%add3A_877], %get3A_871 : memref<1024xf32, #tpu.memory_space<vmem>>[vector<16xi32>], vector<16xf32>,
    %get3A_878 = arith.constant 5 : i32
    %get3A_879 = arith.index_cast %get3A_878 : i32 to index
    %get3A_880 = arith.constant 16 : index
    %get3A_881 = tpu.vector_load %arg13[%get3A_879, %get3A_880] {strides = array<i32>} : memref<8x128xf32, #tpu.memory_space<vmem>>, vector<16xf32>,
    %mul3A_882 = arith.constant 8 : i32
    %mul3A_883 = vector.broadcast %mul3A_882 : i32 to vector<16xi32>
    %mul3A_884 = arith.muli %add3A_827, %mul3A_883 : vector<16xi32>
    %add3A_885 = arith.constant 5 : i32
    %add3A_886 = vector.broadcast %add3A_885 : i32 to vector<16xi32>
    %add3A_887 = arith.addi %mul3A_884, %add3A_886 : vector<16xi32>
    tpu.vector_store_idx %arg14[%add3A_887], %get3A_881 : memref<1024xf32, #tpu.memory_space<vmem>>[vector<16xi32>], vector<16xf32>,
    %get3A_888 = arith.constant 6 : i32
    %get3A_889 = arith.index_cast %get3A_888 : i32 to index
    %get3A_890 = arith.constant 16 : index
    %get3A_891 = tpu.vector_load %arg13[%get3A_889, %get3A_890] {strides = array<i32>} : memref<8x128xf32, #tpu.memory_space<vmem>>, vector<16xf32>,
    %mul3A_892 = arith.constant 8 : i32
    %mul3A_893 = vector.broadcast %mul3A_892 : i32 to vector<16xi32>
    %mul3A_894 = arith.muli %add3A_827, %mul3A_893 : vector<16xi32>
    %add3A_895 = arith.constant 6 : i32
    %add3A_896 = vector.broadcast %add3A_895 : i32 to vector<16xi32>
    %add3A_897 = arith.addi %mul3A_894, %add3A_896 : vector<16xi32>
    tpu.vector_store_idx %arg14[%add3A_897], %get3A_891 : memref<1024xf32, #tpu.memory_space<vmem>>[vector<16xi32>], vector<16xf32>,
    %get3A_898 = arith.constant 7 : i32
    %get3A_899 = arith.index_cast %get3A_898 : i32 to index
    %get3A_900 = arith.constant 16 : index
    %get3A_901 = tpu.vector_load %arg13[%get3A_899, %get3A_900] {strides = array<i32>} : memref<8x128xf32, #tpu.memory_space<vmem>>, vector<16xf32>,
    %mul3A_902 = arith.constant 8 : i32
    %mul3A_903 = vector.broadcast %mul3A_902 : i32 to vector<16xi32>
    %mul3A_904 = arith.muli %add3A_827, %mul3A_903 : vector<16xi32>
    %add3A_905 = arith.constant 7 : i32
    %add3A_906 = vector.broadcast %add3A_905 : i32 to vector<16xi32>
    %add3A_907 = arith.addi %mul3A_904, %add3A_906 : vector<16xi32>
    tpu.vector_store_idx %arg14[%add3A_907], %get3A_901 : memref<1024xf32, #tpu.memory_space<vmem>>[vector<16xi32>], vector<16xf32>,
    %iota3A_908 = tpu.iota {dimensions = array<i32: 0>} : vector<16xi32>
    %add3A_909 = arith.constant 32 : i32
    %add3A_910 = vector.broadcast %add3A_909 : i32 to vector<16xi32>
    %add3A_911 = arith.addi %iota3A_908, %add3A_910 : vector<16xi32>
    %get3A_912 = arith.constant 0 : i32
    %get3A_913 = arith.index_cast %get3A_912 : i32 to index
    %get3A_914 = arith.constant 32 : index
    %get3A_915 = tpu.vector_load %arg13[%get3A_913, %get3A_914] {strides = array<i32>} : memref<8x128xf32, #tpu.memory_space<vmem>>, vector<16xf32>,
    %mul3A_916 = arith.constant 8 : i32
    %mul3A_917 = vector.broadcast %mul3A_916 : i32 to vector<16xi32>
    %mul3A_918 = arith.muli %add3A_911, %mul3A_917 : vector<16xi32>
    %add3A_919 = arith.constant 0 : i32
    %add3A_920 = vector.broadcast %add3A_919 : i32 to vector<16xi32>
    %add3A_921 = arith.addi %mul3A_918, %add3A_920 : vector<16xi32>
    tpu.vector_store_idx %arg14[%add3A_921], %get3A_915 : memref<1024xf32, #tpu.memory_space<vmem>>[vector<16xi32>], vector<16xf32>,
    %get3A_922 = arith.constant 1 : i32
    %get3A_923 = arith.index_cast %get3A_922 : i32 to index
    %get3A_924 = arith.constant 32 : index
    %get3A_925 = tpu.vector_load %arg13[%get3A_923, %get3A_924] {strides = array<i32>} : memref<8x128xf32, #tpu.memory_space<vmem>>, vector<16xf32>,
    %mul3A_926 = arith.constant 8 : i32
    %mul3A_927 = vector.broadcast %mul3A_926 : i32 to vector<16xi32>
    %mul3A_928 = arith.muli %add3A_911, %mul3A_927 : vector<16xi32>
    %add3A_929 = arith.constant 1 : i32
    %add3A_930 = vector.broadcast %add3A_929 : i32 to vector<16xi32>
    %add3A_931 = arith.addi %mul3A_928, %add3A_930 : vector<16xi32>
    tpu.vector_store_idx %arg14[%add3A_931], %get3A_925 : memref<1024xf32, #tpu.memory_space<vmem>>[vector<16xi32>], vector<16xf32>,
    %get3A_932 = arith.constant 2 : i32
    %get3A_933 = arith.index_cast %get3A_932 : i32 to index
    %get3A_934 = arith.constant 32 : index
    %get3A_935 = tpu.vector_load %arg13[%get3A_933, %get3A_934] {strides = array<i32>} : memref<8x128xf32, #tpu.memory_space<vmem>>, vector<16xf32>,
    %mul3A_936 = arith.constant 8 : i32
    %mul3A_937 = vector.broadcast %mul3A_936 : i32 to vector<16xi32>
    %mul3A_938 = arith.muli %add3A_911, %mul3A_937 : vector<16xi32>
    %add3A_939 = arith.constant 2 : i32
    %add3A_940 = vector.broadcast %add3A_939 : i32 to vector<16xi32>
    %add3A_941 = arith.addi %mul3A_938, %add3A_940 : vector<16xi32>
    tpu.vector_store_idx %arg14[%add3A_941], %get3A_935 : memref<1024xf32, #tpu.memory_space<vmem>>[vector<16xi32>], vector<16xf32>,
    %get3A_942 = arith.constant 3 : i32
    %get3A_943 = arith.index_cast %get3A_942 : i32 to index
    %get3A_944 = arith.constant 32 : index
    %get3A_945 = tpu.vector_load %arg13[%get3A_943, %get3A_944] {strides = array<i32>} : memref<8x128xf32, #tpu.memory_space<vmem>>, vector<16xf32>,
    %mul3A_946 = arith.constant 8 : i32
    %mul3A_947 = vector.broadcast %mul3A_946 : i32 to vector<16xi32>
    %mul3A_948 = arith.muli %add3A_911, %mul3A_947 : vector<16xi32>
    %add3A_949 = arith.constant 3 : i32
    %add3A_950 = vector.broadcast %add3A_949 : i32 to vector<16xi32>
    %add3A_951 = arith.addi %mul3A_948, %add3A_950 : vector<16xi32>
    tpu.vector_store_idx %arg14[%add3A_951], %get3A_945 : memref<1024xf32, #tpu.memory_space<vmem>>[vector<16xi32>], vector<16xf32>,
    %get3A_952 = arith.constant 4 : i32
    %get3A_953 = arith.index_cast %get3A_952 : i32 to index
    %get3A_954 = arith.constant 32 : index
    %get3A_955 = tpu.vector_load %arg13[%get3A_953, %get3A_954] {strides = array<i32>} : memref<8x128xf32, #tpu.memory_space<vmem>>, vector<16xf32>,
    %mul3A_956 = arith.constant 8 : i32
    %mul3A_957 = vector.broadcast %mul3A_956 : i32 to vector<16xi32>
    %mul3A_958 = arith.muli %add3A_911, %mul3A_957 : vector<16xi32>
    %add3A_959 = arith.constant 4 : i32
    %add3A_960 = vector.broadcast %add3A_959 : i32 to vector<16xi32>
    %add3A_961 = arith.addi %mul3A_958, %add3A_960 : vector<16xi32>
    tpu.vector_store_idx %arg14[%add3A_961], %get3A_955 : memref<1024xf32, #tpu.memory_space<vmem>>[vector<16xi32>], vector<16xf32>,
    %get3A_962 = arith.constant 5 : i32
    %get3A_963 = arith.index_cast %get3A_962 : i32 to index
    %get3A_964 = arith.constant 32 : index
    %get3A_965 = tpu.vector_load %arg13[%get3A_963, %get3A_964] {strides = array<i32>} : memref<8x128xf32, #tpu.memory_space<vmem>>, vector<16xf32>,
    %mul3A_966 = arith.constant 8 : i32
    %mul3A_967 = vector.broadcast %mul3A_966 : i32 to vector<16xi32>
    %mul3A_968 = arith.muli %add3A_911, %mul3A_967 : vector<16xi32>
    %add3A_969 = arith.constant 5 : i32
    %add3A_970 = vector.broadcast %add3A_969 : i32 to vector<16xi32>
    %add3A_971 = arith.addi %mul3A_968, %add3A_970 : vector<16xi32>
    tpu.vector_store_idx %arg14[%add3A_971], %get3A_965 : memref<1024xf32, #tpu.memory_space<vmem>>[vector<16xi32>], vector<16xf32>,
    %get3A_972 = arith.constant 6 : i32
    %get3A_973 = arith.index_cast %get3A_972 : i32 to index
    %get3A_974 = arith.constant 32 : index
    %get3A_975 = tpu.vector_load %arg13[%get3A_973, %get3A_974] {strides = array<i32>} : memref<8x128xf32, #tpu.memory_space<vmem>>, vector<16xf32>,
    %mul3A_976 = arith.constant 8 : i32
    %mul3A_977 = vector.broadcast %mul3A_976 : i32 to vector<16xi32>
    %mul3A_978 = arith.muli %add3A_911, %mul3A_977 : vector<16xi32>
    %add3A_979 = arith.constant 6 : i32
    %add3A_980 = vector.broadcast %add3A_979 : i32 to vector<16xi32>
    %add3A_981 = arith.addi %mul3A_978, %add3A_980 : vector<16xi32>
    tpu.vector_store_idx %arg14[%add3A_981], %get3A_975 : memref<1024xf32, #tpu.memory_space<vmem>>[vector<16xi32>], vector<16xf32>,
    %get3A_982 = arith.constant 7 : i32
    %get3A_983 = arith.index_cast %get3A_982 : i32 to index
    %get3A_984 = arith.constant 32 : index
    %get3A_985 = tpu.vector_load %arg13[%get3A_983, %get3A_984] {strides = array<i32>} : memref<8x128xf32, #tpu.memory_space<vmem>>, vector<16xf32>,
    %mul3A_986 = arith.constant 8 : i32
    %mul3A_987 = vector.broadcast %mul3A_986 : i32 to vector<16xi32>
    %mul3A_988 = arith.muli %add3A_911, %mul3A_987 : vector<16xi32>
    %add3A_989 = arith.constant 7 : i32
    %add3A_990 = vector.broadcast %add3A_989 : i32 to vector<16xi32>
    %add3A_991 = arith.addi %mul3A_988, %add3A_990 : vector<16xi32>
    tpu.vector_store_idx %arg14[%add3A_991], %get3A_985 : memref<1024xf32, #tpu.memory_space<vmem>>[vector<16xi32>], vector<16xf32>,
    %iota3A_992 = tpu.iota {dimensions = array<i32: 0>} : vector<16xi32>
    %add3A_993 = arith.constant 48 : i32
    %add3A_994 = vector.broadcast %add3A_993 : i32 to vector<16xi32>
    %add3A_995 = arith.addi %iota3A_992, %add3A_994 : vector<16xi32>
    %get3A_996 = arith.constant 0 : i32
    %get3A_997 = arith.index_cast %get3A_996 : i32 to index
    %get3A_998 = arith.constant 48 : index
    %get3A_999 = tpu.vector_load %arg13[%get3A_997, %get3A_998] {strides = array<i32>} : memref<8x128xf32, #tpu.memory_space<vmem>>, vector<16xf32>,
    %mul3A_1000 = arith.constant 8 : i32
    %mul3A_1001 = vector.broadcast %mul3A_1000 : i32 to vector<16xi32>
    %mul3A_1002 = arith.muli %add3A_995, %mul3A_1001 : vector<16xi32>
    %add3A_1003 = arith.constant 0 : i32
    %add3A_1004 = vector.broadcast %add3A_1003 : i32 to vector<16xi32>
    %add3A_1005 = arith.addi %mul3A_1002, %add3A_1004 : vector<16xi32>
    tpu.vector_store_idx %arg14[%add3A_1005], %get3A_999 : memref<1024xf32, #tpu.memory_space<vmem>>[vector<16xi32>], vector<16xf32>,
    %get3A_1006 = arith.constant 1 : i32
    %get3A_1007 = arith.index_cast %get3A_1006 : i32 to index
    %get3A_1008 = arith.constant 48 : index
    %get3A_1009 = tpu.vector_load %arg13[%get3A_1007, %get3A_1008] {strides = array<i32>} : memref<8x128xf32, #tpu.memory_space<vmem>>, vector<16xf32>,
    %mul3A_1010 = arith.constant 8 : i32
    %mul3A_1011 = vector.broadcast %mul3A_1010 : i32 to vector<16xi32>
    %mul3A_1012 = arith.muli %add3A_995, %mul3A_1011 : vector<16xi32>
    %add3A_1013 = arith.constant 1 : i32
    %add3A_1014 = vector.broadcast %add3A_1013 : i32 to vector<16xi32>
    %add3A_1015 = arith.addi %mul3A_1012, %add3A_1014 : vector<16xi32>
    tpu.vector_store_idx %arg14[%add3A_1015], %get3A_1009 : memref<1024xf32, #tpu.memory_space<vmem>>[vector<16xi32>], vector<16xf32>,
    %get3A_1016 = arith.constant 2 : i32
    %get3A_1017 = arith.index_cast %get3A_1016 : i32 to index
    %get3A_1018 = arith.constant 48 : index
    %get3A_1019 = tpu.vector_load %arg13[%get3A_1017, %get3A_1018] {strides = array<i32>} : memref<8x128xf32, #tpu.memory_space<vmem>>, vector<16xf32>,
    %mul3A_1020 = arith.constant 8 : i32
    %mul3A_1021 = vector.broadcast %mul3A_1020 : i32 to vector<16xi32>
    %mul3A_1022 = arith.muli %add3A_995, %mul3A_1021 : vector<16xi32>
    %add3A_1023 = arith.constant 2 : i32
    %add3A_1024 = vector.broadcast %add3A_1023 : i32 to vector<16xi32>
    %add3A_1025 = arith.addi %mul3A_1022, %add3A_1024 : vector<16xi32>
    tpu.vector_store_idx %arg14[%add3A_1025], %get3A_1019 : memref<1024xf32, #tpu.memory_space<vmem>>[vector<16xi32>], vector<16xf32>,
    %get3A_1026 = arith.constant 3 : i32
    %get3A_1027 = arith.index_cast %get3A_1026 : i32 to index
    %get3A_1028 = arith.constant 48 : index
    %get3A_1029 = tpu.vector_load %arg13[%get3A_1027, %get3A_1028] {strides = array<i32>} : memref<8x128xf32, #tpu.memory_space<vmem>>, vector<16xf32>,
    %mul3A_1030 = arith.constant 8 : i32
    %mul3A_1031 = vector.broadcast %mul3A_1030 : i32 to vector<16xi32>
    %mul3A_1032 = arith.muli %add3A_995, %mul3A_1031 : vector<16xi32>
    %add3A_1033 = arith.constant 3 : i32
    %add3A_1034 = vector.broadcast %add3A_1033 : i32 to vector<16xi32>
    %add3A_1035 = arith.addi %mul3A_1032, %add3A_1034 : vector<16xi32>
    tpu.vector_store_idx %arg14[%add3A_1035], %get3A_1029 : memref<1024xf32, #tpu.memory_space<vmem>>[vector<16xi32>], vector<16xf32>,
    %get3A_1036 = arith.constant 4 : i32
    %get3A_1037 = arith.index_cast %get3A_1036 : i32 to index
    %get3A_1038 = arith.constant 48 : index
    %get3A_1039 = tpu.vector_load %arg13[%get3A_1037, %get3A_1038] {strides = array<i32>} : memref<8x128xf32, #tpu.memory_space<vmem>>, vector<16xf32>,
    %mul3A_1040 = arith.constant 8 : i32
    %mul3A_1041 = vector.broadcast %mul3A_1040 : i32 to vector<16xi32>
    %mul3A_1042 = arith.muli %add3A_995, %mul3A_1041 : vector<16xi32>
    %add3A_1043 = arith.constant 4 : i32
    %add3A_1044 = vector.broadcast %add3A_1043 : i32 to vector<16xi32>
    %add3A_1045 = arith.addi %mul3A_1042, %add3A_1044 : vector<16xi32>
    tpu.vector_store_idx %arg14[%add3A_1045], %get3A_1039 : memref<1024xf32, #tpu.memory_space<vmem>>[vector<16xi32>], vector<16xf32>,
    %get3A_1046 = arith.constant 5 : i32
    %get3A_1047 = arith.index_cast %get3A_1046 : i32 to index
    %get3A_1048 = arith.constant 48 : index
    %get3A_1049 = tpu.vector_load %arg13[%get3A_1047, %get3A_1048] {strides = array<i32>} : memref<8x128xf32, #tpu.memory_space<vmem>>, vector<16xf32>,
    %mul3A_1050 = arith.constant 8 : i32
    %mul3A_1051 = vector.broadcast %mul3A_1050 : i32 to vector<16xi32>
    %mul3A_1052 = arith.muli %add3A_995, %mul3A_1051 : vector<16xi32>
    %add3A_1053 = arith.constant 5 : i32
    %add3A_1054 = vector.broadcast %add3A_1053 : i32 to vector<16xi32>
    %add3A_1055 = arith.addi %mul3A_1052, %add3A_1054 : vector<16xi32>
    tpu.vector_store_idx %arg14[%add3A_1055], %get3A_1049 : memref<1024xf32, #tpu.memory_space<vmem>>[vector<16xi32>], vector<16xf32>,
    %get3A_1056 = arith.constant 6 : i32
    %get3A_1057 = arith.index_cast %get3A_1056 : i32 to index
    %get3A_1058 = arith.constant 48 : index
    %get3A_1059 = tpu.vector_load %arg13[%get3A_1057, %get3A_1058] {strides = array<i32>} : memref<8x128xf32, #tpu.memory_space<vmem>>, vector<16xf32>,
    %mul3A_1060 = arith.constant 8 : i32
    %mul3A_1061 = vector.broadcast %mul3A_1060 : i32 to vector<16xi32>
    %mul3A_1062 = arith.muli %add3A_995, %mul3A_1061 : vector<16xi32>
    %add3A_1063 = arith.constant 6 : i32
    %add3A_1064 = vector.broadcast %add3A_1063 : i32 to vector<16xi32>
    %add3A_1065 = arith.addi %mul3A_1062, %add3A_1064 : vector<16xi32>
    tpu.vector_store_idx %arg14[%add3A_1065], %get3A_1059 : memref<1024xf32, #tpu.memory_space<vmem>>[vector<16xi32>], vector<16xf32>,
    %get3A_1066 = arith.constant 7 : i32
    %get3A_1067 = arith.index_cast %get3A_1066 : i32 to index
    %get3A_1068 = arith.constant 48 : index
    %get3A_1069 = tpu.vector_load %arg13[%get3A_1067, %get3A_1068] {strides = array<i32>} : memref<8x128xf32, #tpu.memory_space<vmem>>, vector<16xf32>,
    %mul3A_1070 = arith.constant 8 : i32
    %mul3A_1071 = vector.broadcast %mul3A_1070 : i32 to vector<16xi32>
    %mul3A_1072 = arith.muli %add3A_995, %mul3A_1071 : vector<16xi32>
    %add3A_1073 = arith.constant 7 : i32
    %add3A_1074 = vector.broadcast %add3A_1073 : i32 to vector<16xi32>
    %add3A_1075 = arith.addi %mul3A_1072, %add3A_1074 : vector<16xi32>
    tpu.vector_store_idx %arg14[%add3A_1075], %get3A_1069 : memref<1024xf32, #tpu.memory_space<vmem>>[vector<16xi32>], vector<16xf32>,
    %iota3A_1076 = tpu.iota {dimensions = array<i32: 0>} : vector<16xi32>
    %add3A_1077 = arith.constant 64 : i32
    %add3A_1078 = vector.broadcast %add3A_1077 : i32 to vector<16xi32>
    %add3A_1079 = arith.addi %iota3A_1076, %add3A_1078 : vector<16xi32>
    %get3A_1080 = arith.constant 0 : i32
    %get3A_1081 = arith.index_cast %get3A_1080 : i32 to index
    %get3A_1082 = arith.constant 64 : index
    %get3A_1083 = tpu.vector_load %arg13[%get3A_1081, %get3A_1082] {strides = array<i32>} : memref<8x128xf32, #tpu.memory_space<vmem>>, vector<16xf32>,
    %mul3A_1084 = arith.constant 8 : i32
    %mul3A_1085 = vector.broadcast %mul3A_1084 : i32 to vector<16xi32>
    %mul3A_1086 = arith.muli %add3A_1079, %mul3A_1085 : vector<16xi32>
    %add3A_1087 = arith.constant 0 : i32
    %add3A_1088 = vector.broadcast %add3A_1087 : i32 to vector<16xi32>
    %add3A_1089 = arith.addi %mul3A_1086, %add3A_1088 : vector<16xi32>
    tpu.vector_store_idx %arg14[%add3A_1089], %get3A_1083 : memref<1024xf32, #tpu.memory_space<vmem>>[vector<16xi32>], vector<16xf32>,
    %get3A_1090 = arith.constant 1 : i32
    %get3A_1091 = arith.index_cast %get3A_1090 : i32 to index
    %get3A_1092 = arith.constant 64 : index
    %get3A_1093 = tpu.vector_load %arg13[%get3A_1091, %get3A_1092] {strides = array<i32>} : memref<8x128xf32, #tpu.memory_space<vmem>>, vector<16xf32>,
    %mul3A_1094 = arith.constant 8 : i32
    %mul3A_1095 = vector.broadcast %mul3A_1094 : i32 to vector<16xi32>
    %mul3A_1096 = arith.muli %add3A_1079, %mul3A_1095 : vector<16xi32>
    %add3A_1097 = arith.constant 1 : i32
    %add3A_1098 = vector.broadcast %add3A_1097 : i32 to vector<16xi32>
    %add3A_1099 = arith.addi %mul3A_1096, %add3A_1098 : vector<16xi32>
    tpu.vector_store_idx %arg14[%add3A_1099], %get3A_1093 : memref<1024xf32, #tpu.memory_space<vmem>>[vector<16xi32>], vector<16xf32>,
    %get3A_1100 = arith.constant 2 : i32
    %get3A_1101 = arith.index_cast %get3A_1100 : i32 to index
    %get3A_1102 = arith.constant 64 : index
    %get3A_1103 = tpu.vector_load %arg13[%get3A_1101, %get3A_1102] {strides = array<i32>} : memref<8x128xf32, #tpu.memory_space<vmem>>, vector<16xf32>,
    %mul3A_1104 = arith.constant 8 : i32
    %mul3A_1105 = vector.broadcast %mul3A_1104 : i32 to vector<16xi32>
    %mul3A_1106 = arith.muli %add3A_1079, %mul3A_1105 : vector<16xi32>
    %add3A_1107 = arith.constant 2 : i32
    %add3A_1108 = vector.broadcast %add3A_1107 : i32 to vector<16xi32>
    %add3A_1109 = arith.addi %mul3A_1106, %add3A_1108 : vector<16xi32>
    tpu.vector_store_idx %arg14[%add3A_1109], %get3A_1103 : memref<1024xf32, #tpu.memory_space<vmem>>[vector<16xi32>], vector<16xf32>,
    %get3A_1110 = arith.constant 3 : i32
    %get3A_1111 = arith.index_cast %get3A_1110 : i32 to index
    %get3A_1112 = arith.constant 64 : index
    %get3A_1113 = tpu.vector_load %arg13[%get3A_1111, %get3A_1112] {strides = array<i32>} : memref<8x128xf32, #tpu.memory_space<vmem>>, vector<16xf32>,
    %mul3A_1114 = arith.constant 8 : i32
    %mul3A_1115 = vector.broadcast %mul3A_1114 : i32 to vector<16xi32>
    %mul3A_1116 = arith.muli %add3A_1079, %mul3A_1115 : vector<16xi32>
    %add3A_1117 = arith.constant 3 : i32
    %add3A_1118 = vector.broadcast %add3A_1117 : i32 to vector<16xi32>
    %add3A_1119 = arith.addi %mul3A_1116, %add3A_1118 : vector<16xi32>
    tpu.vector_store_idx %arg14[%add3A_1119], %get3A_1113 : memref<1024xf32, #tpu.memory_space<vmem>>[vector<16xi32>], vector<16xf32>,
    %get3A_1120 = arith.constant 4 : i32
    %get3A_1121 = arith.index_cast %get3A_1120 : i32 to index
    %get3A_1122 = arith.constant 64 : index
    %get3A_1123 = tpu.vector_load %arg13[%get3A_1121, %get3A_1122] {strides = array<i32>} : memref<8x128xf32, #tpu.memory_space<vmem>>, vector<16xf32>,
    %mul3A_1124 = arith.constant 8 : i32
    %mul3A_1125 = vector.broadcast %mul3A_1124 : i32 to vector<16xi32>
    %mul3A_1126 = arith.muli %add3A_1079, %mul3A_1125 : vector<16xi32>
    %add3A_1127 = arith.constant 4 : i32
    %add3A_1128 = vector.broadcast %add3A_1127 : i32 to vector<16xi32>
    %add3A_1129 = arith.addi %mul3A_1126, %add3A_1128 : vector<16xi32>
    tpu.vector_store_idx %arg14[%add3A_1129], %get3A_1123 : memref<1024xf32, #tpu.memory_space<vmem>>[vector<16xi32>], vector<16xf32>,
    %get3A_1130 = arith.constant 5 : i32
    %get3A_1131 = arith.index_cast %get3A_1130 : i32 to index
    %get3A_1132 = arith.constant 64 : index
    %get3A_1133 = tpu.vector_load %arg13[%get3A_1131, %get3A_1132] {strides = array<i32>} : memref<8x128xf32, #tpu.memory_space<vmem>>, vector<16xf32>,
    %mul3A_1134 = arith.constant 8 : i32
    %mul3A_1135 = vector.broadcast %mul3A_1134 : i32 to vector<16xi32>
    %mul3A_1136 = arith.muli %add3A_1079, %mul3A_1135 : vector<16xi32>
    %add3A_1137 = arith.constant 5 : i32
    %add3A_1138 = vector.broadcast %add3A_1137 : i32 to vector<16xi32>
    %add3A_1139 = arith.addi %mul3A_1136, %add3A_1138 : vector<16xi32>
    tpu.vector_store_idx %arg14[%add3A_1139], %get3A_1133 : memref<1024xf32, #tpu.memory_space<vmem>>[vector<16xi32>], vector<16xf32>,
    %get3A_1140 = arith.constant 6 : i32
    %get3A_1141 = arith.index_cast %get3A_1140 : i32 to index
    %get3A_1142 = arith.constant 64 : index
    %get3A_1143 = tpu.vector_load %arg13[%get3A_1141, %get3A_1142] {strides = array<i32>} : memref<8x128xf32, #tpu.memory_space<vmem>>, vector<16xf32>,
    %mul3A_1144 = arith.constant 8 : i32
    %mul3A_1145 = vector.broadcast %mul3A_1144 : i32 to vector<16xi32>
    %mul3A_1146 = arith.muli %add3A_1079, %mul3A_1145 : vector<16xi32>
    %add3A_1147 = arith.constant 6 : i32
    %add3A_1148 = vector.broadcast %add3A_1147 : i32 to vector<16xi32>
    %add3A_1149 = arith.addi %mul3A_1146, %add3A_1148 : vector<16xi32>
    tpu.vector_store_idx %arg14[%add3A_1149], %get3A_1143 : memref<1024xf32, #tpu.memory_space<vmem>>[vector<16xi32>], vector<16xf32>,
    %get3A_1150 = arith.constant 7 : i32
    %get3A_1151 = arith.index_cast %get3A_1150 : i32 to index
    %get3A_1152 = arith.constant 64 : index
    %get3A_1153 = tpu.vector_load %arg13[%get3A_1151, %get3A_1152] {strides = array<i32>} : memref<8x128xf32, #tpu.memory_space<vmem>>, vector<16xf32>,
    %mul3A_1154 = arith.constant 8 : i32
    %mul3A_1155 = vector.broadcast %mul3A_1154 : i32 to vector<16xi32>
    %mul3A_1156 = arith.muli %add3A_1079, %mul3A_1155 : vector<16xi32>
    %add3A_1157 = arith.constant 7 : i32
    %add3A_1158 = vector.broadcast %add3A_1157 : i32 to vector<16xi32>
    %add3A_1159 = arith.addi %mul3A_1156, %add3A_1158 : vector<16xi32>
    tpu.vector_store_idx %arg14[%add3A_1159], %get3A_1153 : memref<1024xf32, #tpu.memory_space<vmem>>[vector<16xi32>], vector<16xf32>,
    %iota3A_1160 = tpu.iota {dimensions = array<i32: 0>} : vector<16xi32>
    %add3A_1161 = arith.constant 80 : i32
    %add3A_1162 = vector.broadcast %add3A_1161 : i32 to vector<16xi32>
    %add3A_1163 = arith.addi %iota3A_1160, %add3A_1162 : vector<16xi32>
    %get3A_1164 = arith.constant 0 : i32
    %get3A_1165 = arith.index_cast %get3A_1164 : i32 to index
    %get3A_1166 = arith.constant 80 : index
    %get3A_1167 = tpu.vector_load %arg13[%get3A_1165, %get3A_1166] {strides = array<i32>} : memref<8x128xf32, #tpu.memory_space<vmem>>, vector<16xf32>,
    %mul3A_1168 = arith.constant 8 : i32
    %mul3A_1169 = vector.broadcast %mul3A_1168 : i32 to vector<16xi32>
    %mul3A_1170 = arith.muli %add3A_1163, %mul3A_1169 : vector<16xi32>
    %add3A_1171 = arith.constant 0 : i32
    %add3A_1172 = vector.broadcast %add3A_1171 : i32 to vector<16xi32>
    %add3A_1173 = arith.addi %mul3A_1170, %add3A_1172 : vector<16xi32>
    tpu.vector_store_idx %arg14[%add3A_1173], %get3A_1167 : memref<1024xf32, #tpu.memory_space<vmem>>[vector<16xi32>], vector<16xf32>,
    %get3A_1174 = arith.constant 1 : i32
    %get3A_1175 = arith.index_cast %get3A_1174 : i32 to index
    %get3A_1176 = arith.constant 80 : index
    %get3A_1177 = tpu.vector_load %arg13[%get3A_1175, %get3A_1176] {strides = array<i32>} : memref<8x128xf32, #tpu.memory_space<vmem>>, vector<16xf32>,
    %mul3A_1178 = arith.constant 8 : i32
    %mul3A_1179 = vector.broadcast %mul3A_1178 : i32 to vector<16xi32>
    %mul3A_1180 = arith.muli %add3A_1163, %mul3A_1179 : vector<16xi32>
    %add3A_1181 = arith.constant 1 : i32
    %add3A_1182 = vector.broadcast %add3A_1181 : i32 to vector<16xi32>
    %add3A_1183 = arith.addi %mul3A_1180, %add3A_1182 : vector<16xi32>
    tpu.vector_store_idx %arg14[%add3A_1183], %get3A_1177 : memref<1024xf32, #tpu.memory_space<vmem>>[vector<16xi32>], vector<16xf32>,
    %get3A_1184 = arith.constant 2 : i32
    %get3A_1185 = arith.index_cast %get3A_1184 : i32 to index
    %get3A_1186 = arith.constant 80 : index
    %get3A_1187 = tpu.vector_load %arg13[%get3A_1185, %get3A_1186] {strides = array<i32>} : memref<8x128xf32, #tpu.memory_space<vmem>>, vector<16xf32>,
    %mul3A_1188 = arith.constant 8 : i32
    %mul3A_1189 = vector.broadcast %mul3A_1188 : i32 to vector<16xi32>
    %mul3A_1190 = arith.muli %add3A_1163, %mul3A_1189 : vector<16xi32>
    %add3A_1191 = arith.constant 2 : i32
    %add3A_1192 = vector.broadcast %add3A_1191 : i32 to vector<16xi32>
    %add3A_1193 = arith.addi %mul3A_1190, %add3A_1192 : vector<16xi32>
    tpu.vector_store_idx %arg14[%add3A_1193], %get3A_1187 : memref<1024xf32, #tpu.memory_space<vmem>>[vector<16xi32>], vector<16xf32>,
    %get3A_1194 = arith.constant 3 : i32
    %get3A_1195 = arith.index_cast %get3A_1194 : i32 to index
    %get3A_1196 = arith.constant 80 : index
    %get3A_1197 = tpu.vector_load %arg13[%get3A_1195, %get3A_1196] {strides = array<i32>} : memref<8x128xf32, #tpu.memory_space<vmem>>, vector<16xf32>,
    %mul3A_1198 = arith.constant 8 : i32
    %mul3A_1199 = vector.broadcast %mul3A_1198 : i32 to vector<16xi32>
    %mul3A_1200 = arith.muli %add3A_1163, %mul3A_1199 : vector<16xi32>
    %add3A_1201 = arith.constant 3 : i32
    %add3A_1202 = vector.broadcast %add3A_1201 : i32 to vector<16xi32>
    %add3A_1203 = arith.addi %mul3A_1200, %add3A_1202 : vector<16xi32>
    tpu.vector_store_idx %arg14[%add3A_1203], %get3A_1197 : memref<1024xf32, #tpu.memory_space<vmem>>[vector<16xi32>], vector<16xf32>,
    %get3A_1204 = arith.constant 4 : i32
    %get3A_1205 = arith.index_cast %get3A_1204 : i32 to index
    %get3A_1206 = arith.constant 80 : index
    %get3A_1207 = tpu.vector_load %arg13[%get3A_1205, %get3A_1206] {strides = array<i32>} : memref<8x128xf32, #tpu.memory_space<vmem>>, vector<16xf32>,
    %mul3A_1208 = arith.constant 8 : i32
    %mul3A_1209 = vector.broadcast %mul3A_1208 : i32 to vector<16xi32>
    %mul3A_1210 = arith.muli %add3A_1163, %mul3A_1209 : vector<16xi32>
    %add3A_1211 = arith.constant 4 : i32
    %add3A_1212 = vector.broadcast %add3A_1211 : i32 to vector<16xi32>
    %add3A_1213 = arith.addi %mul3A_1210, %add3A_1212 : vector<16xi32>
    tpu.vector_store_idx %arg14[%add3A_1213], %get3A_1207 : memref<1024xf32, #tpu.memory_space<vmem>>[vector<16xi32>], vector<16xf32>,
    %get3A_1214 = arith.constant 5 : i32
    %get3A_1215 = arith.index_cast %get3A_1214 : i32 to index
    %get3A_1216 = arith.constant 80 : index
    %get3A_1217 = tpu.vector_load %arg13[%get3A_1215, %get3A_1216] {strides = array<i32>} : memref<8x128xf32, #tpu.memory_space<vmem>>, vector<16xf32>,
    %mul3A_1218 = arith.constant 8 : i32
    %mul3A_1219 = vector.broadcast %mul3A_1218 : i32 to vector<16xi32>
    %mul3A_1220 = arith.muli %add3A_1163, %mul3A_1219 : vector<16xi32>
    %add3A_1221 = arith.constant 5 : i32
    %add3A_1222 = vector.broadcast %add3A_1221 : i32 to vector<16xi32>
    %add3A_1223 = arith.addi %mul3A_1220, %add3A_1222 : vector<16xi32>
    tpu.vector_store_idx %arg14[%add3A_1223], %get3A_1217 : memref<1024xf32, #tpu.memory_space<vmem>>[vector<16xi32>], vector<16xf32>,
    %get3A_1224 = arith.constant 6 : i32
    %get3A_1225 = arith.index_cast %get3A_1224 : i32 to index
    %get3A_1226 = arith.constant 80 : index
    %get3A_1227 = tpu.vector_load %arg13[%get3A_1225, %get3A_1226] {strides = array<i32>} : memref<8x128xf32, #tpu.memory_space<vmem>>, vector<16xf32>,
    %mul3A_1228 = arith.constant 8 : i32
    %mul3A_1229 = vector.broadcast %mul3A_1228 : i32 to vector<16xi32>
    %mul3A_1230 = arith.muli %add3A_1163, %mul3A_1229 : vector<16xi32>
    %add3A_1231 = arith.constant 6 : i32
    %add3A_1232 = vector.broadcast %add3A_1231 : i32 to vector<16xi32>
    %add3A_1233 = arith.addi %mul3A_1230, %add3A_1232 : vector<16xi32>
    tpu.vector_store_idx %arg14[%add3A_1233], %get3A_1227 : memref<1024xf32, #tpu.memory_space<vmem>>[vector<16xi32>], vector<16xf32>,
    %get3A_1234 = arith.constant 7 : i32
    %get3A_1235 = arith.index_cast %get3A_1234 : i32 to index
    %get3A_1236 = arith.constant 80 : index
    %get3A_1237 = tpu.vector_load %arg13[%get3A_1235, %get3A_1236] {strides = array<i32>} : memref<8x128xf32, #tpu.memory_space<vmem>>, vector<16xf32>,
    %mul3A_1238 = arith.constant 8 : i32
    %mul3A_1239 = vector.broadcast %mul3A_1238 : i32 to vector<16xi32>
    %mul3A_1240 = arith.muli %add3A_1163, %mul3A_1239 : vector<16xi32>
    %add3A_1241 = arith.constant 7 : i32
    %add3A_1242 = vector.broadcast %add3A_1241 : i32 to vector<16xi32>
    %add3A_1243 = arith.addi %mul3A_1240, %add3A_1242 : vector<16xi32>
    tpu.vector_store_idx %arg14[%add3A_1243], %get3A_1237 : memref<1024xf32, #tpu.memory_space<vmem>>[vector<16xi32>], vector<16xf32>,
    %iota3A_1244 = tpu.iota {dimensions = array<i32: 0>} : vector<16xi32>
    %add3A_1245 = arith.constant 96 : i32
    %add3A_1246 = vector.broadcast %add3A_1245 : i32 to vector<16xi32>
    %add3A_1247 = arith.addi %iota3A_1244, %add3A_1246 : vector<16xi32>
    %get3A_1248 = arith.constant 0 : i32
    %get3A_1249 = arith.index_cast %get3A_1248 : i32 to index
    %get3A_1250 = arith.constant 96 : index
    %get3A_1251 = tpu.vector_load %arg13[%get3A_1249, %get3A_1250] {strides = array<i32>} : memref<8x128xf32, #tpu.memory_space<vmem>>, vector<16xf32>,
    %mul3A_1252 = arith.constant 8 : i32
    %mul3A_1253 = vector.broadcast %mul3A_1252 : i32 to vector<16xi32>
    %mul3A_1254 = arith.muli %add3A_1247, %mul3A_1253 : vector<16xi32>
    %add3A_1255 = arith.constant 0 : i32
    %add3A_1256 = vector.broadcast %add3A_1255 : i32 to vector<16xi32>
    %add3A_1257 = arith.addi %mul3A_1254, %add3A_1256 : vector<16xi32>
    tpu.vector_store_idx %arg14[%add3A_1257], %get3A_1251 : memref<1024xf32, #tpu.memory_space<vmem>>[vector<16xi32>], vector<16xf32>,
    %get3A_1258 = arith.constant 1 : i32
    %get3A_1259 = arith.index_cast %get3A_1258 : i32 to index
    %get3A_1260 = arith.constant 96 : index
    %get3A_1261 = tpu.vector_load %arg13[%get3A_1259, %get3A_1260] {strides = array<i32>} : memref<8x128xf32, #tpu.memory_space<vmem>>, vector<16xf32>,
    %mul3A_1262 = arith.constant 8 : i32
    %mul3A_1263 = vector.broadcast %mul3A_1262 : i32 to vector<16xi32>
    %mul3A_1264 = arith.muli %add3A_1247, %mul3A_1263 : vector<16xi32>
    %add3A_1265 = arith.constant 1 : i32
    %add3A_1266 = vector.broadcast %add3A_1265 : i32 to vector<16xi32>
    %add3A_1267 = arith.addi %mul3A_1264, %add3A_1266 : vector<16xi32>
    tpu.vector_store_idx %arg14[%add3A_1267], %get3A_1261 : memref<1024xf32, #tpu.memory_space<vmem>>[vector<16xi32>], vector<16xf32>,
    %get3A_1268 = arith.constant 2 : i32
    %get3A_1269 = arith.index_cast %get3A_1268 : i32 to index
    %get3A_1270 = arith.constant 96 : index
    %get3A_1271 = tpu.vector_load %arg13[%get3A_1269, %get3A_1270] {strides = array<i32>} : memref<8x128xf32, #tpu.memory_space<vmem>>, vector<16xf32>,
    %mul3A_1272 = arith.constant 8 : i32
    %mul3A_1273 = vector.broadcast %mul3A_1272 : i32 to vector<16xi32>
    %mul3A_1274 = arith.muli %add3A_1247, %mul3A_1273 : vector<16xi32>
    %add3A_1275 = arith.constant 2 : i32
    %add3A_1276 = vector.broadcast %add3A_1275 : i32 to vector<16xi32>
    %add3A_1277 = arith.addi %mul3A_1274, %add3A_1276 : vector<16xi32>
    tpu.vector_store_idx %arg14[%add3A_1277], %get3A_1271 : memref<1024xf32, #tpu.memory_space<vmem>>[vector<16xi32>], vector<16xf32>,
    %get3A_1278 = arith.constant 3 : i32
    %get3A_1279 = arith.index_cast %get3A_1278 : i32 to index
    %get3A_1280 = arith.constant 96 : index
    %get3A_1281 = tpu.vector_load %arg13[%get3A_1279, %get3A_1280] {strides = array<i32>} : memref<8x128xf32, #tpu.memory_space<vmem>>, vector<16xf32>,
    %mul3A_1282 = arith.constant 8 : i32
    %mul3A_1283 = vector.broadcast %mul3A_1282 : i32 to vector<16xi32>
    %mul3A_1284 = arith.muli %add3A_1247, %mul3A_1283 : vector<16xi32>
    %add3A_1285 = arith.constant 3 : i32
    %add3A_1286 = vector.broadcast %add3A_1285 : i32 to vector<16xi32>
    %add3A_1287 = arith.addi %mul3A_1284, %add3A_1286 : vector<16xi32>
    tpu.vector_store_idx %arg14[%add3A_1287], %get3A_1281 : memref<1024xf32, #tpu.memory_space<vmem>>[vector<16xi32>], vector<16xf32>,
    %get3A_1288 = arith.constant 4 : i32
    %get3A_1289 = arith.index_cast %get3A_1288 : i32 to index
    %get3A_1290 = arith.constant 96 : index
    %get3A_1291 = tpu.vector_load %arg13[%get3A_1289, %get3A_1290] {strides = array<i32>} : memref<8x128xf32, #tpu.memory_space<vmem>>, vector<16xf32>,
    %mul3A_1292 = arith.constant 8 : i32
    %mul3A_1293 = vector.broadcast %mul3A_1292 : i32 to vector<16xi32>
    %mul3A_1294 = arith.muli %add3A_1247, %mul3A_1293 : vector<16xi32>
    %add3A_1295 = arith.constant 4 : i32
    %add3A_1296 = vector.broadcast %add3A_1295 : i32 to vector<16xi32>
    %add3A_1297 = arith.addi %mul3A_1294, %add3A_1296 : vector<16xi32>
    tpu.vector_store_idx %arg14[%add3A_1297], %get3A_1291 : memref<1024xf32, #tpu.memory_space<vmem>>[vector<16xi32>], vector<16xf32>,
    %get3A_1298 = arith.constant 5 : i32
    %get3A_1299 = arith.index_cast %get3A_1298 : i32 to index
    %get3A_1300 = arith.constant 96 : index
    %get3A_1301 = tpu.vector_load %arg13[%get3A_1299, %get3A_1300] {strides = array<i32>} : memref<8x128xf32, #tpu.memory_space<vmem>>, vector<16xf32>,
    %mul3A_1302 = arith.constant 8 : i32
    %mul3A_1303 = vector.broadcast %mul3A_1302 : i32 to vector<16xi32>
    %mul3A_1304 = arith.muli %add3A_1247, %mul3A_1303 : vector<16xi32>
    %add3A_1305 = arith.constant 5 : i32
    %add3A_1306 = vector.broadcast %add3A_1305 : i32 to vector<16xi32>
    %add3A_1307 = arith.addi %mul3A_1304, %add3A_1306 : vector<16xi32>
    tpu.vector_store_idx %arg14[%add3A_1307], %get3A_1301 : memref<1024xf32, #tpu.memory_space<vmem>>[vector<16xi32>], vector<16xf32>,
    %get3A_1308 = arith.constant 6 : i32
    %get3A_1309 = arith.index_cast %get3A_1308 : i32 to index
    %get3A_1310 = arith.constant 96 : index
    %get3A_1311 = tpu.vector_load %arg13[%get3A_1309, %get3A_1310] {strides = array<i32>} : memref<8x128xf32, #tpu.memory_space<vmem>>, vector<16xf32>,
    %mul3A_1312 = arith.constant 8 : i32
    %mul3A_1313 = vector.broadcast %mul3A_1312 : i32 to vector<16xi32>
    %mul3A_1314 = arith.muli %add3A_1247, %mul3A_1313 : vector<16xi32>
    %add3A_1315 = arith.constant 6 : i32
    %add3A_1316 = vector.broadcast %add3A_1315 : i32 to vector<16xi32>
    %add3A_1317 = arith.addi %mul3A_1314, %add3A_1316 : vector<16xi32>
    tpu.vector_store_idx %arg14[%add3A_1317], %get3A_1311 : memref<1024xf32, #tpu.memory_space<vmem>>[vector<16xi32>], vector<16xf32>,
    %get3A_1318 = arith.constant 7 : i32
    %get3A_1319 = arith.index_cast %get3A_1318 : i32 to index
    %get3A_1320 = arith.constant 96 : index
    %get3A_1321 = tpu.vector_load %arg13[%get3A_1319, %get3A_1320] {strides = array<i32>} : memref<8x128xf32, #tpu.memory_space<vmem>>, vector<16xf32>,
    %mul3A_1322 = arith.constant 8 : i32
    %mul3A_1323 = vector.broadcast %mul3A_1322 : i32 to vector<16xi32>
    %mul3A_1324 = arith.muli %add3A_1247, %mul3A_1323 : vector<16xi32>
    %add3A_1325 = arith.constant 7 : i32
    %add3A_1326 = vector.broadcast %add3A_1325 : i32 to vector<16xi32>
    %add3A_1327 = arith.addi %mul3A_1324, %add3A_1326 : vector<16xi32>
    tpu.vector_store_idx %arg14[%add3A_1327], %get3A_1321 : memref<1024xf32, #tpu.memory_space<vmem>>[vector<16xi32>], vector<16xf32>,
    %iota3A_1328 = tpu.iota {dimensions = array<i32: 0>} : vector<16xi32>
    %add3A_1329 = arith.constant 112 : i32
    %add3A_1330 = vector.broadcast %add3A_1329 : i32 to vector<16xi32>
    %add3A_1331 = arith.addi %iota3A_1328, %add3A_1330 : vector<16xi32>
    %get3A_1332 = arith.constant 0 : i32
    %get3A_1333 = arith.index_cast %get3A_1332 : i32 to index
    %get3A_1334 = arith.constant 112 : index
    %get3A_1335 = tpu.vector_load %arg13[%get3A_1333, %get3A_1334] {strides = array<i32>} : memref<8x128xf32, #tpu.memory_space<vmem>>, vector<16xf32>,
    %mul3A_1336 = arith.constant 8 : i32
    %mul3A_1337 = vector.broadcast %mul3A_1336 : i32 to vector<16xi32>
    %mul3A_1338 = arith.muli %add3A_1331, %mul3A_1337 : vector<16xi32>
    %add3A_1339 = arith.constant 0 : i32
    %add3A_1340 = vector.broadcast %add3A_1339 : i32 to vector<16xi32>
    %add3A_1341 = arith.addi %mul3A_1338, %add3A_1340 : vector<16xi32>
    tpu.vector_store_idx %arg14[%add3A_1341], %get3A_1335 : memref<1024xf32, #tpu.memory_space<vmem>>[vector<16xi32>], vector<16xf32>,
    %get3A_1342 = arith.constant 1 : i32
    %get3A_1343 = arith.index_cast %get3A_1342 : i32 to index
    %get3A_1344 = arith.constant 112 : index
    %get3A_1345 = tpu.vector_load %arg13[%get3A_1343, %get3A_1344] {strides = array<i32>} : memref<8x128xf32, #tpu.memory_space<vmem>>, vector<16xf32>,
    %mul3A_1346 = arith.constant 8 : i32
    %mul3A_1347 = vector.broadcast %mul3A_1346 : i32 to vector<16xi32>
    %mul3A_1348 = arith.muli %add3A_1331, %mul3A_1347 : vector<16xi32>
    %add3A_1349 = arith.constant 1 : i32
    %add3A_1350 = vector.broadcast %add3A_1349 : i32 to vector<16xi32>
    %add3A_1351 = arith.addi %mul3A_1348, %add3A_1350 : vector<16xi32>
    tpu.vector_store_idx %arg14[%add3A_1351], %get3A_1345 : memref<1024xf32, #tpu.memory_space<vmem>>[vector<16xi32>], vector<16xf32>,
    %get3A_1352 = arith.constant 2 : i32
    %get3A_1353 = arith.index_cast %get3A_1352 : i32 to index
    %get3A_1354 = arith.constant 112 : index
    %get3A_1355 = tpu.vector_load %arg13[%get3A_1353, %get3A_1354] {strides = array<i32>} : memref<8x128xf32, #tpu.memory_space<vmem>>, vector<16xf32>,
    %mul3A_1356 = arith.constant 8 : i32
    %mul3A_1357 = vector.broadcast %mul3A_1356 : i32 to vector<16xi32>
    %mul3A_1358 = arith.muli %add3A_1331, %mul3A_1357 : vector<16xi32>
    %add3A_1359 = arith.constant 2 : i32
    %add3A_1360 = vector.broadcast %add3A_1359 : i32 to vector<16xi32>
    %add3A_1361 = arith.addi %mul3A_1358, %add3A_1360 : vector<16xi32>
    tpu.vector_store_idx %arg14[%add3A_1361], %get3A_1355 : memref<1024xf32, #tpu.memory_space<vmem>>[vector<16xi32>], vector<16xf32>,
    %get3A_1362 = arith.constant 3 : i32
    %get3A_1363 = arith.index_cast %get3A_1362 : i32 to index
    %get3A_1364 = arith.constant 112 : index
    %get3A_1365 = tpu.vector_load %arg13[%get3A_1363, %get3A_1364] {strides = array<i32>} : memref<8x128xf32, #tpu.memory_space<vmem>>, vector<16xf32>,
    %mul3A_1366 = arith.constant 8 : i32
    %mul3A_1367 = vector.broadcast %mul3A_1366 : i32 to vector<16xi32>
    %mul3A_1368 = arith.muli %add3A_1331, %mul3A_1367 : vector<16xi32>
    %add3A_1369 = arith.constant 3 : i32
    %add3A_1370 = vector.broadcast %add3A_1369 : i32 to vector<16xi32>
    %add3A_1371 = arith.addi %mul3A_1368, %add3A_1370 : vector<16xi32>
    tpu.vector_store_idx %arg14[%add3A_1371], %get3A_1365 : memref<1024xf32, #tpu.memory_space<vmem>>[vector<16xi32>], vector<16xf32>,
    %get3A_1372 = arith.constant 4 : i32
    %get3A_1373 = arith.index_cast %get3A_1372 : i32 to index
    %get3A_1374 = arith.constant 112 : index
    %get3A_1375 = tpu.vector_load %arg13[%get3A_1373, %get3A_1374] {strides = array<i32>} : memref<8x128xf32, #tpu.memory_space<vmem>>, vector<16xf32>,
    %mul3A_1376 = arith.constant 8 : i32
    %mul3A_1377 = vector.broadcast %mul3A_1376 : i32 to vector<16xi32>
    %mul3A_1378 = arith.muli %add3A_1331, %mul3A_1377 : vector<16xi32>
    %add3A_1379 = arith.constant 4 : i32
    %add3A_1380 = vector.broadcast %add3A_1379 : i32 to vector<16xi32>
    %add3A_1381 = arith.addi %mul3A_1378, %add3A_1380 : vector<16xi32>
    tpu.vector_store_idx %arg14[%add3A_1381], %get3A_1375 : memref<1024xf32, #tpu.memory_space<vmem>>[vector<16xi32>], vector<16xf32>,
    %get3A_1382 = arith.constant 5 : i32
    %get3A_1383 = arith.index_cast %get3A_1382 : i32 to index
    %get3A_1384 = arith.constant 112 : index
    %get3A_1385 = tpu.vector_load %arg13[%get3A_1383, %get3A_1384] {strides = array<i32>} : memref<8x128xf32, #tpu.memory_space<vmem>>, vector<16xf32>,
    %mul3A_1386 = arith.constant 8 : i32
    %mul3A_1387 = vector.broadcast %mul3A_1386 : i32 to vector<16xi32>
    %mul3A_1388 = arith.muli %add3A_1331, %mul3A_1387 : vector<16xi32>
    %add3A_1389 = arith.constant 5 : i32
    %add3A_1390 = vector.broadcast %add3A_1389 : i32 to vector<16xi32>
    %add3A_1391 = arith.addi %mul3A_1388, %add3A_1390 : vector<16xi32>
    tpu.vector_store_idx %arg14[%add3A_1391], %get3A_1385 : memref<1024xf32, #tpu.memory_space<vmem>>[vector<16xi32>], vector<16xf32>,
    %get3A_1392 = arith.constant 6 : i32
    %get3A_1393 = arith.index_cast %get3A_1392 : i32 to index
    %get3A_1394 = arith.constant 112 : index
    %get3A_1395 = tpu.vector_load %arg13[%get3A_1393, %get3A_1394] {strides = array<i32>} : memref<8x128xf32, #tpu.memory_space<vmem>>, vector<16xf32>,
    %mul3A_1396 = arith.constant 8 : i32
    %mul3A_1397 = vector.broadcast %mul3A_1396 : i32 to vector<16xi32>
    %mul3A_1398 = arith.muli %add3A_1331, %mul3A_1397 : vector<16xi32>
    %add3A_1399 = arith.constant 6 : i32
    %add3A_1400 = vector.broadcast %add3A_1399 : i32 to vector<16xi32>
    %add3A_1401 = arith.addi %mul3A_1398, %add3A_1400 : vector<16xi32>
    tpu.vector_store_idx %arg14[%add3A_1401], %get3A_1395 : memref<1024xf32, #tpu.memory_space<vmem>>[vector<16xi32>], vector<16xf32>,
    %get3A_1402 = arith.constant 7 : i32
    %get3A_1403 = arith.index_cast %get3A_1402 : i32 to index
    %get3A_1404 = arith.constant 112 : index
    %get3A_1405 = tpu.vector_load %arg13[%get3A_1403, %get3A_1404] {strides = array<i32>} : memref<8x128xf32, #tpu.memory_space<vmem>>, vector<16xf32>,
    %mul3A_1406 = arith.constant 8 : i32
    %mul3A_1407 = vector.broadcast %mul3A_1406 : i32 to vector<16xi32>
    %mul3A_1408 = arith.muli %add3A_1331, %mul3A_1407 : vector<16xi32>
    %add3A_1409 = arith.constant 7 : i32
    %add3A_1410 = vector.broadcast %add3A_1409 : i32 to vector<16xi32>
    %add3A_1411 = arith.addi %mul3A_1408, %add3A_1410 : vector<16xi32>
    tpu.vector_store_idx %arg14[%add3A_1411], %get3A_1405 : memref<1024xf32, #tpu.memory_space<vmem>>[vector<16xi32>], vector<16xf32>,
    %mul3A_1412 = arith.constant 128 : i32
    %mul3A_1413 = arith.muli %select_n3A_30, %mul3A_1412 : i32
    %mul3A_1414 = arith.constant 8 : i32
    %mul3A_1415 = arith.muli %mul3A_1413, %mul3A_1414 : i32
    "tpu.region"() ({
      %run_scoped3A = tpu.sem_alloc : memref<!tpu.dma_semaphore, #tpu.memory_space<semaphore_mem>>
      %dma_start3A = tpu.memref_slice %arg6[%select_n3A, %mul3A_1415] : memref<16x2048xf32, #tpu.memory_space<hbm>> -> memref<1x1024xf32, #tpu.memory_space<hbm>>
      %dma_start3A_1416 = tpu.memref_squeeze %dma_start3A : memref<1x1024xf32, #tpu.memory_space<hbm>> -> memref<1024xf32, #tpu.memory_space<hbm>>
      %dma_start3A_1417 = tpu.memref_slice %arg6[%select_n3A, %mul3A_1415] : memref<16x2048xf32, #tpu.memory_space<hbm>> -> memref<1x1024xf32, #tpu.memory_space<hbm>>
      %dma_start3A_1418 = tpu.memref_squeeze %dma_start3A_1417 : memref<1x1024xf32, #tpu.memory_space<hbm>> -> memref<1024xf32, #tpu.memory_space<hbm>>
      tpu.enqueue_dma source(%arg14 : memref<1024xf32, #tpu.memory_space<vmem>>) target(%dma_start3A_1418 : memref<1024xf32, #tpu.memory_space<hbm>>) target_semaphore(%run_scoped3A : memref<!tpu.dma_semaphore, #tpu.memory_space<semaphore_mem>>)
      %dma_wait3A = tpu.memref_slice %arg6[%select_n3A, %mul3A_1415] : memref<16x2048xf32, #tpu.memory_space<hbm>> -> memref<1x1024xf32, #tpu.memory_space<hbm>>
      %dma_wait3A_1419 = tpu.memref_squeeze %dma_wait3A : memref<1x1024xf32, #tpu.memory_space<hbm>> -> memref<1024xf32, #tpu.memory_space<hbm>>
      %dma_wait3A_1420 = tpu.memref_slice %arg6[%select_n3A, %mul3A_1415] : memref<16x2048xf32, #tpu.memory_space<hbm>> -> memref<1x1024xf32, #tpu.memory_space<hbm>>
      %dma_wait3A_1421 = tpu.memref_squeeze %dma_wait3A_1420 : memref<1x1024xf32, #tpu.memory_space<hbm>> -> memref<1024xf32, #tpu.memory_space<hbm>>
      tpu.wait_dma2 semaphore(%run_scoped3A : memref<!tpu.dma_semaphore, #tpu.memory_space<semaphore_mem>>) src(%arg14 : memref<1024xf32, #tpu.memory_space<vmem>>) dst(%dma_wait3A_1421 : memref<1024xf32, #tpu.memory_space<hbm>>)
      tpu.yield
    }) : () -> ()
    return
  }
}

module attributes {stable_mosaic.version = 14 : i64} {
  func.func @_tc_body(%arg0: i32, %arg1: memref<1xf32, #tpu.memory_space<smem>>, %arg2: memref<1xf32, #tpu.memory_space<smem>>, %arg3: memref<16x896xf32, #tpu.memory_space<vmem>>, %arg4: memref<16x8xf32, #tpu.memory_space<vmem>>, %arg5: memref<1x896x8x256xf32, #tpu.memory_space<vmem>>, %arg6: memref<1x256x8xf32, #tpu.memory_space<vmem>>) attributes {dimension_semantics = [#tpu.dimension_semantics<parallel>], iteration_bounds = array<i64: 16>, scalar_prefetch = 0 : i64, scratch_operands = 0 : i64, tpu.core_type = #tpu.core_type<tc>, window_params = [{transform_indices = @transform_0, window_bounds = array<i64: 1>}, {transform_indices = @transform_1, window_bounds = array<i64: 1>}, {transform_indices = @transform_2, window_bounds = array<i64: 16, 896>}, {pipeline_mode = #tpu.pipeline_mode<synchronous>, transform_indices = @transform_3, window_bounds = array<i64: 16, 8>}, {transform_indices = @transform_4, window_bounds = array<i64: 1, 896, 8, 256>}, {transform_indices = @transform_5, window_bounds = array<i64: 1, 256, 8>}]} {
    %get3A = arith.constant 0 : index
    %get3A_0 = arith.constant 0 : index
    %get3A_1 = vector.load %arg3[%get3A, %get3A_0] : memref<16x896xf32, #tpu.memory_space<vmem>>, vector<16x896xf32>
    %get3A_2 = arith.constant 0 : index
    %get3A_3 = arith.constant 0 : index
    %get3A_4 = vector.load %arg4[%get3A_2, %get3A_3] : memref<16x8xf32, #tpu.memory_space<vmem>>, vector<16x8xf32>
    %get3A_5 = arith.constant 0 : index
    %get3A_6 = memref.load %arg1[%get3A_5] : memref<1xf32, #tpu.memory_space<smem>>
    %get3A_7 = arith.constant 0 : index
    %get3A_8 = memref.load %arg2[%get3A_7] : memref<1xf32, #tpu.memory_space<smem>>
    %dot_general3A = arith.constant dense<0.000000e+00> : vector<896x8xf32>
    %dot_general3A_9 = tpu.matmul %get3A_1, %get3A_4, %dot_general3A {dimension_numbers = #tpu.dot_dimension_numbers<[0], [0], [1], [1], [0, 1, 1, 1], [], []>, transpose_lhs_hint = false} : vector<16x896xf32>, vector<16x8xf32>, vector<896x8xf32> -> vector<896x8xf32>
    %neg3A = arith.constant 0.000000e+00 : f32
    %neg3A_10 = arith.subf %neg3A, %get3A_6 : f32
    %mul3A = vector.broadcast %neg3A_10 : f32 to vector<896x8xf32>
    %mul3A_11 = arith.mulf %dot_general3A_9, %mul3A : vector<896x8xf32>
    %reduce_sum3A = arith.constant dense<0.000000e+00> : vector<8xf32>
    %reduce_sum3A_12 = vector.multi_reduction <add>, %get3A_4, %reduce_sum3A [0] : vector<16x8xf32> to vector<8xf32>
    %broadcast_in_dim3A = vector.shape_cast %reduce_sum3A_12 : vector<8xf32> to vector<1x8xf32>
    %sub3A = vector.broadcast %broadcast_in_dim3A : vector<1x8xf32> to vector<896x8xf32>
    %sub3A_13 = arith.subf %sub3A, %dot_general3A_9 : vector<896x8xf32>
    %mul3A_14 = vector.broadcast %get3A_8 : f32 to vector<896x8xf32>
    %mul3A_15 = arith.mulf %sub3A_13, %mul3A_14 : vector<896x8xf32>
    %get3A_16 = arith.constant 0 : index
    %get3A_17 = arith.constant 0 : index
    %get3A_18 = arith.constant 0 : index
    %get3A_19 = arith.constant 0 : index
    %get3A_20 = vector.load %arg5[%get3A_16, %get3A_17, %get3A_18, %get3A_19] : memref<1x896x8x256xf32, #tpu.memory_space<vmem>>, vector<1x896x8x256xf32>
    %get3A_21 = vector.shape_cast %get3A_20 : vector<1x896x8x256xf32> to vector<896x8x256xf32>
    %reduce_sum3A_22 = arith.constant dense<0.000000e+00> : vector<896x256xf32>
    %reduce_sum3A_23 = vector.multi_reduction <add>, %get3A_21, %reduce_sum3A_22 [1] : vector<896x8x256xf32> to vector<896x256xf32>
    %ne3A = arith.cmpf one, %reduce_sum3A_23, %reduce_sum3A_23 : vector<896x256xf32>
    %not3A = arith.constant dense<true> : vector<896x256xi1>
    %not3A_24 = arith.xori %ne3A, %not3A : vector<896x256xi1>
    %jit3A = arith.constant 0.000000e+00 : f32
    %broadcast_in_dim3A_25 = vector.broadcast %jit3A : f32 to vector<896x256xf32>
    %select_n3A = arith.select %not3A_24, %reduce_sum3A_23, %broadcast_in_dim3A_25 : vector<896x256xi1>, vector<896x256xf32>
    %convert_element_type3A = arith.extui %not3A_24 : vector<896x256xi1> to vector<896x256xi32>
    %convert_element_type3A_26 = arith.sitofp %convert_element_type3A : vector<896x256xi32> to vector<896x256xf32>
    %dot_general3A_27 = arith.constant dense<0.000000e+00> : vector<256x8xf32>
    %dot_general3A_28 = tpu.matmul %select_n3A, %mul3A_11, %dot_general3A_27 {dimension_numbers = #tpu.dot_dimension_numbers<[0], [0], [1], [1], [0, 1, 1, 1], [], []>, transpose_lhs_hint = false} : vector<896x256xf32>, vector<896x8xf32>, vector<256x8xf32> -> vector<256x8xf32>
    %dot_general3A_29 = arith.constant dense<0.000000e+00> : vector<256x8xf32>
    %dot_general3A_30 = tpu.matmul %convert_element_type3A_26, %mul3A_15, %dot_general3A_29 {dimension_numbers = #tpu.dot_dimension_numbers<[0], [0], [1], [1], [0, 1, 1, 1], [], []>, transpose_lhs_hint = false} : vector<896x256xf32>, vector<896x8xf32>, vector<256x8xf32> -> vector<256x8xf32>
    %add3A = arith.addf %dot_general3A_28, %dot_general3A_30 : vector<256x8xf32>
    %swap3A = arith.constant 0 : index
    %swap3A_31 = arith.constant 0 : index
    %swap3A_32 = arith.constant 0 : index
    %swap3A_33 = vector.load %arg6[%swap3A, %swap3A_31, %swap3A_32] : memref<1x256x8xf32, #tpu.memory_space<vmem>>, vector<1x256x8xf32>
    %swap3A_34 = vector.shape_cast %swap3A_33 : vector<1x256x8xf32> to vector<256x8xf32>
    %swap3A_35 = vector.shape_cast %add3A : vector<256x8xf32> to vector<1x256x8xf32>
    tpu.vector_store %arg6[%swap3A, %swap3A_31, %swap3A_32], %swap3A_35 {strides = array<i32>} : memref<1x256x8xf32, #tpu.memory_space<vmem>>, vector<1x256x8xf32>,
    return
  }
  func.func @transform_0(%arg0: i32) -> i32 {
    %c0_i32 = arith.constant 0 : i32
    %c0_i32_0 = arith.constant 0 : i32
    return %c0_i32 : i32
  }
  func.func @transform_1(%arg0: i32) -> i32 {
    %c0_i32 = arith.constant 0 : i32
    %c0_i32_0 = arith.constant 0 : i32
    return %c0_i32 : i32
  }
  func.func @transform_2(%arg0: i32) -> (i32, i32) {
    %c0_i32 = arith.constant 0 : i32
    %c0_i32_0 = arith.constant 0 : i32
    %c0_i32_1 = arith.constant 0 : i32
    return %c0_i32, %c0_i32_0 : i32, i32
  }
  func.func @transform_3(%arg0: i32) -> (i32, i32) {
    %c0_i32 = arith.constant 0 : i32
    %c0_i32_0 = arith.constant 0 : i32
    %c0_i32_1 = arith.constant 0 : i32
    return %c0_i32, %c0_i32_0 : i32, i32
  }
  func.func @transform_4(%arg0: i32) -> (i32, i32, i32, i32) {
    %c0_i32 = arith.constant 0 : i32
    %c0_i32_0 = arith.constant 0 : i32
    %c0_i32_1 = arith.constant 0 : i32
    %c0_i32_2 = arith.constant 0 : i32
    return %arg0, %c0_i32, %c0_i32_0, %c0_i32_1 : i32, i32, i32, i32
  }
  func.func @transform_5(%arg0: i32) -> (i32, i32, i32) {
    %c0_i32 = arith.constant 0 : i32
    %c0_i32_0 = arith.constant 0 : i32
    %c0_i32_1 = arith.constant 0 : i32
    return %arg0, %c0_i32, %c0_i32_0 : i32, i32, i32
  }
}

</mosaic_0001>

<sc_bundles>
// kernel: kernel.4.cloned.1.call-start
scs
__scs_entry_jumppad:
0x0: {  	(pc) =	sbr.rel $0x88, $3  }
0x1: {  	(tag) =	ssettag $0x0;
	lr =	simm.s32 $0x1  }
0x2: {  	[smem:$0x3F9C] =	sst lr;
	_ =	strace $0xD0000000  }
0x3: {  	_ = 	snop  }
0x4: {  	_ = 	snop  }
0x5: {  	_ = 	snop  }
0x6: {  	_ = 	snop  }
0x7: {  	_ = 	snop  }
__scs_overlays_trampoline_lowered:
0x8: {  	[smem:$0x3FAB] =	sst s0  }
0x9: {  	[smem:$0x3FAC] =	sst s1  }
0xa: {  	[smem:$0x3FAD] =	sst s2  }
0xb: {  	[smem:$0x3FAE] =	sst s3  }
0xc: {  	[smem:$0x3FAF] =	sst s4  }
0xd: {  	[smem:$0x3FB0] =	sst s5  }
0xe: {  	[smem:$0x3FB1] =	sst s6  }
0xf: {  	[smem:$0x3FB2] =	sst s7  }
0x10: {  	[smem:$0x3FB3] =	sst s8  }
0x11: {  	[smem:$0x3FB4] =	sst s9;
	s0 =	simm.s32 @!p0 $0x0  }
0x12: {  	s1 =	sld [smem:$0x3F9A];
	s0 =	simm.s32 @p0 $0x1  }
0x13: {  	[smem:$0x3FB5] =	sst s0;
	s0 =	simm.s32 @!p1 $0x0  }
0x14: {  	s2 =	sld [smem:$0x3F99];
	s0 =	simm.s32 @p1 $0x1  }
0x15: {  	[smem:$0x3FB6] =	sst s0;
	s0 =	simm.s32 @!p2 $0x0  }
0x16: {  	s3 =	sld [smem:$0x3FDB];
	s0 =	simm.s32 @p2 $0x1  }
0x17: {  	s4 =	simm.s32 $0x1BF5;
	[smem:$0x3FB8] =	sst s0  }
0x18: {  	s0 =	sld [smem:$0x3F9B];
	_ =	swait.ge [sflag:s4], $0x0  }
0x19: {  	s7 =	sld [smem:$0x3F9C]  }
0x1a: {  	s8 =	sadd.s32 $0xFFFFE003, lr  }
0x1b: {  	s9 =	sadd.s32 $0xFFFFFEF7, lr;
	s5 =	simm.s32 $0xFFFFFFFF;
	p2 =	slt.u32 s8, $0xFFFFF086  }
0x1c: {  	p1 =	slt.u32 s9, $0xF7A;
	s5 =	simm.s32 @!p2 $0x0  }
0x1d: {  	s5 =	simm.s32 @p1 $0x1;
	p0 =	seq.s32 s7, s2  }
0x1e: {  	s7 =	smul.u32 @!p0 $0xF7A, s2;
	p2 =	seq.s32 @!p0 s5, $0x0  }
0x1f: {  	s9 =	smul.u32 $0xF7A, s1;
	s8 =	simm.s32 @!p0 $0x1BF5;
	p2 =	por !p2, p0  }
0x20: {  	[sflag:s8] =	ssyncset.s32 @!p0 $0xFFFFF086;
	s6 =	sadd.s32 @!p0 s3, s7;
	s7 =	simm.s32 @!p0 $0x108  }
0x21: {  	s3 =	sadd.s32 s3, s9;
	s6 =	sadd.s32 @!p0 $0x88, s6;
	s7 =	simm.s32 @p2 $0x1082  }
0x22: {  	[simem:s7], [sflag:s8] =	dma.local @!p0 [hbm:s6], $0xF7A  }
0x23: {  	s9 =	sor.u32 $0xD0000000, s2;
	s6 =	simm.s32 $0x108;
	_ =	swait.ge @!p0 [sflag:s8], $0x0  }
0x24: {  	s3 =	sadd.s32 $0x88, s3;
	s6 =	simm.s32 @!p1 $0x1082;
	[sflag:s4] =	ssyncset.s32 $0xFFFFF086  }
0x25: {  	[simem:s6], [sflag:s4] =	dma.local [hbm:s3], $0xF7A  }
0x26: {  	[smem:$0x3F9C] =	sst s1;
	(tag) =	ssettag s2;
	_ =	strace s9  }
0x27: {  	s1 =	sld [smem:$0x3FAC]  }
0x28: {  	s2 =	sld [smem:$0x3FAD]  }
0x29: {  	s4 =	sld [smem:$0x3FAF]  }
0x2a: {  	p0 =	seq.s32 s5, $0x0;
	s5 =	sld [smem:$0x3FB0]  }
0x2b: {  	s6 =	sld [smem:$0x3FB1]  }
0x2c: {  	s7 =	sld [smem:$0x3FB2]  }
0x2d: {  	s3 =	simm.s32 $0x108;
	s8 =	sld [smem:$0x3FB3]  }
0x2e: {  	s3 =	simm.s32 @!p0 $0x1082;
	s9 =	sld [smem:$0x3FB4]  }
0x2f: {  	lr =	sadd.s32 s0, s3;
	s0 =	sld [smem:$0x3FAB]  }
0x30: {  	s3 =	sld [smem:$0x3FAE]  }
0x31: {  	[smem:$0x3FB7] =	sst s10  }
0x32: {  	s10 =	sld [smem:$0x3FB5];
	_ =	sdelay $0x3  }
0x33: {  	p0 =	seq.s32 s10, $0x1;
	s10 =	sld [smem:$0x3FB7];
	_ =	sdelay $0x3  }
0x34: {  	[smem:$0x3FB7] =	sst s10  }
0x35: {  	s10 =	sld [smem:$0x3FB6];
	_ =	sdelay $0x3  }
0x36: {  	p1 =	seq.s32 s10, $0x1;
	s10 =	sld [smem:$0x3FB7];
	_ =	sdelay $0x3  }
0x37: {  	[smem:$0x3FB7] =	sst s10  }
0x38: {  	s10 =	sld [smem:$0x3FB8]  }
0x39: {  	_ = 	snop;
	(pc) =	sbr.ind lr, $3  }
0x3a: {  	_ = 	snop  }
0x3b: {  	_ = 	snop  }
0x3c: {  	p2 =	seq.s32 s10, $0x1;
	s10 =	sld [smem:$0x3FB7]  }
0x3d: {  	_ =	shalt  }
0x3e: {  	_ =	shalt  }
0x3f: {  	_ =	shalt  }
0x40: {  	_ =	shalt  }
0x41: {  	_ =	shalt  }
0x42: {  	_ =	shalt  }
0x43: {  	_ =	shalt  }
0x44: {  	_ =	shalt  }
0x45: {  	_ =	shalt  }
0x46: {  	_ =	shalt  }
0x47: {  	_ =	shalt  }
0x48: {  	_ =	shalt  }
0x49: {  	_ =	shalt  }
0x4a: {  	_ =	shalt  }
0x4b: {  	_ =	shalt  }
0x4c: {  	_ =	shalt  }
0x4d: {  	_ =	shalt  }
0x4e: {  	_ =	shalt  }
0x4f: {  	_ =	shalt  }
0x50: {  	_ =	shalt  }
0x51: {  	_ =	shalt  }
0x52: {  	_ =	shalt  }
0x53: {  	_ =	shalt  }
0x54: {  	_ =	shalt  }
0x55: {  	_ =	shalt  }
0x56: {  	_ =	shalt  }
0x57: {  	_ =	shalt  }
0x58: {  	_ =	shalt  }
0x59: {  	_ =	shalt  }
0x5a: {  	_ =	shalt  }
0x5b: {  	_ =	shalt  }
0x5c: {  	_ =	shalt  }
0x5d: {  	_ =	shalt  }
0x5e: {  	_ =	shalt  }
0x5f: {  	_ =	shalt  }
0x60: {  	_ =	shalt  }
0x61: {  	_ =	shalt  }
0x62: {  	_ =	shalt  }
0x63: {  	_ =	shalt  }
0x64: {  	_ =	shalt  }
0x65: {  	_ =	shalt  }
0x66: {  	_ =	shalt  }
0x67: {  	_ =	shalt  }
0x68: {  	_ =	shalt  }
0x69: {  	_ =	shalt  }
0x6a: {  	_ =	shalt  }
0x6b: {  	_ =	shalt  }
0x6c: {  	_ =	shalt  }
0x6d: {  	_ =	shalt  }
0x6e: {  	_ =	shalt  }
0x6f: {  	_ =	shalt  }
0x70: {  	_ =	shalt  }
0x71: {  	_ =	shalt  }
0x72: {  	_ =	shalt  }
0x73: {  	_ =	shalt  }
0x74: {  	_ =	shalt  }
0x75: {  	_ =	shalt  }
0x76: {  	_ =	shalt  }
0x77: {  	_ =	shalt  }
0x78: {  	_ =	shalt  }
0x79: {  	_ =	shalt  }
0x7a: {  	_ =	shalt  }
0x7b: {  	_ =	shalt  }
0x7c: {  	_ =	shalt  }
0x7d: {  	_ =	shalt  }
0x7e: {  	_ =	shalt  }
0x7f: {  	_ =	shalt  }
0x80: {  	_ =	shalt  }
0x81: {  	_ =	shalt  }
0x82: {  	_ =	shalt  }
0x83: {  	_ =	shalt  }
0x84: {  	_ =	shalt  }
0x85: {  	_ =	shalt  }
0x86: {  	_ =	shalt  }
0x87: {  	_ =	shalt  }
.Lfunc_end0:
.L_simem_size_0:
called_computation_lowered:
.L_overlay_start_0:
0x88: {  	s2 =	sld [smem:$0x3FD9]  }
0x89: {  	s3 =	sld [smem:$0x3FFE];
	_ =	sdelay $0x1  }
0x8a: {  	s1 =	srdreg.scid  }
0x8b: {  	s0 =	sand.u32 $0x1, s1  }
0x8c: {  	s17 =	sshll.u32 s0, $0xA;
	s2 =	sadd.s32 s3, s2  }
0x8d: {  	s2 =	sadd.s32 s2, s17  }
0x8e: {  	[smem:$0x3FC3] =	sst s2  }
0x8f: {  	_ = 	snop  }
0x90: {  	s2 =	sld [smem:$0x3FC9]  }
0x91: {  	s18 =	sld [smem:$0x3FD0];
	(tm) =	ssettm $0x1  }
0x92: {  	s4 =	sld [smem:$0x3FFB];
	_ =	sdelay $0x3  }
0x93: {  	_ =	strace s4  }
0x94: {  	s4 =	sld [smem:$0x3FFC];
	_ =	sdelay $0x3  }
0x95: {  	_ =	strace s4  }
0x96: {  	s4 =	sld [smem:$0x3FFD];
	_ =	sdelay $0x3  }
0x97: {  	_ =	strace s4  }
0x98: {  	_ =	strace $0x8FFFFFFF  }
0x99: {  	s19 =	sld [smem:$0x3FDB];
	_ =	sdelay $0x1  }
0x9a: {  	s5 =	simm.s32 $_scs_section_size  }
0x9b: {  	s6 =	simm.s32 $_size__tile_overlayer_lowered;
	s7 =	simm.s32 $_tile_overlayer_lowered  }
0x9c: {  	s22 =	simm.s32 $0x1BFF;
	s21 =	sshll.u32 s7, $0x1;
	s4 =	sadd.s32 s5, s19  }
0x9d: {  	s8 =	simm.s32 $0x0;
	s20 =	sshll.u32 s6, $0x1;
	s6 =	sadd.s32 s21, s4  }
0x9e: {  	[timem:s8], [sflag:s22] =	dma.local [hbm:s6], s20  }
0x9f: {  	_ =	swait.ge [sflag:s22], s20  }
0xa0: {  	s5 =	ssub.s32 $0x0, s20;
	[sflag:s22] =	ssyncset.done $0x0  }
0xa1: {  	[sflag:s22] =	ssyncadd.s32 s5;
	_ =	sdelay $0x1  }
0xa2: {  	s23 =	simm.s32 $0x1B8B  }
0xa3: {  	_ =	swait.ge [sflag:s23], $0x1  }
0xa4: {  	[sflag:s23] =	ssyncset.done $0x0  }
0xa5: {  	s25 =	simm.s32 $0x1B8E;
	s24 =	sld [smem:$0x3FFE];
	[sflag:s23] =	ssyncadd.s32 $0xFFFFFFFF  }
0xa6: {  	s26 =	simm.s32 $execute0_lowered;
	[smem:$0x3FD2] =	sst s25  }
0xa7: {  	s6 =	sshll.u32 s26, $0x1;
	_ =	strace $0x80000046;
	[dreg:$0x1] =	wrdreg $0xFFFFFFFF  }
0xa8: {  	s28 =	simm.s32 $_size_execute0_lowered;
	s4 =	sadd.s32 s4, s6;
	[dreg:$0x0] =	wrdreg $0x0  }
0xa9: {  	s6 =	sshll.u32 s28, $0x1;
	[dreg:$0x2] =	wrdreg s4  }
0xaa: {  	[dreg:$0x3] =	wrdreg s6  }
0xab: {  	[dreg:$0x4] =	wrdreg $0xC0  }
0xac: {  	_ =	task [dreg:s8], $0x5FFFF  }
0xad: {  	[dreg:$0x1] =	wrdreg $0xFFFFFFFF  }
0xae: {  	[dreg:$0x0] =	wrdreg $0x60  }
0xaf: {  	[dreg:$0x2] =	wrdreg s2  }
0xb0: {  	[dreg:$0x3] =	wrdreg s24  }
0xb1: {  	[dreg:$0x4] =	wrdreg s18  }
0xb2: {  	[dreg:$0x5] =	wrdreg $0x9  }
0xb3: {  	_ =	task.clear_ibuf [dreg:s8], $0x6FFFF;
	_ =	strace $0x90000046  }
0xb4: {  	s29 =	simm.s32 $0x9;
	_ =	strace $0x80000048  }
0xb5: {  	_ =	swait.ge [sflag:s29], $0x1  }
0xb6: {  	[sflag:s29] =	ssyncadd.s32 $0xFFFFFFFF  }
0xb7: {  	_ =	strace $0x90000048  }
0xb8: {  	_ =	sfence  }
0xb9: {  	s30 =	sld [smem:$0x0];
	_ =	sdelay $0x2  }
0xba: {  	s31 =	sshll.u32 s1, $0xD;
	s1 =	sshrl.u32 s1, $0x2  }
0xbb: {  	s3 =	sand.u32 $0x4000, s31;
	s1 =	sadd.s32 s1, s30  }
0xbc: {  	s0 =	sor.u32 s3, s0;
	s1 =	sshll.u32 s1, $0x11  }
0xbd: {  	s0 =	sor.u32 s1, s0  }
0xbe: {  	s0 =	sadd.s32 $0x8F2B, s0  }
0xbf: {  	[sflag:s0] =	ssyncadd.remote.s32 $0x1  }
0xc0: {  	_ =	sfence.sel $0xFFFF  }
0xc1: {  	[dreg:$0x0] =	wrdreg $0xFFFFFFFF;
	(pc) =	sbr.abs _section_cstart, $3  }
0xc2: {  	[dreg:$0x1] =	wrdreg $0xFFFFFFFF  }
0xc3: {  	_ =	task.clear_ibuf [dreg:s8], $0x2FFFF;
	_ =	strace $0x9FFFFFFF  }
0xc4: {  	(tm) =	ssettm $0x7FFFFFFF  }
0xc5: {  	_ =	shalt  }
tec
execute0_lowered:
.L_overlay_start_1:
0x0: {  	(tag) =	ssettag $0x1  }
0x1: {  	s2 =	rddreg [dreg:$0x1]  }
0x2: {  	s0 =	rddreg [dreg:$0x2];
	s1 =	simm.s32 $0x0  }
0x3: {  	[smem:$0x7FF] =	sst s1;
	s3 =	sadd.s32 $0x1200, s2  }
0x4: {  	s7 =	simm.s32 $0x9880;
	_ =	strace $0x80000047;
	[smem:$0x7EB] =	sst s3  }
0x5: {  	s9 =	sadd.s32 $0x1400, s2;
	[dreg:$0x4] =	wrdreg s7  }
0x6: {  	s8 =	simm.s32 $0x9900;
	[smem:$0x7EC] =	sst s9  }
0x7: {  	s10 =	simm.s32 $0x9980;
	[dreg:$0x5] =	wrdreg s8  }
0x8: {  	s12 =	simm.s32 $0x9A00;
	[dreg:$0x6] =	wrdreg s10  }
0x9: {  	s13 =	simm.s32 $0x9A80;
	[dreg:$0x7] =	wrdreg s12  }
0xa: {  	s14 =	simm.s32 $0x9B00;
	[dreg:$0x8] =	wrdreg s13  }
0xb: {  	s15 =	simm.s32 $0x9B80;
	[dreg:$0x9] =	wrdreg s14  }
0xc: {  	s6 =	simm.s32 $0x9C00;
	[dreg:$0xa] =	wrdreg s15  }
0xd: {  	s16 =	simm.s32 $0x9890;
	[dreg:$0xb] =	wrdreg s6  }
0xe: {  	s18 =	simm.s32 $0x9910;
	[dreg:$0xc] =	wrdreg s16  }
0xf: {  	s19 =	simm.s32 $0x9990;
	[dreg:$0xd] =	wrdreg s18  }
0x10: {  	s20 =	simm.s32 $0x9A10;
	[dreg:$0xe] =	wrdreg s19  }
0x11: {  	s21 =	simm.s32 $0x9A90;
	[dreg:$0xf] =	wrdreg s20  }
0x12: {  	s22 =	simm.s32 $0x9B10;
	[dreg:$0x10] =	wrdreg s21  }
0x13: {  	s23 =	simm.s32 $0x9B90;
	[dreg:$0x11] =	wrdreg s22  }
0x14: {  	s24 =	simm.s32 $0x9C10;
	[dreg:$0x12] =	wrdreg s23  }
0x15: {  	s25 =	simm.s32 $0x98A0;
	[dreg:$0x13] =	wrdreg s24  }
0x16: {  	s2 =	sadd.s32 $0xD80, s2;
	[dreg:$0x14] =	wrdreg s25  }
0x17: {  	s26 =	simm.s32 $0x9920;
	[smem:$0x7ED] =	sst s2  }
0x18: {  	s28 =	simm.s32 $0x99A0;
	[dreg:$0x15] =	wrdreg s26  }
0x19: {  	s30 =	simm.s32 $0x9A20;
	[dreg:$0x16] =	wrdreg s28  }
0x1a: {  	[dreg:$0x17] =	wrdreg s30;
	s6 =	simm.s32 $0x9AA0  }
0x1b: {  	s8 =	simm.s32 $0x9B20;
	[dreg:$0x18] =	wrdreg s6  }
0x1c: {  	s11 =	srdreg.scid;
	s9 =	simm.s32 $0x9BA0;
	[dreg:$0x19] =	wrdreg s8  }
0x1d: {  	s3 =	sand.u32 $0x1, s11;
	s11 =	simm.s32 $0x9C20;
	[dreg:$0x1a] =	wrdreg s9  }
0x1e: {  	s7 =	stileid.u32;
	s12 =	simm.s32 $0x98B0;
	[dreg:$0x1b] =	wrdreg s11  }
0x1f: {  	s19 =	simm.s32 $0x1;
	s13 =	simm.s32 $0x9930;
	[dreg:$0x1c] =	wrdreg s12  }
0x20: {  	s14 =	simm.s32 $0x99B0;
	s16 =	simm.s32 $0x9A30;
	[dreg:$0x1d] =	wrdreg s13  }
0x21: {  	s18 =	simm.s32 $0x9B30;
	s20 =	simm.s32 $0x9BB0;
	[dreg:$0x1e] =	wrdreg s14  }
0x22: {  	s21 =	simm.s32 $0x9C30;
	s22 =	simm.s32 $0x98C0;
	[dreg:$0x1f] =	wrdreg s16  }
0x23: {  	s23 =	simm.s32 $0x9940;
	s24 =	simm.s32 $0x99C0;
	[smem:$0x7F0] =	sst s18  }
0x24: {  	s25 =	simm.s32 $0x9A40;
	s26 =	simm.s32 $0x9AC0;
	[smem:$0x7F2] =	sst s20  }
0x25: {  	s28 =	simm.s32 $0x9B40;
	s30 =	simm.s32 $0x9C40;
	[smem:$0x7F4] =	sst s21  }
0x26: {  	s4 =	ssub.s32 $0x2, s3;
	s17 =	sor.u32 s3, s7;
	[smem:$0x7F5] =	sst s22  }
0x27: {  	p1 =	seq.s32 s3, $0x1;
	[smem:$0x7F6] =	sst s23;
	p0 =	seq.s32 s17, $0x0  }
0x28: {  	[smem:$0x7F7] =	sst s24;
	s5 =	sshrl.u32 s4, $0x1;
	p0 =	por !p0, !p1  }
0x29: {  	s1 =	ssub.s32 s4, s5;
	s5 =	simm.s32 $0x1;
	p0 =	por !p0, !p0  }
0x2a: {  	s31 =	sshll.u32 s3, $0xA;
	[smem:$0x7F8] =	sst s25;
	s5 =	simm.s32 @!p0 $0x0  }
0x2b: {  	s3 =	sshll.u32 s3, $0xD;
	[smem:$0x7F9] =	sst s26;
	s5 =	ssub.s32 s7, s5  }
0x2c: {  	s6 =	simm.s32 $0x400;
	[smem:$0x7FA] =	sst s28;
	s29 =	sshll.u32 s5, $0x15  }
0x2d: {  	[smem:$0x7FC] =	sst s30;
	s17 =	simm.s32 $0x9AB0;
	s4 =	sor.u32 s31, s29  }
0x2e: {  	[smem:$0x7EF] =	sst s17;
	s10 =	sshll.u32 s5, $0xB;
	s4 =	sor.u32 $0x1C0000, s4  }
0x2f: {  	s15 =	sshll.u32 s5, $0x7;
	[smem:$0x7EE] =	sst s4;
	s4 =	sand.u32 $0xFFFFC000, s10  }
0x30: {  	s1 =	smax.u32 s1, $0x1;
	s3 =	sor.u32 s3, s4;
	s4 =	sand.u32 $0x380, s15  }
0x31: {  	v0 =	vlaneseq.u32;
	[smem:$0x7F3] =	sst s1;
	s29 =	simm.s32 $0x9BC0;
	s3 =	sor.u32 s4, s3  }
0x32: {  	v0 =	vmul.u32 $0x8, v0;
	s31 =	simm.s32 $0x98D0;
	[smem:$0x7FB] =	sst s29;
	s3 =	sshrl.u32 s3, $0x3  }
0x33: {  	s18 =	simm.s32 $0x9480;
	[smem:$0x7FD] =	sst s31;
	s0 =	sadd.s32 s0, s3  }
0x34: {  	[tilespmem:$0x1FFF0] =	vst v0;
	s17 =	simm.s32 $0x9080;
	[smem:$0x7F1] =	sst s0;
	s0 =	simm.s32 $0x0  }
.LBB2_1:
0x35: {  	s1 =	sld [smem:$0x7ED];
	_ =	sdelay $0x1  }
0x36: {  	s8 =	simm.s32 $0x2000;
	s10 =	simm.s32 $0x8000  }
0x37: {  	[tilespmem:s10], [sflag:$0x1] =	stream.strided.gather [hbm4b:s1+s6], $0x800, s8, s6, $0x38;
	[tilespmem:$0xA080] =	vst v63  }
0x38: {  	_ =	swait.ge [sflag:s19], $0x800  }
0x39: {  	s29 =	sld [smem:$0x7EB]  }
0x3a: {  	[sflag:s19] =	ssyncset.done $0x0  }
0x3b: {  	s28 =	simm.s32 $0x0;
	s30 =	simm.s32 $0x8800;
	[sflag:s19] =	ssyncadd.s32 $0xFFFFF800  }
0x3c: {  	[tilespmem:s30], [sflag:$0x1] =	stream.linear.gather [hbm4b:s29+s28], $0x800, $0x38;
	[tilespmem:$0xA080] =	vst v63  }
0x3d: {  	_ =	swait.ge [sflag:s19], $0x800  }
0x3e: {  	s31 =	sld [smem:$0x7EC]  }
0x3f: {  	[sflag:s19] =	ssyncset.done $0x0  }
0x40: {  	s2 =	simm.s32 $0x9000;
	[sflag:s19] =	ssyncadd.s32 $0xFFFFF800  }
0x41: {  	[tilespmem:s2], [sflag:$0x1] =	stream.linear.gather [hbm4b:s31+s28], $0x80, $0x38;
	[tilespmem:$0xA080] =	vst v63  }
0x42: {  	_ =	swait.ge [sflag:s19], $0x80  }
0x43: {  	[sflag:s19] =	ssyncset.done $0x0  }
0x44: {  	[sflag:s19] =	ssyncadd.s32 $0xFFFFFF80  }
0x45: {  	v2 =	vld [tilespmem:$0x9000]  }
0x46: {  	v3 =	vld [tilespmem:$0x8800];
	_ =	sdelay $0x3  }
0x47: {  	(v2sf) =	vpush v2, $0x0  }
0x48: {  	(v2sf) =	vpush v3, $0x0  }
0x49: {  	(v2sf) =	vpush v3, $0x1  }
0x4a: {  	(v2sf) =	vpush v3, $0x2  }
0x4b: {  	v16 =	vld [tilespmem:$0x8880];
	(v2sf) =	vpush v3, $0x3  }
0x4c: {  	(v2sf) =	vpush v3, $0x4  }
0x4d: {  	(v2sf) =	vpush v3, $0x5  }
0x4e: {  	(v2sf) =	vpush v3, $0x6  }
0x4f: {  	(v2sf) =	vpush v3, $0x7  }
0x50: {  	(v2sf) =	vpush v16, $0x0  }
0x51: {  	(v2sf) =	vpush v16, $0x1  }
0x52: {  	(v2sf) =	vpush v16, $0x2  }
0x53: {  	v15 =	vld [tilespmem:$0x8900];
	(v2sf) =	vpush v16, $0x3  }
0x54: {  	(v2sf) =	vpush v16, $0x4  }
0x55: {  	(v2sf) =	vpush v16, $0x5  }
0x56: {  	s3 =	spop (v2sf);
	(v2sf) =	vpush v16, $0x6  }
0x57: {  	s10 =	spop (v2sf);
	(v2sf) =	vpush v16, $0x7  }
0x58: {  	s4 =	spop (v2sf);
	(v2sf) =	vpush v15, $0x0  }
0x59: {  	s5 =	spop (v2sf);
	(v2sf) =	vpush v15, $0x1  }
0x5a: {  	s6 =	spop (v2sf);
	(v2sf) =	vpush v15, $0x2  }
0x5b: {  	v14 =	vld [tilespmem:$0x8980];
	s7 =	spop (v2sf);
	(v2sf) =	vpush v15, $0x3  }
0x5c: {  	[smem:$0x792] =	sst s3;
	s3 =	spop (v2sf);
	(v2sf) =	vpush v15, $0x4  }
0x5d: {  	s8 =	spop (v2sf);
	(v2sf) =	vpush v15, $0x5  }
0x5e: {  	[smem:$0x7BC] =	sst s6;
	s6 =	spop (v2sf);
	(v2sf) =	vpush v15, $0x6  }
0x5f: {  	s9 =	spop (v2sf);
	(v2sf) =	vpush v15, $0x7  }
0x60: {  	s11 =	spop (v2sf);
	(v2sf) =	vpush v14, $0x0  }
0x61: {  	s12 =	spop (v2sf);
	(v2sf) =	vpush v14, $0x1  }
0x62: {  	s13 =	spop (v2sf);
	(v2sf) =	vpush v14, $0x2  }
0x63: {  	v13 =	vld [tilespmem:$0x8A00];
	s14 =	spop (v2sf);
	(v2sf) =	vpush v14, $0x3  }
0x64: {  	[smem:$0x79E] =	sst s5;
	s5 =	spop (v2sf);
	(v2sf) =	vpush v14, $0x4  }
0x65: {  	[smem:$0x79C] =	sst s4;
	s4 =	spop (v2sf);
	(v2sf) =	vpush v14, $0x5  }
0x66: {  	[smem:$0x7DC] =	sst s8;
	s8 =	spop (v2sf);
	(v2sf) =	vpush v14, $0x6  }
0x67: {  	s2 =	spop (v2sf);
	(v2sf) =	vpush v14, $0x7  }
0x68: {  	s15 =	spop (v2sf);
	(v2sf) =	vpush v13, $0x0  }
0x69: {  	s16 =	spop (v2sf);
	(v2sf) =	vpush v13, $0x1  }
0x6a: {  	s20 =	spop (v2sf);
	(v2sf) =	vpush v13, $0x2  }
0x6b: {  	v12 =	vld [tilespmem:$0x8A80];
	s21 =	spop (v2sf);
	(v2sf) =	vpush v13, $0x3  }
0x6c: {  	[smem:$0x78C] =	sst s9;
	s9 =	spop (v2sf);
	(v2sf) =	vpush v13, $0x4  }
0x6d: {  	[smem:$0x7BE] =	sst s7;
	s7 =	spop (v2sf);
	(v2sf) =	vpush v13, $0x5  }
0x6e: {  	[smem:$0x79D] =	sst s11;
	s11 =	spop (v2sf);
	(v2sf) =	vpush v13, $0x6  }
0x6f: {  	s22 =	spop (v2sf);
	(v2sf) =	vpush v13, $0x7  }
0x70: {  	(v2sf) =	vpush v12, $0x0;
	s23 =	spop (v2sf)  }
0x71: {  	[smem:$0x79F] =	sst s12;
	(v2sf) =	vpush v12, $0x1;
	s24 =	spop (v2sf)  }
0x72: {  	[smem:$0x7BD] =	sst s13;
	(v2sf) =	vpush v12, $0x2;
	s25 =	spop (v2sf)  }
0x73: {  	v11 =	vld [tilespmem:$0x8B00];
	[smem:$0x7BF] =	sst s14;
	(v2sf) =	vpush v12, $0x3;
	s26 =	spop (v2sf)  }
0x74: {  	[smem:$0x7A0] =	sst s15;
	(v2sf) =	vpush v12, $0x4;
	s13 =	spop (v2sf)  }
0x75: {  	[smem:$0x7A1] =	sst s16;
	(v2sf) =	vpush v12, $0x5;
	s12 =	spop (v2sf)  }
0x76: {  	[smem:$0x7C0] =	sst s20;
	(v2sf) =	vpush v12, $0x6;
	s28 =	spop (v2sf)  }
0x77: {  	[smem:$0x7C1] =	sst s21;
	(v2sf) =	vpush v12, $0x7;
	s29 =	spop (v2sf)  }
0x78: {  	[smem:$0x78E] =	sst s22;
	(v2sf) =	vpush v11, $0x0;
	s30 =	spop (v2sf)  }
0x79: {  	[smem:$0x7A2] =	sst s23;
	(v2sf) =	vpush v11, $0x1;
	s31 =	spop (v2sf)  }
0x7a: {  	[smem:$0x7A3] =	sst s24;
	(v2sf) =	vpush v11, $0x2;
	s14 =	spop (v2sf)  }
0x7b: {  	v10 =	vld [tilespmem:$0x8B80];
	[smem:$0x7C2] =	sst s25;
	(v2sf) =	vpush v11, $0x3;
	s15 =	spop (v2sf)  }
0x7c: {  	[smem:$0x7C5] =	sst s15;
	(v2sf) =	vpush v11, $0x4;
	s15 =	spop (v2sf)  }
0x7d: {  	[smem:$0x7C4] =	sst s14;
	(v2sf) =	vpush v11, $0x5;
	s14 =	spop (v2sf)  }
0x7e: {  	[smem:$0x7C3] =	sst s26;
	(v2sf) =	vpush v11, $0x6;
	s16 =	spop (v2sf)  }
0x7f: {  	[smem:$0x785] =	sst s28;
	(v2sf) =	vpush v11, $0x7;
	s20 =	spop (v2sf)  }
0x80: {  	[smem:$0x790] =	sst s29;
	(v2sf) =	vpush v10, $0x0;
	s21 =	spop (v2sf)  }
0x81: {  	[smem:$0x7A4] =	sst s30;
	(v2sf) =	vpush v10, $0x1;
	s22 =	spop (v2sf)  }
0x82: {  	[smem:$0x7A5] =	sst s31;
	(v2sf) =	vpush v10, $0x2;
	s23 =	spop (v2sf)  }
0x83: {  	[smem:$0x786] =	sst s16;
	(v2sf) =	vpush v10, $0x3;
	s24 =	spop (v2sf)  }
0x84: {  	v9 =	vld [tilespmem:$0x8C00];
	[smem:$0x7A6] =	sst s21;
	s21 =	spop (v2sf)  }
0x85: {  	[smem:$0x791] =	sst s20;
	(v2sf) =	vpush v10, $0x4;
	s20 =	spop (v2sf)  }
0x86: {  	[smem:$0x7A7] =	sst s22;
	(v2sf) =	vpush v10, $0x5;
	s25 =	spop (v2sf)  }
0x87: {  	[smem:$0x7C6] =	sst s23;
	(v2sf) =	vpush v10, $0x6;
	s26 =	spop (v2sf)  }
0x88: {  	[smem:$0x7C7] =	sst s24;
	(v2sf) =	vpush v10, $0x7;
	s28 =	spop (v2sf)  }
0x89: {  	[smem:$0x787] =	sst s25;
	(v2sf) =	vpush v9, $0x0;
	s29 =	spop (v2sf)  }
0x8a: {  	[smem:$0x793] =	sst s26;
	(v2sf) =	vpush v9, $0x1;
	s30 =	spop (v2sf)  }
0x8b: {  	[smem:$0x7A8] =	sst s28;
	(v2sf) =	vpush v9, $0x2;
	s31 =	spop (v2sf)  }
0x8c: {  	v8 =	vld [tilespmem:$0x8C80];
	[smem:$0x7A9] =	sst s29;
	(v2sf) =	vpush v9, $0x3;
	s23 =	spop (v2sf)  }
0x8d: {  	[smem:$0x7C8] =	sst s30;
	(v2sf) =	vpush v9, $0x4;
	s22 =	spop (v2sf)  }
0x8e: {  	[smem:$0x7C9] =	sst s31;
	(v2sf) =	vpush v9, $0x5;
	s16 =	spop (v2sf)  }
0x8f: {  	(v2sf) =	vpush v9, $0x6;
	[smem:$0x788] =	sst s16;
	s24 =	spop (v2sf)  }
0x90: {  	(v2sf) =	vpush v9, $0x7;
	[smem:$0x794] =	sst s24;
	s25 =	spop (v2sf)  }
0x91: {  	(v2sf) =	vpush v8, $0x0;
	[smem:$0x7AA] =	sst s25;
	s26 =	spop (v2sf)  }
0x92: {  	(v2sf) =	vpush v8, $0x1;
	[smem:$0x7AB] =	sst s26;
	s28 =	spop (v2sf)  }
0x93: {  	(v2sf) =	vpush v8, $0x2;
	[smem:$0x7CA] =	sst s28  }
0x94: {  	(v2sf) =	vpush v8, $0x3;
	v7 =	vld [tilespmem:$0x8D00];
	s1 =	spop (v2sf)  }
0x95: {  	(v2sf) =	vpush v8, $0x4;
	s25 =	spop (v2sf)  }
0x96: {  	(v2sf) =	vpush v8, $0x5;
	s24 =	spop (v2sf)  }
0x97: {  	(v2sf) =	vpush v8, $0x6;
	s29 =	spop (v2sf)  }
0x98: {  	(v2sf) =	vpush v8, $0x7;
	s30 =	spop (v2sf)  }
0x99: {  	(v2sf) =	vpush v7, $0x0;
	s31 =	spop (v2sf)  }
0x9a: {  	(v2sf) =	vpush v7, $0x1;
	s16 =	spop (v2sf)  }
0x9b: {  	(v2sf) =	vpush v7, $0x2;
	s26 =	spop (v2sf)  }
0x9c: {  	s8 =	sadd.f32 s8, s6;
	v6 =	vld [tilespmem:$0x8D80];
	(v2sf) =	vpush v7, $0x3;
	s28 =	spop (v2sf)  }
0x9d: {  	[smem:$0x7CD] =	sst s28;
	(v2sf) =	vpush v7, $0x4;
	s28 =	spop (v2sf)  }
0x9e: {  	[smem:$0x7CC] =	sst s26;
	(v2sf) =	vpush v7, $0x5;
	s26 =	spop (v2sf)  }
0x9f: {  	[smem:$0x789] =	sst s29;
	(v2sf) =	vpush v7, $0x6;
	s29 =	spop (v2sf)  }
0xa0: {  	[smem:$0x795] =	sst s30;
	(v2sf) =	vpush v7, $0x7;
	s30 =	spop (v2sf)  }
0xa1: {  	[smem:$0x7AC] =	sst s31;
	(v2sf) =	vpush v6, $0x0;
	s31 =	spop (v2sf)  }
0xa2: {  	[smem:$0x7AD] =	sst s16;
	(v2sf) =	vpush v6, $0x1;
	s16 =	spop (v2sf)  }
0xa3: {  	[smem:$0x78A] =	sst s29;
	(v2sf) =	vpush v6, $0x2;
	s29 =	spop (v2sf)  }
0xa4: {  	v5 =	vld [tilespmem:$0x8E00];
	[smem:$0x796] =	sst s30;
	(v2sf) =	vpush v6, $0x3;
	s30 =	spop (v2sf)  }
0xa5: {  	[smem:$0x7CF] =	sst s30;
	(v2sf) =	vpush v6, $0x4;
	s30 =	spop (v2sf)  }
0xa6: {  	[smem:$0x7CE] =	sst s29;
	(v2sf) =	vpush v6, $0x5;
	s29 =	spop (v2sf)  }
0xa7: {  	[smem:$0x7AE] =	sst s31;
	(v2sf) =	vpush v6, $0x6;
	s31 =	spop (v2sf)  }
0xa8: {  	[smem:$0x7AF] =	sst s16;
	(v2sf) =	vpush v6, $0x7;
	s16 =	spop (v2sf)  }
0xa9: {  	[smem:$0x78B] =	sst s31;
	(v2sf) =	vpush v5, $0x0;
	s31 =	spop (v2sf)  }
0xaa: {  	[smem:$0x797] =	sst s16;
	(v2sf) =	vpush v5, $0x1;
	s16 =	spop (v2sf)  }
0xab: {  	[smem:$0x7B0] =	sst s31;
	(v2sf) =	vpush v5, $0x2;
	s31 =	spop (v2sf)  }
0xac: {  	[smem:$0x7B1] =	sst s16;
	(v2sf) =	vpush v5, $0x3;
	s16 =	spop (v2sf)  }
0xad: {  	[smem:$0x7D0] =	sst s31;
	(v2sf) =	vpush v5, $0x4;
	s31 =	spop (v2sf)  }
0xae: {  	[smem:$0x7DD] =	sst s31;
	(v2sf) =	vpush v5, $0x5;
	s31 =	spop (v2sf)  }
0xaf: {  	[smem:$0x7D1] =	sst s16;
	s16 =	spop (v2sf)  }
0xb0: {  	v4 =	vld [tilespmem:$0x8E80];
	[smem:$0x78D] =	sst s16;
	s16 =	spop (v2sf)  }
0xb1: {  	(v2sf) =	vpush v5, $0x6;
	[smem:$0x798] =	sst s16;
	s16 =	spop (v2sf)  }
0xb2: {  	[smem:$0x7B2] =	sst s16;
	s16 =	spop (v2sf)  }
0xb3: {  	(v2sf) =	vpush v5, $0x7;
	[smem:$0x7B3] =	sst s16;
	s16 =	spop (v2sf)  }
0xb4: {  	[smem:$0x7D2] =	sst s16;
	s16 =	spop (v2sf)  }
0xb5: {  	(v2sf) =	vpush v4, $0x0;
	[smem:$0x7D3] =	sst s16;
	s16 =	spop (v2sf)  }
0xb6: {  	(v2sf) =	vpush v4, $0x1;
	[smem:$0x7DE] =	sst s16;
	s16 =	spop (v2sf)  }
0xb7: {  	[smem:$0x7DF] =	sst s16;
	s16 =	spop (v2sf)  }
0xb8: {  	[smem:$0x7CB] =	sst s1;
	s1 =	spop (v2sf)  }
0xb9: {  	(v2sf) =	vpush v4, $0x2;
	[smem:$0x799] =	sst s1;
	s1 =	spop (v2sf)  }
0xba: {  	(v2sf) =	vpush v4, $0x3;
	[smem:$0x7B4] =	sst s1;
	s1 =	spop (v2sf)  }
0xbb: {  	s8 =	sadd.f32 s11, s8;
	(v2sf) =	vpush v4, $0x4;
	s6 =	spop (v2sf)  }
0xbc: {  	[smem:$0x7D4] =	sst s6;
	s6 =	spop (v2sf)  }
0xbd: {  	[smem:$0x7D5] =	sst s6;
	s6 =	spop (v2sf)  }
0xbe: {  	[smem:$0x7E0] =	sst s6  }
0xbf: {  	s6 =	sld [smem:$0x785]  }
0xc0: {  	(v2sf) =	vpush v4, $0x5;
	[smem:$0x7B5] =	sst s1;
	s11 =	spop (v2sf)  }
0xc1: {  	(v2sf) =	vpush v4, $0x6;
	[smem:$0x7E1] =	sst s11  }
0xc2: {  	v1 =	vld [tilespmem:$0x8F00];
	s1 =	sadd.f32 s6, s8;
	s8 =	spop (v2sf)  }
0xc3: {  	[smem:$0x78F] =	sst s8  }
0xc4: {  	s11 =	spop (v2sf);
	s8 =	sld [smem:$0x786]  }
0xc5: {  	[smem:$0x79A] =	sst s11;
	s11 =	spop (v2sf)  }
0xc6: {  	(v2sf) =	vpush v4, $0x7;
	[smem:$0x7B6] =	sst s11  }
0xc7: {  	(v2sf) =	vpush v1, $0x0;
	s11 =	sld [smem:$0x787]  }
0xc8: {  	s1 =	sadd.f32 s8, s1;
	s8 =	spop (v2sf)  }
0xc9: {  	[smem:$0x7B7] =	sst s8;
	s8 =	spop (v2sf)  }
0xca: {  	s6 =	sadd.f32 s11, s1;
	s11 =	spop (v2sf)  }
0xcb: {  	[smem:$0x7D7] =	sst s11  }
0xcc: {  	(v2sf) =	vpush v1, $0x1;
	s11 =	sld [smem:$0x788]  }
0xcd: {  	(v2sf) =	vpush v1, $0x2;
	_ =	sdelay $0x1  }
0xce: {  	s6 =	sadd.f32 s11, s6;
	s11 =	spop (v2sf)  }
0xcf: {  	[smem:$0x7E2] =	sst s11;
	s11 =	spop (v2sf)  }
0xd0: {  	[smem:$0x7E3] =	sst s11  }
0xd1: {  	(v2sf) =	vpush v1, $0x3;
	s11 =	sld [smem:$0x789];
	_ =	sdelay $0x2  }
0xd2: {  	s6 =	sadd.f32 s11, s6;
	s11 =	spop (v2sf)  }
0xd3: {  	[smem:$0x7D6] =	sst s8;
	s8 =	spop (v2sf)  }
0xd4: {  	(v2sf) =	vpush v1, $0x4;
	[smem:$0x79B] =	sst s8  }
0xd5: {  	s8 =	sld [smem:$0x78A];
	_ =	sdelay $0x2  }
0xd6: {  	s6 =	sadd.f32 s8, s6;
	s8 =	spop (v2sf)  }
0xd7: {  	(v2sf) =	vpush v1, $0x5;
	[smem:$0x7B8] =	sst s8;
	s8 =	spop (v2sf)  }
0xd8: {  	(v2sf) =	vpush v1, $0x6;
	[smem:$0x7B9] =	sst s8  }
0xd9: {  	v0 =	vld [tilespmem:$0x8F80];
	s8 =	sld [smem:$0x78B];
	_ =	sdelay $0x2  }
0xda: {  	s6 =	sadd.f32 s8, s6;
	s8 =	spop (v2sf)  }
0xdb: {  	(v2sf) =	vpush v1, $0x7;
	[smem:$0x7D8] =	sst s8  }
0xdc: {  	(v2sf) =	vpush v0, $0x0;
	s8 =	sld [smem:$0x78C]  }
0xdd: {  	(v2sf) =	vpush v0, $0x1;
	_ =	sdelay $0x1  }
0xde: {  	s8 =	sadd.f32 s8, s10;
	s10 =	spop (v2sf)  }
0xdf: {  	[smem:$0x7D9] =	sst s10  }
0xe0: {  	s10 =	sld [smem:$0x78D]  }
0xe1: {  	s3 =	sadd.f32 s5, s3  }
0xe2: {  	s5 =	sld [smem:$0x7DC];
	(v2sf) =	vpush v0, $0x2  }
0xe3: {  	(v2sf) =	vpush v0, $0x3;
	s6 =	sadd.f32 s10, s6;
	s10 =	spop (v2sf)  }
0xe4: {  	s8 =	sadd.f32 s2, s8;
	s2 =	spop (v2sf)  }
0xe5: {  	[smem:$0x7E5] =	sst s2  }
0xe6: {  	(v2sf) =	vpush v0, $0x4;
	s16 =	sadd.f32 s16, s6  }
0xe7: {  	(v2sf) =	vpush v0, $0x5;
	s6 =	sld [smem:$0x78E]  }
0xe8: {  	s2 =	sld [smem:$0x78F]  }
0xe9: {  	[smem:$0x7E4] =	sst s10;
	s10 =	spop (v2sf)  }
0xea: {  	(v2sf) =	vpush v0, $0x6;
	s6 =	sadd.f32 s6, s8;
	s8 =	spop (v2sf)  }
0xeb: {  	(v2sf) =	vpush v0, $0x7;
	s16 =	sadd.f32 s2, s16;
	s2 =	spop (v2sf)  }
0xec: {  	s1 =	simm.s32 $0xFFFFFF80;
	[smem:$0x7BA] =	sst s2  }
0xed: {  	v17 =	vld [tilespmem:s1+$0x8080];
	s2 =	sld [smem:$0x790]  }
0xee: {  	v18 =	vld [tilespmem:s1+$0x8100];
	s11 =	sadd.f32 s11, s16  }
0xef: {  	s16 =	sld [smem:$0x791]  }
0xf0: {  	v20 =	vld [tilespmem:s1+$0x8180];
	s10 =	sadd.f32 s10, s11  }
0xf1: {  	v24 =	vbroadcast v3, $0x7;
	v25 =	vbroadcast v16, $0x7;
	s6 =	sadd.f32 s2, s6;
	s2 =	spop (v2sf)  }
0xf2: {  	v26 =	vbroadcast v15, $0x7;
	v22 =	vld [tilespmem:s1+$0x8200];
	[smem:$0x7BB] =	sst s2;
	s2 =	spop (v2sf)  }
0xf3: {  	v17 =	vmul.f32 v17, v24;
	v18 =	vmul.f32 v18, v25;
	[smem:$0x7DA] =	sst s2  }
0xf4: {  	v30 =	vbroadcast v3, $0x0;
	[tilespmem:$0x1F9E0] =	vst v24;
	v24 =	vld [tilespmem:s1+$0x8280];
	s6 =	sadd.f32 s16, s6  }
0xf5: {  	v27 =	vbroadcast v14, $0x7;
	v17 =	vadd.f32 v18, v17;
	v18 =	vmul.f32 v20, v26;
	s2 =	spop (v2sf);
	s16 =	sld [smem:$0x792]  }
0xf6: {  	v32 =	vbroadcast v3, $0x1;
	v36 =	vbroadcast v3, $0x2;
	v20 =	vld [tilespmem:s1+$0x8300];
	[smem:$0x7DB] =	sst s2;
	s2 =	spop (v2sf)  }
0xf7: {  	v28 =	vbroadcast v13, $0x7;
	v17 =	vadd.f32 v18, v17;
	v18 =	vmul.f32 v22, v27;
	[smem:$0x7E6] =	sst s2  }
0xf8: {  	v38 =	vbroadcast v3, $0x3;
	v40 =	vbroadcast v3, $0x4;
	v22 =	vld [tilespmem:s1+$0x8380];
	s11 =	ssub.f32 $0.0e+00, s16  }
0xf9: {  	v29 =	vbroadcast v12, $0x7;
	v17 =	vadd.f32 v18, v17;
	v18 =	vmul.f32 v24, v28;
	s2 =	spop (v2sf);
	s16 =	sld [smem:$0x793]  }
0xfa: {  	v42 =	vbroadcast v3, $0x5;
	v44 =	vbroadcast v3, $0x6;
	[smem:$0x7E7] =	sst s2;
	s2 =	spop (v2sf)  }
0xfb: {  	[tilespmem:$0x1FA20] =	vst v28;
	v28 =	vbroadcast v11, $0x7;
	v3 =	vadd.f32 v18, v17;
	v17 =	vmul.f32 v20, v29;
	s10 =	sadd.f32 s2, s10  }
0xfc: {  	s6 =	sadd.f32 s16, s6  }
0xfd: {  	v3 =	vadd.f32 v17, v3;
	v17 =	vmul.f32 v22, v28;
	s16 =	sld [smem:$0x794]  }
0xfe: {  	s2 =	sld [smem:$0x79D]  }
0xff: {  	v17 =	vadd.f32 v17, v3;
	v3 =	vmov s11;
	s11 =	sld [smem:$0x795]  }
0x100: {  	s6 =	sadd.f32 s16, s6  }
0x101: {  	s16 =	sld [smem:$0x796]  }
0x102: {  	s6 =	sadd.f32 s11, s6  }
0x103: {  	v63 =	vmov s10;
	s10 =	sld [smem:$0x797]  }
0x104: {  	s6 =	sadd.f32 s16, s6  }
0x105: {  	s11 =	sld [smem:$0x798]  }
0x106: {  	s6 =	sadd.f32 s10, s6  }
0x107: {  	s16 =	sld [smem:$0x799]  }
0x108: {  	s6 =	sadd.f32 s11, s6  }
0x109: {  	s10 =	sld [smem:$0x79A]  }
0x10a: {  	s6 =	sadd.f32 s16, s6  }
0x10b: {  	s11 =	sld [smem:$0x79B]  }
0x10c: {  	s6 =	sadd.f32 s10, s6  }
0x10d: {  	s10 =	sld [smem:$0x79E]  }
0x10e: {  	s6 =	sadd.f32 s11, s6  }
0x10f: {  	s11 =	sld [smem:$0x79F]  }
0x110: {  	s16 =	sld [smem:$0x79C]  }
0x111: {  	s6 =	sadd.f32 s8, s6  }
0x112: {  	s8 =	sadd.f32 s11, s10  }
0x113: {  	s11 =	sld [smem:$0x7A2]  }
0x114: {  	[smem:$0x7E8] =	sst s6  }
0x115: {  	s6 =	sadd.f32 s2, s16  }
0x116: {  	s16 =	sld [smem:$0x7A0]  }
0x117: {  	s2 =	sld [smem:$0x7A1]  }
0x118: {  	s10 =	sld [smem:$0x7BD]  }
0x119: {  	s6 =	sadd.f32 s16, s6  }
0x11a: {  	s8 =	sadd.f32 s2, s8  }
0x11b: {  	s16 =	sld [smem:$0x7A3]  }
0x11c: {  	s2 =	sld [smem:$0x7A4]  }
0x11d: {  	s6 =	sadd.f32 s11, s6  }
0x11e: {  	s11 =	sld [smem:$0x7A5]  }
0x11f: {  	s8 =	sadd.f32 s16, s8  }
0x120: {  	s16 =	sld [smem:$0x7A6]  }
0x121: {  	s6 =	sadd.f32 s2, s6  }
0x122: {  	s2 =	sld [smem:$0x7A7]  }
0x123: {  	s8 =	sadd.f32 s11, s8  }
0x124: {  	s11 =	sld [smem:$0x7A8]  }
0x125: {  	s6 =	sadd.f32 s16, s6  }
0x126: {  	s16 =	sld [smem:$0x7A9]  }
0x127: {  	s8 =	sadd.f32 s2, s8  }
0x128: {  	s2 =	sld [smem:$0x7AA]  }
0x129: {  	s6 =	sadd.f32 s11, s6  }
0x12a: {  	s11 =	sld [smem:$0x7AB]  }
0x12b: {  	s8 =	sadd.f32 s16, s8  }
0x12c: {  	s16 =	sld [smem:$0x7AC]  }
0x12d: {  	s6 =	sadd.f32 s2, s6  }
0x12e: {  	s2 =	sld [smem:$0x7AD]  }
0x12f: {  	s8 =	sadd.f32 s11, s8  }
0x130: {  	s11 =	sld [smem:$0x7AE]  }
0x131: {  	s6 =	sadd.f32 s16, s6  }
0x132: {  	s16 =	sld [smem:$0x7AF]  }
0x133: {  	s8 =	sadd.f32 s2, s8  }
0x134: {  	s2 =	sld [smem:$0x7B0]  }
0x135: {  	s6 =	sadd.f32 s11, s6  }
0x136: {  	s11 =	sld [smem:$0x7B1]  }
0x137: {  	s8 =	sadd.f32 s16, s8  }
0x138: {  	s16 =	sld [smem:$0x7B2]  }
0x139: {  	s6 =	sadd.f32 s2, s6  }
0x13a: {  	s2 =	sld [smem:$0x7B3]  }
0x13b: {  	v31 =	vbroadcast v16, $0x0;
	v19 =	vld [tilespmem:s1+$0x8080];
	s8 =	sadd.f32 s11, s8  }
0x13c: {  	v35 =	vbroadcast v16, $0x1;
	v37 =	vbroadcast v16, $0x2;
	v21 =	vld [tilespmem:s1+$0x8100];
	s11 =	sld [smem:$0x7B4]  }
0x13d: {  	v39 =	vbroadcast v16, $0x3;
	v41 =	vbroadcast v16, $0x4;
	v23 =	vld [tilespmem:s1+$0x8080];
	s6 =	sadd.f32 s16, s6  }
0x13e: {  	v43 =	vbroadcast v16, $0x5;
	v45 =	vbroadcast v16, $0x6;
	v16 =	vld [tilespmem:s1+$0x8080];
	s16 =	sld [smem:$0x7B5]  }
0x13f: {  	[tilespmem:$0x1F9F0] =	vst v25;
	v25 =	vld [tilespmem:s1+$0x8100];
	s8 =	sadd.f32 s2, s8  }
0x140: {  	[tilespmem:$0x1FA60] =	vst v30;
	v19 =	vmul.f32 v19, v30;
	v30 =	vld [tilespmem:s1+$0x8100];
	s2 =	sld [smem:$0x7B6]  }
0x141: {  	v33 =	vbroadcast v15, $0x0;
	v2 =	vbroadcast v2, $0x1;
	v24 =	vld [tilespmem:s1+$0x8400];
	s6 =	sadd.f32 s11, s6  }
0x142: {  	v34 =	vbroadcast v15, $0x1;
	v46 =	vbroadcast v9, $0x7;
	[tilespmem:$0x1FA00] =	vst v26;
	v26 =	vld [tilespmem:s1+$0x8080];
	s11 =	sld [smem:$0x7B7]  }
0x143: {  	v49 =	vbroadcast v8, $0x7;
	v54 =	vbroadcast v15, $0x2;
	v18 =	vld [tilespmem:s1+$0x8480];
	s8 =	sadd.f32 s16, s8  }
0x144: {  	v55 =	vbroadcast v15, $0x3;
	[tilespmem:$0x1FA30] =	vst v29;
	v29 =	vbroadcast v10, $0x7;
	v20 =	vld [tilespmem:s1+$0x8100];
	s16 =	sld [smem:$0x7B8]  }
0x145: {  	v56 =	vbroadcast v15, $0x4;
	v57 =	vbroadcast v15, $0x6;
	v22 =	vld [tilespmem:s1+$0x8500];
	s6 =	sadd.f32 s2, s6  }
0x146: {  	[tilespmem:$0x1FA10] =	vst v27;
	v50 =	vbroadcast v7, $0x7;
	v27 =	vld [tilespmem:s1+$0x8100];
	v24 =	vmul.f32 v24, v29;
	s2 =	sld [smem:$0x7B9]  }
0x147: {  	v47 =	vbroadcast v6, $0x7;
	v21 =	vmul.f32 v21, v31;
	[tilespmem:$0x1FA50] =	vst v29;
	v29 =	vld [tilespmem:s1+$0x8580];
	s8 =	sadd.f32 s11, s8  }
0x148: {  	v23 =	vmul.f32 v23, v32;
	[tilespmem:$0x1FA40] =	vst v28;
	v28 =	vld [tilespmem:s1+$0x8080];
	v18 =	vmul.f32 v18, v46;
	v17 =	vadd.f32 v24, v17;
	s11 =	sld [smem:$0x7BA]  }
0x149: {  	v16 =	vmul.f32 v16, v38;
	v19 =	vadd.f32 v21, v19;
	v25 =	vmul.f32 v25, v35;
	v24 =	vld [tilespmem:s1+$0x8600];
	s6 =	sadd.f32 s16, s6  }
0x14a: {  	[tilespmem:$0x1FA70] =	vst v31;
	v31 =	vld [tilespmem:s1+$0x8080];
	v20 =	vmul.f32 v20, v39;
	v17 =	vadd.f32 v18, v17;
	v18 =	vmul.f32 v22, v49;
	s16 =	sld [smem:$0x7BB]  }
0x14b: {  	v21 =	vld [tilespmem:s1+$0x8680];
	v22 =	vadd.f32 v25, v23;
	v23 =	vmul.f32 v26, v36;
	v25 =	vmul.f32 v27, v37;
	s8 =	sadd.f32 s2, s8  }
0x14c: {  	v48 =	vbroadcast v5, $0x7;
	v26 =	vld [tilespmem:s1+$0x8100];
	v17 =	vadd.f32 v18, v17;
	v18 =	vmul.f32 v29, v50;
	s6 =	sadd.f32 s11, s6  }
0x14d: {  	v16 =	vadd.f32 v20, v16;
	v20 =	vmul.f32 v28, v42;
	v27 =	vld [tilespmem:s1+$0x8700];
	v23 =	vadd.f32 v25, v23;
	s11 =	sld [smem:$0x7BE]  }
0x14e: {  	v25 =	vmul.f32 v28, v40;
	v29 =	vld [tilespmem:s1+$0x8180];
	v17 =	vadd.f32 v18, v17;
	v18 =	vmul.f32 v24, v47;
	s2 =	sadd.f32 s16, s8  }
0x14f: {  	[tilespmem:$0x1FAF0] =	vst v50;
	v50 =	vmul.f32 v30, v41;
	v28 =	vmul.f32 v30, v43;
	v30 =	vld [tilespmem:s1+$0x8180];
	s8 =	sld [smem:$0x7BC]  }
0x150: {  	v51 =	vbroadcast v4, $0x7;
	v24 =	vld [tilespmem:s1+$0x8780];
	v17 =	vadd.f32 v18, v17;
	v18 =	vmul.f32 v21, v48;
	s16 =	sld [smem:$0x7BF]  }
0x151: {  	v58 =	vbroadcast v14, $0x0;
	v20 =	vadd.f32 v28, v20;
	v28 =	vmul.f32 v31, v44;
	[smem:$0x7E9] =	sst s6  }
0x152: {  	v31 =	vld [tilespmem:s1+$0x8180];
	v26 =	vmul.f32 v26, v45;
	v17 =	vadd.f32 v18, v17;
	v18 =	vmul.f32 v27, v51;
	[smem:$0x7EA] =	sst s2  }
0x153: {  	v52 =	vbroadcast v1, $0x7;
	v21 =	vld [tilespmem:s1+$0x8800];
	v27 =	vmul.f32 v29, v33;
	s2 =	sld [smem:$0x7C0]  }
0x154: {  	v59 =	vbroadcast v14, $0x1;
	v26 =	vadd.f32 v26, v28;
	v28 =	vld [tilespmem:s1+$0x8180];
	v17 =	vadd.f32 v18, v17;
	s6 =	sadd.f32 s10, s8  }
0x155: {  	v18 =	vmul.f32 v24, v52;
	v24 =	vld [tilespmem:s1+$0x8180];
	v19 =	vadd.f32 v27, v19;
	v27 =	vmul.f32 v30, v34;
	s8 =	sadd.f32 s16, s11  }
0x156: {  	v60 =	vbroadcast v14, $0x2;
	v61 =	vbroadcast v14, $0x3;
	v29 =	vld [tilespmem:s1+$0x8180];
	s11 =	sld [smem:$0x7C1]  }
0x157: {  	v62 =	vbroadcast v14, $0x4;
	v53 =	vbroadcast v0, $0x7;
	v22 =	vadd.f32 v27, v22;
	v27 =	vld [tilespmem:s1+$0x8200];
	s16 =	sld [smem:$0x7C2]  }
0x158: {  	[tilespmem:$0x1FA80] =	vst v46;
	v46 =	vbroadcast v5, $0x5;
	v30 =	vld [tilespmem:s1+$0x8200];
	v17 =	vadd.f32 v18, v17;
	v18 =	vmul.f32 v31, v54;
	s6 =	sadd.f32 s2, s6  }
0x159: {  	v25 =	vadd.f32 v50, v25;
	v31 =	vbroadcast v15, $0x5;
	v15 =	vmul.f32 v28, v55;
	v28 =	vld [tilespmem:s1+$0x8200];
	s2 =	sld [smem:$0x7C3]  }
0x15a: {  	[tilespmem:$0x1FAB0] =	vst v49;
	v21 =	vmul.f32 v21, v53;
	v18 =	vadd.f32 v18, v23;
	v23 =	vmul.f32 v24, v56;
	s8 =	sadd.f32 s11, s8  }
0x15b: {  	[tilespmem:$0x1FB30] =	vst v47;
	v49 =	vbroadcast v5, $0x6;
	v47 =	vbroadcast v5, $0x3;
	s11 =	sld [smem:$0x7C4]  }
0x15c: {  	v17 =	vadd.f32 v21, v17;
	v21 =	vld [tilespmem:s1+$0x8200];
	v23 =	vadd.f32 v23, v25;
	v25 =	vmul.f32 v27, v59;
	s6 =	sadd.f32 s16, s6  }
0x15d: {  	v15 =	vadd.f32 v15, v16;
	v16 =	vmul.f32 v29, v57;
	v29 =	vmul.f32 v30, v58;
	s16 =	sld [smem:$0x7C5]  }
0x15e: {  	v24 =	vmul.f32 v24, v31;
	v30 =	vld [tilespmem:s1+$0x8200];
	v22 =	vadd.f32 v25, v22;
	v25 =	vmul.f32 v28, v61;
	s8 =	sadd.f32 s2, s8  }
0x15f: {  	v16 =	vadd.f32 v16, v26;
	v19 =	vadd.f32 v29, v19;
	v29 =	vbroadcast v14, $0x6;
	s2 =	sld [smem:$0x7C6]  }
0x160: {  	[tilespmem:$0x1FC10] =	vst v31;
	v26 =	vld [tilespmem:s1+$0x8280];
	v15 =	vadd.f32 v25, v15;
	v25 =	vbroadcast v13, $0x1;
	v31 =	vsub.f32 v63, v17;
	s6 =	sadd.f32 s11, s6  }
0x161: {  	v20 =	vadd.f32 v24, v20;
	v24 =	vld [tilespmem:s1+$0x8280];
	[tilespmem:$0x1FC20] =	vst v63;
	v63 =	vbroadcast v14, $0x5;
	v14 =	vmul.f32 v21, v60;
	s11 =	sld [smem:$0x7C7]  }
0x162: {  	[tilespmem:$0x1FB60] =	vst v48;
	v50 =	vbroadcast v4, $0x1;
	v27 =	vmul.f32 v31, v2;
	v31 =	vld [tilespmem:s1+$0x8200];
	s8 =	sadd.f32 s16, s8  }
0x163: {  	[tilespmem:$0x1FCC0] =	vst v25;
	v17 =	vmul.f32 v17, v3;
	v14 =	vadd.f32 v14, v18;
	v18 =	vmul.f32 v30, v62;
	s16 =	sld [smem:$0x7C8]  }
0x164: {  	v21 =	vld [tilespmem:s1+$0x8280];
	[tilespmem:s1+$0x9880] =	vst v27;
	v27 =	vmul.f32 v30, v63;
	v30 =	vbroadcast v13, $0x0;
	s6 =	sadd.f32 s2, s6  }
0x165: {  	v48 =	vbroadcast v5, $0x4;
	v28 =	vld [tilespmem:s1+$0x8280];
	v25 =	vmul.f32 v26, v25;
	[tilespmem:s1+$0x9480] =	vst v17;
	v17 =	vadd.f32 v18, v23;
	s2 =	sld [smem:$0x7C9]  }
0x166: {  	v23 =	vld [tilespmem:s1+$0x8280];
	v20 =	vadd.f32 v27, v20;
	v24 =	vmul.f32 v24, v30;
	v27 =	vbroadcast v13, $0x3;
	s8 =	sadd.f32 s11, s8  }
0x167: {  	[tilespmem:$0x1FCA0] =	vst v29;
	v18 =	vmul.f32 v31, v29;
	v29 =	vbroadcast v13, $0x2;
	s11 =	sld [smem:$0x7CA]  }
0x168: {  	v26 =	vld [tilespmem:s1+$0x8280];
	[tilespmem:$0x1FCB0] =	vst v30;
	v30 =	vbroadcast v13, $0x5;
	v31 =	vbroadcast v13, $0x6;
	v19 =	vadd.f32 v24, v19;
	s6 =	sadd.f32 s16, s6  }
0x169: {  	v24 =	vld [tilespmem:s1+$0x8300];
	v16 =	vadd.f32 v18, v16;
	[tilespmem:$0x1FCD0] =	vst v29;
	v18 =	vmul.f32 v21, v29;
	v29 =	vbroadcast v13, $0x4;
	s16 =	sld [smem:$0x7CB]  }
0x16a: {  	v22 =	vadd.f32 v25, v22;
	[tilespmem:$0x1FCE0] =	vst v27;
	v21 =	vld [tilespmem:s1+$0x8300];
	v13 =	vmul.f32 v28, v27;
	v27 =	vbroadcast v12, $0x1;
	s8 =	sadd.f32 s2, s8  }
0x16b: {  	v25 =	vld [tilespmem:s1+$0x8300];
	v28 =	vbroadcast v12, $0x2;
	v14 =	vadd.f32 v18, v14;
	v18 =	vmul.f32 v23, v29;
	s2 =	sld [smem:$0x7CC]  }
0x16c: {  	[tilespmem:$0x1FCF0] =	vst v29;
	v23 =	vmul.f32 v23, v30;
	v13 =	vadd.f32 v13, v15;
	v29 =	vbroadcast v12, $0x0;
	v15 =	vld [tilespmem:s1+$0x8300];
	s6 =	sadd.f32 s11, s6  }
0x16d: {  	[tilespmem:$0x1FD00] =	vst v30;
	v30 =	vbroadcast v12, $0x4;
	v17 =	vadd.f32 v18, v17;
	v18 =	vmul.f32 v26, v31;
	v26 =	vld [tilespmem:s1+$0x8300];
	s11 =	sld [smem:$0x7CD]  }
0x16e: {  	[tilespmem:$0x1FD30] =	vst v27;
	v20 =	vadd.f32 v23, v20;
	v23 =	vmul.f32 v24, v27;
	v27 =	vbroadcast v12, $0x5;
	s8 =	sadd.f32 s16, s8  }
0x16f: {  	[tilespmem:$0x1FD20] =	vst v29;
	v24 =	vld [tilespmem:s1+$0x8300];
	v21 =	vmul.f32 v21, v29;
	v29 =	vbroadcast v12, $0x3;
	v16 =	vadd.f32 v18, v16;
	s16 =	sld [smem:$0x7CE]  }
0x170: {  	[tilespmem:$0x1FD40] =	vst v28;
	v18 =	vmul.f32 v25, v28;
	v25 =	vld [tilespmem:s1+$0x8380];
	v22 =	vadd.f32 v23, v22;
	v28 =	vbroadcast v12, $0x6;
	s6 =	sadd.f32 s2, s6  }
0x171: {  	v19 =	vadd.f32 v21, v19;
	v21 =	vld [tilespmem:s1+$0x8380];
	[tilespmem:$0x1FD50] =	vst v29;
	v12 =	vmul.f32 v15, v29;
	v29 =	vbroadcast v11, $0x6;
	s2 =	sld [smem:$0x7CF]  }
0x172: {  	v15 =	vld [tilespmem:s1+$0x8380];
	v14 =	vadd.f32 v18, v14;
	v18 =	vmul.f32 v26, v30;
	v23 =	vmul.f32 v26, v27;
	s8 =	sadd.f32 s11, s8  }
0x173: {  	[tilespmem:$0x1FD70] =	vst v27;
	v12 =	vadd.f32 v12, v13;
	v27 =	vbroadcast v11, $0x0;
	v26 =	vbroadcast v11, $0x1;
	v13 =	vld [tilespmem:s1+$0x8380];
	s11 =	sld [smem:$0x7D0]  }
0x174: {  	[tilespmem:$0x1FD80] =	vst v28;
	v17 =	vadd.f32 v18, v17;
	v18 =	vmul.f32 v24, v28;
	v28 =	vbroadcast v11, $0x2;
	v24 =	vld [tilespmem:s1+$0x8380];
	s6 =	sadd.f32 s16, s6  }
0x175: {  	v20 =	vadd.f32 v23, v20;
	[tilespmem:$0x1FD90] =	vst v27;
	v23 =	vmul.f32 v25, v27;
	v25 =	vld [tilespmem:s1+$0x8380];
	v27 =	vbroadcast v11, $0x3;
	s16 =	sld [smem:$0x7D1]  }
0x176: {  	[tilespmem:$0x1FDA0] =	vst v26;
	v21 =	vmul.f32 v21, v26;
	v26 =	vbroadcast v11, $0x5;
	v16 =	vadd.f32 v18, v16;
	v18 =	vld [tilespmem:s1+$0x8400];
	s8 =	sadd.f32 s2, s8  }
0x177: {  	[tilespmem:$0x1FDB0] =	vst v28;
	v15 =	vmul.f32 v15, v28;
	v19 =	vadd.f32 v23, v19;
	v28 =	vbroadcast v11, $0x4;
	v23 =	vld [tilespmem:s1+$0x8400];
	s2 =	sld [smem:$0x7D2]  }
0x178: {  	[tilespmem:$0x1FDC0] =	vst v27;
	v21 =	vadd.f32 v21, v22;
	v11 =	vmul.f32 v13, v27;
	v27 =	vbroadcast v10, $0x6;
	s6 =	sadd.f32 s11, s6  }
0x179: {  	v13 =	vld [tilespmem:s1+$0x8400];
	v14 =	vadd.f32 v15, v14;
	v15 =	vmul.f32 v24, v28;
	v22 =	vmul.f32 v24, v26;
	s11 =	sld [smem:$0x7D3]  }
0x17a: {  	[tilespmem:$0x1FDE0] =	vst v26;
	v11 =	vadd.f32 v11, v12;
	v26 =	vbroadcast v10, $0x0;
	v24 =	vbroadcast v10, $0x1;
	v12 =	vld [tilespmem:s1+$0x8400];
	s8 =	sadd.f32 s16, s8  }
0x17b: {  	[tilespmem:$0x1FA90] =	vst v32;
	v15 =	vadd.f32 v15, v17;
	v17 =	vmul.f32 v25, v29;
	v25 =	vbroadcast v10, $0x2;
	s16 =	sld [smem:$0x7D4]  }
0x17c: {  	v20 =	vadd.f32 v22, v20;
	[tilespmem:$0x1FE00] =	vst v26;
	v18 =	vmul.f32 v18, v26;
	v22 =	vmul.f32 v23, v24;
	s6 =	sadd.f32 s2, s6  }
0x17d: {  	[tilespmem:$0x1FE10] =	vst v24;
	v23 =	vld [tilespmem:s1+$0x8400];
	v24 =	vbroadcast v10, $0x3;
	v26 =	vbroadcast v10, $0x4;
	s2 =	sld [smem:$0x7D5]  }
0x17e: {  	[tilespmem:$0x1FAA0] =	vst v35;
	v16 =	vadd.f32 v17, v16;
	v13 =	vmul.f32 v13, v25;
	v17 =	vld [tilespmem:s1+$0x8480];
	v18 =	vadd.f32 v18, v19;
	s8 =	sadd.f32 s11, s8  }
0x17f: {  	[tilespmem:$0x1FE20] =	vst v25;
	v25 =	vbroadcast v10, $0x5;
	v19 =	vld [tilespmem:s1+$0x8480];
	v21 =	vadd.f32 v22, v21;
	v22 =	vmul.f32 v12, v24;
	s11 =	sld [smem:$0x7D6]  }
0x180: {  	v10 =	vld [tilespmem:s1+$0x8480];
	[tilespmem:$0x1FE40] =	vst v26;
	v12 =	vmul.f32 v12, v26;
	v26 =	vbroadcast v9, $0x0;
	s6 =	sadd.f32 s16, s6  }
0x181: {  	[tilespmem:$0x1FE30] =	vst v24;
	v24 =	vbroadcast v9, $0x1;
	v13 =	vadd.f32 v13, v14;
	v11 =	vadd.f32 v22, v11;
	s16 =	sld [smem:$0x7D7]  }
0x182: {  	[tilespmem:$0x1FE60] =	vst v27;
	v14 =	vld [tilespmem:s1+$0x8480];
	v22 =	vmul.f32 v23, v25;
	v12 =	vadd.f32 v12, v15;
	v15 =	vmul.f32 v23, v27;
	s8 =	sadd.f32 s2, s8  }
0x183: {  	[tilespmem:$0x1FE50] =	vst v25;
	v25 =	vbroadcast v9, $0x2;
	v23 =	vld [tilespmem:s1+$0x8480];
	v27 =	vbroadcast v9, $0x4;
	s2 =	sld [smem:$0x7D8]  }
0x184: {  	[tilespmem:$0x1FE70] =	vst v26;
	v20 =	vadd.f32 v22, v20;
	v17 =	vmul.f32 v17, v26;
	v19 =	vmul.f32 v19, v24;
	v22 =	vld [tilespmem:s1+$0x8480];
	s6 =	sadd.f32 s11, s6  }
0x185: {  	[tilespmem:$0x1FE80] =	vst v24;
	v15 =	vadd.f32 v15, v16;
	v10 =	vmul.f32 v10, v25;
	v26 =	vbroadcast v9, $0x3;
	v16 =	vld [tilespmem:s1+$0x8500];
	s11 =	sld [smem:$0x7D9]  }
0x186: {  	[tilespmem:$0x1FE90] =	vst v25;
	v24 =	vbroadcast v9, $0x5;
	v25 =	vbroadcast v9, $0x6;
	v17 =	vadd.f32 v17, v18;
	v18 =	vld [tilespmem:s1+$0x8500];
	s8 =	sadd.f32 s16, s8  }
0x187: {  	v19 =	vadd.f32 v19, v21;
	[tilespmem:$0x1FEA0] =	vst v26;
	v9 =	vmul.f32 v14, v26;
	v14 =	vld [tilespmem:s1+$0x8500];
	v26 =	vbroadcast v8, $0x6;
	s16 =	sld [smem:$0x7DA]  }
0x188: {  	[tilespmem:$0x1FAC0] =	vst v36;
	v10 =	vadd.f32 v10, v13;
	v13 =	vmul.f32 v23, v27;
	v21 =	vmul.f32 v23, v24;
	s6 =	sadd.f32 s2, s6  }
0x189: {  	[tilespmem:$0x1FEC0] =	vst v24;
	v24 =	vbroadcast v8, $0x0;
	v23 =	vbroadcast v8, $0x1;
	v9 =	vadd.f32 v9, v11;
	v11 =	vld [tilespmem:s1+$0x8500];
	s2 =	sld [smem:$0x7DB]  }
0x18a: {  	[tilespmem:$0x1FED0] =	vst v25;
	v12 =	vadd.f32 v13, v12;
	v13 =	vmul.f32 v22, v25;
	v25 =	vbroadcast v8, $0x2;
	v22 =	vld [tilespmem:s1+$0x8500];
	s8 =	sadd.f32 s11, s8  }
0x18b: {  	v20 =	vadd.f32 v21, v20;
	[tilespmem:$0x1FEE0] =	vst v24;
	v16 =	vmul.f32 v16, v24;
	v21 =	vld [tilespmem:s1+$0x8500];
	v24 =	vbroadcast v8, $0x3;
	s11 =	sadd.f32 s16, s6  }
0x18c: {  	[tilespmem:$0x1FEF0] =	vst v23;
	v18 =	vmul.f32 v18, v23;
	v13 =	vadd.f32 v13, v15;
	v14 =	vmul.f32 v14, v25;
	v15 =	vld [tilespmem:s1+$0x8580];
	s6 =	sadd.f32 s9, s3  }
0x18d: {  	[tilespmem:$0x1FF00] =	vst v25;
	v16 =	vadd.f32 v16, v17;
	v25 =	vbroadcast v8, $0x4;
	v23 =	vbroadcast v8, $0x5;
	v17 =	vld [tilespmem:s1+$0x8580];
	s9 =	sld [smem:$0x7DD]  }
0x18e: {  	[tilespmem:$0x1FF10] =	vst v24;
	v18 =	vadd.f32 v18, v19;
	v8 =	vmul.f32 v11, v24;
	v24 =	vbroadcast v7, $0x2;
	s10 =	sadd.f32 s2, s8  }
0x18f: {  	[tilespmem:$0x1FAD0] =	vst v37;
	v11 =	vld [tilespmem:s1+$0x8580];
	v10 =	vadd.f32 v14, v10;
	v14 =	vmul.f32 v22, v25;
	v19 =	vmul.f32 v22, v23;
	s8 =	sadd.f32 s4, s5  }
0x190: {  	[tilespmem:$0x1FF30] =	vst v23;
	v23 =	vbroadcast v7, $0x0;
	v22 =	vbroadcast v7, $0x1;
	v8 =	vadd.f32 v8, v9;
	v9 =	vld [tilespmem:s1+$0x8580];
	s6 =	sadd.f32 s13, s6  }
0x191: {  	[tilespmem:$0x1FF20] =	vst v25;
	v25 =	vbroadcast v7, $0x6;
	v12 =	vadd.f32 v14, v12;
	v14 =	vmul.f32 v21, v26;
	v21 =	vld [tilespmem:s1+$0x8580];
	s13 =	sld [smem:$0x7DF]  }
0x192: {  	[tilespmem:$0x1FF50] =	vst v23;
	v15 =	vmul.f32 v15, v23;
	v17 =	vmul.f32 v17, v22;
	s16 =	sadd.f32 s7, s8  }
0x193: {  	v19 =	vadd.f32 v19, v20;
	[tilespmem:$0x1FF60] =	vst v22;
	v20 =	vld [tilespmem:s1+$0x8580];
	v22 =	vbroadcast v7, $0x3;
	v23 =	vbroadcast v7, $0x4;
	s6 =	sadd.f32 s15, s6  }
0x194: {  	[tilespmem:$0x1FAE0] =	vst v38;
	v13 =	vadd.f32 v14, v13;
	v11 =	vmul.f32 v11, v24;
	v14 =	vld [tilespmem:s1+$0x8600];
	v15 =	vadd.f32 v15, v16;
	s15 =	sld [smem:$0x7E1]  }
0x195: {  	[tilespmem:$0x1FF70] =	vst v24;
	v24 =	vbroadcast v7, $0x5;
	v16 =	vld [tilespmem:s1+$0x8600];
	v17 =	vadd.f32 v17, v18;
	v7 =	vmul.f32 v9, v22;
	s16 =	sadd.f32 s12, s16  }
0x196: {  	[tilespmem:$0x1FF80] =	vst v22;
	v9 =	vld [tilespmem:s1+$0x8600];
	v10 =	vadd.f32 v11, v10;
	v22 =	vbroadcast v6, $0x2;
	v11 =	vmul.f32 v21, v23;
	s12 =	sld [smem:$0x7DE]  }
0x197: {  	[tilespmem:$0x1FF90] =	vst v23;
	v18 =	vmul.f32 v21, v24;
	v23 =	vbroadcast v6, $0x0;
	v7 =	vadd.f32 v7, v8;
	v8 =	vld [tilespmem:s1+$0x8600];
	s6 =	sadd.f32 s21, s6  }
0x198: {  	[tilespmem:$0x1FB00] =	vst v39;
	v21 =	vbroadcast v6, $0x1;
	v11 =	vadd.f32 v11, v12;
	v12 =	vmul.f32 v20, v25;
	v20 =	vld [tilespmem:s1+$0x8600];
	s21 =	sld [smem:$0x7E3]  }
0x199: {  	[tilespmem:$0x1FFA0] =	vst v24;
	v24 =	vbroadcast v6, $0x4;
	v14 =	vmul.f32 v14, v23;
	s16 =	sadd.f32 s14, s16  }
0x19a: {  	v18 =	vadd.f32 v18, v19;
	[tilespmem:$0x1FFC0] =	vst v23;
	v16 =	vmul.f32 v16, v21;
	v19 =	vld [tilespmem:s1+$0x8600];
	v23 =	vbroadcast v6, $0x3;
	s14 =	sld [smem:$0x7E0]  }
0x19b: {  	[tilespmem:$0x1FFD0] =	vst v21;
	v21 =	vbroadcast v6, $0x5;
	v12 =	vadd.f32 v12, v13;
	v9 =	vmul.f32 v9, v22;
	v13 =	vld [tilespmem:s1+$0x8680];
	s6 =	sadd.f32 s23, s6  }
0x19c: {  	[tilespmem:$0x1FFE0] =	vst v22;
	v14 =	vadd.f32 v14, v15;
	v15 =	vld [tilespmem:s1+$0x8680];
	v22 =	vbroadcast v6, $0x6;
	v6 =	vmul.f32 v8, v23;
	s23 =	sld [smem:$0x7E5]  }
0x19d: {  	[tilespmem:$0x1FB90] =	vst v51;
	v51 =	vbroadcast v4, $0x0;
	v8 =	vld [tilespmem:s1+$0x8680];
	v9 =	vadd.f32 v9, v10;
	v10 =	vmul.f32 v20, v24;
	s16 =	sadd.f32 s20, s16  }
0x19e: {  	[tilespmem:$0x1FB40] =	vst v42;
	v16 =	vadd.f32 v16, v17;
	v17 =	vmul.f32 v20, v21;
	v6 =	vadd.f32 v6, v7;
	v7 =	vld [tilespmem:s1+$0x8680];
	s20 =	sld [smem:$0x7E2]  }
0x19f: {  	[tilespmem:$0x1FB50] =	vst v43;
	v43 =	vmovc v21;
	v21 =	vbroadcast v5, $0x0;
	v10 =	vadd.f32 v10, v11;
	v11 =	vmul.f32 v19, v22;
	v19 =	vld [tilespmem:s1+$0x8680];
	s6 =	sadd.f32 s25, s6  }
0x1a0: {  	[tilespmem:$0x1FBB0] =	vst v52;
	v52 =	vbroadcast v4, $0x2;
	v42 =	vmov v22;
	v22 =	vbroadcast v5, $0x2;
	s16 =	sadd.f32 s22, s16  }
0x1a1: {  	[tilespmem:$0x1FB10] =	vst v40;
	v20 =	vbroadcast v5, $0x1;
	v17 =	vadd.f32 v17, v18;
	v13 =	vmul.f32 v13, v21;
	v18 =	vld [tilespmem:s1+$0x8680];
	s22 =	sld [smem:$0x7E4]  }
0x1a2: {  	[tilespmem:$0x1FBD0] =	vst v53;
	v53 =	vbroadcast v4, $0x3;
	v11 =	vadd.f32 v11, v12;
	v8 =	vmul.f32 v8, v22;
	v12 =	vld [tilespmem:s1+$0x8700];
	s6 =	sadd.f32 s28, s6  }
0x1a3: {  	[tilespmem:$0x1FB20] =	vst v41;
	v15 =	vmul.f32 v15, v20;
	v13 =	vadd.f32 v13, v14;
	v14 =	vld [tilespmem:s1+$0x8700];
	v5 =	vmul.f32 v7, v47;
	s16 =	sadd.f32 s24, s16  }
0x1a4: {  	[tilespmem:$0x1FBE0] =	vst v54;
	v54 =	vbroadcast v4, $0x4;
	v7 =	vld [tilespmem:s1+$0x8700];
	v8 =	vadd.f32 v8, v9;
	v9 =	vmul.f32 v19, v48;
	s24 =	sld [smem:$0x7E6]  }
0x1a5: {  	[tilespmem:$0x1FBF0] =	vst v55;
	v55 =	vbroadcast v4, $0x5;
	v15 =	vadd.f32 v15, v16;
	v5 =	vadd.f32 v5, v6;
	v6 =	vld [tilespmem:s1+$0x8700];
	s6 =	sadd.f32 s30, s6  }
0x1a6: {  	[tilespmem:$0x1FC00] =	vst v56;
	v16 =	vmul.f32 v19, v46;
	v9 =	vadd.f32 v9, v10;
	v10 =	vmul.f32 v18, v49;
	v18 =	vld [tilespmem:s1+$0x8700];
	s30 =	sld [smem:$0x7E9]  }
0x1a7: {  	[tilespmem:$0x1FC30] =	vst v57;
	v57 =	vbroadcast v1, $0x1;
	v56 =	vbroadcast v4, $0x6;
	s16 =	sadd.f32 s26, s16  }
0x1a8: {  	[tilespmem:$0x1FC40] =	vst v58;
	v58 =	vbroadcast v1, $0x2;
	v16 =	vadd.f32 v16, v17;
	v12 =	vmul.f32 v12, v51;
	v17 =	vld [tilespmem:s1+$0x8700];
	s26 =	sld [smem:$0x7E7]  }
0x1a9: {  	[tilespmem:$0x1FC50] =	vst v59;
	v59 =	vbroadcast v1, $0x0;
	v10 =	vadd.f32 v10, v11;
	v7 =	vmul.f32 v7, v52;
	v11 =	vld [tilespmem:s1+$0x8780];
	s6 =	sadd.f32 s9, s6  }
0x1aa: {  	[tilespmem:$0x1FB70] =	vst v44;
	v14 =	vmul.f32 v14, v50;
	v12 =	vadd.f32 v12, v13;
	v13 =	vld [tilespmem:s1+$0x8780];
	v4 =	vmul.f32 v6, v53;
	s16 =	sadd.f32 s29, s16  }
0x1ab: {  	[tilespmem:$0x1FC70] =	vst v61;
	v61 =	vbroadcast v1, $0x6;
	v6 =	vld [tilespmem:s1+$0x8780];
	v7 =	vadd.f32 v7, v8;
	v8 =	vmul.f32 v18, v54;
	s29 =	sld [smem:$0x7E8]  }
0x1ac: {  	[tilespmem:$0x1FC60] =	vst v60;
	v60 =	vbroadcast v1, $0x5;
	v14 =	vadd.f32 v14, v15;
	v4 =	vadd.f32 v4, v5;
	v5 =	vld [tilespmem:s1+$0x8780];
	s6 =	sadd.f32 s12, s6  }
0x1ad: {  	[tilespmem:$0x1FB80] =	vst v45;
	v15 =	vmul.f32 v18, v55;
	v8 =	vadd.f32 v8, v9;
	v9 =	vmul.f32 v17, v56;
	v17 =	vld [tilespmem:s1+$0x8780];
	s16 =	sadd.f32 s31, s16  }
0x1ae: {  	[tilespmem:$0x1FC80] =	vst v62;
	v62 =	vbroadcast v1, $0x4;
	v11 =	vmul.f32 v11, v59;
	s31 =	sld [smem:$0x7EA]  }
0x1af: {  	[tilespmem:$0x1FC90] =	vst v63;
	v63 =	vbroadcast v1, $0x3;
	v15 =	vadd.f32 v15, v16;
	v13 =	vmul.f32 v13, v57;
	v16 =	vld [tilespmem:s1+$0x8780];
	s16 =	sadd.f32 s13, s16  }
0x1b0: {  	v41 =	vmovc v22;
	v9 =	vadd.f32 v9, v10;
	v6 =	vmul.f32 v6, v58;
	v22 =	vadd.f32 v11, v12;
	s6 =	sadd.f32 s14, s6  }
0x1b1: {  	[tilespmem:$0x1FBA0] =	vst v33;
	v40 =	vmovc v21;
	v21 =	vadd.f32 v13, v14;
	v11 =	vld [tilespmem:s1+$0x8800];
	v10 =	vbroadcast v0, $0x0;
	v1 =	vmul.f32 v5, v63;
	s16 =	sadd.f32 s15, s16  }
0x1b2: {  	[tilespmem:$0x1FBC0] =	vst v34;
	v13 =	vld [tilespmem:s1+$0x8800];
	v19 =	vadd.f32 v6, v7;
	v6 =	vbroadcast v0, $0x1;
	v5 =	vmul.f32 v17, v62;
	s6 =	sadd.f32 s20, s6  }
0x1b3: {  	[tilespmem:$0x1FDF0] =	vst v29;
	v45 =	vmovc v20;
	v7 =	vbroadcast v0, $0x2;
	v12 =	vmul.f32 v17, v60;
	v20 =	vadd.f32 v1, v4;
	s16 =	sadd.f32 s21, s16  }
0x1b4: {  	[tilespmem:$0x1FDD0] =	vst v28;
	v4 =	vmul.f32 v16, v61;
	v1 =	vbroadcast v0, $0x4;
	v17 =	vadd.f32 v5, v8;
	s6 =	sadd.f32 s22, s6  }
0x1b5: {  	[tilespmem:$0x1FF40] =	vst v26;
	v26 =	vld [tilespmem:s1+$0x8800];
	v18 =	vadd.f32 v12, v15;
	v8 =	vbroadcast v0, $0x3;
	v12 =	vbroadcast v0, $0x5;
	s16 =	sadd.f32 s23, s16  }
0x1b6: {  	[tilespmem:$0x1FEB0] =	vst v27;
	v27 =	vld [tilespmem:s1+$0x8800];
	v5 =	vbroadcast v0, $0x6;
	v29 =	vmul.f32 v11, v10;
	s25 =	sadd.f32 s24, s6  }
0x1b7: {  	[tilespmem:$0x1FFB0] =	vst v25;
	v25 =	vld [tilespmem:s1+$0x8800];
	v28 =	vmul.f32 v13, v6;
	v16 =	vadd.f32 v4, v9;
	v11 =	vmov s11;
	s28 =	sadd.f32 s26, s16  }
0x1b8: {  	[tilespmem:$0x1FD10] =	vst v31;
	v39 =	vmovc v24;
	v24 =	vld [tilespmem:s1+$0x8800];
	v9 =	vmov s10;
	v15 =	vmov s30;
	v14 =	vmov s29;
	s16 =	simm.s32 $0xFFFFFF90  }
0x1b9: {  	[tilespmem:$0x1FD60] =	vst v30;
	v44 =	vmovc v23;
	s11 =	simm.s32 $0xFFFFFE80;
	v13 =	vmov s31;
	v4 =	vmov s25;
	v23 =	vld [tilespmem:s16+$0x8080];
	v0 =	vmov s28  }
.LBB2_2:
0x1ba: {  	v26 =	vmul.f32 v26, v7;
	_ =	sdelay $0x1  }
0x1bb: {  	v19 =	vadd.f32 v26, v19;
	v26 =	vmul.f32 v25, v1;
	_ =	sdelay $0x1  }
0x1bc: {  	v17 =	vadd.f32 v26, v17;
	v26 =	vld [tilespmem:$0x1F9E0];
	_ =	sdelay $0x3  }
0x1bd: {  	v30 =	vld [tilespmem:s16+$0x8100]  }
0x1be: {  	v23 =	vmul.f32 v23, v26;
	v26 =	vld [tilespmem:$0x1F9F0];
	_ =	sdelay $0x4  }
0x1bf: {  	v26 =	vmul.f32 v30, v26  }
0x1c0: {  	v21 =	vadd.f32 v28, v21;
	v28 =	vld [tilespmem:s16+$0x8180]  }
0x1c1: {  	v23 =	vadd.f32 v26, v23;
	v26 =	vld [tilespmem:$0x1FA00];
	_ =	sdelay $0x3  }
0x1c2: {  	v27 =	vmul.f32 v27, v8  }
0x1c3: {  	v22 =	vadd.f32 v29, v22;
	v29 =	vld [tilespmem:s16+$0x8080];
	v26 =	vmul.f32 v28, v26  }
0x1c4: {  	v24 =	vmul.f32 v24, v5;
	v20 =	vadd.f32 v27, v20;
	v27 =	vld [tilespmem:s16+$0x8200]  }
0x1c5: {  	v23 =	vadd.f32 v26, v23;
	v26 =	vld [tilespmem:$0x1FA10]  }
0x1c6: {  	v16 =	vadd.f32 v24, v16;
	v24 =	vld [tilespmem:$0x1FA60];
	_ =	sdelay $0x3  }
0x1c7: {  	v31 =	vld [tilespmem:s16+$0x8100];
	v26 =	vmul.f32 v27, v26  }
0x1c8: {  	v24 =	vmul.f32 v29, v24;
	v29 =	vld [tilespmem:s16+$0x8280]  }
0x1c9: {  	v23 =	vadd.f32 v26, v23;
	v26 =	vld [tilespmem:$0x1FA20]  }
0x1ca: {  	v34 =	vld [tilespmem:$0x1FA70];
	_ =	sdelay $0x1  }
0x1cb: {  	v32 =	vsub.f32 v14, v22;
	v22 =	vmul.f32 v22, v3;
	v25 =	vmul.f32 v25, v12;
	_ =	sdelay $0x1  }
0x1cc: {  	v18 =	vadd.f32 v25, v18;
	v25 =	vld [tilespmem:s16+$0x8080];
	[tilespmem:s1+$0x9100] =	vst v22;
	v26 =	vmul.f32 v29, v26  }
0x1cd: {  	v31 =	vmul.f32 v31, v34;
	v34 =	vld [tilespmem:s16+$0x8300]  }
0x1ce: {  	v23 =	vadd.f32 v26, v23;
	v26 =	vld [tilespmem:$0x1FA30]  }
0x1cf: {  	v24 =	vadd.f32 v31, v24;
	v31 =	vld [tilespmem:$0x1FA90];
	_ =	sdelay $0x3  }
0x1d0: {  	v33 =	vld [tilespmem:s16+$0x8100];
	v26 =	vmul.f32 v34, v26  }
0x1d1: {  	v25 =	vmul.f32 v25, v31;
	v31 =	vld [tilespmem:s16+$0x8380]  }
0x1d2: {  	v23 =	vadd.f32 v26, v23;
	v26 =	vld [tilespmem:$0x1FA40]  }
0x1d3: {  	v29 =	vld [tilespmem:$0x1FAA0];
	_ =	sdelay $0x3  }
0x1d4: {  	v26 =	vmul.f32 v31, v26  }
0x1d5: {  	v29 =	vmul.f32 v33, v29;
	v33 =	vld [tilespmem:s16+$0x8400]  }
0x1d6: {  	v23 =	vadd.f32 v26, v23;
	v26 =	vld [tilespmem:$0x1FA50]  }
0x1d7: {  	v32 =	vmul.f32 v32, v2;
	v22 =	vsub.f32 v15, v21  }
0x1d8: {  	v37 =	vld [tilespmem:s16+$0x8080]  }
0x1d9: {  	v38 =	vld [tilespmem:s16+$0x8100];
	v22 =	vmul.f32 v22, v2;
	v28 =	vsub.f32 v11, v20;
	[tilespmem:s1+$0x9500] =	vst v32  }
0x1da: {  	v32 =	vld [tilespmem:s16+$0x8080]  }
0x1db: {  	[tilespmem:s1+$0x9580] =	vst v22;
	v22 =	vmul.f32 v28, v2;
	v28 =	vld [tilespmem:$0x1FAC0];
	v26 =	vmul.f32 v33, v26  }
0x1dc: {  	v25 =	vadd.f32 v29, v25;
	v29 =	vld [tilespmem:s16+$0x8480]  }
0x1dd: {  	v30 =	vsub.f32 v13, v19;
	v23 =	vadd.f32 v26, v23;
	v26 =	vld [tilespmem:$0x1FA80]  }
0x1de: {  	v31 =	vld [tilespmem:$0x1FAD0]  }
0x1df: {  	v35 =	vsub.f32 v9, v17;
	v30 =	vmul.f32 v30, v2;
	_ =	sdelay $0x1  }
0x1e0: {  	[tilespmem:s1+$0x9600] =	vst v30;
	v30 =	vmul.f32 v35, v2  }
0x1e1: {  	v36 =	vsub.f32 v4, v18;
	v28 =	vmul.f32 v37, v28;
	v37 =	vld [tilespmem:s16+$0x8100];
	[tilespmem:s1+$0x9680] =	vst v22;
	v26 =	vmul.f32 v29, v26  }
0x1e2: {  	v27 =	vsub.f32 v0, v16;
	v31 =	vmul.f32 v38, v31;
	v38 =	vld [tilespmem:s16+$0x8500]  }
0x1e3: {  	v22 =	vmul.f32 v36, v2;
	[tilespmem:s1+$0x9700] =	vst v30;
	v23 =	vadd.f32 v26, v23;
	v26 =	vld [tilespmem:$0x1FAB0]  }
0x1e4: {  	v27 =	vmul.f32 v27, v2;
	v30 =	vld [tilespmem:s16+$0x8080]  }
0x1e5: {  	[tilespmem:s1+$0x9780] =	vst v22;
	v22 =	vadd.f32 v31, v28;
	v28 =	vld [tilespmem:$0x1FAE0]  }
0x1e6: {  	v21 =	vmul.f32 v21, v3;
	v31 =	vld [tilespmem:s16+$0x8580];
	[tilespmem:s1+$0x9800] =	vst v27  }
0x1e7: {  	v27 =	vld [tilespmem:s16+$0x8100]  }
0x1e8: {  	[tilespmem:s1+$0x9180] =	vst v21;
	v21 =	vld [tilespmem:$0x1FB00];
	v26 =	vmul.f32 v38, v26;
	_ =	sdelay $0x1  }
0x1e9: {  	v23 =	vadd.f32 v26, v23;
	v26 =	vld [tilespmem:$0x1FAF0]  }
0x1ea: {  	v19 =	vmul.f32 v19, v3  }
0x1eb: {  	v20 =	vmul.f32 v20, v3  }
0x1ec: {  	v28 =	vmul.f32 v32, v28;
	v21 =	vmul.f32 v37, v21;
	v29 =	vld [tilespmem:s16+$0x8600];
	[tilespmem:s1+$0x9200] =	vst v19  }
0x1ed: {  	v19 =	vld [tilespmem:s16+$0x8080]  }
0x1ee: {  	[tilespmem:s1+$0x9280] =	vst v20;
	v20 =	vadd.f32 v21, v28;
	v21 =	vld [tilespmem:$0x1FB10];
	v26 =	vmul.f32 v31, v26  }
0x1ef: {  	v28 =	vld [tilespmem:$0x1FB40]  }
0x1f0: {  	v23 =	vadd.f32 v26, v23;
	v26 =	vld [tilespmem:$0x1FB30];
	_ =	sdelay $0x1  }
0x1f1: {  	v17 =	vmul.f32 v17, v3  }
0x1f2: {  	v18 =	vmul.f32 v18, v3  }
0x1f3: {  	v21 =	vmul.f32 v30, v21;
	v28 =	vmul.f32 v30, v28;
	v30 =	vld [tilespmem:s16+$0x8680];
	[tilespmem:s1+$0x9300] =	vst v17  }
0x1f4: {  	v17 =	vld [tilespmem:s16+$0x8100];
	v26 =	vmul.f32 v29, v26  }
0x1f5: {  	[tilespmem:s1+$0x9380] =	vst v18;
	v18 =	vld [tilespmem:$0x1FB20]  }
0x1f6: {  	v23 =	vadd.f32 v26, v23;
	v26 =	vld [tilespmem:$0x1FB60]  }
0x1f7: {  	v31 =	vld [tilespmem:$0x1FB50];
	_ =	sdelay $0x3  }
0x1f8: {  	v16 =	vmul.f32 v16, v3;
	v36 =	vld [tilespmem:s16+$0x8180];
	v26 =	vmul.f32 v30, v26  }
0x1f9: {  	v18 =	vmul.f32 v27, v18;
	v27 =	vmul.f32 v27, v31;
	v31 =	vld [tilespmem:s16+$0x8700]  }
0x1fa: {  	v23 =	vadd.f32 v26, v23;
	v26 =	vld [tilespmem:$0x1FB90]  }
0x1fb: {  	[tilespmem:s1+$0x9400] =	vst v16;
	v16 =	vadd.f32 v18, v21;
	v21 =	vld [tilespmem:$0x1FB70];
	_ =	sdelay $0x3  }
0x1fc: {  	s1 =	smov.u32 s16;
	v18 =	vadd.f32 v27, v28;
	v28 =	vld [tilespmem:$0x1FB80];
	v26 =	vmul.f32 v31, v26  }
0x1fd: {  	v19 =	vmul.f32 v19, v21;
	v21 =	vld [tilespmem:s1+$0x8780]  }
0x1fe: {  	v23 =	vadd.f32 v26, v23;
	v26 =	vld [tilespmem:$0x1FBB0]  }
0x1ff: {  	v37 =	vld [tilespmem:$0x1FBF0]  }
0x200: {  	v27 =	vld [tilespmem:s1+$0x8180]  }
0x201: {  	v17 =	vmul.f32 v17, v28;
	v28 =	vld [tilespmem:s1+$0x8800]  }
0x202: {  	v30 =	vld [tilespmem:$0x1FBA0]  }
0x203: {  	v31 =	vld [tilespmem:s1+$0x8180];
	v21 =	vmul.f32 v21, v26  }
0x204: {  	v26 =	vld [tilespmem:$0x1FBC0]  }
0x205: {  	v21 =	vadd.f32 v21, v23;
	v23 =	vld [tilespmem:$0x1FBD0]  }
0x206: {  	v29 =	vld [tilespmem:s1+$0x8180]  }
0x207: {  	v30 =	vmul.f32 v36, v30;
	v36 =	vld [tilespmem:$0x1FC30]  }
0x208: {  	v31 =	vmul.f32 v31, v37;
	v37 =	vld [tilespmem:$0x1FC20]  }
0x209: {  	v26 =	vmul.f32 v27, v26;
	v27 =	vld [tilespmem:s1+$0x8180]  }
0x20a: {  	v23 =	vmul.f32 v28, v23;
	v28 =	vld [tilespmem:$0x1FBE0]  }
0x20b: {  	v38 =	vld [tilespmem:$0x1FC10]  }
0x20c: {  	v17 =	vadd.f32 v17, v19;
	v19 =	vld [tilespmem:s1+$0x8180]  }
0x20d: {  	v25 =	vadd.f32 v26, v25;
	v26 =	vld [tilespmem:s1+$0x8200];
	v21 =	vadd.f32 v23, v21  }
0x20e: {  	v27 =	vmul.f32 v27, v36;
	v36 =	vld [tilespmem:$0x1FC50]  }
0x20f: {  	v32 =	vsub.f32 v37, v21;
	v37 =	vld [tilespmem:$0x1FC60];
	v28 =	vmul.f32 v29, v28  }
0x210: {  	v29 =	vld [tilespmem:s1+$0x8200]  }
0x211: {  	v22 =	vadd.f32 v28, v22;
	v28 =	vld [tilespmem:$0x1FC00];
	_ =	sdelay $0x1  }
0x212: {  	v24 =	vadd.f32 v30, v24;
	v30 =	vld [tilespmem:s1+$0x8200]  }
0x213: {  	v20 =	vadd.f32 v31, v20;
	v31 =	vld [tilespmem:s1+$0x8200]  }
0x214: {  	v26 =	vmul.f32 v26, v36;
	v36 =	vld [tilespmem:$0x1FC90];
	v29 =	vmul.f32 v29, v37  }
0x215: {  	v28 =	vmul.f32 v19, v28;
	v19 =	vmul.f32 v19, v38;
	v38 =	vld [tilespmem:$0x1FC40]  }
0x216: {  	v22 =	vadd.f32 v29, v22;
	v29 =	vld [tilespmem:$0x1FC80];
	_ =	sdelay $0x3  }
0x217: {  	v23 =	vld [tilespmem:s1+$0x8200];
	v30 =	vmul.f32 v30, v38  }
0x218: {  	v18 =	vadd.f32 v19, v18;
	v38 =	vld [tilespmem:$0x1FC70];
	v29 =	vmul.f32 v31, v29;
	v31 =	vmul.f32 v31, v36  }
0x219: {  	v24 =	vadd.f32 v30, v24;
	v30 =	vld [tilespmem:s1+$0x8280]  }
0x21a: {  	v18 =	vadd.f32 v31, v18;
	v31 =	vld [tilespmem:$0x1FCC0];
	_ =	sdelay $0x1  }
0x21b: {  	v17 =	vadd.f32 v27, v17;
	v27 =	vmul.f32 v32, v2;
	_ =	sdelay $0x1  }
0x21c: {  	[tilespmem:s1+$0x9880] =	vst v27;
	v27 =	vld [tilespmem:s1+$0x8280];
	v23 =	vmul.f32 v23, v38  }
0x21d: {  	v25 =	vadd.f32 v26, v25;
	v19 =	vld [tilespmem:s1+$0x8200];
	v30 =	vmul.f32 v30, v31  }
0x21e: {  	v21 =	vmul.f32 v21, v3;
	v20 =	vadd.f32 v23, v20;
	v23 =	vld [tilespmem:$0x1FCA0]  }
0x21f: {  	v25 =	vadd.f32 v30, v25;
	v30 =	vld [tilespmem:$0x1FCE0]  }
0x220: {  	[tilespmem:s1+$0x9480] =	vst v21;
	v21 =	vld [tilespmem:s1+$0x8280]  }
0x221: {  	v16 =	vadd.f32 v28, v16;
	v28 =	vld [tilespmem:s1+$0x8280]  }
0x222: {  	v31 =	vld [tilespmem:$0x1FD00]  }
0x223: {  	v19 =	vmul.f32 v19, v23;
	v23 =	vld [tilespmem:$0x1FCB0]  }
0x224: {  	v27 =	vmul.f32 v27, v30;
	v30 =	vld [tilespmem:$0x1FCF0];
	_ =	sdelay $0x3  }
0x225: {  	v23 =	vmul.f32 v28, v23;
	v28 =	vld [tilespmem:s1+$0x8280]  }
0x226: {  	v30 =	vmul.f32 v21, v30;
	v21 =	vmul.f32 v21, v31;
	v31 =	vld [tilespmem:$0x1FD10];
	_ =	sdelay $0x2  }
0x227: {  	v26 =	vld [tilespmem:s1+$0x8280]  }
0x228: {  	v16 =	vadd.f32 v29, v16;
	v29 =	vld [tilespmem:s1+$0x8300]  }
0x229: {  	v28 =	vmul.f32 v28, v31;
	v31 =	vld [tilespmem:$0x1FD20]  }
0x22a: {  	v17 =	vadd.f32 v19, v17;
	v19 =	vadd.f32 v23, v24;
	v24 =	vld [tilespmem:$0x1FCD0];
	_ =	sdelay $0x3  }
0x22b: {  	v29 =	vmul.f32 v29, v31  }
0x22c: {  	v24 =	vmul.f32 v26, v24;
	v26 =	vld [tilespmem:s1+$0x8300]  }
0x22d: {  	v19 =	vadd.f32 v29, v19;
	v29 =	vld [tilespmem:$0x1FD40];
	_ =	sdelay $0x1  }
0x22e: {  	v23 =	vld [tilespmem:s1+$0x8300]  }
0x22f: {  	v22 =	vadd.f32 v24, v22;
	v24 =	vld [tilespmem:s1+$0x8300]  }
0x230: {  	v31 =	vld [tilespmem:$0x1FD30]  }
0x231: {  	v26 =	vmul.f32 v26, v29;
	v29 =	vld [tilespmem:$0x1FD50];
	_ =	sdelay $0x2  }
0x232: {  	v20 =	vadd.f32 v27, v20;
	v27 =	vld [tilespmem:s1+$0x8300]  }
0x233: {  	v23 =	vmul.f32 v23, v31;
	v31 =	vld [tilespmem:$0x1FD70]  }
0x234: {  	v24 =	vmul.f32 v24, v29;
	v29 =	vld [tilespmem:$0x1FD60];
	_ =	sdelay $0x3  }
0x235: {  	v18 =	vadd.f32 v21, v18;
	v21 =	vld [tilespmem:s1+$0x8300]  }
0x236: {  	v29 =	vmul.f32 v27, v29;
	v27 =	vmul.f32 v27, v31;
	v31 =	vld [tilespmem:$0x1FD80];
	_ =	sdelay $0x3  }
0x237: {  	v16 =	vadd.f32 v30, v16;
	v30 =	vld [tilespmem:s1+$0x8380]  }
0x238: {  	v21 =	vmul.f32 v21, v31;
	v31 =	vld [tilespmem:$0x1FD90];
	_ =	sdelay $0x4  }
0x239: {  	v30 =	vmul.f32 v30, v31  }
0x23a: {  	v23 =	vadd.f32 v23, v25;
	v25 =	vld [tilespmem:s1+$0x8380]  }
0x23b: {  	v19 =	vadd.f32 v30, v19;
	v30 =	vld [tilespmem:$0x1FDB0];
	_ =	sdelay $0x1  }
0x23c: {  	v17 =	vadd.f32 v28, v17;
	v28 =	vld [tilespmem:s1+$0x8380]  }
0x23d: {  	v22 =	vadd.f32 v26, v22;
	v26 =	vld [tilespmem:s1+$0x8380]  }
0x23e: {  	v31 =	vld [tilespmem:$0x1FDA0]  }
0x23f: {  	v25 =	vmul.f32 v25, v30;
	v30 =	vld [tilespmem:$0x1FDC0];
	_ =	sdelay $0x2  }
0x240: {  	v20 =	vadd.f32 v24, v20;
	v24 =	vld [tilespmem:s1+$0x8380]  }
0x241: {  	v28 =	vmul.f32 v28, v31;
	v31 =	vld [tilespmem:$0x1FDE0]  }
0x242: {  	v26 =	vmul.f32 v26, v30;
	v30 =	vld [tilespmem:$0x1FDD0];
	_ =	sdelay $0x4  }
0x243: {  	v18 =	vadd.f32 v27, v18;
	v30 =	vmul.f32 v24, v30;
	v24 =	vmul.f32 v24, v31  }
0x244: {  	v17 =	vadd.f32 v21, v17;
	v21 =	vld [tilespmem:s1+$0x8400]  }
0x245: {  	v18 =	vadd.f32 v24, v18;
	v24 =	vld [tilespmem:$0x1FE10];
	_ =	sdelay $0x2  }
0x246: {  	v27 =	vld [tilespmem:s1+$0x8380]  }
0x247: {  	v16 =	vadd.f32 v29, v16;
	v22 =	vadd.f32 v25, v22;
	v25 =	vld [tilespmem:s1+$0x8400]  }
0x248: {  	v23 =	vadd.f32 v28, v23;
	v31 =	vld [tilespmem:$0x1FDF0];
	v21 =	vmul.f32 v21, v24  }
0x249: {  	v16 =	vadd.f32 v30, v16;
	v30 =	vld [tilespmem:$0x1FE40]  }
0x24a: {  	v21 =	vadd.f32 v21, v23;
	v23 =	vld [tilespmem:$0x1FE30];
	_ =	sdelay $0x2  }
0x24b: {  	v28 =	vld [tilespmem:s1+$0x8400]  }
0x24c: {  	v20 =	vadd.f32 v26, v20;
	v26 =	vld [tilespmem:s1+$0x8400];
	v27 =	vmul.f32 v27, v31  }
0x24d: {  	v23 =	vmul.f32 v25, v23;
	v25 =	vmul.f32 v25, v30;
	v30 =	vld [tilespmem:$0x1FE50]  }
0x24e: {  	v17 =	vadd.f32 v27, v17;
	v27 =	vld [tilespmem:$0x1FE20];
	_ =	sdelay $0x1  }
0x24f: {  	v29 =	vld [tilespmem:s1+$0x8400]  }
0x250: {  	v31 =	vld [tilespmem:$0x1FE00]  }
0x251: {  	v30 =	vmul.f32 v26, v30  }
0x252: {  	v27 =	vmul.f32 v28, v27;
	v28 =	vld [tilespmem:s1+$0x8480]  }
0x253: {  	v18 =	vadd.f32 v30, v18;
	v30 =	vld [tilespmem:$0x1FE90]  }
0x254: {  	v38 =	vld [tilespmem:$0x1FE70]  }
0x255: {  	v29 =	vmul.f32 v29, v31;
	v31 =	vld [tilespmem:s1+$0x8480];
	_ =	sdelay $0x1  }
0x256: {  	v19 =	vadd.f32 v29, v19;
	v29 =	vld [tilespmem:s1+$0x8480]  }
0x257: {  	v28 =	vmul.f32 v28, v30;
	v30 =	vld [tilespmem:$0x1FEA0];
	_ =	sdelay $0x1  }
0x258: {  	v31 =	vmul.f32 v31, v38  }
0x259: {  	v22 =	vadd.f32 v27, v22;
	v27 =	vld [tilespmem:s1+$0x8480]  }
0x25a: {  	v19 =	vadd.f32 v31, v19;
	v31 =	vld [tilespmem:$0x1FEC0]  }
0x25b: {  	v29 =	vmul.f32 v29, v30;
	v30 =	vld [tilespmem:$0x1FEB0];
	_ =	sdelay $0x3  }
0x25c: {  	v20 =	vadd.f32 v23, v20;
	v23 =	vld [tilespmem:s1+$0x8480]  }
0x25d: {  	v30 =	vmul.f32 v27, v30;
	v27 =	vmul.f32 v27, v31;
	v31 =	vld [tilespmem:$0x1FED0];
	_ =	sdelay $0x1  }
0x25e: {  	v37 =	vld [tilespmem:$0x1FE60];
	_ =	sdelay $0x1  }
0x25f: {  	v16 =	vadd.f32 v25, v16;
	v25 =	vld [tilespmem:s1+$0x8500]  }
0x260: {  	v23 =	vmul.f32 v23, v31;
	v31 =	vld [tilespmem:$0x1FEE0];
	_ =	sdelay $0x1  }
0x261: {  	v36 =	vld [tilespmem:$0x1FE80];
	v26 =	vmul.f32 v26, v37  }
0x262: {  	v24 =	vld [tilespmem:s1+$0x8480]  }
0x263: {  	v17 =	vadd.f32 v26, v17;
	v26 =	vld [tilespmem:s1+$0x8500]  }
0x264: {  	v25 =	vmul.f32 v25, v31;
	v31 =	vld [tilespmem:$0x1FEF0];
	_ =	sdelay $0x2  }
0x265: {  	v24 =	vmul.f32 v24, v36;
	_ =	sdelay $0x1  }
0x266: {  	v21 =	vadd.f32 v24, v21;
	v26 =	vmul.f32 v26, v31  }
0x267: {  	v22 =	vadd.f32 v28, v22;
	v28 =	vld [tilespmem:s1+$0x8500]  }
0x268: {  	v21 =	vadd.f32 v26, v21;
	v26 =	vld [tilespmem:$0x1FF10];
	_ =	sdelay $0x2  }
0x269: {  	v20 =	vadd.f32 v29, v20;
	v29 =	vld [tilespmem:s1+$0x8500]  }
0x26a: {  	v31 =	vld [tilespmem:$0x1FF30]  }
0x26b: {  	v26 =	vmul.f32 v28, v26;
	v28 =	vld [tilespmem:$0x1FF20];
	_ =	sdelay $0x3  }
0x26c: {  	v18 =	vadd.f32 v27, v18;
	v27 =	vld [tilespmem:s1+$0x8500]  }
0x26d: {  	v28 =	vmul.f32 v29, v28;
	v29 =	vmul.f32 v29, v31;
	v31 =	vld [tilespmem:$0x1FF40];
	_ =	sdelay $0x2  }
0x26e: {  	v24 =	vld [tilespmem:s1+$0x8500]  }
0x26f: {  	v16 =	vadd.f32 v30, v16;
	v30 =	vld [tilespmem:s1+$0x8580]  }
0x270: {  	v27 =	vmul.f32 v27, v31;
	v31 =	vld [tilespmem:$0x1FF50]  }
0x271: {  	v19 =	vadd.f32 v25, v19;
	v25 =	vld [tilespmem:$0x1FF00];
	_ =	sdelay $0x3  }
0x272: {  	v30 =	vmul.f32 v30, v31  }
0x273: {  	v24 =	vmul.f32 v24, v25;
	v25 =	vld [tilespmem:s1+$0x8580]  }
0x274: {  	v19 =	vadd.f32 v30, v19;
	v30 =	vld [tilespmem:$0x1FF70];
	_ =	sdelay $0x1  }
0x275: {  	v17 =	vadd.f32 v23, v17;
	v23 =	vld [tilespmem:s1+$0x8580]  }
0x276: {  	v22 =	vadd.f32 v24, v22;
	v24 =	vld [tilespmem:s1+$0x8580]  }
0x277: {  	v31 =	vld [tilespmem:$0x1FF60]  }
0x278: {  	v25 =	vmul.f32 v25, v30;
	v30 =	vld [tilespmem:$0x1FF80];
	_ =	sdelay $0x2  }
0x279: {  	v20 =	vadd.f32 v26, v20;
	v26 =	vld [tilespmem:s1+$0x8580]  }
0x27a: {  	v23 =	vmul.f32 v23, v31;
	v31 =	vld [tilespmem:$0x1FFA0]  }
0x27b: {  	v24 =	vmul.f32 v24, v30;
	v30 =	vld [tilespmem:$0x1FF90];
	_ =	sdelay $0x3  }
0x27c: {  	v16 =	vadd.f32 v28, v16;
	v28 =	vld [tilespmem:s1+$0x8580]  }
0x27d: {  	v30 =	vmul.f32 v26, v30;
	v26 =	vmul.f32 v26, v31;
	v31 =	vld [tilespmem:$0x1FFB0];
	_ =	sdelay $0x3  }
0x27e: {  	v18 =	vadd.f32 v29, v18;
	v29 =	vld [tilespmem:s1+$0x8600]  }
0x27f: {  	v28 =	vmul.f32 v28, v31;
	v31 =	vld [tilespmem:$0x1FFC0];
	_ =	sdelay $0x2  }
0x280: {  	v17 =	vadd.f32 v27, v17;
	v27 =	vld [tilespmem:s1+$0x8600]  }
0x281: {  	v21 =	vadd.f32 v23, v21;
	v23 =	vld [tilespmem:s1+$0x8600]  }
0x282: {  	v22 =	vadd.f32 v25, v22;
	v25 =	vld [tilespmem:s1+$0x8600];
	v29 =	vmul.f32 v29, v31  }
0x283: {  	v18 =	vadd.f32 v26, v18;
	v26 =	vld [tilespmem:s1+$0x8600]  }
0x284: {  	v19 =	vadd.f32 v29, v19;
	v29 =	vld [tilespmem:$0x1FFE0]  }
0x285: {  	v31 =	vld [tilespmem:$0x1FFD0]  }
0x286: {  	v16 =	vadd.f32 v30, v16;
	v30 =	vld [tilespmem:s1+$0x8680]  }
0x287: {  	v20 =	vadd.f32 v24, v20;
	v24 =	vld [tilespmem:s1+$0x8600]  }
0x288: {  	v25 =	vmul.f32 v25, v44  }
0x289: {  	v17 =	vadd.f32 v28, v17;
	v28 =	vld [tilespmem:s1+$0x8680];
	v23 =	vmul.f32 v23, v29  }
0x28a: {  	v20 =	vadd.f32 v25, v20;
	v25 =	vld [tilespmem:s1+$0x8680];
	v27 =	vmul.f32 v27, v31  }
0x28b: {  	v26 =	vmul.f32 v26, v42;
	v30 =	vmul.f32 v30, v40;
	v22 =	vadd.f32 v23, v22;
	v23 =	vld [tilespmem:s1+$0x8680]  }
0x28c: {  	v21 =	vadd.f32 v27, v21;
	v27 =	vld [tilespmem:s1+$0x8680];
	v29 =	vmul.f32 v24, v39;
	v24 =	vmul.f32 v24, v43  }
0x28d: {  	v17 =	vadd.f32 v26, v17;
	v26 =	vld [tilespmem:s1+$0x8700]  }
0x28e: {  	v28 =	vmul.f32 v28, v45;
	v19 =	vadd.f32 v30, v19;
	v18 =	vadd.f32 v24, v18;
	v24 =	vld [tilespmem:s1+$0x8680]  }
0x28f: {  	v30 =	vmul.f32 v25, v48;
	v25 =	vmul.f32 v25, v46;
	v16 =	vadd.f32 v29, v16;
	v29 =	vld [tilespmem:s1+$0x8700]  }
0x290: {  	v21 =	vadd.f32 v28, v21;
	v28 =	vld [tilespmem:s1+$0x8700];
	v23 =	vmul.f32 v23, v47  }
0x291: {  	v18 =	vadd.f32 v25, v18;
	v25 =	vld [tilespmem:s1+$0x8700];
	v27 =	vmul.f32 v27, v41  }
0x292: {  	v20 =	vadd.f32 v23, v20;
	v23 =	vld [tilespmem:s1+$0x8700]  }
0x293: {  	v22 =	vadd.f32 v27, v22;
	v27 =	vld [tilespmem:s1+$0x8700];
	v24 =	vmul.f32 v24, v49  }
0x294: {  	v26 =	vmul.f32 v26, v50;
	v16 =	vadd.f32 v30, v16;
	v30 =	vld [tilespmem:s1+$0x8780];
	v29 =	vmul.f32 v29, v51  }
0x295: {  	v28 =	vmul.f32 v28, v52;
	v17 =	vadd.f32 v24, v17;
	v24 =	vld [tilespmem:s1+$0x8780]  }
0x296: {  	v21 =	vadd.f32 v26, v21;
	v26 =	vld [tilespmem:s1+$0x8780];
	v19 =	vadd.f32 v29, v19  }
0x297: {  	v28 =	vadd.f32 v28, v22;
	v29 =	vld [tilespmem:s1+$0x8780];
	v22 =	vmul.f32 v23, v54;
	v23 =	vmul.f32 v23, v55  }
0x298: {  	v31 =	vld [tilespmem:s1+$0x8780];
	v27 =	vmul.f32 v27, v53  }
0x299: {  	v25 =	vmul.f32 v25, v56;
	v18 =	vadd.f32 v23, v18;
	v23 =	vld [tilespmem:s1+$0x8780]  }
0x29a: {  	v38 =	vld [tilespmem:s1+$0x8800];
	v20 =	vadd.f32 v27, v20;
	v27 =	vmul.f32 v30, v59;
	v24 =	vmul.f32 v24, v57  }
0x29b: {  	p0 =	sne.s32 s11, $0xFFFFFFC0;
	v37 =	vadd.f32 v25, v17;
	v17 =	vmul.f32 v26, v58;
	v30 =	vld [tilespmem:s1+$0x8800];
	v16 =	vadd.f32 v22, v16  }
.Ltmp0:
0x29c: {  	v26 =	vld [tilespmem:s1+$0x8800];
	v22 =	vadd.f32 v27, v19;
	v21 =	vadd.f32 v24, v21;
	v24 =	vmul.f32 v29, v63;
	(pc) =	sbr.rel @p0 .LBB2_2-.Ltmp0, $4  }
0x29d: {  	v25 =	vld [tilespmem:s1+$0x8800];
	v19 =	vadd.f32 v17, v28;
	v17 =	vmul.f32 v31, v62;
	v28 =	vmul.f32 v31, v60  }
0x29e: {  	v27 =	vld [tilespmem:s1+$0x8800];
	v20 =	vadd.f32 v24, v20;
	v31 =	vmul.f32 v23, v61  }
0x29f: {  	s16 =	sshra.s32 s11, $0x2;
	v17 =	vadd.f32 v17, v16;
	v18 =	vadd.f32 v28, v18;
	v24 =	vld [tilespmem:s1+$0x8800]  }
0x2a0: {  	s11 =	sadd.s32 $0x40, s11;
	v28 =	vmul.f32 v38, v6;
	v29 =	vmul.f32 v30, v10;
	v23 =	vld [tilespmem:s16+$0x8080];
	v16 =	vadd.f32 v31, v37  }
0x2a1: {  	v36 =	vld [tilespmem:s16+$0x8100]  }
0x2a2: {  	v30 =	vld [tilespmem:s16+$0x8100]  }
0x2a3: {  	v35 =	vld [tilespmem:s16+$0x8080];
	v22 =	vadd.f32 v29, v22  }
0x2a4: {  	v32 =	vld [tilespmem:s16+$0x8180]  }
0x2a5: {  	v33 =	vld [tilespmem:s16+$0x8200];
	v34 =	vmul.f32 v22, v3  }
0x2a6: {  	v37 =	vld [tilespmem:s16+$0x8080];
	[tilespmem:$0x1F7B0] =	vst v36  }
0x2a7: {  	v36 =	vld [tilespmem:s16+$0x8280];
	[tilespmem:s1+$0x9100] =	vst v34  }
0x2a8: {  	v31 =	vld [tilespmem:s16+$0x8080];
	_ =	sdelay $0x1  }
0x2a9: {  	v38 =	vld [tilespmem:s16+$0x8100];
	_ =	sdelay $0x1  }
0x2aa: {  	v22 =	vsub.f32 v14, v22  }
0x2ab: {  	v28 =	vadd.f32 v28, v21;
	v27 =	vmul.f32 v27, v8;
	[tilespmem:$0x1F7E0] =	vst v31;
	v31 =	vld [tilespmem:s16+$0x8100]  }
0x2ac: {  	[tilespmem:$0x1F7C0] =	vst v37;
	v22 =	vmul.f32 v22, v2;
	v37 =	vld [tilespmem:s16+$0x8300]  }
0x2ad: {  	v26 =	vmul.f32 v26, v7;
	v20 =	vadd.f32 v27, v20;
	v34 =	vsub.f32 v15, v28;
	v27 =	vld [tilespmem:s16+$0x8400];
	[tilespmem:$0x1F7D0] =	vst v38  }
0x2ae: {  	v38 =	vld [tilespmem:s16+$0x8380];
	[tilespmem:s1+$0x9500] =	vst v22  }
0x2af: {  	v21 =	vadd.f32 v26, v19;
	v22 =	vmul.f32 v34, v2;
	v34 =	vld [tilespmem:s16+$0x8080]  }
0x2b0: {  	[tilespmem:$0x1F7F0] =	vst v31;
	v31 =	vld [tilespmem:$0x1F9F0]  }
0x2b1: {  	v26 =	vmul.f32 v25, v1;
	v19 =	vsub.f32 v13, v21  }
0x2b2: {  	v25 =	vmul.f32 v25, v12  }
0x2b3: {  	v29 =	vld [tilespmem:$0x1F9E0];
	v17 =	vadd.f32 v26, v17;
	v19 =	vmul.f32 v19, v2;
	[tilespmem:s1+$0x9580] =	vst v22  }
0x2b4: {  	v18 =	vadd.f32 v25, v18;
	v25 =	vld [tilespmem:s16+$0x8480];
	[tilespmem:$0x1F800] =	vst v34;
	v34 =	vsub.f32 v11, v20  }
0x2b5: {  	[tilespmem:s1+$0x9600] =	vst v19;
	v26 =	vmul.f32 v30, v31;
	v31 =	vld [tilespmem:$0x1FA00]  }
0x2b6: {  	v19 =	vmul.f32 v24, v5;
	v24 =	vsub.f32 v9, v17;
	v22 =	vmul.f32 v34, v2;
	v34 =	vld [tilespmem:s16+$0x8100];
	_ =	sdelay $0x1  }
0x2b7: {  	v23 =	vmul.f32 v23, v29;
	v29 =	vmul.f32 v24, v2;
	[tilespmem:s1+$0x9680] =	vst v22;
	v30 =	vsub.f32 v4, v18  }
0x2b8: {  	v16 =	vadd.f32 v19, v16;
	v24 =	vld [tilespmem:s16+$0x8500]  }
0x2b9: {  	[tilespmem:s1+$0x9700] =	vst v29;
	v23 =	vadd.f32 v26, v23;
	v26 =	vmul.f32 v32, v31;
	v32 =	vmul.f32 v30, v2;
	v30 =	vld [tilespmem:$0x1FA10]  }
0x2ba: {  	v29 =	vld [tilespmem:s16+$0x8080];
	[tilespmem:$0x1F810] =	vst v34  }
0x2bb: {  	v34 =	vsub.f32 v0, v16;
	[tilespmem:s1+$0x9780] =	vst v32;
	v32 =	vld [tilespmem:$0x1FA20];
	_ =	sdelay $0x1  }
0x2bc: {  	v31 =	vmul.f32 v34, v2;
	v34 =	vld [tilespmem:$0x1FA30]  }
0x2bd: {  	v23 =	vadd.f32 v26, v23;
	v26 =	vmul.f32 v33, v30;
	_ =	sdelay $0x1  }
0x2be: {  	v23 =	vadd.f32 v26, v23;
	v26 =	vmul.f32 v36, v32;
	_ =	sdelay $0x1  }
0x2bf: {  	v23 =	vadd.f32 v26, v23;
	v26 =	vmul.f32 v37, v34;
	v37 =	vld [tilespmem:$0x1FA40]  }
0x2c0: {  	v22 =	vld [tilespmem:s16+$0x8580]  }
0x2c1: {  	[tilespmem:s1+$0x9800] =	vst v31;
	v31 =	vld [tilespmem:$0x1FA50];
	v33 =	vmul.f32 v28, v3  }
0x2c2: {  	v28 =	vld [tilespmem:s16+$0x8100]  }
0x2c3: {  	[tilespmem:s1+$0x9180] =	vst v33;
	v33 =	vld [tilespmem:$0x1FA80]  }
0x2c4: {  	v23 =	vadd.f32 v26, v23;
	v26 =	vmul.f32 v38, v37;
	_ =	sdelay $0x1  }
0x2c5: {  	v32 =	vmul.f32 v27, v31;
	v23 =	vadd.f32 v26, v23  }
0x2c6: {  	v36 =	vmul.f32 v21, v3  }
0x2c7: {  	v21 =	vld [tilespmem:s16+$0x8600];
	v25 =	vmul.f32 v25, v33;
	v23 =	vadd.f32 v32, v23  }
0x2c8: {  	[tilespmem:s1+$0x9200] =	vst v36;
	v36 =	vld [tilespmem:$0x1FB90]  }
0x2c9: {  	v38 =	vmul.f32 v20, v3;
	v23 =	vadd.f32 v25, v23;
	v25 =	vld [tilespmem:$0x1FAB0]  }
0x2ca: {  	v30 =	vld [tilespmem:s16+$0x8080]  }
0x2cb: {  	v17 =	vmul.f32 v17, v3;
	[tilespmem:s1+$0x9280] =	vst v38;
	v26 =	vld [tilespmem:$0x1FAF0]  }
0x2cc: {  	v19 =	vld [tilespmem:s16+$0x8680]  }
0x2cd: {  	v34 =	vmul.f32 v18, v3;
	[tilespmem:s1+$0x9300] =	vst v17;
	v32 =	vld [tilespmem:$0x1FB30]  }
0x2ce: {  	v38 =	vld [tilespmem:s16+$0x8100];
	v24 =	vmul.f32 v24, v25  }
0x2cf: {  	[tilespmem:s1+$0x9380] =	vst v34;
	v34 =	vld [tilespmem:$0x1FB60]  }
0x2d0: {  	v16 =	vmul.f32 v16, v3;
	v37 =	vld [tilespmem:$0x1FBB0];
	v22 =	vmul.f32 v22, v26;
	v23 =	vadd.f32 v24, v23  }
0x2d1: {  	v17 =	vld [tilespmem:s16+$0x8700]  }
0x2d2: {  	v21 =	vmul.f32 v21, v32;
	v24 =	vld [tilespmem:s16+$0x8180];
	[tilespmem:s1+$0x9400] =	vst v16;
	v27 =	vadd.f32 v22, v23  }
0x2d3: {  	v33 =	vld [tilespmem:s16+$0x8780]  }
0x2d4: {  	v20 =	vld [tilespmem:$0x1FBD0];
	v19 =	vmul.f32 v19, v34;
	v16 =	vadd.f32 v21, v27  }
0x2d5: {  	v21 =	vld [tilespmem:s16+$0x8800]  }
0x2d6: {  	v17 =	vmul.f32 v17, v36;
	v16 =	vadd.f32 v19, v16;
	_ =	sdelay $0x1  }
0x2d7: {  	v16 =	vadd.f32 v17, v16;
	v17 =	vmul.f32 v33, v37  }
0x2d8: {  	v23 =	vld [tilespmem:$0x1FC20]  }
0x2d9: {  	v16 =	vadd.f32 v17, v16;
	v17 =	vmul.f32 v21, v20;
	v21 =	vld [tilespmem:s16+$0x8200];
	_ =	sdelay $0x1  }
0x2da: {  	v22 =	vld [tilespmem:s16+$0x8200];
	v16 =	vadd.f32 v17, v16;
	_ =	sdelay $0x1  }
0x2db: {  	v32 =	vsub.f32 v23, v16  }
0x2dc: {  	[tilespmem:$0x1F830] =	vst v21;
	v21 =	vld [tilespmem:s16+$0x8280]  }
0x2dd: {  	v37 =	vmul.f32 v32, v2;
	v32 =	vld [tilespmem:$0x1FA60]  }
0x2de: {  	[tilespmem:$0x1F840] =	vst v22;
	v22 =	vld [tilespmem:s16+$0x8280]  }
0x2df: {  	v23 =	vld [tilespmem:s16+$0x8280];
	_ =	sdelay $0x1  }
0x2e0: {  	[tilespmem:$0x1F860] =	vst v21;
	v21 =	vld [tilespmem:$0x1F7B0]  }
0x2e1: {  	v17 =	vmul.f32 v35, v32;
	v35 =	vld [tilespmem:$0x1FA70]  }
0x2e2: {  	[tilespmem:$0x1F870] =	vst v22;
	v22 =	vld [tilespmem:$0x1FA90]  }
0x2e3: {  	[tilespmem:$0x1F880] =	vst v23;
	v23 =	vld [tilespmem:$0x1F7C0]  }
0x2e4: {  	v16 =	vmul.f32 v16, v3  }
0x2e5: {  	v18 =	vld [tilespmem:$0x1FAA0]  }
0x2e6: {  	[tilespmem:s16+$0x9480] =	vst v16;
	v16 =	vmul.f32 v21, v35;
	v35 =	vld [tilespmem:$0x1F7D0]  }
0x2e7: {  	v20 =	vld [tilespmem:s16+$0x8200]  }
0x2e8: {  	v19 =	vmul.f32 v23, v22;
	v23 =	vld [tilespmem:$0x1F7E0]  }
0x2e9: {  	v21 =	vld [tilespmem:$0x1FAC0];
	_ =	sdelay $0x1  }
0x2ea: {  	v18 =	vmul.f32 v35, v18;
	v35 =	vld [tilespmem:s16+$0x8280];
	_ =	sdelay $0x2  }
0x2eb: {  	[tilespmem:$0x1F850] =	vst v20;
	v20 =	vmul.f32 v23, v21;
	v21 =	vld [tilespmem:$0x1F7F0]  }
0x2ec: {  	v23 =	vld [tilespmem:s16+$0x8300]  }
0x2ed: {  	[tilespmem:$0x1F890] =	vst v35;
	v35 =	vld [tilespmem:$0x1FAD0];
	_ =	sdelay $0x3  }
0x2ee: {  	[tilespmem:$0x1F8A0] =	vst v23;
	v23 =	vld [tilespmem:$0x1F800]  }
0x2ef: {  	v22 =	vadd.f32 v16, v17;
	v16 =	vmul.f32 v21, v35;
	v35 =	vld [tilespmem:$0x1FAE0];
	_ =	sdelay $0x4  }
0x2f0: {  	v21 =	vadd.f32 v18, v19;
	v19 =	vmul.f32 v23, v35;
	v35 =	vld [tilespmem:$0x1FB00]  }
0x2f1: {  	v23 =	vld [tilespmem:$0x1F810];
	_ =	sdelay $0x4  }
0x2f2: {  	v17 =	vmul.f32 v23, v35;
	v35 =	vld [tilespmem:s16+$0x8300]  }
0x2f3: {  	v23 =	vld [tilespmem:$0x1FB20];
	_ =	sdelay $0x2  }
0x2f4: {  	v18 =	vadd.f32 v16, v20;
	v20 =	vld [tilespmem:$0x1FB10]  }
0x2f5: {  	[tilespmem:$0x1F8B0] =	vst v35;
	v35 =	vld [tilespmem:s16+$0x8300]  }
0x2f6: {  	v16 =	vmul.f32 v28, v23;
	v23 =	vld [tilespmem:$0x1FB40];
	_ =	sdelay $0x3  }
0x2f7: {  	[tilespmem:$0x1F8C0] =	vst v35;
	v35 =	vld [tilespmem:$0x1FB50]  }
0x2f8: {  	v20 =	vmul.f32 v29, v20;
	v17 =	vadd.f32 v17, v19;
	v19 =	vmul.f32 v29, v23;
	v29 =	vld [tilespmem:s16+$0x8300];
	_ =	sdelay $0x3  }
0x2f9: {  	[tilespmem:$0x1F820] =	vst v30;
	v28 =	vmul.f32 v28, v35;
	v35 =	vld [tilespmem:$0x1FB70]  }
0x2fa: {  	[tilespmem:$0x1F8D0] =	vst v29;
	v29 =	vld [tilespmem:$0x1F820];
	_ =	sdelay $0x3  }
0x2fb: {  	v30 =	vld [tilespmem:s16+$0x8180]  }
0x2fc: {  	v23 =	vadd.f32 v16, v20;
	v20 =	vmul.f32 v29, v35;
	v35 =	vld [tilespmem:$0x1FB80]  }
0x2fd: {  	v29 =	vld [tilespmem:$0x1FBC0];
	_ =	sdelay $0x1  }
0x2fe: {  	v25 =	vld [tilespmem:s16+$0x8180]  }
0x2ff: {  	v26 =	vld [tilespmem:s16+$0x8180]  }
0x300: {  	v27 =	vld [tilespmem:s16+$0x8180]  }
0x301: {  	v38 =	vmul.f32 v38, v35;
	v29 =	vmul.f32 v30, v29;
	v30 =	vld [tilespmem:s16+$0x8300]  }
0x302: {  	v16 =	vadd.f32 v28, v19;
	v28 =	vld [tilespmem:$0x1FBA0]  }
0x303: {  	v20 =	vadd.f32 v38, v20;
	v38 =	vld [tilespmem:$0x1FBE0]  }
0x304: {  	v31 =	vld [tilespmem:s16+$0x8180]  }
0x305: {  	v34 =	vld [tilespmem:s16+$0x8200]  }
0x306: {  	[tilespmem:$0x1F8E0] =	vst v30;
	v30 =	vld [tilespmem:s16+$0x8380]  }
0x307: {  	v36 =	vld [tilespmem:s16+$0x8200]  }
0x308: {  	v28 =	vmul.f32 v24, v28;
	v24 =	vld [tilespmem:$0x1FBF0];
	v27 =	vmul.f32 v27, v38  }
0x309: {  	v38 =	vld [tilespmem:$0x1FC00]  }
0x30a: {  	v18 =	vadd.f32 v27, v18;
	v27 =	vld [tilespmem:$0x1FC10]  }
0x30b: {  	[tilespmem:$0x1F8F0] =	vst v30;
	v30 =	vld [tilespmem:$0x1FC30]  }
0x30c: {  	v33 =	vld [tilespmem:s16+$0x8200]  }
0x30d: {  	v25 =	vmul.f32 v25, v24;
	v21 =	vadd.f32 v29, v21;
	v29 =	vld [tilespmem:s16+$0x8380]  }
0x30e: {  	v22 =	vadd.f32 v28, v22;
	v24 =	vld [tilespmem:s16+$0x8380]  }
0x30f: {  	v17 =	vadd.f32 v25, v17;
	v25 =	vld [tilespmem:s16+$0x8380];
	v28 =	vmul.f32 v26, v38;
	v26 =	vmul.f32 v26, v27  }
0x310: {  	v27 =	vmul.f32 v31, v30;
	v31 =	vld [tilespmem:$0x1FC40]  }
0x311: {  	v19 =	vadd.f32 v28, v23;
	v23 =	vadd.f32 v26, v16;
	v26 =	vld [tilespmem:$0x1FC50]  }
0x312: {  	[tilespmem:$0x1F910] =	vst v29;
	v29 =	vld [tilespmem:$0x1F830]  }
0x313: {  	[tilespmem:$0x1F900] =	vst v24;
	v24 =	vld [tilespmem:$0x1FC80]  }
0x314: {  	v28 =	vld [tilespmem:$0x1FC60]  }
0x315: {  	v30 =	vld [tilespmem:$0x1FC70]  }
0x316: {  	v38 =	vmul.f32 v33, v31;
	v26 =	vmul.f32 v34, v26;
	v34 =	vld [tilespmem:$0x1F840]  }
0x317: {  	[tilespmem:$0x1F920] =	vst v25;
	v25 =	vld [tilespmem:$0x1FC90]  }
0x318: {  	v22 =	vadd.f32 v38, v22;
	v38 =	vld [tilespmem:s16+$0x8380]  }
0x319: {  	v31 =	vmul.f32 v29, v28;
	v28 =	vld [tilespmem:$0x1FCA0]  }
0x31a: {  	v29 =	vld [tilespmem:$0x1F850]  }
0x31b: {  	v20 =	vadd.f32 v27, v20;
	v27 =	vmul.f32 v34, v30;
	v30 =	vld [tilespmem:s16+$0x8400]  }
0x31c: {  	v21 =	vadd.f32 v26, v21;
	v26 =	vmul.f32 v36, v24;
	v34 =	vmul.f32 v36, v25;
	v36 =	vld [tilespmem:$0x1FCB0]  }
0x31d: {  	[tilespmem:$0x1F930] =	vst v38;
	v38 =	vld [tilespmem:$0x1F860];
	_ =	sdelay $0x1  }
0x31e: {  	v17 =	vadd.f32 v27, v17;
	v27 =	vmul.f32 v29, v28;
	v28 =	vld [tilespmem:$0x1FCC0]  }
0x31f: {  	v23 =	vadd.f32 v34, v23;
	v34 =	vld [tilespmem:$0x1FCD0]  }
0x320: {  	[tilespmem:$0x1F940] =	vst v30;
	v30 =	vld [tilespmem:s16+$0x8400]  }
0x321: {  	v16 =	vmul.f32 v38, v36;
	v36 =	vld [tilespmem:$0x1F880]  }
0x322: {  	v29 =	vld [tilespmem:$0x1F870];
	_ =	sdelay $0x1  }
0x323: {  	[tilespmem:s16+$0x9880] =	vst v37;
	v37 =	vld [tilespmem:s16+$0x8280]  }
0x324: {  	[tilespmem:$0x1F950] =	vst v30;
	v30 =	vld [tilespmem:$0x1FCE0]  }
0x325: {  	v32 =	vld [tilespmem:s16+$0x8280];
	v18 =	vadd.f32 v31, v18;
	v38 =	vmul.f32 v36, v34  }
0x326: {  	v19 =	vadd.f32 v26, v19;
	v26 =	vmul.f32 v29, v28;
	v36 =	vld [tilespmem:$0x1FCF0]  }
0x327: {  	v25 =	vadd.f32 v38, v18;
	v38 =	vld [tilespmem:s16+$0x8480]  }
0x328: {  	v21 =	vadd.f32 v26, v21;
	v26 =	vld [tilespmem:$0x1FD10]  }
0x329: {  	v24 =	vadd.f32 v16, v22;
	v22 =	vmul.f32 v37, v30;
	v37 =	vld [tilespmem:$0x1FD00]  }
0x32a: {  	v30 =	vld [tilespmem:$0x1F890]  }
0x32b: {  	v20 =	vadd.f32 v27, v20;
	v27 =	vmul.f32 v32, v36;
	v36 =	vld [tilespmem:$0x1FD20]  }
0x32c: {  	[tilespmem:$0x1F960] =	vst v38;
	v38 =	vld [tilespmem:s16+$0x8480]  }
0x32d: {  	v19 =	vadd.f32 v27, v19;
	v27 =	vld [tilespmem:$0x1F8B0]  }
0x32e: {  	v32 =	vmul.f32 v32, v37;
	v37 =	vld [tilespmem:$0x1F8A0]  }
0x32f: {  	v29 =	vadd.f32 v22, v17;
	v22 =	vmul.f32 v30, v26;
	v26 =	vld [tilespmem:$0x1FD30]  }
0x330: {  	v35 =	vld [tilespmem:s16+$0x8300]  }
0x331: {  	v23 =	vadd.f32 v32, v23;
	v32 =	vld [tilespmem:$0x1FD40]  }
0x332: {  	[tilespmem:$0x1F970] =	vst v38;
	v38 =	vld [tilespmem:$0x1F8D0]  }
0x333: {  	v17 =	vmul.f32 v37, v36;
	v36 =	vld [tilespmem:$0x1F8C0]  }
0x334: {  	v27 =	vmul.f32 v27, v26;
	v37 =	vld [tilespmem:$0x1FD50]  }
0x335: {  	v18 =	vadd.f32 v17, v24;
	v24 =	vld [tilespmem:$0x1FD60]  }
0x336: {  	v21 =	vadd.f32 v27, v21;
	v27 =	vld [tilespmem:$0x1FD70];
	_ =	sdelay $0x1  }
0x337: {  	v26 =	vadd.f32 v22, v20;
	v22 =	vmul.f32 v36, v32;
	v32 =	vld [tilespmem:s16+$0x8480];
	_ =	sdelay $0x1  }
0x338: {  	v16 =	vmul.f32 v38, v37;
	v36 =	vld [tilespmem:$0x1F8E0]  }
0x339: {  	v24 =	vmul.f32 v35, v24;
	v22 =	vadd.f32 v22, v25;
	v25 =	vmul.f32 v35, v27;
	v35 =	vld [tilespmem:$0x1FD80]  }
0x33a: {  	v20 =	vadd.f32 v16, v29;
	v29 =	vld [tilespmem:$0x1FDA0]  }
0x33b: {  	[tilespmem:$0x1F990] =	vst v32;
	v32 =	vld [tilespmem:$0x1F900];
	_ =	sdelay $0x1  }
0x33c: {  	v37 =	vld [tilespmem:$0x1FD90]  }
0x33d: {  	v27 =	vld [tilespmem:$0x1F8F0]  }
0x33e: {  	v35 =	vmul.f32 v36, v35;
	v36 =	vld [tilespmem:$0x1FDB0]  }
0x33f: {  	v23 =	vadd.f32 v25, v23;
	v25 =	vmul.f32 v32, v29;
	v29 =	vld [tilespmem:$0x1F910]  }
0x340: {  	v33 =	vld [tilespmem:s16+$0x8380]  }
0x341: {  	v32 =	vld [tilespmem:s16+$0x8500]  }
0x342: {  	v17 =	vmul.f32 v27, v37;
	v27 =	vld [tilespmem:$0x1FDD0]  }
0x343: {  	v26 =	vadd.f32 v35, v26;
	v35 =	vld [tilespmem:$0x1FDC0]  }
0x344: {  	v16 =	vmul.f32 v29, v36;
	v29 =	vld [tilespmem:$0x1FDE0]  }
0x345: {  	v36 =	vld [tilespmem:$0x1F920]  }
0x346: {  	[tilespmem:$0x1F9A0] =	vst v32;
	v32 =	vld [tilespmem:$0x1FDF0]  }
0x347: {  	v19 =	vadd.f32 v24, v19;
	v24 =	vadd.f32 v16, v22;
	v22 =	vmul.f32 v33, v27;
	v27 =	vld [tilespmem:$0x1F930]  }
0x348: {  	v31 =	vld [tilespmem:s16+$0x8400]  }
0x349: {  	v33 =	vmul.f32 v33, v29;
	v29 =	vld [tilespmem:$0x1FE00]  }
0x34a: {  	v17 =	vadd.f32 v17, v18;
	v18 =	vmul.f32 v36, v35;
	_ =	sdelay $0x1  }
0x34b: {  	v21 =	vadd.f32 v25, v21;
	v25 =	vadd.f32 v18, v20;
	v20 =	vmul.f32 v27, v32;
	v32 =	vld [tilespmem:$0x1F940]  }
0x34c: {  	v23 =	vadd.f32 v33, v23;
	v33 =	vld [tilespmem:s16+$0x8580]  }
0x34d: {  	v16 =	vmul.f32 v31, v29;
	v31 =	vld [tilespmem:$0x1FE10];
	_ =	sdelay $0x1  }
0x34e: {  	v34 =	vld [tilespmem:s16+$0x8400]  }
0x34f: {  	v29 =	vld [tilespmem:s16+$0x8500]  }
0x350: {  	[tilespmem:$0x1F9C0] =	vst v33;
	v33 =	vld [tilespmem:s16+$0x8580]  }
0x351: {  	v19 =	vadd.f32 v22, v19;
	v22 =	vmul.f32 v32, v31;
	v31 =	vld [tilespmem:$0x1FE20]  }
0x352: {  	v32 =	vld [tilespmem:$0x1F950]  }
0x353: {  	v18 =	vadd.f32 v16, v17;
	v17 =	vadd.f32 v22, v21;
	v22 =	vld [tilespmem:$0x1FE30]  }
0x354: {  	[tilespmem:$0x1F9B0] =	vst v29;
	v29 =	vld [tilespmem:$0x1FE40]  }
0x355: {  	v28 =	vld [tilespmem:s16+$0x8400]  }
0x356: {  	v30 =	vld [tilespmem:s16+$0x8480]  }
0x357: {  	v20 =	vadd.f32 v20, v26;
	v26 =	vmul.f32 v32, v31;
	v32 =	vld [tilespmem:$0x1FE50]  }
0x358: {  	v21 =	vmul.f32 v34, v22;
	v22 =	vld [tilespmem:$0x1FE60]  }
0x359: {  	[tilespmem:$0x1F9D0] =	vst v33;
	v33 =	vld [tilespmem:$0x1FE80];
	v34 =	vmul.f32 v34, v29  }
0x35a: {  	v29 =	vld [tilespmem:$0x1FE70]  }
0x35b: {  	v19 =	vadd.f32 v34, v19;
	v34 =	vld [tilespmem:$0x1F970]  }
0x35c: {  	v24 =	vadd.f32 v26, v24;
	v26 =	vmul.f32 v28, v32;
	v32 =	vld [tilespmem:$0x1F960]  }
0x35d: {  	[tilespmem:$0x1F980] =	vst v30;
	v30 =	vld [tilespmem:s16+$0x8480];
	v28 =	vmul.f32 v28, v22  }
0x35e: {  	v38 =	vld [tilespmem:s16+$0x8480]  }
0x35f: {  	v20 =	vadd.f32 v28, v20;
	v28 =	vld [tilespmem:$0x1FE90]  }
0x360: {  	v34 =	vmul.f32 v34, v33;
	v33 =	vld [tilespmem:$0x1FEA0]  }
0x361: {  	v16 =	vmul.f32 v32, v29;
	v29 =	vld [tilespmem:$0x1F980]  }
0x362: {  	v22 =	vld [tilespmem:$0x1FEB0];
	_ =	sdelay $0x2  }
0x363: {  	v21 =	vadd.f32 v21, v25;
	v38 =	vmul.f32 v38, v33  }
0x364: {  	v28 =	vmul.f32 v29, v28;
	v29 =	vld [tilespmem:$0x1FED0]  }
0x365: {  	v16 =	vadd.f32 v16, v18;
	v18 =	vmul.f32 v30, v22;
	v21 =	vadd.f32 v38, v21;
	v38 =	vld [tilespmem:$0x1F990]  }
0x366: {  	v24 =	vadd.f32 v28, v24;
	v28 =	vld [tilespmem:$0x1FEC0]  }
0x367: {  	v18 =	vadd.f32 v18, v19;
	v19 =	vld [tilespmem:$0x1FEF0]  }
0x368: {  	v33 =	vld [tilespmem:$0x1F9A0];
	_ =	sdelay $0x1  }
0x369: {  	v37 =	vld [tilespmem:s16+$0x8500]  }
0x36a: {  	v23 =	vadd.f32 v26, v23;
	v38 =	vmul.f32 v38, v29;
	v29 =	vld [tilespmem:$0x1FEE0];
	v28 =	vmul.f32 v30, v28  }
0x36b: {  	v36 =	vld [tilespmem:s16+$0x8500]  }
0x36c: {  	v23 =	vadd.f32 v28, v23;
	v28 =	vmul.f32 v33, v19;
	v33 =	vld [tilespmem:$0x1FF10];
	_ =	sdelay $0x1  }
0x36d: {  	v35 =	vld [tilespmem:s16+$0x8500]  }
0x36e: {  	v37 =	vmul.f32 v37, v29;
	v29 =	vld [tilespmem:$0x1FF00]  }
0x36f: {  	v27 =	vld [tilespmem:s16+$0x8500]  }
0x370: {  	v20 =	vadd.f32 v38, v20;
	v38 =	vld [tilespmem:$0x1FF20];
	v36 =	vmul.f32 v36, v33  }
0x371: {  	v33 =	vld [tilespmem:$0x1FF30]  }
0x372: {  	v21 =	vadd.f32 v36, v21;
	v36 =	vld [tilespmem:$0x1FF40]  }
0x373: {  	v35 =	vmul.f32 v35, v29;
	v29 =	vld [tilespmem:$0x1F9B0];
	_ =	sdelay $0x1  }
0x374: {  	v17 =	vadd.f32 v34, v17  }
0x375: {  	v31 =	vld [tilespmem:s16+$0x8580]  }
0x376: {  	v25 =	vld [tilespmem:s16+$0x8580];
	v17 =	vadd.f32 v28, v17;
	v28 =	vmul.f32 v27, v38;
	v27 =	vmul.f32 v27, v33  }
0x377: {  	v26 =	vld [tilespmem:s16+$0x8580];
	v36 =	vmul.f32 v29, v36  }
0x378: {  	v23 =	vadd.f32 v27, v23;
	v27 =	vld [tilespmem:$0x1FF70]  }
0x379: {  	v20 =	vadd.f32 v36, v20;
	v36 =	vld [tilespmem:$0x1F9D0]  }
0x37a: {  	v33 =	vld [tilespmem:$0x1FF50]  }
0x37b: {  	v29 =	vld [tilespmem:$0x1F9C0]  }
0x37c: {  	v18 =	vadd.f32 v28, v18;
	v28 =	vld [tilespmem:$0x1FF60]  }
0x37d: {  	v32 =	vld [tilespmem:s16+$0x8580]  }
0x37e: {  	v27 =	vmul.f32 v36, v27;
	v36 =	vld [tilespmem:$0x1FF80]  }
0x37f: {  	v34 =	vld [tilespmem:s16+$0x8600]  }
0x380: {  	v22 =	vld [tilespmem:s16+$0x8600];
	v16 =	vadd.f32 v37, v16;
	v33 =	vmul.f32 v29, v33  }
0x381: {  	v30 =	vld [tilespmem:s16+$0x8600];
	v28 =	vmul.f32 v31, v28  }
0x382: {  	v16 =	vadd.f32 v33, v16;
	v33 =	vld [tilespmem:$0x1FF90]  }
0x383: {  	v17 =	vadd.f32 v28, v17;
	v28 =	vmul.f32 v32, v36;
	v36 =	vld [tilespmem:$0x1FFA0]  }
0x384: {  	v19 =	vld [tilespmem:s16+$0x8600]  }
0x385: {  	v37 =	vld [tilespmem:s16+$0x8600]  }
0x386: {  	v38 =	vld [tilespmem:s16+$0x8680];
	v24 =	vadd.f32 v35, v24  }
0x387: {  	v29 =	vld [tilespmem:s16+$0x8680]  }
0x388: {  	v24 =	vadd.f32 v27, v24;
	v27 =	vmul.f32 v26, v33;
	v26 =	vmul.f32 v26, v36;
	v36 =	vld [tilespmem:$0x1FFB0]  }
0x389: {  	v35 =	vld [tilespmem:s16+$0x8600]  }
0x38a: {  	v19 =	vmul.f32 v19, v44;
	v44 =	vmul.f32 v37, v43;
	v43 =	vld [tilespmem:s16+$0x8780]  }
0x38b: {  	v31 =	vld [tilespmem:s16+$0x8680]  }
0x38c: {  	v29 =	vmul.f32 v29, v41;
	v41 =	vld [tilespmem:s16+$0x8700]  }
0x38d: {  	v25 =	vmul.f32 v25, v36;
	v36 =	vld [tilespmem:$0x1FFC0]  }
0x38e: {  	v18 =	vadd.f32 v27, v18;
	v27 =	vld [tilespmem:s16+$0x8700]  }
0x38f: {  	v39 =	vmul.f32 v37, v39;
	v32 =	vld [tilespmem:s16+$0x8680]  }
0x390: {  	v33 =	vld [tilespmem:s16+$0x8680]  }
0x391: {  	v18 =	vadd.f32 v39, v18;
	v39 =	vld [tilespmem:s16+$0x8700]  }
0x392: {  	v21 =	vadd.f32 v28, v21;
	v28 =	vmul.f32 v34, v36;
	v36 =	vld [tilespmem:$0x1FFD0]  }
0x393: {  	v27 =	vmul.f32 v27, v51;
	v51 =	vld [tilespmem:s16+$0x8780]  }
0x394: {  	v38 =	vmul.f32 v38, v40;
	v37 =	vmul.f32 v35, v42;
	v23 =	vadd.f32 v26, v23;
	v34 =	vld [tilespmem:s16+$0x8680]  }
0x395: {  	v19 =	vadd.f32 v19, v21;
	v42 =	vmul.f32 v32, v47;
	v16 =	vadd.f32 v28, v16;
	v28 =	vld [tilespmem:s16+$0x8700]  }
0x396: {  	v23 =	vadd.f32 v44, v23;
	v44 =	vmul.f32 v33, v48;
	v48 =	vld [tilespmem:s16+$0x8780];
	v20 =	vadd.f32 v25, v20  }
0x397: {  	v40 =	vmul.f32 v31, v45;
	v19 =	vadd.f32 v42, v19;
	v26 =	vmul.f32 v30, v36;
	v36 =	vld [tilespmem:$0x1FFE0]  }
0x398: {  	v33 =	vmul.f32 v33, v46;
	v18 =	vadd.f32 v44, v18;
	v20 =	vadd.f32 v37, v20;
	v37 =	vld [tilespmem:s16+$0x8800]  }
0x399: {  	v25 =	vld [tilespmem:s16+$0x8700];
	v42 =	vmul.f32 v51, v60;
	v16 =	vadd.f32 v38, v16;
	v47 =	vmul.f32 v34, v49  }
0x39a: {  	v17 =	vadd.f32 v26, v17;
	v28 =	vmul.f32 v28, v52;
	v52 =	vld [tilespmem:s16+$0x8780];
	v26 =	vmul.f32 v39, v55  }
0x39b: {  	v23 =	vadd.f32 v33, v23;
	v55 =	vmul.f32 v41, v56;
	v56 =	vmul.f32 v43, v59;
	v43 =	vld [tilespmem:s16+$0x8800]  }
0x39c: {  	v38 =	vmul.f32 v48, v58;
	v16 =	vadd.f32 v27, v16;
	v22 =	vmul.f32 v22, v36;
	v36 =	vld [tilespmem:s16+$0x8700]  }
0x39d: {  	v45 =	vld [tilespmem:s16+$0x8780];
	v44 =	vmul.f32 v37, v7;
	v20 =	vadd.f32 v47, v20;
	v17 =	vadd.f32 v40, v17  }
0x39e: {  	v49 =	vmul.f32 v25, v50;
	v50 =	vld [tilespmem:s16+$0x8780];
	v23 =	vadd.f32 v26, v23;
	v22 =	vadd.f32 v22, v24  }
0x39f: {  	v59 =	vld [tilespmem:s16+$0x8800];
	v20 =	vadd.f32 v55, v20;
	v16 =	vadd.f32 v56, v16;
	v24 =	vmul.f32 v52, v61  }
0x3a0: {  	v41 =	vld [tilespmem:s16+$0x8800];
	v40 =	vmul.f32 v51, v62;
	v17 =	vadd.f32 v49, v17;
	v22 =	vadd.f32 v29, v22  }
0x3a1: {  	v49 =	vmul.f32 v43, v5;
	v20 =	vadd.f32 v24, v20;
	v21 =	vmul.f32 v36, v53  }
0x3a2: {  	v53 =	vmul.f32 v39, v54;
	v36 =	vmul.f32 v45, v57;
	v22 =	vadd.f32 v28, v22  }
0x3a3: {  	v25 =	vmul.f32 v50, v63;
	v5 =	vadd.f32 v49, v20;
	v19 =	vadd.f32 v21, v19  }
0x3a4: {  	v6 =	vmul.f32 v59, v6;
	v54 =	vld [tilespmem:s16+$0x8800];
	v18 =	vadd.f32 v53, v18;
	v17 =	vadd.f32 v36, v17  }
0x3a5: {  	v47 =	vmul.f32 v41, v12;
	v21 =	vadd.f32 v38, v22;
	v56 =	vsub.f32 v0, v5  }
0x3a6: {  	v22 =	vadd.f32 v42, v23;
	v62 =	vmul.f32 v5, v3;
	v6 =	vadd.f32 v6, v17  }
0x3a7: {  	v46 =	vmul.f32 v41, v1;
	v39 =	vld [tilespmem:s16+$0x8800];
	v7 =	vadd.f32 v44, v21;
	v0 =	vmul.f32 v56, v2  }
0x3a8: {  	v18 =	vadd.f32 v40, v18;
	v12 =	vadd.f32 v47, v22;
	[tilespmem:s16+$0x9400] =	vst v62;
	v57 =	vmul.f32 v6, v3  }
0x3a9: {  	v10 =	vmul.f32 v54, v10;
	v50 =	vsub.f32 v15, v6;
	[tilespmem:s16+$0x9800] =	vst v0;
	v58 =	vmul.f32 v7, v3  }
0x3aa: {  	v1 =	vadd.f32 v46, v18;
	v61 =	vmul.f32 v12, v3;
	[tilespmem:s16+$0x9180] =	vst v57  }
0x3ab: {  	v19 =	vadd.f32 v25, v19;
	v10 =	vadd.f32 v10, v16;
	v53 =	vmul.f32 v50, v2;
	[tilespmem:s16+$0x9200] =	vst v58  }
0x3ac: {  	v45 =	vmul.f32 v39, v8;
	v51 =	vsub.f32 v13, v7;
	v60 =	vmul.f32 v1, v3;
	[tilespmem:s16+$0x9380] =	vst v61  }
0x3ad: {  	v55 =	vsub.f32 v4, v12;
	v48 =	vsub.f32 v14, v10;
	v10 =	vmul.f32 v10, v3;
	[tilespmem:s16+$0x9580] =	vst v53  }
0x3ae: {  	v8 =	vadd.f32 v45, v19;
	v13 =	vmul.f32 v51, v2;
	[tilespmem:s16+$0x9300] =	vst v60  }
0x3af: {  	v54 =	vsub.f32 v9, v1;
	v4 =	vmul.f32 v55, v2;
	[tilespmem:s16+$0x9100] =	vst v10  }
0x3b0: {  	v59 =	vmul.f32 v8, v3;
	[tilespmem:s16+$0x9600] =	vst v13  }
0x3b1: {  	v52 =	vsub.f32 v11, v8;
	v9 =	vmul.f32 v54, v2;
	[tilespmem:s16+$0x9780] =	vst v4  }
0x3b2: {  	v14 =	vmul.f32 v48, v2;
	[tilespmem:s16+$0x9280] =	vst v59  }
0x3b3: {  	v10 =	vmul.f32 v52, v2;
	[tilespmem:s16+$0x9700] =	vst v9  }
0x3b4: {  	[tilespmem:s16+$0x9500] =	vst v14  }
0x3b5: {  	v63 =	vimm.f32 $0.0e+00;
	[tilespmem:s16+$0x9680] =	vst v10  }
0x3b6: {  	[tilespmem:$0x9880] =	vst v63  }
0x3b7: {  	[tilespmem:$0x9890] =	vst v63  }
0x3b8: {  	[tilespmem:$0x98A0] =	vst v63  }
0x3b9: {  	[tilespmem:$0x98B0] =	vst v63  }
0x3ba: {  	[tilespmem:$0x98C0] =	vst v63  }
0x3bb: {  	[tilespmem:$0x98D0] =	vst v63  }
0x3bc: {  	[tilespmem:$0x98E0] =	vst v63  }
0x3bd: {  	[tilespmem:$0x98F0] =	vst v63  }
0x3be: {  	[tilespmem:$0x9900] =	vst v63  }
0x3bf: {  	[tilespmem:$0x9910] =	vst v63  }
0x3c0: {  	[tilespmem:$0x9920] =	vst v63  }
0x3c1: {  	[tilespmem:$0x9930] =	vst v63  }
0x3c2: {  	[tilespmem:$0x9940] =	vst v63  }
0x3c3: {  	[tilespmem:$0x9950] =	vst v63  }
0x3c4: {  	[tilespmem:$0x9960] =	vst v63  }
0x3c5: {  	[tilespmem:$0x9970] =	vst v63  }
0x3c6: {  	[tilespmem:$0x9980] =	vst v63  }
0x3c7: {  	[tilespmem:$0x9990] =	vst v63  }
0x3c8: {  	[tilespmem:$0x99A0] =	vst v63  }
0x3c9: {  	[tilespmem:$0x99B0] =	vst v63  }
0x3ca: {  	[tilespmem:$0x99C0] =	vst v63  }
0x3cb: {  	[tilespmem:$0x99D0] =	vst v63  }
0x3cc: {  	[tilespmem:$0x99E0] =	vst v63  }
0x3cd: {  	[tilespmem:$0x99F0] =	vst v63  }
0x3ce: {  	[tilespmem:$0x9A00] =	vst v63  }
0x3cf: {  	[tilespmem:$0x9A10] =	vst v63  }
0x3d0: {  	[tilespmem:$0x9A20] =	vst v63  }
0x3d1: {  	[tilespmem:$0x9A30] =	vst v63  }
0x3d2: {  	[tilespmem:$0x9A40] =	vst v63  }
0x3d3: {  	[tilespmem:$0x9A50] =	vst v63  }
0x3d4: {  	[tilespmem:$0x9A60] =	vst v63  }
0x3d5: {  	[tilespmem:$0x9A70] =	vst v63  }
0x3d6: {  	[tilespmem:$0x9A80] =	vst v63  }
0x3d7: {  	[tilespmem:$0x9A90] =	vst v63  }
0x3d8: {  	[tilespmem:$0x9AA0] =	vst v63  }
0x3d9: {  	[tilespmem:$0x9AB0] =	vst v63  }
0x3da: {  	[tilespmem:$0x9AC0] =	vst v63  }
0x3db: {  	[tilespmem:$0x9AD0] =	vst v63  }
0x3dc: {  	[tilespmem:$0x9AE0] =	vst v63  }
0x3dd: {  	[tilespmem:$0x9AF0] =	vst v63  }
0x3de: {  	[tilespmem:$0x9B00] =	vst v63  }
0x3df: {  	[tilespmem:$0x9B10] =	vst v63  }
0x3e0: {  	[tilespmem:$0x9B20] =	vst v63  }
0x3e1: {  	[tilespmem:$0x9B30] =	vst v63  }
0x3e2: {  	[tilespmem:$0x9B40] =	vst v63  }
0x3e3: {  	[tilespmem:$0x9B50] =	vst v63  }
0x3e4: {  	[tilespmem:$0x9B60] =	vst v63  }
0x3e5: {  	[tilespmem:$0x9B70] =	vst v63  }
0x3e6: {  	[tilespmem:$0x9B80] =	vst v63  }
0x3e7: {  	[tilespmem:$0x9B90] =	vst v63  }
0x3e8: {  	[tilespmem:$0x9BA0] =	vst v63  }
0x3e9: {  	[tilespmem:$0x9BB0] =	vst v63  }
0x3ea: {  	[tilespmem:$0x9BC0] =	vst v63  }
0x3eb: {  	[tilespmem:$0x9BD0] =	vst v63  }
0x3ec: {  	[tilespmem:$0x9BE0] =	vst v63  }
0x3ed: {  	[tilespmem:$0x9BF0] =	vst v63  }
0x3ee: {  	[tilespmem:$0x9C00] =	vst v63  }
0x3ef: {  	[tilespmem:$0x9C10] =	vst v63  }
0x3f0: {  	[tilespmem:$0x9C20] =	vst v63  }
0x3f1: {  	[tilespmem:$0x9C30] =	vst v63  }
0x3f2: {  	[tilespmem:$0x9C40] =	vst v63  }
0x3f3: {  	[tilespmem:$0x9C50] =	vst v63  }
0x3f4: {  	[tilespmem:$0x9C60] =	vst v63  }
0x3f5: {  	[smem:$0x784] =	sst s0;
	s11 =	simm.s32 $0x0;
	s0 =	simm.s32 $0x0;
	[tilespmem:$0x9C70] =	vst v63  }
.LBB2_4:
0x3f6: {  	[smem:$0x783] =	sst s0  }
0x3f7: {  	s1 =	sld [smem:$0x7EE]  }
0x3f8: {  	s6 =	sshll.u32 s0, $0x10;
	s24 =	rddreg [dreg:$0x0];
	s25 =	simm.s32 $0x400  }
0x3f9: {  	s8 =	simm.s32 $0x800;
	s26 =	simm.s32 $0x0;
	s10 =	simm.s32 $0x0  }
0x3fa: {  	s20 =	simm.s32 $0x9950;
	s21 =	simm.s32 $0x99D0;
	s22 =	simm.s32 $0x9A50  }
0x3fb: {  	s23 =	simm.s32 $0x9AD0;
	s28 =	simm.s32 $0x98E0;
	s29 =	simm.s32 $0x9960  }
0x3fc: {  	s30 =	simm.s32 $0x99E0;
	s31 =	simm.s32 $0x9A60;
	s0 =	simm.s32 $0x9AE0  }
0x3fd: {  	s5 =	simm.s32 $0x9B60;
	s12 =	simm.s32 $0x9BE0;
	s13 =	simm.s32 $0x9C60  }
0x3fe: {  	s14 =	simm.s32 $0x98F0;
	s15 =	simm.s32 $0x9970;
	s6 =	sadd.s32 s1, s6  }
0x3ff: {  	s2 =	simm.s32 $0x99F0;
	s3 =	simm.s32 $0x9A70;
	s6 =	sshrl.u32 s6, $0x3  }
0x400: {  	s4 =	simm.s32 $0x9AF0;
	s7 =	simm.s32 $0x9B70;
	s6 =	sadd.s32 s24, s6  }
0x401: {  	[tilespmem:s26], [sflag:$0x1] =	stream.strided.gather [hbm4b:s6+s25], $0x8000, s8, s25, $0x38;
	[tilespmem:$0xA080] =	vst v63  }
0x402: {  	s9 =	simm.s32 $0x9BF0;
	s16 =	simm.s32 $0x9C70;
	_ =	swait.ge [sflag:s19], $0x8000  }
0x403: {  	s24 =	simm.s32 $0x9B50;
	s8 =	simm.s32 $0x200;
	[sflag:s19] =	ssyncset.done $0x0  }
0x404: {  	s25 =	simm.s32 $0x9BD0;
	s26 =	simm.s32 $0x9C50;
	[sflag:s19] =	ssyncadd.s32 $0xFFFF8000  }
.LBB2_5:
0x405: {  	v1 =	vld [tilespmem:s8+$0xFFFFFE00]  }
0x406: {  	v3 =	vld [tilespmem:s8+$0xFFFFFE80];
	_ =	sdelay $0x1  }
0x407: {  	s6 =	sadd.s32 s10, s11;
	v4 =	vld [tilespmem:s8+$0xFFFFFF00]  }
0x408: {  	v6 =	vld [tilespmem:s8+$0xFFFFFF80];
	v8 =	vmov s6  }
0x409: {  	v13 =	vld [tilespmem:s8+$0x0];
	v9 =	vor.u32 $0x80, v8  }
0x40a: {  	v21 =	vld [tilespmem:s8+$0x80];
	v10 =	vor.u32 $0x100, v8;
	v1 =	vadd.f32 v3, v1  }
0x40b: {  	v14 =	vld [tilespmem:s8+$0x100];
	v11 =	vor.u32 $0x180, v8  }
0x40c: {  	v22 =	vld [tilespmem:s8+$0x180];
	v12 =	vor.u32 $0x200, v8;
	v1 =	vadd.f32 v4, v1  }
0x40d: {  	v17 =	vor.u32 $0x300, v8;
	v0 =	vld.idx.msk [tilespmem:v8+s17+$0x0], $0xffff  }
0x40e: {  	v2 =	vld.idx.msk [tilespmem:v9+s17+$0x0], $0xffff;
	v1 =	vadd.f32 v6, v1  }
0x40f: {  	v16 =	vor.u32 $0x280, v8;
	v3 =	vld.idx.msk [tilespmem:v10+s17+$0x0], $0xffff  }
0x410: {  	v5 =	vld.idx.msk [tilespmem:v11+s17+$0x0], $0xffff;
	v1 =	vadd.f32 v13, v1  }
0x411: {  	v7 =	vld.idx.msk [tilespmem:v12+s17+$0x0], $0xffff  }
0x412: {  	v4 =	vld.idx.msk [tilespmem:v17+s17+$0x0], $0xffff;
	v15 =	vadd.f32 v21, v1  }
0x413: {  	v11 =	vld.idx.msk [tilespmem:v11+s18+$0x0], $0xffff  }
0x414: {  	v18 =	vor.u32 $0x380, v8;
	v6 =	vld.idx.msk [tilespmem:v16+s17+$0x0], $0xffff;
	v19 =	vadd.f32 v14, v15  }
0x415: {  	v15 =	vld.idx.msk [tilespmem:v8+s18+$0x0], $0xffff  }
0x416: {  	v14 =	vld.idx.msk [tilespmem:v9+s18+$0x0], $0xffff;
	v19 =	vadd.f32 v22, v19  }
0x417: {  	v13 =	vld.idx.msk [tilespmem:v10+s18+$0x0], $0xffff  }
0x418: {  	v10 =	vld.idx.msk [tilespmem:v12+s18+$0x0], $0xffff;
	v23 =	vmul.f32 v19, v0  }
0x419: {  	vm0 =	vmmov $0xffff;
	v1 =	vld.idx.msk [tilespmem:v18+s17+$0x0], $0xffff;
	v24 =	vmul.f32 v19, v2  }
0x41a: {  	v8 =	vld.idx.msk [tilespmem:v16+s18+$0x0], $0xffff;
	vm1 =	veq.f32 v19, v19;
	v20 =	vmul.f32 v19, v3;
	v25 =	vadd.f32 v23, v15  }
0x41b: {  	v9 =	vld.idx.msk [tilespmem:v17+s18+$0x0], $0xffff;
	v21 =	vmul.f32 v19, v5;
	vm1 =	vmand vm1, vm0;
	v26 =	vadd.f32 v24, v14  }
0x41c: {  	s6 =	rddreg [dreg:$0x4];
	v12 =	vld.idx.msk [tilespmem:v18+s18+$0x0], $0xffff;
	v28 =	vmul.f32 v19, v7;
	v27 =	vadd.f32 v20, v13;
	v16 =	vnsel vm1, $0x0, v25  }
0x41d: {  	s1 =	rddreg [dreg:$0x5];
	v31 =	vmul.f32 v19, v6;
	v30 =	vadd.f32 v21, v11;
	v29 =	vnsel vm1, $0x0, v26;
	[tilespmem:s6+$0x0] =	vst.add.f32.msk $0xffff, v16  }
0x41e: {  	s19 =	rddreg [dreg:$0x6];
	v34 =	vmul.f32 v19, v4;
	v33 =	vadd.f32 v28, v10;
	v32 =	vnsel vm1, $0x0, v27;
	[tilespmem:s1+$0x0] =	vst.add.f32.msk $0xffff, v29  }
0x41f: {  	v19 =	vmul.f32 v19, v1;
	v36 =	vadd.f32 v31, v8;
	v35 =	vnsel vm1, $0x0, v30;
	s6 =	rddreg [dreg:$0x7];
	[tilespmem:s19+$0x0] =	vst.add.f32.msk $0xffff, v32  }
0x420: {  	v38 =	vadd.f32 v34, v9;
	v37 =	vnsel vm1, $0x0, v33;
	s1 =	rddreg [dreg:$0x8];
	[tilespmem:s6+$0x0] =	vst.add.f32.msk $0xffff, v35  }
0x421: {  	v40 =	vadd.f32 v19, v12;
	v39 =	vnsel vm1, $0x0, v36;
	s19 =	rddreg [dreg:$0x9];
	[tilespmem:s1+$0x0] =	vst.add.f32.msk $0xffff, v37  }
0x422: {  	v41 =	vnsel vm1, $0x0, v38;
	s6 =	rddreg [dreg:$0xa];
	[tilespmem:s19+$0x0] =	vst.add.f32.msk $0xffff, v39  }
0x423: {  	v42 =	vnsel vm1, $0x0, v40;
	s1 =	rddreg [dreg:$0xb];
	[tilespmem:s6+$0x0] =	vst.add.f32.msk $0xffff, v41  }
0x424: {  	[tilespmem:s1+$0x0] =	vst.add.f32.msk $0xffff, v42  }
0x425: {  	v16 =	vld [tilespmem:s8+$0xFFFFFE10]  }
0x426: {  	v43 =	vld [tilespmem:s8+$0xFFFFFE90];
	_ =	sdelay $0x1  }
0x427: {  	v44 =	vld [tilespmem:s8+$0xFFFFFF10];
	_ =	sdelay $0x1  }
0x428: {  	v45 =	vld [tilespmem:s8+$0xFFFFFF90]  }
0x429: {  	v16 =	vadd.f32 v43, v16  }
0x42a: {  	v46 =	vld [tilespmem:s8+$0x10]  }
0x42b: {  	v16 =	vadd.f32 v44, v16  }
0x42c: {  	v47 =	vld [tilespmem:s8+$0x90]  }
0x42d: {  	v16 =	vadd.f32 v45, v16  }
0x42e: {  	v48 =	vld [tilespmem:s8+$0x110]  }
0x42f: {  	v16 =	vadd.f32 v46, v16  }
0x430: {  	v49 =	vld [tilespmem:s8+$0x190]  }
0x431: {  	v16 =	vadd.f32 v47, v16;
	_ =	sdelay $0x1  }
0x432: {  	v16 =	vadd.f32 v48, v16;
	_ =	sdelay $0x1  }
0x433: {  	v16 =	vadd.f32 v49, v16;
	_ =	sdelay $0x1  }
0x434: {  	v17 =	vmul.f32 v16, v0  }
0x435: {  	v50 =	vmul.f32 v16, v2  }
0x436: {  	vm9 =	veq.f32 v16, v16;
	v51 =	vmul.f32 v16, v3;
	v17 =	vadd.f32 v17, v15  }
0x437: {  	v52 =	vmul.f32 v16, v5;
	vm1 =	vmand vm9, vm0;
	v18 =	vadd.f32 v50, v14  }
0x438: {  	s1 =	rddreg [dreg:$0xc];
	v53 =	vmul.f32 v16, v7;
	v19 =	vadd.f32 v51, v13;
	v17 =	vnsel vm1, $0x0, v17  }
0x439: {  	s6 =	rddreg [dreg:$0xd];
	v56 =	vmul.f32 v16, v6;
	v55 =	vadd.f32 v52, v11;
	v54 =	vnsel vm1, $0x0, v18;
	[tilespmem:s1+$0x0] =	vst.add.f32.msk $0xffff, v17  }
0x43a: {  	s19 =	rddreg [dreg:$0xe];
	v59 =	vmul.f32 v16, v4;
	v58 =	vadd.f32 v53, v10;
	v57 =	vnsel vm1, $0x0, v19;
	[tilespmem:s6+$0x0] =	vst.add.f32.msk $0xffff, v54  }
0x43b: {  	v16 =	vmul.f32 v16, v1;
	v61 =	vadd.f32 v56, v8;
	v60 =	vnsel vm1, $0x0, v55;
	s1 =	rddreg [dreg:$0xf];
	[tilespmem:s19+$0x0] =	vst.add.f32.msk $0xffff, v57  }
0x43c: {  	v63 =	vadd.f32 v59, v9;
	v62 =	vnsel vm1, $0x0, v58;
	s6 =	rddreg [dreg:$0x10];
	[tilespmem:s1+$0x0] =	vst.add.f32.msk $0xffff, v60  }
0x43d: {  	v16 =	vadd.f32 v16, v12;
	v20 =	vnsel vm1, $0x0, v61;
	s19 =	rddreg [dreg:$0x11];
	[tilespmem:s6+$0x0] =	vst.add.f32.msk $0xffff, v62  }
0x43e: {  	v21 =	vnsel vm1, $0x0, v63;
	s1 =	rddreg [dreg:$0x12];
	[tilespmem:s19+$0x0] =	vst.add.f32.msk $0xffff, v20  }
0x43f: {  	v16 =	vnsel vm1, $0x0, v16;
	s6 =	rddreg [dreg:$0x13];
	[tilespmem:s1+$0x0] =	vst.add.f32.msk $0xffff, v21  }
0x440: {  	[tilespmem:s6+$0x0] =	vst.add.f32.msk $0xffff, v16  }
0x441: {  	v16 =	vld [tilespmem:s8+$0xFFFFFE20]  }
0x442: {  	v17 =	vld [tilespmem:s8+$0xFFFFFEA0];
	_ =	sdelay $0x1  }
0x443: {  	v22 =	vld [tilespmem:s8+$0xFFFFFF20];
	_ =	sdelay $0x1  }
0x444: {  	v23 =	vld [tilespmem:s8+$0xFFFFFFA0]  }
0x445: {  	v16 =	vadd.f32 v17, v16  }
0x446: {  	v24 =	vld [tilespmem:s8+$0x20]  }
0x447: {  	v16 =	vadd.f32 v22, v16  }
0x448: {  	v25 =	vld [tilespmem:s8+$0xA0]  }
0x449: {  	v16 =	vadd.f32 v23, v16  }
0x44a: {  	v26 =	vld [tilespmem:s8+$0x120]  }
0x44b: {  	v16 =	vadd.f32 v24, v16  }
0x44c: {  	v27 =	vld [tilespmem:s8+$0x1A0]  }
0x44d: {  	v16 =	vadd.f32 v25, v16;
	_ =	sdelay $0x1  }
0x44e: {  	v16 =	vadd.f32 v26, v16;
	_ =	sdelay $0x1  }
0x44f: {  	v16 =	vadd.f32 v27, v16;
	_ =	sdelay $0x1  }
0x450: {  	v17 =	vmul.f32 v16, v0  }
0x451: {  	v28 =	vmul.f32 v16, v2  }
0x452: {  	vm10 =	veq.f32 v16, v16;
	v29 =	vmul.f32 v16, v3;
	v17 =	vadd.f32 v17, v15  }
0x453: {  	v30 =	vmul.f32 v16, v5;
	vm1 =	vmand vm10, vm0;
	v18 =	vadd.f32 v28, v14  }
0x454: {  	s1 =	rddreg [dreg:$0x14];
	v31 =	vmul.f32 v16, v7;
	v19 =	vadd.f32 v29, v13;
	v17 =	vnsel vm1, $0x0, v17  }
0x455: {  	s6 =	rddreg [dreg:$0x15];
	v34 =	vmul.f32 v16, v6;
	v33 =	vadd.f32 v30, v11;
	v32 =	vnsel vm1, $0x0, v18;
	[tilespmem:s1+$0x0] =	vst.add.f32.msk $0xffff, v17  }
0x456: {  	s19 =	rddreg [dreg:$0x16];
	v37 =	vmul.f32 v16, v4;
	v36 =	vadd.f32 v31, v10;
	v35 =	vnsel vm1, $0x0, v19;
	[tilespmem:s6+$0x0] =	vst.add.f32.msk $0xffff, v32  }
0x457: {  	v16 =	vmul.f32 v16, v1;
	v39 =	vadd.f32 v34, v8;
	v38 =	vnsel vm1, $0x0, v33;
	s1 =	rddreg [dreg:$0x17];
	[tilespmem:s19+$0x0] =	vst.add.f32.msk $0xffff, v35  }
0x458: {  	v41 =	vadd.f32 v37, v9;
	v40 =	vnsel vm1, $0x0, v36;
	s6 =	rddreg [dreg:$0x18];
	[tilespmem:s1+$0x0] =	vst.add.f32.msk $0xffff, v38  }
0x459: {  	v16 =	vadd.f32 v16, v12;
	v42 =	vnsel vm1, $0x0, v39;
	s19 =	rddreg [dreg:$0x19];
	[tilespmem:s6+$0x0] =	vst.add.f32.msk $0xffff, v40  }
0x45a: {  	v43 =	vnsel vm1, $0x0, v41;
	s1 =	rddreg [dreg:$0x1a];
	[tilespmem:s19+$0x0] =	vst.add.f32.msk $0xffff, v42  }
0x45b: {  	v16 =	vnsel vm1, $0x0, v16;
	s6 =	rddreg [dreg:$0x1b];
	[tilespmem:s1+$0x0] =	vst.add.f32.msk $0xffff, v43  }
0x45c: {  	[tilespmem:s6+$0x0] =	vst.add.f32.msk $0xffff, v16  }
0x45d: {  	v16 =	vld [tilespmem:s8+$0xFFFFFE30]  }
0x45e: {  	v17 =	vld [tilespmem:s8+$0xFFFFFEB0];
	_ =	sdelay $0x1  }
0x45f: {  	v44 =	vld [tilespmem:s8+$0xFFFFFF30];
	_ =	sdelay $0x1  }
0x460: {  	v45 =	vld [tilespmem:s8+$0xFFFFFFB0]  }
0x461: {  	v16 =	vadd.f32 v17, v16  }
0x462: {  	v46 =	vld [tilespmem:s8+$0x30]  }
0x463: {  	v16 =	vadd.f32 v44, v16  }
0x464: {  	v47 =	vld [tilespmem:s8+$0xB0]  }
0x465: {  	v16 =	vadd.f32 v45, v16  }
0x466: {  	v48 =	vld [tilespmem:s8+$0x130]  }
0x467: {  	v16 =	vadd.f32 v46, v16  }
0x468: {  	v49 =	vld [tilespmem:s8+$0x1B0]  }
0x469: {  	v16 =	vadd.f32 v47, v16;
	_ =	sdelay $0x1  }
0x46a: {  	v16 =	vadd.f32 v48, v16;
	_ =	sdelay $0x1  }
0x46b: {  	v16 =	vadd.f32 v49, v16;
	_ =	sdelay $0x1  }
0x46c: {  	v17 =	vmul.f32 v16, v0  }
0x46d: {  	v50 =	vmul.f32 v16, v2  }
0x46e: {  	s19 =	rddreg [dreg:$0x1e];
	vm11 =	veq.f32 v16, v16;
	v51 =	vmul.f32 v16, v3;
	v17 =	vadd.f32 v17, v15  }
0x46f: {  	s1 =	rddreg [dreg:$0x1c];
	v52 =	vmul.f32 v16, v5;
	vm1 =	vmand vm11, vm0;
	v18 =	vadd.f32 v50, v14  }
0x470: {  	s6 =	rddreg [dreg:$0x1d];
	v53 =	vmul.f32 v16, v7;
	v19 =	vadd.f32 v51, v13;
	v17 =	vnsel vm1, $0x0, v17  }
0x471: {  	v56 =	vmul.f32 v16, v6;
	v55 =	vadd.f32 v52, v11;
	v54 =	vnsel vm1, $0x0, v18;
	[tilespmem:s1+$0x0] =	vst.add.f32.msk $0xffff, v17;
	s1 =	rddreg [dreg:$0x1f]  }
0x472: {  	v59 =	vmul.f32 v16, v4;
	v58 =	vadd.f32 v53, v10;
	v57 =	vnsel vm1, $0x0, v19;
	[tilespmem:s6+$0x0] =	vst.add.f32.msk $0xffff, v54;
	s6 =	sld [smem:$0x7EF]  }
0x473: {  	v16 =	vmul.f32 v16, v1;
	v61 =	vadd.f32 v56, v8;
	v60 =	vnsel vm1, $0x0, v55;
	[tilespmem:s19+$0x0] =	vst.add.f32.msk $0xffff, v57;
	s19 =	sld [smem:$0x7F0]  }
0x474: {  	v63 =	vadd.f32 v59, v9;
	v62 =	vnsel vm1, $0x0, v58;
	[tilespmem:s1+$0x0] =	vst.add.f32.msk $0xffff, v60;
	s1 =	sld [smem:$0x7F2]  }
0x475: {  	v16 =	vadd.f32 v16, v12;
	v21 =	vnsel vm1, $0x0, v61;
	[tilespmem:s6+$0x0] =	vst.add.f32.msk $0xffff, v62;
	s6 =	sld [smem:$0x7F4]  }
0x476: {  	v22 =	vnsel vm1, $0x0, v63;
	[tilespmem:s19+$0x0] =	vst.add.f32.msk $0xffff, v21  }
0x477: {  	v16 =	vnsel vm1, $0x0, v16;
	[tilespmem:s1+$0x0] =	vst.add.f32.msk $0xffff, v22  }
0x478: {  	[tilespmem:s6+$0x0] =	vst.add.f32.msk $0xffff, v16  }
0x479: {  	v16 =	vld [tilespmem:s8+$0xFFFFFE40]  }
0x47a: {  	v17 =	vld [tilespmem:s8+$0xFFFFFEC0];
	_ =	sdelay $0x1  }
0x47b: {  	v23 =	vld [tilespmem:s8+$0xFFFFFF40];
	_ =	sdelay $0x1  }
0x47c: {  	v24 =	vld [tilespmem:s8+$0xFFFFFFC0]  }
0x47d: {  	v16 =	vadd.f32 v17, v16  }
0x47e: {  	v25 =	vld [tilespmem:s8+$0x40]  }
0x47f: {  	v16 =	vadd.f32 v23, v16  }
0x480: {  	v26 =	vld [tilespmem:s8+$0xC0]  }
0x481: {  	v16 =	vadd.f32 v24, v16  }
0x482: {  	v27 =	vld [tilespmem:s8+$0x140]  }
0x483: {  	v16 =	vadd.f32 v25, v16  }
0x484: {  	v28 =	vld [tilespmem:s8+$0x1C0]  }
0x485: {  	v16 =	vadd.f32 v26, v16;
	_ =	sdelay $0x1  }
0x486: {  	v16 =	vadd.f32 v27, v16;
	_ =	sdelay $0x1  }
0x487: {  	v16 =	vadd.f32 v28, v16;
	_ =	sdelay $0x1  }
0x488: {  	v17 =	vmul.f32 v16, v0  }
0x489: {  	v29 =	vmul.f32 v16, v2  }
0x48a: {  	s1 =	sld [smem:$0x7F5];
	vm12 =	veq.f32 v16, v16;
	v30 =	vmul.f32 v16, v3;
	v17 =	vadd.f32 v17, v15  }
0x48b: {  	s6 =	sld [smem:$0x7F6];
	v31 =	vmul.f32 v16, v5;
	vm1 =	vmand vm12, vm0;
	v18 =	vadd.f32 v29, v14  }
0x48c: {  	s19 =	sld [smem:$0x7F7];
	v32 =	vmul.f32 v16, v7;
	v19 =	vadd.f32 v30, v13;
	v17 =	vnsel vm1, $0x0, v17  }
0x48d: {  	v35 =	vmul.f32 v16, v6;
	v34 =	vadd.f32 v31, v11;
	v33 =	vnsel vm1, $0x0, v18;
	[tilespmem:s1+$0x0] =	vst.add.f32.msk $0xffff, v17;
	s1 =	sld [smem:$0x7F8]  }
0x48e: {  	v38 =	vmul.f32 v16, v4;
	v37 =	vadd.f32 v32, v10;
	v36 =	vnsel vm1, $0x0, v19;
	[tilespmem:s6+$0x0] =	vst.add.f32.msk $0xffff, v33;
	s6 =	sld [smem:$0x7F9]  }
0x48f: {  	v16 =	vmul.f32 v16, v1;
	v40 =	vadd.f32 v35, v8;
	v39 =	vnsel vm1, $0x0, v34;
	[tilespmem:s19+$0x0] =	vst.add.f32.msk $0xffff, v36;
	s19 =	sld [smem:$0x7FA]  }
0x490: {  	v42 =	vadd.f32 v38, v9;
	v41 =	vnsel vm1, $0x0, v37;
	[tilespmem:s1+$0x0] =	vst.add.f32.msk $0xffff, v39;
	s1 =	sld [smem:$0x7FB]  }
0x491: {  	v16 =	vadd.f32 v16, v12;
	v43 =	vnsel vm1, $0x0, v40;
	[tilespmem:s6+$0x0] =	vst.add.f32.msk $0xffff, v41;
	s6 =	sld [smem:$0x7FC]  }
0x492: {  	v44 =	vnsel vm1, $0x0, v42;
	[tilespmem:s19+$0x0] =	vst.add.f32.msk $0xffff, v43  }
0x493: {  	v16 =	vnsel vm1, $0x0, v16;
	[tilespmem:s1+$0x0] =	vst.add.f32.msk $0xffff, v44  }
0x494: {  	[tilespmem:s6+$0x0] =	vst.add.f32.msk $0xffff, v16  }
0x495: {  	v16 =	vld [tilespmem:s8+$0xFFFFFE50]  }
0x496: {  	v17 =	vld [tilespmem:s8+$0xFFFFFED0];
	_ =	sdelay $0x1  }
0x497: {  	v45 =	vld [tilespmem:s8+$0xFFFFFF50];
	_ =	sdelay $0x1  }
0x498: {  	v46 =	vld [tilespmem:s8+$0xFFFFFFD0]  }
0x499: {  	v16 =	vadd.f32 v17, v16  }
0x49a: {  	v47 =	vld [tilespmem:s8+$0x50]  }
0x49b: {  	v16 =	vadd.f32 v45, v16  }
0x49c: {  	v48 =	vld [tilespmem:s8+$0xD0]  }
0x49d: {  	v16 =	vadd.f32 v46, v16  }
0x49e: {  	v49 =	vld [tilespmem:s8+$0x150]  }
0x49f: {  	v16 =	vadd.f32 v47, v16  }
0x4a0: {  	v50 =	vld [tilespmem:s8+$0x1D0]  }
0x4a1: {  	v16 =	vadd.f32 v48, v16;
	_ =	sdelay $0x1  }
0x4a2: {  	v16 =	vadd.f32 v49, v16;
	_ =	sdelay $0x1  }
0x4a3: {  	v16 =	vadd.f32 v50, v16;
	_ =	sdelay $0x1  }
0x4a4: {  	v17 =	vmul.f32 v16, v0  }
0x4a5: {  	v51 =	vmul.f32 v16, v2  }
0x4a6: {  	s19 =	sld [smem:$0x7FD];
	vm13 =	veq.f32 v16, v16;
	v52 =	vmul.f32 v16, v3;
	v17 =	vadd.f32 v17, v15  }
0x4a7: {  	v53 =	vmul.f32 v16, v5;
	vm1 =	vmand vm13, vm0;
	v18 =	vadd.f32 v51, v14  }
0x4a8: {  	v54 =	vmul.f32 v16, v7;
	v19 =	vadd.f32 v52, v13;
	v17 =	vnsel vm1, $0x0, v17  }
0x4a9: {  	v57 =	vmul.f32 v16, v6;
	v56 =	vadd.f32 v53, v11;
	v55 =	vnsel vm1, $0x0, v18;
	[tilespmem:s19+$0x0] =	vst.add.f32.msk $0xffff, v17  }
0x4aa: {  	v60 =	vmul.f32 v16, v4;
	v59 =	vadd.f32 v54, v10;
	v58 =	vnsel vm1, $0x0, v19;
	[tilespmem:s20+$0x0] =	vst.add.f32.msk $0xffff, v55  }
0x4ab: {  	v16 =	vmul.f32 v16, v1;
	v62 =	vadd.f32 v57, v8;
	v61 =	vnsel vm1, $0x0, v56;
	[tilespmem:s21+$0x0] =	vst.add.f32.msk $0xffff, v58  }
0x4ac: {  	v21 =	vadd.f32 v60, v9;
	v63 =	vnsel vm1, $0x0, v59;
	[tilespmem:s22+$0x0] =	vst.add.f32.msk $0xffff, v61  }
0x4ad: {  	v16 =	vadd.f32 v16, v12;
	v22 =	vnsel vm1, $0x0, v62;
	[tilespmem:s23+$0x0] =	vst.add.f32.msk $0xffff, v63  }
0x4ae: {  	v23 =	vnsel vm1, $0x0, v21;
	[tilespmem:s24+$0x0] =	vst.add.f32.msk $0xffff, v22  }
0x4af: {  	v16 =	vnsel vm1, $0x0, v16;
	[tilespmem:s25+$0x0] =	vst.add.f32.msk $0xffff, v23  }
0x4b0: {  	[tilespmem:s26+$0x0] =	vst.add.f32.msk $0xffff, v16  }
0x4b1: {  	v16 =	vld [tilespmem:s8+$0xFFFFFE60]  }
0x4b2: {  	v17 =	vld [tilespmem:s8+$0xFFFFFEE0];
	_ =	sdelay $0x1  }
0x4b3: {  	v24 =	vld [tilespmem:s8+$0xFFFFFF60];
	_ =	sdelay $0x1  }
0x4b4: {  	v25 =	vld [tilespmem:s8+$0xFFFFFFE0]  }
0x4b5: {  	v16 =	vadd.f32 v17, v16  }
0x4b6: {  	v26 =	vld [tilespmem:s8+$0x60]  }
0x4b7: {  	v16 =	vadd.f32 v24, v16  }
0x4b8: {  	v27 =	vld [tilespmem:s8+$0xE0]  }
0x4b9: {  	v16 =	vadd.f32 v25, v16  }
0x4ba: {  	v28 =	vld [tilespmem:s8+$0x160]  }
0x4bb: {  	v16 =	vadd.f32 v26, v16  }
0x4bc: {  	v29 =	vld [tilespmem:s8+$0x1E0]  }
0x4bd: {  	v16 =	vadd.f32 v27, v16;
	_ =	sdelay $0x1  }
0x4be: {  	v16 =	vadd.f32 v28, v16;
	_ =	sdelay $0x1  }
0x4bf: {  	v16 =	vadd.f32 v29, v16;
	_ =	sdelay $0x1  }
0x4c0: {  	v17 =	vmul.f32 v16, v0  }
0x4c1: {  	v30 =	vmul.f32 v16, v2  }
0x4c2: {  	vm14 =	veq.f32 v16, v16;
	v31 =	vmul.f32 v16, v3;
	v17 =	vadd.f32 v17, v15  }
0x4c3: {  	v32 =	vmul.f32 v16, v5;
	vm1 =	vmand vm14, vm0;
	v18 =	vadd.f32 v30, v14  }
0x4c4: {  	v33 =	vmul.f32 v16, v7;
	v19 =	vadd.f32 v31, v13;
	v17 =	vnsel vm1, $0x0, v17  }
0x4c5: {  	v36 =	vmul.f32 v16, v6;
	v35 =	vadd.f32 v32, v11;
	v34 =	vnsel vm1, $0x0, v18;
	[tilespmem:s28+$0x0] =	vst.add.f32.msk $0xffff, v17  }
0x4c6: {  	v39 =	vmul.f32 v16, v4;
	v38 =	vadd.f32 v33, v10;
	v37 =	vnsel vm1, $0x0, v19;
	[tilespmem:s29+$0x0] =	vst.add.f32.msk $0xffff, v34  }
0x4c7: {  	v16 =	vmul.f32 v16, v1;
	v41 =	vadd.f32 v36, v8;
	v40 =	vnsel vm1, $0x0, v35;
	[tilespmem:s30+$0x0] =	vst.add.f32.msk $0xffff, v37  }
0x4c8: {  	v43 =	vadd.f32 v39, v9;
	v42 =	vnsel vm1, $0x0, v38;
	[tilespmem:s31+$0x0] =	vst.add.f32.msk $0xffff, v40  }
0x4c9: {  	v16 =	vadd.f32 v16, v12;
	v44 =	vnsel vm1, $0x0, v41;
	[tilespmem:s0+$0x0] =	vst.add.f32.msk $0xffff, v42  }
0x4ca: {  	v45 =	vnsel vm1, $0x0, v43;
	[tilespmem:s5+$0x0] =	vst.add.f32.msk $0xffff, v44  }
0x4cb: {  	v16 =	vnsel vm1, $0x0, v16;
	[tilespmem:s12+$0x0] =	vst.add.f32.msk $0xffff, v45  }
0x4cc: {  	[tilespmem:s13+$0x0] =	vst.add.f32.msk $0xffff, v16  }
0x4cd: {  	v16 =	vld [tilespmem:s8+$0xFFFFFE70]  }
0x4ce: {  	v17 =	vld [tilespmem:s8+$0xFFFFFEF0];
	_ =	sdelay $0x1  }
0x4cf: {  	v46 =	vld [tilespmem:s8+$0xFFFFFF70];
	_ =	sdelay $0x1  }
0x4d0: {  	v47 =	vld [tilespmem:s8+$0xFFFFFFF0]  }
0x4d1: {  	v16 =	vadd.f32 v17, v16  }
0x4d2: {  	v48 =	vld [tilespmem:s8+$0x70]  }
0x4d3: {  	v16 =	vadd.f32 v46, v16  }
0x4d4: {  	v49 =	vld [tilespmem:s8+$0xF0]  }
0x4d5: {  	v16 =	vadd.f32 v47, v16  }
0x4d6: {  	v50 =	vld [tilespmem:s8+$0x170]  }
0x4d7: {  	v16 =	vadd.f32 v48, v16  }
0x4d8: {  	v51 =	vld [tilespmem:s8+$0x1F0]  }
0x4d9: {  	v16 =	vadd.f32 v49, v16;
	_ =	sdelay $0x1  }
0x4da: {  	v16 =	vadd.f32 v50, v16;
	_ =	sdelay $0x1  }
0x4db: {  	v16 =	vadd.f32 v51, v16;
	_ =	sdelay $0x1  }
0x4dc: {  	v0 =	vmul.f32 v16, v0  }
0x4dd: {  	v2 =	vmul.f32 v16, v2  }
0x4de: {  	vm15 =	veq.f32 v16, v16;
	v3 =	vmul.f32 v16, v3;
	v0 =	vadd.f32 v0, v15  }
0x4df: {  	v5 =	vmul.f32 v16, v5;
	vm0 =	vmand vm15, vm0;
	v2 =	vadd.f32 v2, v14  }
0x4e0: {  	v7 =	vmul.f32 v16, v7;
	v3 =	vadd.f32 v3, v13;
	v0 =	vnsel vm0, $0x0, v0  }
0x4e1: {  	v54 =	vmul.f32 v16, v6;
	v53 =	vadd.f32 v5, v11;
	v52 =	vnsel vm0, $0x0, v2;
	[tilespmem:s14+$0x0] =	vst.add.f32.msk $0xffff, v0  }
0x4e2: {  	v4 =	vmul.f32 v16, v4;
	v56 =	vadd.f32 v7, v10;
	v55 =	vnsel vm0, $0x0, v3;
	[tilespmem:s15+$0x0] =	vst.add.f32.msk $0xffff, v52  }
0x4e3: {  	p0 =	sne.s32 s10, $0x1F;
	v1 =	vmul.f32 v16, v1;
	v58 =	vadd.f32 v54, v8;
	v57 =	vnsel vm0, $0x0, v53;
	[tilespmem:s2+$0x0] =	vst.add.f32.msk $0xffff, v55  }
.Ltmp1:
0x4e4: {  	v60 =	vadd.f32 v4, v9;
	v59 =	vnsel vm0, $0x0, v56;
	[tilespmem:s3+$0x0] =	vst.add.f32.msk $0xffff, v57;
	(pc) =	sbr.rel @p0 .LBB2_5-.Ltmp1, $4  }
0x4e5: {  	v1 =	vadd.f32 v1, v12;
	v61 =	vnsel vm0, $0x0, v58;
	[tilespmem:s4+$0x0] =	vst.add.f32.msk $0xffff, v59  }
0x4e6: {  	v62 =	vnsel vm0, $0x0, v60;
	[tilespmem:s7+$0x0] =	vst.add.f32.msk $0xffff, v61  }
0x4e7: {  	v63 =	vnsel vm0, $0x0, v1;
	[tilespmem:s9+$0x0] =	vst.add.f32.msk $0xffff, v62  }
0x4e8: {  	s10 =	sadd.s32 $0x1, s10;
	s8 =	sadd.s32 $0x400, s8;
	[tilespmem:s16+$0x0] =	vst.add.f32.msk $0xffff, v63  }
0x4e9: {  	s0 =	sld [smem:$0x783];
	_ =	sdelay $0x2  }
0x4ea: {  	s0 =	sadd.s32 $0x1, s0  }
0x4eb: {  	p0 =	sne.s32 s0, $0x4  }
.Ltmp2:
0x4ec: {  	_ = 	snop;
	(pc) =	sbr.rel @p0 .LBB2_4-.Ltmp2, $2  }
0x4ed: {  	_ =	sdelay $0x2  }
0x4ee: {  	s11 =	sadd.s32 $0x20, s11;
	s19 =	simm.s32 $0x1  }
0x4ef: {  	v2 =	vld [tilespmem:$0x1FFF0];
	_ =	sdelay $0x2  }
0x4f0: {  	v0 =	vld [tilespmem:$0x9880];
	_ =	sdelay $0x3  }
0x4f1: {  	s0 =	simm.s32 $0x9C80  }
0x4f2: {  	[tilespmem:v2+s0+$0x0] =	vst.idx.msk $0xffff, v0  }
0x4f3: {  	v1 =	vor.u32 $0x1, v2;
	v0 =	vld [tilespmem:$0x9900];
	_ =	sdelay $0x4  }
0x4f4: {  	[tilespmem:v1+s0+$0x0] =	vst.idx.msk $0xffff, v0  }
0x4f5: {  	v62 =	vor.u32 $0x2, v2;
	v0 =	vld [tilespmem:$0x9980];
	_ =	sdelay $0x4  }
0x4f6: {  	[tilespmem:v62+s0+$0x0] =	vst.idx.msk $0xffff, v0  }
0x4f7: {  	v63 =	vor.u32 $0x3, v2;
	v0 =	vld [tilespmem:$0x9A00];
	_ =	sdelay $0x4  }
0x4f8: {  	[tilespmem:v63+s0+$0x0] =	vst.idx.msk $0xffff, v0  }
0x4f9: {  	v4 =	vor.u32 $0x4, v2;
	v0 =	vld [tilespmem:$0x9A80];
	_ =	sdelay $0x4  }
0x4fa: {  	[tilespmem:v4+s0+$0x0] =	vst.idx.msk $0xffff, v0  }
0x4fb: {  	v5 =	vor.u32 $0x5, v2;
	v0 =	vld [tilespmem:$0x9B00];
	_ =	sdelay $0x4  }
0x4fc: {  	[tilespmem:v5+s0+$0x0] =	vst.idx.msk $0xffff, v0  }
0x4fd: {  	v6 =	vor.u32 $0x6, v2;
	v0 =	vld [tilespmem:$0x9B80];
	_ =	sdelay $0x4  }
0x4fe: {  	[tilespmem:v6+s0+$0x0] =	vst.idx.msk $0xffff, v0  }
0x4ff: {  	v7 =	vor.u32 $0x7, v2;
	v0 =	vld [tilespmem:$0x9C00];
	_ =	sdelay $0x4  }
0x500: {  	[tilespmem:v7+s0+$0x0] =	vst.idx.msk $0xffff, v0  }
0x501: {  	v8 =	vor.u32 $0x80, v2;
	v0 =	vld [tilespmem:$0x9890];
	_ =	sdelay $0x4  }
0x502: {  	[tilespmem:v8+s0+$0x0] =	vst.idx.msk $0xffff, v0  }
0x503: {  	v9 =	vor.u32 $0x81, v2;
	v0 =	vld [tilespmem:$0x9910];
	_ =	sdelay $0x4  }
0x504: {  	[tilespmem:v9+s0+$0x0] =	vst.idx.msk $0xffff, v0  }
0x505: {  	v10 =	vor.u32 $0x82, v2;
	v0 =	vld [tilespmem:$0x9990];
	_ =	sdelay $0x4  }
0x506: {  	[tilespmem:v10+s0+$0x0] =	vst.idx.msk $0xffff, v0  }
0x507: {  	v11 =	vor.u32 $0x83, v2;
	v0 =	vld [tilespmem:$0x9A10];
	_ =	sdelay $0x4  }
0x508: {  	[tilespmem:v11+s0+$0x0] =	vst.idx.msk $0xffff, v0  }
0x509: {  	v12 =	vor.u32 $0x84, v2;
	v0 =	vld [tilespmem:$0x9A90];
	_ =	sdelay $0x4  }
0x50a: {  	[tilespmem:v12+s0+$0x0] =	vst.idx.msk $0xffff, v0  }
0x50b: {  	v13 =	vor.u32 $0x85, v2;
	v0 =	vld [tilespmem:$0x9B10];
	_ =	sdelay $0x4  }
0x50c: {  	[tilespmem:v13+s0+$0x0] =	vst.idx.msk $0xffff, v0  }
0x50d: {  	v14 =	vor.u32 $0x86, v2;
	v0 =	vld [tilespmem:$0x9B90];
	_ =	sdelay $0x4  }
0x50e: {  	[tilespmem:v14+s0+$0x0] =	vst.idx.msk $0xffff, v0  }
0x50f: {  	v15 =	vor.u32 $0x87, v2;
	v0 =	vld [tilespmem:$0x9C10];
	_ =	sdelay $0x4  }
0x510: {  	[tilespmem:v15+s0+$0x0] =	vst.idx.msk $0xffff, v0  }
0x511: {  	v16 =	vor.u32 $0x100, v2;
	v0 =	vld [tilespmem:$0x98A0];
	_ =	sdelay $0x4  }
0x512: {  	[tilespmem:v16+s0+$0x0] =	vst.idx.msk $0xffff, v0  }
0x513: {  	v17 =	vor.u32 $0x101, v2;
	v0 =	vld [tilespmem:$0x9920];
	_ =	sdelay $0x4  }
0x514: {  	[tilespmem:v17+s0+$0x0] =	vst.idx.msk $0xffff, v0  }
0x515: {  	v18 =	vor.u32 $0x102, v2;
	v0 =	vld [tilespmem:$0x99A0];
	_ =	sdelay $0x4  }
0x516: {  	[tilespmem:v18+s0+$0x0] =	vst.idx.msk $0xffff, v0  }
0x517: {  	v19 =	vor.u32 $0x103, v2;
	v0 =	vld [tilespmem:$0x9A20];
	_ =	sdelay $0x4  }
0x518: {  	[tilespmem:v19+s0+$0x0] =	vst.idx.msk $0xffff, v0  }
0x519: {  	v20 =	vor.u32 $0x104, v2;
	v0 =	vld [tilespmem:$0x9AA0];
	_ =	sdelay $0x4  }
0x51a: {  	[tilespmem:v20+s0+$0x0] =	vst.idx.msk $0xffff, v0  }
0x51b: {  	v21 =	vor.u32 $0x105, v2;
	v0 =	vld [tilespmem:$0x9B20];
	_ =	sdelay $0x4  }
0x51c: {  	[tilespmem:v21+s0+$0x0] =	vst.idx.msk $0xffff, v0  }
0x51d: {  	v22 =	vor.u32 $0x106, v2;
	v0 =	vld [tilespmem:$0x9BA0];
	_ =	sdelay $0x4  }
0x51e: {  	[tilespmem:v22+s0+$0x0] =	vst.idx.msk $0xffff, v0  }
0x51f: {  	v23 =	vor.u32 $0x107, v2;
	v0 =	vld [tilespmem:$0x9C20];
	_ =	sdelay $0x4  }
0x520: {  	[tilespmem:v23+s0+$0x0] =	vst.idx.msk $0xffff, v0  }
0x521: {  	v24 =	vor.u32 $0x180, v2;
	v0 =	vld [tilespmem:$0x98B0];
	_ =	sdelay $0x4  }
0x522: {  	[tilespmem:v24+s0+$0x0] =	vst.idx.msk $0xffff, v0  }
0x523: {  	v25 =	vor.u32 $0x181, v2;
	v0 =	vld [tilespmem:$0x9930];
	_ =	sdelay $0x4  }
0x524: {  	[tilespmem:v25+s0+$0x0] =	vst.idx.msk $0xffff, v0  }
0x525: {  	v26 =	vor.u32 $0x182, v2;
	v0 =	vld [tilespmem:$0x99B0];
	_ =	sdelay $0x4  }
0x526: {  	[tilespmem:v26+s0+$0x0] =	vst.idx.msk $0xffff, v0  }
0x527: {  	v27 =	vor.u32 $0x183, v2;
	v0 =	vld [tilespmem:$0x9A30];
	_ =	sdelay $0x4  }
0x528: {  	[tilespmem:v27+s0+$0x0] =	vst.idx.msk $0xffff, v0  }
0x529: {  	v28 =	vor.u32 $0x184, v2;
	v0 =	vld [tilespmem:$0x9AB0];
	_ =	sdelay $0x4  }
0x52a: {  	[tilespmem:v28+s0+$0x0] =	vst.idx.msk $0xffff, v0  }
0x52b: {  	v29 =	vor.u32 $0x185, v2;
	v0 =	vld [tilespmem:$0x9B30];
	_ =	sdelay $0x4  }
0x52c: {  	[tilespmem:v29+s0+$0x0] =	vst.idx.msk $0xffff, v0  }
0x52d: {  	v30 =	vor.u32 $0x186, v2;
	v0 =	vld [tilespmem:$0x9BB0];
	_ =	sdelay $0x4  }
0x52e: {  	[tilespmem:v30+s0+$0x0] =	vst.idx.msk $0xffff, v0  }
0x52f: {  	v31 =	vor.u32 $0x187, v2;
	v0 =	vld [tilespmem:$0x9C30];
	_ =	sdelay $0x4  }
0x530: {  	[tilespmem:v31+s0+$0x0] =	vst.idx.msk $0xffff, v0  }
0x531: {  	v32 =	vor.u32 $0x200, v2;
	v0 =	vld [tilespmem:$0x98C0];
	_ =	sdelay $0x4  }
0x532: {  	[tilespmem:v32+s0+$0x0] =	vst.idx.msk $0xffff, v0  }
0x533: {  	v33 =	vor.u32 $0x201, v2;
	v0 =	vld [tilespmem:$0x9940];
	_ =	sdelay $0x4  }
0x534: {  	[tilespmem:v33+s0+$0x0] =	vst.idx.msk $0xffff, v0  }
0x535: {  	v34 =	vor.u32 $0x202, v2;
	v0 =	vld [tilespmem:$0x99C0];
	_ =	sdelay $0x4  }
0x536: {  	[tilespmem:v34+s0+$0x0] =	vst.idx.msk $0xffff, v0  }
0x537: {  	v35 =	vor.u32 $0x203, v2;
	v0 =	vld [tilespmem:$0x9A40];
	_ =	sdelay $0x4  }
0x538: {  	[tilespmem:v35+s0+$0x0] =	vst.idx.msk $0xffff, v0  }
0x539: {  	v36 =	vor.u32 $0x204, v2;
	v0 =	vld [tilespmem:$0x9AC0];
	_ =	sdelay $0x4  }
0x53a: {  	[tilespmem:v36+s0+$0x0] =	vst.idx.msk $0xffff, v0  }
0x53b: {  	v37 =	vor.u32 $0x205, v2;
	v0 =	vld [tilespmem:$0x9B40];
	_ =	sdelay $0x4  }
0x53c: {  	[tilespmem:v37+s0+$0x0] =	vst.idx.msk $0xffff, v0  }
0x53d: {  	v38 =	vor.u32 $0x206, v2;
	v0 =	vld [tilespmem:$0x9BC0];
	_ =	sdelay $0x4  }
0x53e: {  	[tilespmem:v38+s0+$0x0] =	vst.idx.msk $0xffff, v0  }
0x53f: {  	v39 =	vor.u32 $0x207, v2;
	v0 =	vld [tilespmem:$0x9C40];
	_ =	sdelay $0x4  }
0x540: {  	[tilespmem:v39+s0+$0x0] =	vst.idx.msk $0xffff, v0  }
0x541: {  	v40 =	vor.u32 $0x280, v2;
	v0 =	vld [tilespmem:$0x98D0];
	_ =	sdelay $0x4  }
0x542: {  	[tilespmem:v40+s0+$0x0] =	vst.idx.msk $0xffff, v0  }
0x543: {  	v41 =	vor.u32 $0x281, v2;
	v0 =	vld [tilespmem:$0x9950];
	_ =	sdelay $0x4  }
0x544: {  	[tilespmem:v41+s0+$0x0] =	vst.idx.msk $0xffff, v0  }
0x545: {  	v42 =	vor.u32 $0x282, v2;
	v0 =	vld [tilespmem:$0x99D0];
	_ =	sdelay $0x4  }
0x546: {  	[tilespmem:v42+s0+$0x0] =	vst.idx.msk $0xffff, v0  }
0x547: {  	v43 =	vor.u32 $0x283, v2;
	v0 =	vld [tilespmem:$0x9A50];
	_ =	sdelay $0x4  }
0x548: {  	[tilespmem:v43+s0+$0x0] =	vst.idx.msk $0xffff, v0  }
0x549: {  	v44 =	vor.u32 $0x284, v2;
	v0 =	vld [tilespmem:$0x9AD0];
	_ =	sdelay $0x4  }
0x54a: {  	[tilespmem:v44+s0+$0x0] =	vst.idx.msk $0xffff, v0  }
0x54b: {  	v45 =	vor.u32 $0x285, v2;
	v0 =	vld [tilespmem:$0x9B50];
	_ =	sdelay $0x4  }
0x54c: {  	[tilespmem:v45+s0+$0x0] =	vst.idx.msk $0xffff, v0  }
0x54d: {  	v46 =	vor.u32 $0x286, v2;
	v0 =	vld [tilespmem:$0x9BD0];
	_ =	sdelay $0x4  }
0x54e: {  	[tilespmem:v46+s0+$0x0] =	vst.idx.msk $0xffff, v0  }
0x54f: {  	v47 =	vor.u32 $0x287, v2;
	v0 =	vld [tilespmem:$0x9C50];
	_ =	sdelay $0x4  }
0x550: {  	[tilespmem:v47+s0+$0x0] =	vst.idx.msk $0xffff, v0  }
0x551: {  	v48 =	vor.u32 $0x300, v2;
	v0 =	vld [tilespmem:$0x98E0];
	_ =	sdelay $0x4  }
0x552: {  	[tilespmem:v48+s0+$0x0] =	vst.idx.msk $0xffff, v0  }
0x553: {  	v49 =	vor.u32 $0x301, v2;
	v0 =	vld [tilespmem:$0x9960];
	_ =	sdelay $0x4  }
0x554: {  	[tilespmem:v49+s0+$0x0] =	vst.idx.msk $0xffff, v0  }
0x555: {  	v50 =	vor.u32 $0x302, v2;
	v0 =	vld [tilespmem:$0x99E0];
	_ =	sdelay $0x4  }
0x556: {  	[tilespmem:v50+s0+$0x0] =	vst.idx.msk $0xffff, v0  }
0x557: {  	v51 =	vor.u32 $0x303, v2;
	v0 =	vld [tilespmem:$0x9A60];
	_ =	sdelay $0x4  }
0x558: {  	[tilespmem:v51+s0+$0x0] =	vst.idx.msk $0xffff, v0  }
0x559: {  	v52 =	vor.u32 $0x304, v2;
	v0 =	vld [tilespmem:$0x9AE0];
	_ =	sdelay $0x4  }
0x55a: {  	[tilespmem:v52+s0+$0x0] =	vst.idx.msk $0xffff, v0  }
0x55b: {  	v53 =	vor.u32 $0x305, v2;
	v0 =	vld [tilespmem:$0x9B60];
	_ =	sdelay $0x4  }
0x55c: {  	[tilespmem:v53+s0+$0x0] =	vst.idx.msk $0xffff, v0  }
0x55d: {  	v54 =	vor.u32 $0x306, v2;
	v0 =	vld [tilespmem:$0x9BE0];
	_ =	sdelay $0x4  }
0x55e: {  	[tilespmem:v54+s0+$0x0] =	vst.idx.msk $0xffff, v0  }
0x55f: {  	v55 =	vor.u32 $0x307, v2;
	v0 =	vld [tilespmem:$0x9C60];
	_ =	sdelay $0x4  }
0x560: {  	[tilespmem:v55+s0+$0x0] =	vst.idx.msk $0xffff, v0  }
0x561: {  	v56 =	vor.u32 $0x380, v2;
	v0 =	vld [tilespmem:$0x98F0];
	_ =	sdelay $0x4  }
0x562: {  	[tilespmem:v56+s0+$0x0] =	vst.idx.msk $0xffff, v0  }
0x563: {  	v57 =	vor.u32 $0x381, v2;
	v0 =	vld [tilespmem:$0x9970];
	_ =	sdelay $0x4  }
0x564: {  	[tilespmem:v57+s0+$0x0] =	vst.idx.msk $0xffff, v0  }
0x565: {  	v58 =	vor.u32 $0x382, v2;
	v0 =	vld [tilespmem:$0x99F0];
	_ =	sdelay $0x4  }
0x566: {  	[tilespmem:v58+s0+$0x0] =	vst.idx.msk $0xffff, v0  }
0x567: {  	v59 =	vor.u32 $0x383, v2;
	v0 =	vld [tilespmem:$0x9A70];
	_ =	sdelay $0x4  }
0x568: {  	[tilespmem:v59+s0+$0x0] =	vst.idx.msk $0xffff, v0  }
0x569: {  	v60 =	vor.u32 $0x384, v2;
	v0 =	vld [tilespmem:$0x9AF0];
	_ =	sdelay $0x4  }
0x56a: {  	[tilespmem:v60+s0+$0x0] =	vst.idx.msk $0xffff, v0  }
0x56b: {  	v61 =	vor.u32 $0x385, v2;
	v0 =	vld [tilespmem:$0x9B70];
	_ =	sdelay $0x4  }
0x56c: {  	[tilespmem:v61+s0+$0x0] =	vst.idx.msk $0xffff, v0  }
0x56d: {  	v62 =	vor.u32 $0x386, v2;
	v0 =	vld [tilespmem:$0x9BF0];
	_ =	sdelay $0x4  }
0x56e: {  	[tilespmem:v62+s0+$0x0] =	vst.idx.msk $0xffff, v0  }
0x56f: {  	v63 =	vor.u32 $0x387, v2;
	v0 =	vld [tilespmem:$0x9C70];
	_ =	sdelay $0x2  }
0x570: {  	s1 =	sld [smem:$0x7F1];
	_ =	sdelay $0x1  }
0x571: {  	s6 =	simm.s32 $0x400;
	s2 =	simm.s32 $0x80;
	[tilespmem:v63+s0+$0x0] =	vst.idx.msk $0xffff, v0  }
0x572: {  	[hbm4b:s1+s2] =	stream.strided.scatter [tilespmem:s0], [sflag:$0x1], $0x400, s6, s2, $0x38;
	[tilespmem:$0xA080] =	vst v63  }
0x573: {  	_ =	swait.ge [sflag:s19], $0x400  }
0x574: {  	s30 =	sld [smem:$0x784]  }
0x575: {  	s31 =	sld [smem:$0x7F3];
	_ =	sdelay $0x1  }
0x576: {  	s0 =	sadd.s32 $0x1, s30  }
0x577: {  	p0 =	sne.s32 s0, s31  }
.Ltmp3:
0x578: {  	_ = 	snop;
	(pc) =	sbr.rel @p0 .LBB2_1-.Ltmp3, $3  }
0x579: {  	_ =	sdelay $0x1  }
0x57a: {  	[sflag:s19] =	ssyncset.done $0x0  }
0x57b: {  	[sflag:s19] =	ssyncadd.s32 $0xFFFFFC00  }
0x57c: {  	_ =	sfence.sel $0x180000  }
0x57d: {  	[bflag:$0x0] =	sbarrier.arrive $0xFFFF  }
0x57e: {  	_ =	strace $0x90000047  }
0x57f: {  	s0 =	stileid.u32;
	[bflag:$0x2] =	sbarrier.arrive $0xFFFF  }
0x580: {  	p0 =	sne.s32 s0, $0x0;
	s0 =	rddreg [dreg:$0x3]  }
0x581: {  	s0 =	sadd.s32 @!p0 $0x100000, s0  }
0x582: {  	[sflag:s0] =	ssyncadd.tile.s32 @!p0 $0x1;
	_ =	shalt  }
.Lfunc_end2:
_tile_overlayer_lowered:
.L_overlay_start_2:
0x583: {  	(tag) =	ssettag $0x2  }
0x584: {  	s0 =	rddreg [dreg:$0x0];
	s2 =	stileid.u32  }
0x585: {  	s1 =	rddreg [dreg:$0x1];
	p0 =	sne.s32 s2, $0x0  }
0x586: {  	s3 =	rddreg [dreg:$0x2];
	[bflag:$0x3] =	sbarrier.arrive $0xFFFF;
	s2 =	simm.s32 @!p0 $0x1C01  }
0x587: {  	[timem:s3], [sflag:s2] =	dma.local @!p0 [hbm:s0], s1  }
0x588: {  	s0 =	simm.s32 @!p0 $0x1  }
0x589: {  	_ =	swait.ge @!p0 [sflag:s0], s1  }
0x58a: {  	s1 =	ssub.s32 @!p0 $0x0, s1;
	[sflag:s0] =	ssyncset.done @!p0 $0x0  }
0x58b: {  	[sflag:s0] =	ssyncadd.s32 @!p0 s1  }
0x58c: {  	[bflag:$0x3] =	sbarrier.arrive $0xFFFF  }
0x58d: {  	_ =	shalt  }

</sc_bundles>
